<compile_context>
chip_gen: v7x
topology: tpu7x:2x2x1
jax: 0.10.2.dev20260603
libtpu: 0.0.44.dev20260713+nightly
codegen_flags: <defaults>
</compile_context>

<pallas_src>
import functools
import math

import jax
import jax.numpy as jnp
from jax import lax
from jax.experimental import pallas as pl
from jax.experimental.pallas import tpu as pltpu
from jax.experimental.pallas import tpu_sc as plsc

_N = 10000
_E = 320000
_D = 128
_D_OUT = 64
_ALPHA = 0.1
_THETA = 0.5

_NC = 2
_NS = 16
_NW = _NC * _NS
_G = 64
_NGRP = 160
_EPT = _G * _NGRP
_EPAD = _EPT * _NW
_NPAD = 10112
_RPT = _NPAD // _NS

_ROW_BLK = 1000
_NBUF = 5
_NIDX = 8
_LOOK = 4


def _sc_agg_body(h_hbm, src_hbm, dst_hbm, out_hbm,
                 isrc_v, idst_v, rows_v, agg_sh, gsem, ssem, isem):
    c = lax.axis_index("c")
    s = lax.axis_index("s")
    w = c * _NS + s

    def _zrow(i, _):
        for j in range(_D // 16):
            rows_v[0, i, pl.ds(j * 16, 16)] = jnp.zeros((16,), jnp.float32)
        return 0
    lax.fori_loop(0, _G, _zrow, 0)
    for k in range(_RPT // _G):
        pltpu.sync_copy(rows_v.at[0], agg_sh.at[pl.ds(s * _RPT + k * _G, _G)])
    _zrem = _RPT % _G
    if _zrem:
        pltpu.sync_copy(
            rows_v.at[0, pl.ds(0, _zrem)],
            agg_sh.at[pl.ds(s * _RPT + (_RPT // _G) * _G, _zrem)])
    plsc.subcore_barrier()

    def _fire_idx(g):
        slot = lax.rem(g, _NIDX)
        pltpu.async_copy(src_hbm.at[w, g], isrc_v.at[slot], isem)
        pltpu.async_copy(dst_hbm.at[w, g], idst_v.at[slot], isem)

    def _wait_idx(g):
        slot = lax.rem(g, _NIDX)
        pltpu.make_async_copy(src_hbm.at[w, g], isrc_v.at[slot], isem).wait()
        pltpu.make_async_copy(dst_hbm.at[w, g], idst_v.at[slot], isem).wait()

    def _fire_gather(g):
        pltpu.async_copy(h_hbm.at[isrc_v.at[lax.rem(g, _NIDX)]],
                         rows_v.at[lax.rem(g, _NBUF)], gsem)

    def _wait_gather(g):
        pltpu.make_async_copy(h_hbm.at[isrc_v.at[lax.rem(g, _NIDX)]],
                              rows_v.at[lax.rem(g, _NBUF)], gsem).wait()

    def _fire_scatter(g):
        pltpu.async_copy(rows_v.at[lax.rem(g, _NBUF)],
                         agg_sh.at[idst_v.at[lax.rem(g, _NIDX)]], ssem,
                         add=True)

    def _wait_scatter(g):
        pltpu.make_async_copy(rows_v.at[lax.rem(g, _NBUF)],
                              agg_sh.at[idst_v.at[lax.rem(g, _NIDX)]],
                              ssem).wait()

    for g in range(_LOOK + 4):
        _fire_idx(g)
    for g in range(4):
        _wait_idx(g)
        _fire_gather(g)
    _wait_gather(0)
    _fire_scatter(0)

    def _edge_grp(g, _):
        _wait_idx(g + 3)
        _fire_gather(g + 3)
        _wait_gather(g)
        _wait_scatter(g - 1)
        _fire_idx(g + _LOOK + 3)
        _fire_scatter(g)
        return 0
    lax.fori_loop(1, _NGRP - _LOOK - 3, _edge_grp, 0)

    for g in range(_NGRP - _LOOK - 3, _NGRP - 3):
        _wait_idx(g + 3)
        _fire_gather(g + 3)
        _wait_gather(g)
        _wait_scatter(g - 1)
        _fire_scatter(g)
    for g in range(_NGRP - 3, _NGRP):
        _wait_gather(g)
        _wait_scatter(g - 1)
        _fire_scatter(g)
    _wait_scatter(_NGRP - 1)
    plsc.subcore_barrier()

    pltpu.sync_copy(agg_sh.at[pl.ds(s * _RPT, _RPT)],
                    out_hbm.at[c, pl.ds(s * _RPT, _RPT)])


_sc_agg = pl.kernel(
    _sc_agg_body,
    out_type=jax.ShapeDtypeStruct((_NC, _NPAD, _D), jnp.float32),
    mesh=plsc.VectorSubcoreMesh(core_axis_name="c", subcore_axis_name="s"),
    scratch_types=[
        pltpu.VMEM((_NIDX, _G), jnp.int32),
        pltpu.VMEM((_NIDX, _G), jnp.int32),
        pltpu.VMEM((_NBUF, _G, _D), jnp.float32),
        pltpu.VMEM_SHARED((_NPAD, _D), jnp.float32),
        pltpu.SemaphoreType.DMA,
        pltpu.SemaphoreType.DMA,
        pltpu.SemaphoreType.DMA,
    ],
)


def _in_proj_body(x_ref, w_ref, b_ref, o_ref):
    o_ref[...] = jnp.maximum(
        jnp.dot(x_ref[...], w_ref[...], preferred_element_type=jnp.float32)
        + b_ref[...], 0.0)


def _mix_body(beta, agg_ref, x0_ref, w_ref, o_ref):
    m = (1.0 - _ALPHA) * (agg_ref[0] + agg_ref[1]) + _ALPHA * x0_ref[...]
    o_ref[...] = jnp.maximum(
        (1.0 - beta) * m
        + beta * jnp.dot(m, w_ref[...], preferred_element_type=jnp.float32),
        0.0)


def _tail_body(beta, agg_ref, x0_ref, w_ref, wo_ref, bo_ref, o_ref):
    m = (1.0 - _ALPHA) * (agg_ref[0] + agg_ref[1]) + _ALPHA * x0_ref[...]
    h2 = jnp.maximum(
        (1.0 - beta) * m
        + beta * jnp.dot(m, w_ref[...], preferred_element_type=jnp.float32),
        0.0)
    z = jnp.dot(h2, wo_ref[...], preferred_element_type=jnp.float32) + bo_ref[...]
    z = z - jnp.max(z, axis=-1, keepdims=True)
    o_ref[...] = z - jnp.log(jnp.sum(jnp.exp(z), axis=-1, keepdims=True))


def kernel(x, edge_index, W_in, b_in, W_out, b_out, W_conv1, W_conv2):
    src = edge_index[0].astype(jnp.int32)
    dst = edge_index[1].astype(jnp.int32)
    pad = _EPAD - _E
    pad_dst = _N + (jnp.arange(pad, dtype=jnp.int32) % (_NPAD - _N))
    pad_src = jnp.arange(pad, dtype=jnp.int32) % _N
    src_p = jnp.concatenate([src, pad_src]).reshape(_NW, _NGRP, _G)
    dst_p = jnp.concatenate([dst, pad_dst]).reshape(_NW, _NGRP, _G)

    w_spec = pl.BlockSpec((_D, _D), lambda i: (0, 0))
    b_spec = pl.BlockSpec((1, _D), lambda i: (0, 0))
    row_spec = pl.BlockSpec((_ROW_BLK, _D), lambda i: (i, 0))
    agg_spec = pl.BlockSpec((_NC, _ROW_BLK, _D), lambda i: (0, i, 0))
    wo_spec = pl.BlockSpec((_D, _D_OUT), lambda i: (0, 0))
    bo_spec = pl.BlockSpec((1, _D_OUT), lambda i: (0, 0))
    grid = (_N // _ROW_BLK,)

    h = pl.pallas_call(
        _in_proj_body,
        grid=grid,
        in_specs=[row_spec, w_spec, b_spec],
        out_specs=row_spec,
        out_shape=jax.ShapeDtypeStruct((_N, _D), jnp.float32),
    )(x, W_in, b_in.reshape(1, _D))
    x0 = h

    agg = _sc_agg(h, src_p, dst_p)
    beta1 = math.log(_THETA / 1.0 + 1.0)
    h1 = pl.pallas_call(
        functools.partial(_mix_body, beta1),
        grid=grid,
        in_specs=[agg_spec, row_spec, w_spec],
        out_specs=row_spec,
        out_shape=jax.ShapeDtypeStruct((_N, _D), jnp.float32),
    )(agg, x0, W_conv1)

    agg2 = _sc_agg(h1, src_p, dst_p)
    beta2 = math.log(_THETA / 2.0 + 1.0)
    out = pl.pallas_call(
        functools.partial(_tail_body, beta2),
        grid=grid,
        in_specs=[agg_spec, row_spec, w_spec, wo_spec, bo_spec],
        out_specs=pl.BlockSpec((_ROW_BLK, _D_OUT), lambda i: (i, 0)),
        out_shape=jax.ShapeDtypeStruct((_N, _D_OUT), jnp.float32),
    )(agg2, x0, W_conv2, W_out, b_out.reshape(1, _D_OUT))
    return out

# --- scband reference (transcript-rebuilt; emitter-appended) ---
"""Pipeline reference for scband-gcn2-net-83133386981997 (READ-ONLY COPY).

The authoritative reference and input builder live on the scoring server;
editing this copy changes nothing except your own understanding.
"""

import jax, jax.numpy as jnp
import numpy as np
import math

N = 10000
E = 320000
D_IN = 128
D_HID = 128
D_OUT = 64
NUM_LAYERS = 2
ALPHA = 0.1
THETA = 0.5


def setup_inputs(seed: int = 0) -> dict:
    key = jax.random.key(seed)
    ks = jax.random.split(key, 8)
    x = jax.random.normal(ks[0], (N, D_IN), dtype=jnp.float32)
    edge_index = jax.random.randint(ks[1], (2, E), 0, N, dtype=jnp.int64)
    # Linear lins[0]: in_channels -> hidden_channels (stored as [in, out])
    W_in = jax.random.normal(ks[2], (D_IN, D_HID), dtype=jnp.float32) * 0.02
    b_in = jnp.zeros((D_HID,), dtype=jnp.float32)
    # Linear lins[1]: hidden_channels -> out_channels
    W_out = jax.random.normal(ks[3], (D_HID, D_OUT), dtype=jnp.float32) * 0.02
    b_out = jnp.zeros((D_OUT,), dtype=jnp.float32)
    # GCN2Conv shared weight1 per layer: [hidden, hidden]
    W_conv1 = jax.random.normal(ks[4], (D_HID, D_HID), dtype=jnp.float32) * 0.02
    W_conv2 = jax.random.normal(ks[5], (D_HID, D_HID), dtype=jnp.float32) * 0.02
    return {"x": x, "edge_index": edge_index, "W_in": W_in, "b_in": b_in,
            "W_out": W_out, "b_out": b_out, "W_conv1": W_conv1, "W_conv2": W_conv2}


def _gcn2_conv(h, x0, edge_index, W, layer_idx):
    # GCN2Conv with normalize=False, shared_weights=True, edge_weight=1
    src = edge_index[0]
    dst = edge_index[1]
    # propagate: sum-aggregate source features at destination nodes
    agg = jnp.zeros_like(h).at[dst].add(h[src])
    # identity-mapping mix with initial residual
    mixed = (1.0 - ALPHA) * agg + ALPHA * x0
    beta = math.log(THETA / float(layer_idx) + 1.0)
    out = (1.0 - beta) * mixed + beta * (mixed @ W)
    return out


def reference(x, edge_index, W_in, b_in, W_out, b_out, W_conv1, W_conv2):
    # dropout is identity in eval mode
    h = jax.nn.relu(x @ W_in + b_in)
    x0 = h
    conv_ws = [W_conv1, W_conv2]
    for i in range(NUM_LAYERS):
        h = _gcn2_conv(h, x0, edge_index, conv_ws[i], i + 1)
        h = jax.nn.relu(h)
    out = h @ W_out + b_out
    return jax.nn.log_softmax(out, axis=-1)

if __name__ == "__main__":
    import jax
    _d = setup_inputs()
    print(jax.jit(kernel)(*tuple(_d.values())))

</pallas_src>

<mosaic_0001>
#map = affine_map<(d0, d1) -> (0, 0)>
#map1 = affine_map<(d0, d1) -> (0, 0, 0)>
module attributes {stable_mosaic.version = 14 : i64} {
  func.func @_sc_agg_body(%arg0: i32, %arg1: i32, %arg2: memref<10000x128xf32, #tpu.memory_space<hbm>>, %arg3: memref<32x160x64xi32, #tpu.memory_space<hbm>>, %arg4: memref<32x160x64xi32, #tpu.memory_space<hbm>>, %arg5: memref<2x10112x128xf32, #tpu.memory_space<hbm>>, %arg6: memref<8x64xi32, #tpu.memory_space<vmem>>, %arg7: memref<8x64xi32, #tpu.memory_space<vmem>>, %arg8: memref<5x64x128xf32, #tpu.memory_space<vmem>>, %arg9: memref<10112x128xf32, #tpu.memory_space<vmem_shared>>, %arg10: memref<!tpu.dma_semaphore, #tpu.memory_space<semaphore_mem>>, %arg11: memref<!tpu.dma_semaphore, #tpu.memory_space<semaphore_mem>>, %arg12: memref<!tpu.dma_semaphore, #tpu.memory_space<semaphore_mem>>) attributes {dimension_semantics = [#tpu.dimension_semantics<core_parallel>, #tpu.dimension_semantics<subcore_parallel>], iteration_bounds = array<i64: 2, 16>, scalar_prefetch = 0 : i64, scratch_operands = 7 : i64, tpu.core_type = #tpu.core_type<sc_vector_subcore>, window_params = [{transform_indices = #map}, {transform_indices = #map1}, {transform_indices = #map1}, {transform_indices = #map1}]} {
    %mul3A = arith.constant 16 : i32
    %mul3A_0 = arith.muli %arg0, %mul3A : i32
    %add3A = arith.addi %mul3A_0, %arg1 : i32
    %scan3A = arith.constant 0 : i32
    %scan3A_1 = arith.constant 0 : i32
    %scan3A_2 = arith.constant 64 : i32
    %scan3A_3 = arith.addi %scan3A_1, %scan3A_2 : i32
    %scan3A_4 = arith.constant 1 : i32
    %scan3A_5 = scf.for %scan3A_1041 = %scan3A_1 to %scan3A_3 step %scan3A_4 iter_args(%scan3A_1042 = %scan3A) -> (i32)  : i32 {
      %broadcast_in_dim3A = arith.constant 0.000000e+00 : f32
      %broadcast_in_dim3A_1043 = vector.broadcast %broadcast_in_dim3A : f32 to vector<16xf32>
      %swap3A = arith.constant 0 : i32
      %swap3A_1044 = arith.index_cast %swap3A : i32 to index
      %swap3A_1045 = arith.index_cast %scan3A_1041 : i32 to index
      %swap3A_1046 = arith.constant 0 : index
      %swap3A_1047 = tpu.vector_load %arg8[%swap3A_1044, %swap3A_1045, %swap3A_1046] {strides = array<i32>} : memref<5x64x128xf32, #tpu.memory_space<vmem>>, vector<1x1x16xf32>,
      %swap3A_1048 = vector.shape_cast %swap3A_1047 : vector<1x1x16xf32> to vector<16xf32>
      %swap3A_1049 = vector.shape_cast %broadcast_in_dim3A_1043 : vector<16xf32> to vector<1x1x16xf32>
      tpu.vector_store %arg8[%swap3A_1044, %swap3A_1045, %swap3A_1046], %swap3A_1049 {strides = array<i32>} : memref<5x64x128xf32, #tpu.memory_space<vmem>>, vector<1x1x16xf32>,
      %broadcast_in_dim3A_1050 = arith.constant 0.000000e+00 : f32
      %broadcast_in_dim3A_1051 = vector.broadcast %broadcast_in_dim3A_1050 : f32 to vector<16xf32>
      %swap3A_1052 = arith.constant 0 : i32
      %swap3A_1053 = arith.index_cast %swap3A_1052 : i32 to index
      %swap3A_1054 = arith.index_cast %scan3A_1041 : i32 to index
      %swap3A_1055 = arith.constant 16 : index
      %swap3A_1056 = tpu.vector_load %arg8[%swap3A_1053, %swap3A_1054, %swap3A_1055] {strides = array<i32>} : memref<5x64x128xf32, #tpu.memory_space<vmem>>, vector<1x1x16xf32>,
      %swap3A_1057 = vector.shape_cast %swap3A_1056 : vector<1x1x16xf32> to vector<16xf32>
      %swap3A_1058 = vector.shape_cast %broadcast_in_dim3A_1051 : vector<16xf32> to vector<1x1x16xf32>
      tpu.vector_store %arg8[%swap3A_1053, %swap3A_1054, %swap3A_1055], %swap3A_1058 {strides = array<i32>} : memref<5x64x128xf32, #tpu.memory_space<vmem>>, vector<1x1x16xf32>,
      %broadcast_in_dim3A_1059 = arith.constant 0.000000e+00 : f32
      %broadcast_in_dim3A_1060 = vector.broadcast %broadcast_in_dim3A_1059 : f32 to vector<16xf32>
      %swap3A_1061 = arith.constant 0 : i32
      %swap3A_1062 = arith.index_cast %swap3A_1061 : i32 to index
      %swap3A_1063 = arith.index_cast %scan3A_1041 : i32 to index
      %swap3A_1064 = arith.constant 32 : index
      %swap3A_1065 = tpu.vector_load %arg8[%swap3A_1062, %swap3A_1063, %swap3A_1064] {strides = array<i32>} : memref<5x64x128xf32, #tpu.memory_space<vmem>>, vector<1x1x16xf32>,
      %swap3A_1066 = vector.shape_cast %swap3A_1065 : vector<1x1x16xf32> to vector<16xf32>
      %swap3A_1067 = vector.shape_cast %broadcast_in_dim3A_1060 : vector<16xf32> to vector<1x1x16xf32>
      tpu.vector_store %arg8[%swap3A_1062, %swap3A_1063, %swap3A_1064], %swap3A_1067 {strides = array<i32>} : memref<5x64x128xf32, #tpu.memory_space<vmem>>, vector<1x1x16xf32>,
      %broadcast_in_dim3A_1068 = arith.constant 0.000000e+00 : f32
      %broadcast_in_dim3A_1069 = vector.broadcast %broadcast_in_dim3A_1068 : f32 to vector<16xf32>
      %swap3A_1070 = arith.constant 0 : i32
      %swap3A_1071 = arith.index_cast %swap3A_1070 : i32 to index
      %swap3A_1072 = arith.index_cast %scan3A_1041 : i32 to index
      %swap3A_1073 = arith.constant 48 : index
      %swap3A_1074 = tpu.vector_load %arg8[%swap3A_1071, %swap3A_1072, %swap3A_1073] {strides = array<i32>} : memref<5x64x128xf32, #tpu.memory_space<vmem>>, vector<1x1x16xf32>,
      %swap3A_1075 = vector.shape_cast %swap3A_1074 : vector<1x1x16xf32> to vector<16xf32>
      %swap3A_1076 = vector.shape_cast %broadcast_in_dim3A_1069 : vector<16xf32> to vector<1x1x16xf32>
      tpu.vector_store %arg8[%swap3A_1071, %swap3A_1072, %swap3A_1073], %swap3A_1076 {strides = array<i32>} : memref<5x64x128xf32, #tpu.memory_space<vmem>>, vector<1x1x16xf32>,
      %broadcast_in_dim3A_1077 = arith.constant 0.000000e+00 : f32
      %broadcast_in_dim3A_1078 = vector.broadcast %broadcast_in_dim3A_1077 : f32 to vector<16xf32>
      %swap3A_1079 = arith.constant 0 : i32
      %swap3A_1080 = arith.index_cast %swap3A_1079 : i32 to index
      %swap3A_1081 = arith.index_cast %scan3A_1041 : i32 to index
      %swap3A_1082 = arith.constant 64 : index
      %swap3A_1083 = tpu.vector_load %arg8[%swap3A_1080, %swap3A_1081, %swap3A_1082] {strides = array<i32>} : memref<5x64x128xf32, #tpu.memory_space<vmem>>, vector<1x1x16xf32>,
      %swap3A_1084 = vector.shape_cast %swap3A_1083 : vector<1x1x16xf32> to vector<16xf32>
      %swap3A_1085 = vector.shape_cast %broadcast_in_dim3A_1078 : vector<16xf32> to vector<1x1x16xf32>
      tpu.vector_store %arg8[%swap3A_1080, %swap3A_1081, %swap3A_1082], %swap3A_1085 {strides = array<i32>} : memref<5x64x128xf32, #tpu.memory_space<vmem>>, vector<1x1x16xf32>,
      %broadcast_in_dim3A_1086 = arith.constant 0.000000e+00 : f32
      %broadcast_in_dim3A_1087 = vector.broadcast %broadcast_in_dim3A_1086 : f32 to vector<16xf32>
      %swap3A_1088 = arith.constant 0 : i32
      %swap3A_1089 = arith.index_cast %swap3A_1088 : i32 to index
      %swap3A_1090 = arith.index_cast %scan3A_1041 : i32 to index
      %swap3A_1091 = arith.constant 80 : index
      %swap3A_1092 = tpu.vector_load %arg8[%swap3A_1089, %swap3A_1090, %swap3A_1091] {strides = array<i32>} : memref<5x64x128xf32, #tpu.memory_space<vmem>>, vector<1x1x16xf32>,
      %swap3A_1093 = vector.shape_cast %swap3A_1092 : vector<1x1x16xf32> to vector<16xf32>
      %swap3A_1094 = vector.shape_cast %broadcast_in_dim3A_1087 : vector<16xf32> to vector<1x1x16xf32>
      tpu.vector_store %arg8[%swap3A_1089, %swap3A_1090, %swap3A_1091], %swap3A_1094 {strides = array<i32>} : memref<5x64x128xf32, #tpu.memory_space<vmem>>, vector<1x1x16xf32>,
      %broadcast_in_dim3A_1095 = arith.constant 0.000000e+00 : f32
      %broadcast_in_dim3A_1096 = vector.broadcast %broadcast_in_dim3A_1095 : f32 to vector<16xf32>
      %swap3A_1097 = arith.constant 0 : i32
      %swap3A_1098 = arith.index_cast %swap3A_1097 : i32 to index
      %swap3A_1099 = arith.index_cast %scan3A_1041 : i32 to index
      %swap3A_1100 = arith.constant 96 : index
      %swap3A_1101 = tpu.vector_load %arg8[%swap3A_1098, %swap3A_1099, %swap3A_1100] {strides = array<i32>} : memref<5x64x128xf32, #tpu.memory_space<vmem>>, vector<1x1x16xf32>,
      %swap3A_1102 = vector.shape_cast %swap3A_1101 : vector<1x1x16xf32> to vector<16xf32>
      %swap3A_1103 = vector.shape_cast %broadcast_in_dim3A_1096 : vector<16xf32> to vector<1x1x16xf32>
      tpu.vector_store %arg8[%swap3A_1098, %swap3A_1099, %swap3A_1100], %swap3A_1103 {strides = array<i32>} : memref<5x64x128xf32, #tpu.memory_space<vmem>>, vector<1x1x16xf32>,
      %broadcast_in_dim3A_1104 = arith.constant 0.000000e+00 : f32
      %broadcast_in_dim3A_1105 = vector.broadcast %broadcast_in_dim3A_1104 : f32 to vector<16xf32>
      %swap3A_1106 = arith.constant 0 : i32
      %swap3A_1107 = arith.index_cast %swap3A_1106 : i32 to index
      %swap3A_1108 = arith.index_cast %scan3A_1041 : i32 to index
      %swap3A_1109 = arith.constant 112 : index
      %swap3A_1110 = tpu.vector_load %arg8[%swap3A_1107, %swap3A_1108, %swap3A_1109] {strides = array<i32>} : memref<5x64x128xf32, #tpu.memory_space<vmem>>, vector<1x1x16xf32>,
      %swap3A_1111 = vector.shape_cast %swap3A_1110 : vector<1x1x16xf32> to vector<16xf32>
      %swap3A_1112 = vector.shape_cast %broadcast_in_dim3A_1105 : vector<16xf32> to vector<1x1x16xf32>
      tpu.vector_store %arg8[%swap3A_1107, %swap3A_1108, %swap3A_1109], %swap3A_1112 {strides = array<i32>} : memref<5x64x128xf32, #tpu.memory_space<vmem>>, vector<1x1x16xf32>,
      %scan3A_1113 = arith.constant 0 : i32
      scf.yield %scan3A_1113 : i32
    }
    %scan3A_6 = arith.constant 64 : i32
    %mul3A_7 = arith.constant 632 : i32
    %mul3A_8 = arith.muli %arg1, %mul3A_7 : i32
    %add3A_9 = arith.constant 0 : i32
    %add3A_10 = arith.addi %mul3A_8, %add3A_9 : i32
    %run_scoped3A = arith.constant 0 : i32
    "tpu.region"() ({
      %run_scoped3A_1041 = tpu.sem_alloc : memref<!tpu.dma_semaphore, #tpu.memory_space<semaphore_mem>>
      %dma_start3A_1042 = arith.constant 0 : i32
      %dma_start3A_1043 = arith.constant 0 : i32
      %dma_start3A_1044 = tpu.memref_slice %arg8[%run_scoped3A, %dma_start3A_1042, %dma_start3A_1043] : memref<5x64x128xf32, #tpu.memory_space<vmem>> -> memref<1x64x128xf32, #tpu.memory_space<vmem>>
      %dma_start3A_1045 = tpu.memref_squeeze %dma_start3A_1044 : memref<1x64x128xf32, #tpu.memory_space<vmem>> -> memref<64x128xf32, #tpu.memory_space<vmem>>
      %dma_start3A_1046 = arith.constant 0 : i32
      %dma_start3A_1047 = tpu.memref_slice %arg9[%add3A_10, %dma_start3A_1046] : memref<10112x128xf32, #tpu.memory_space<vmem_shared>> -> memref<64x128xf32, #tpu.memory_space<vmem_shared>>
      %dma_start3A_1048 = arith.constant 0 : i32
      %dma_start3A_1049 = tpu.memref_slice %arg9[%add3A_10, %dma_start3A_1048] : memref<10112x128xf32, #tpu.memory_space<vmem_shared>> -> memref<64x128xf32, #tpu.memory_space<vmem_shared>>
      %dma_start3A_1050 = arith.constant 0 : i32
      %dma_start3A_1051 = arith.constant 0 : i32
      %dma_start3A_1052 = tpu.memref_slice %arg8[%run_scoped3A, %dma_start3A_1050, %dma_start3A_1051] : memref<5x64x128xf32, #tpu.memory_space<vmem>> -> memref<1x64x128xf32, #tpu.memory_space<vmem>>
      %dma_start3A_1053 = tpu.memref_squeeze %dma_start3A_1052 : memref<1x64x128xf32, #tpu.memory_space<vmem>> -> memref<64x128xf32, #tpu.memory_space<vmem>>
      tpu.enqueue_dma source(%dma_start3A_1053 : memref<64x128xf32, #tpu.memory_space<vmem>>) target(%dma_start3A_1049 : memref<64x128xf32, #tpu.memory_space<vmem_shared>>) target_semaphore(%run_scoped3A_1041 : memref<!tpu.dma_semaphore, #tpu.memory_space<semaphore_mem>>)
      %dma_wait3A_1054 = arith.constant 0 : i32
      %dma_wait3A_1055 = arith.constant 0 : i32
      %dma_wait3A_1056 = tpu.memref_slice %arg8[%run_scoped3A, %dma_wait3A_1054, %dma_wait3A_1055] : memref<5x64x128xf32, #tpu.memory_space<vmem>> -> memref<1x64x128xf32, #tpu.memory_space<vmem>>
      %dma_wait3A_1057 = tpu.memref_squeeze %dma_wait3A_1056 : memref<1x64x128xf32, #tpu.memory_space<vmem>> -> memref<64x128xf32, #tpu.memory_space<vmem>>
      %dma_wait3A_1058 = arith.constant 0 : i32
      %dma_wait3A_1059 = tpu.memref_slice %arg9[%add3A_10, %dma_wait3A_1058] : memref<10112x128xf32, #tpu.memory_space<vmem_shared>> -> memref<64x128xf32, #tpu.memory_space<vmem_shared>>
      %dma_wait3A_1060 = arith.constant 0 : i32
      %dma_wait3A_1061 = tpu.memref_slice %arg9[%add3A_10, %dma_wait3A_1060] : memref<10112x128xf32, #tpu.memory_space<vmem_shared>> -> memref<64x128xf32, #tpu.memory_space<vmem_shared>>
      %dma_wait3A_1062 = arith.constant 0 : i32
      %dma_wait3A_1063 = arith.constant 0 : i32
      %dma_wait3A_1064 = tpu.memref_slice %arg8[%run_scoped3A, %dma_wait3A_1062, %dma_wait3A_1063] : memref<5x64x128xf32, #tpu.memory_space<vmem>> -> memref<1x64x128xf32, #tpu.memory_space<vmem>>
      %dma_wait3A_1065 = tpu.memref_squeeze %dma_wait3A_1064 : memref<1x64x128xf32, #tpu.memory_space<vmem>> -> memref<64x128xf32, #tpu.memory_space<vmem>>
      tpu.wait_dma2 semaphore(%run_scoped3A_1041 : memref<!tpu.dma_semaphore, #tpu.memory_space<semaphore_mem>>) src(%dma_wait3A_1065 : memref<64x128xf32, #tpu.memory_space<vmem>>) dst(%dma_wait3A_1061 : memref<64x128xf32, #tpu.memory_space<vmem_shared>>)
      tpu.yield
    }) : () -> ()
    %mul3A_11 = arith.constant 632 : i32
    %mul3A_12 = arith.muli %arg1, %mul3A_11 : i32
    %add3A_13 = arith.constant 64 : i32
    %add3A_14 = arith.addi %mul3A_12, %add3A_13 : i32
    %run_scoped3A_15 = arith.constant 0 : i32
    "tpu.region"() ({
      %run_scoped3A_1041 = tpu.sem_alloc : memref<!tpu.dma_semaphore, #tpu.memory_space<semaphore_mem>>
      %dma_start3A_1042 = arith.constant 0 : i32
      %dma_start3A_1043 = arith.constant 0 : i32
      %dma_start3A_1044 = tpu.memref_slice %arg8[%run_scoped3A_15, %dma_start3A_1042, %dma_start3A_1043] : memref<5x64x128xf32, #tpu.memory_space<vmem>> -> memref<1x64x128xf32, #tpu.memory_space<vmem>>
      %dma_start3A_1045 = tpu.memref_squeeze %dma_start3A_1044 : memref<1x64x128xf32, #tpu.memory_space<vmem>> -> memref<64x128xf32, #tpu.memory_space<vmem>>
      %dma_start3A_1046 = arith.constant 0 : i32
      %dma_start3A_1047 = tpu.memref_slice %arg9[%add3A_14, %dma_start3A_1046] : memref<10112x128xf32, #tpu.memory_space<vmem_shared>> -> memref<64x128xf32, #tpu.memory_space<vmem_shared>>
      %dma_start3A_1048 = arith.constant 0 : i32
      %dma_start3A_1049 = tpu.memref_slice %arg9[%add3A_14, %dma_start3A_1048] : memref<10112x128xf32, #tpu.memory_space<vmem_shared>> -> memref<64x128xf32, #tpu.memory_space<vmem_shared>>
      %dma_start3A_1050 = arith.constant 0 : i32
      %dma_start3A_1051 = arith.constant 0 : i32
      %dma_start3A_1052 = tpu.memref_slice %arg8[%run_scoped3A_15, %dma_start3A_1050, %dma_start3A_1051] : memref<5x64x128xf32, #tpu.memory_space<vmem>> -> memref<1x64x128xf32, #tpu.memory_space<vmem>>
      %dma_start3A_1053 = tpu.memref_squeeze %dma_start3A_1052 : memref<1x64x128xf32, #tpu.memory_space<vmem>> -> memref<64x128xf32, #tpu.memory_space<vmem>>
      tpu.enqueue_dma source(%dma_start3A_1053 : memref<64x128xf32, #tpu.memory_space<vmem>>) target(%dma_start3A_1049 : memref<64x128xf32, #tpu.memory_space<vmem_shared>>) target_semaphore(%run_scoped3A_1041 : memref<!tpu.dma_semaphore, #tpu.memory_space<semaphore_mem>>)
      %dma_wait3A_1054 = arith.constant 0 : i32
      %dma_wait3A_1055 = arith.constant 0 : i32
      %dma_wait3A_1056 = tpu.memref_slice %arg8[%run_scoped3A_15, %dma_wait3A_1054, %dma_wait3A_1055] : memref<5x64x128xf32, #tpu.memory_space<vmem>> -> memref<1x64x128xf32, #tpu.memory_space<vmem>>
      %dma_wait3A_1057 = tpu.memref_squeeze %dma_wait3A_1056 : memref<1x64x128xf32, #tpu.memory_space<vmem>> -> memref<64x128xf32, #tpu.memory_space<vmem>>
      %dma_wait3A_1058 = arith.constant 0 : i32
      %dma_wait3A_1059 = tpu.memref_slice %arg9[%add3A_14, %dma_wait3A_1058] : memref<10112x128xf32, #tpu.memory_space<vmem_shared>> -> memref<64x128xf32, #tpu.memory_space<vmem_shared>>
      %dma_wait3A_1060 = arith.constant 0 : i32
      %dma_wait3A_1061 = tpu.memref_slice %arg9[%add3A_14, %dma_wait3A_1060] : memref<10112x128xf32, #tpu.memory_space<vmem_shared>> -> memref<64x128xf32, #tpu.memory_space<vmem_shared>>
      %dma_wait3A_1062 = arith.constant 0 : i32
      %dma_wait3A_1063 = arith.constant 0 : i32
      %dma_wait3A_1064 = tpu.memref_slice %arg8[%run_scoped3A_15, %dma_wait3A_1062, %dma_wait3A_1063] : memref<5x64x128xf32, #tpu.memory_space<vmem>> -> memref<1x64x128xf32, #tpu.memory_space<vmem>>
      %dma_wait3A_1065 = tpu.memref_squeeze %dma_wait3A_1064 : memref<1x64x128xf32, #tpu.memory_space<vmem>> -> memref<64x128xf32, #tpu.memory_space<vmem>>
      tpu.wait_dma2 semaphore(%run_scoped3A_1041 : memref<!tpu.dma_semaphore, #tpu.memory_space<semaphore_mem>>) src(%dma_wait3A_1065 : memref<64x128xf32, #tpu.memory_space<vmem>>) dst(%dma_wait3A_1061 : memref<64x128xf32, #tpu.memory_space<vmem_shared>>)
      tpu.yield
    }) : () -> ()
    %mul3A_16 = arith.constant 632 : i32
    %mul3A_17 = arith.muli %arg1, %mul3A_16 : i32
    %add3A_18 = arith.constant 128 : i32
    %add3A_19 = arith.addi %mul3A_17, %add3A_18 : i32
    %run_scoped3A_20 = arith.constant 0 : i32
    "tpu.region"() ({
      %run_scoped3A_1041 = tpu.sem_alloc : memref<!tpu.dma_semaphore, #tpu.memory_space<semaphore_mem>>
      %dma_start3A_1042 = arith.constant 0 : i32
      %dma_start3A_1043 = arith.constant 0 : i32
      %dma_start3A_1044 = tpu.memref_slice %arg8[%run_scoped3A_20, %dma_start3A_1042, %dma_start3A_1043] : memref<5x64x128xf32, #tpu.memory_space<vmem>> -> memref<1x64x128xf32, #tpu.memory_space<vmem>>
      %dma_start3A_1045 = tpu.memref_squeeze %dma_start3A_1044 : memref<1x64x128xf32, #tpu.memory_space<vmem>> -> memref<64x128xf32, #tpu.memory_space<vmem>>
      %dma_start3A_1046 = arith.constant 0 : i32
      %dma_start3A_1047 = tpu.memref_slice %arg9[%add3A_19, %dma_start3A_1046] : memref<10112x128xf32, #tpu.memory_space<vmem_shared>> -> memref<64x128xf32, #tpu.memory_space<vmem_shared>>
      %dma_start3A_1048 = arith.constant 0 : i32
      %dma_start3A_1049 = tpu.memref_slice %arg9[%add3A_19, %dma_start3A_1048] : memref<10112x128xf32, #tpu.memory_space<vmem_shared>> -> memref<64x128xf32, #tpu.memory_space<vmem_shared>>
      %dma_start3A_1050 = arith.constant 0 : i32
      %dma_start3A_1051 = arith.constant 0 : i32
      %dma_start3A_1052 = tpu.memref_slice %arg8[%run_scoped3A_20, %dma_start3A_1050, %dma_start3A_1051] : memref<5x64x128xf32, #tpu.memory_space<vmem>> -> memref<1x64x128xf32, #tpu.memory_space<vmem>>
      %dma_start3A_1053 = tpu.memref_squeeze %dma_start3A_1052 : memref<1x64x128xf32, #tpu.memory_space<vmem>> -> memref<64x128xf32, #tpu.memory_space<vmem>>
      tpu.enqueue_dma source(%dma_start3A_1053 : memref<64x128xf32, #tpu.memory_space<vmem>>) target(%dma_start3A_1049 : memref<64x128xf32, #tpu.memory_space<vmem_shared>>) target_semaphore(%run_scoped3A_1041 : memref<!tpu.dma_semaphore, #tpu.memory_space<semaphore_mem>>)
      %dma_wait3A_1054 = arith.constant 0 : i32
      %dma_wait3A_1055 = arith.constant 0 : i32
      %dma_wait3A_1056 = tpu.memref_slice %arg8[%run_scoped3A_20, %dma_wait3A_1054, %dma_wait3A_1055] : memref<5x64x128xf32, #tpu.memory_space<vmem>> -> memref<1x64x128xf32, #tpu.memory_space<vmem>>
      %dma_wait3A_1057 = tpu.memref_squeeze %dma_wait3A_1056 : memref<1x64x128xf32, #tpu.memory_space<vmem>> -> memref<64x128xf32, #tpu.memory_space<vmem>>
      %dma_wait3A_1058 = arith.constant 0 : i32
      %dma_wait3A_1059 = tpu.memref_slice %arg9[%add3A_19, %dma_wait3A_1058] : memref<10112x128xf32, #tpu.memory_space<vmem_shared>> -> memref<64x128xf32, #tpu.memory_space<vmem_shared>>
      %dma_wait3A_1060 = arith.constant 0 : i32
      %dma_wait3A_1061 = tpu.memref_slice %arg9[%add3A_19, %dma_wait3A_1060] : memref<10112x128xf32, #tpu.memory_space<vmem_shared>> -> memref<64x128xf32, #tpu.memory_space<vmem_shared>>
      %dma_wait3A_1062 = arith.constant 0 : i32
      %dma_wait3A_1063 = arith.constant 0 : i32
      %dma_wait3A_1064 = tpu.memref_slice %arg8[%run_scoped3A_20, %dma_wait3A_1062, %dma_wait3A_1063] : memref<5x64x128xf32, #tpu.memory_space<vmem>> -> memref<1x64x128xf32, #tpu.memory_space<vmem>>
      %dma_wait3A_1065 = tpu.memref_squeeze %dma_wait3A_1064 : memref<1x64x128xf32, #tpu.memory_space<vmem>> -> memref<64x128xf32, #tpu.memory_space<vmem>>
      tpu.wait_dma2 semaphore(%run_scoped3A_1041 : memref<!tpu.dma_semaphore, #tpu.memory_space<semaphore_mem>>) src(%dma_wait3A_1065 : memref<64x128xf32, #tpu.memory_space<vmem>>) dst(%dma_wait3A_1061 : memref<64x128xf32, #tpu.memory_space<vmem_shared>>)
      tpu.yield
    }) : () -> ()
    %mul3A_21 = arith.constant 632 : i32
    %mul3A_22 = arith.muli %arg1, %mul3A_21 : i32
    %add3A_23 = arith.constant 192 : i32
    %add3A_24 = arith.addi %mul3A_22, %add3A_23 : i32
    %run_scoped3A_25 = arith.constant 0 : i32
    "tpu.region"() ({
      %run_scoped3A_1041 = tpu.sem_alloc : memref<!tpu.dma_semaphore, #tpu.memory_space<semaphore_mem>>
      %dma_start3A_1042 = arith.constant 0 : i32
      %dma_start3A_1043 = arith.constant 0 : i32
      %dma_start3A_1044 = tpu.memref_slice %arg8[%run_scoped3A_25, %dma_start3A_1042, %dma_start3A_1043] : memref<5x64x128xf32, #tpu.memory_space<vmem>> -> memref<1x64x128xf32, #tpu.memory_space<vmem>>
      %dma_start3A_1045 = tpu.memref_squeeze %dma_start3A_1044 : memref<1x64x128xf32, #tpu.memory_space<vmem>> -> memref<64x128xf32, #tpu.memory_space<vmem>>
      %dma_start3A_1046 = arith.constant 0 : i32
      %dma_start3A_1047 = tpu.memref_slice %arg9[%add3A_24, %dma_start3A_1046] : memref<10112x128xf32, #tpu.memory_space<vmem_shared>> -> memref<64x128xf32, #tpu.memory_space<vmem_shared>>
      %dma_start3A_1048 = arith.constant 0 : i32
      %dma_start3A_1049 = tpu.memref_slice %arg9[%add3A_24, %dma_start3A_1048] : memref<10112x128xf32, #tpu.memory_space<vmem_shared>> -> memref<64x128xf32, #tpu.memory_space<vmem_shared>>
      %dma_start3A_1050 = arith.constant 0 : i32
      %dma_start3A_1051 = arith.constant 0 : i32
      %dma_start3A_1052 = tpu.memref_slice %arg8[%run_scoped3A_25, %dma_start3A_1050, %dma_start3A_1051] : memref<5x64x128xf32, #tpu.memory_space<vmem>> -> memref<1x64x128xf32, #tpu.memory_space<vmem>>
      %dma_start3A_1053 = tpu.memref_squeeze %dma_start3A_1052 : memref<1x64x128xf32, #tpu.memory_space<vmem>> -> memref<64x128xf32, #tpu.memory_space<vmem>>
      tpu.enqueue_dma source(%dma_start3A_1053 : memref<64x128xf32, #tpu.memory_space<vmem>>) target(%dma_start3A_1049 : memref<64x128xf32, #tpu.memory_space<vmem_shared>>) target_semaphore(%run_scoped3A_1041 : memref<!tpu.dma_semaphore, #tpu.memory_space<semaphore_mem>>)
      %dma_wait3A_1054 = arith.constant 0 : i32
      %dma_wait3A_1055 = arith.constant 0 : i32
      %dma_wait3A_1056 = tpu.memref_slice %arg8[%run_scoped3A_25, %dma_wait3A_1054, %dma_wait3A_1055] : memref<5x64x128xf32, #tpu.memory_space<vmem>> -> memref<1x64x128xf32, #tpu.memory_space<vmem>>
      %dma_wait3A_1057 = tpu.memref_squeeze %dma_wait3A_1056 : memref<1x64x128xf32, #tpu.memory_space<vmem>> -> memref<64x128xf32, #tpu.memory_space<vmem>>
      %dma_wait3A_1058 = arith.constant 0 : i32
      %dma_wait3A_1059 = tpu.memref_slice %arg9[%add3A_24, %dma_wait3A_1058] : memref<10112x128xf32, #tpu.memory_space<vmem_shared>> -> memref<64x128xf32, #tpu.memory_space<vmem_shared>>
      %dma_wait3A_1060 = arith.constant 0 : i32
      %dma_wait3A_1061 = tpu.memref_slice %arg9[%add3A_24, %dma_wait3A_1060] : memref<10112x128xf32, #tpu.memory_space<vmem_shared>> -> memref<64x128xf32, #tpu.memory_space<vmem_shared>>
      %dma_wait3A_1062 = arith.constant 0 : i32
      %dma_wait3A_1063 = arith.constant 0 : i32
      %dma_wait3A_1064 = tpu.memref_slice %arg8[%run_scoped3A_25, %dma_wait3A_1062, %dma_wait3A_1063] : memref<5x64x128xf32, #tpu.memory_space<vmem>> -> memref<1x64x128xf32, #tpu.memory_space<vmem>>
      %dma_wait3A_1065 = tpu.memref_squeeze %dma_wait3A_1064 : memref<1x64x128xf32, #tpu.memory_space<vmem>> -> memref<64x128xf32, #tpu.memory_space<vmem>>
      tpu.wait_dma2 semaphore(%run_scoped3A_1041 : memref<!tpu.dma_semaphore, #tpu.memory_space<semaphore_mem>>) src(%dma_wait3A_1065 : memref<64x128xf32, #tpu.memory_space<vmem>>) dst(%dma_wait3A_1061 : memref<64x128xf32, #tpu.memory_space<vmem_shared>>)
      tpu.yield
    }) : () -> ()
    %mul3A_26 = arith.constant 632 : i32
    %mul3A_27 = arith.muli %arg1, %mul3A_26 : i32
    %add3A_28 = arith.constant 256 : i32
    %add3A_29 = arith.addi %mul3A_27, %add3A_28 : i32
    %run_scoped3A_30 = arith.constant 0 : i32
    "tpu.region"() ({
      %run_scoped3A_1041 = tpu.sem_alloc : memref<!tpu.dma_semaphore, #tpu.memory_space<semaphore_mem>>
      %dma_start3A_1042 = arith.constant 0 : i32
      %dma_start3A_1043 = arith.constant 0 : i32
      %dma_start3A_1044 = tpu.memref_slice %arg8[%run_scoped3A_30, %dma_start3A_1042, %dma_start3A_1043] : memref<5x64x128xf32, #tpu.memory_space<vmem>> -> memref<1x64x128xf32, #tpu.memory_space<vmem>>
      %dma_start3A_1045 = tpu.memref_squeeze %dma_start3A_1044 : memref<1x64x128xf32, #tpu.memory_space<vmem>> -> memref<64x128xf32, #tpu.memory_space<vmem>>
      %dma_start3A_1046 = arith.constant 0 : i32
      %dma_start3A_1047 = tpu.memref_slice %arg9[%add3A_29, %dma_start3A_1046] : memref<10112x128xf32, #tpu.memory_space<vmem_shared>> -> memref<64x128xf32, #tpu.memory_space<vmem_shared>>
      %dma_start3A_1048 = arith.constant 0 : i32
      %dma_start3A_1049 = tpu.memref_slice %arg9[%add3A_29, %dma_start3A_1048] : memref<10112x128xf32, #tpu.memory_space<vmem_shared>> -> memref<64x128xf32, #tpu.memory_space<vmem_shared>>
      %dma_start3A_1050 = arith.constant 0 : i32
      %dma_start3A_1051 = arith.constant 0 : i32
      %dma_start3A_1052 = tpu.memref_slice %arg8[%run_scoped3A_30, %dma_start3A_1050, %dma_start3A_1051] : memref<5x64x128xf32, #tpu.memory_space<vmem>> -> memref<1x64x128xf32, #tpu.memory_space<vmem>>
      %dma_start3A_1053 = tpu.memref_squeeze %dma_start3A_1052 : memref<1x64x128xf32, #tpu.memory_space<vmem>> -> memref<64x128xf32, #tpu.memory_space<vmem>>
      tpu.enqueue_dma source(%dma_start3A_1053 : memref<64x128xf32, #tpu.memory_space<vmem>>) target(%dma_start3A_1049 : memref<64x128xf32, #tpu.memory_space<vmem_shared>>) target_semaphore(%run_scoped3A_1041 : memref<!tpu.dma_semaphore, #tpu.memory_space<semaphore_mem>>)
      %dma_wait3A_1054 = arith.constant 0 : i32
      %dma_wait3A_1055 = arith.constant 0 : i32
      %dma_wait3A_1056 = tpu.memref_slice %arg8[%run_scoped3A_30, %dma_wait3A_1054, %dma_wait3A_1055] : memref<5x64x128xf32, #tpu.memory_space<vmem>> -> memref<1x64x128xf32, #tpu.memory_space<vmem>>
      %dma_wait3A_1057 = tpu.memref_squeeze %dma_wait3A_1056 : memref<1x64x128xf32, #tpu.memory_space<vmem>> -> memref<64x128xf32, #tpu.memory_space<vmem>>
      %dma_wait3A_1058 = arith.constant 0 : i32
      %dma_wait3A_1059 = tpu.memref_slice %arg9[%add3A_29, %dma_wait3A_1058] : memref<10112x128xf32, #tpu.memory_space<vmem_shared>> -> memref<64x128xf32, #tpu.memory_space<vmem_shared>>
      %dma_wait3A_1060 = arith.constant 0 : i32
      %dma_wait3A_1061 = tpu.memref_slice %arg9[%add3A_29, %dma_wait3A_1060] : memref<10112x128xf32, #tpu.memory_space<vmem_shared>> -> memref<64x128xf32, #tpu.memory_space<vmem_shared>>
      %dma_wait3A_1062 = arith.constant 0 : i32
      %dma_wait3A_1063 = arith.constant 0 : i32
      %dma_wait3A_1064 = tpu.memref_slice %arg8[%run_scoped3A_30, %dma_wait3A_1062, %dma_wait3A_1063] : memref<5x64x128xf32, #tpu.memory_space<vmem>> -> memref<1x64x128xf32, #tpu.memory_space<vmem>>
      %dma_wait3A_1065 = tpu.memref_squeeze %dma_wait3A_1064 : memref<1x64x128xf32, #tpu.memory_space<vmem>> -> memref<64x128xf32, #tpu.memory_space<vmem>>
      tpu.wait_dma2 semaphore(%run_scoped3A_1041 : memref<!tpu.dma_semaphore, #tpu.memory_space<semaphore_mem>>) src(%dma_wait3A_1065 : memref<64x128xf32, #tpu.memory_space<vmem>>) dst(%dma_wait3A_1061 : memref<64x128xf32, #tpu.memory_space<vmem_shared>>)
      tpu.yield
    }) : () -> ()
    %mul3A_31 = arith.constant 632 : i32
    %mul3A_32 = arith.muli %arg1, %mul3A_31 : i32
    %add3A_33 = arith.constant 320 : i32
    %add3A_34 = arith.addi %mul3A_32, %add3A_33 : i32
    %run_scoped3A_35 = arith.constant 0 : i32
    "tpu.region"() ({
      %run_scoped3A_1041 = tpu.sem_alloc : memref<!tpu.dma_semaphore, #tpu.memory_space<semaphore_mem>>
      %dma_start3A_1042 = arith.constant 0 : i32
      %dma_start3A_1043 = arith.constant 0 : i32
      %dma_start3A_1044 = tpu.memref_slice %arg8[%run_scoped3A_35, %dma_start3A_1042, %dma_start3A_1043] : memref<5x64x128xf32, #tpu.memory_space<vmem>> -> memref<1x64x128xf32, #tpu.memory_space<vmem>>
      %dma_start3A_1045 = tpu.memref_squeeze %dma_start3A_1044 : memref<1x64x128xf32, #tpu.memory_space<vmem>> -> memref<64x128xf32, #tpu.memory_space<vmem>>
      %dma_start3A_1046 = arith.constant 0 : i32
      %dma_start3A_1047 = tpu.memref_slice %arg9[%add3A_34, %dma_start3A_1046] : memref<10112x128xf32, #tpu.memory_space<vmem_shared>> -> memref<64x128xf32, #tpu.memory_space<vmem_shared>>
      %dma_start3A_1048 = arith.constant 0 : i32
      %dma_start3A_1049 = tpu.memref_slice %arg9[%add3A_34, %dma_start3A_1048] : memref<10112x128xf32, #tpu.memory_space<vmem_shared>> -> memref<64x128xf32, #tpu.memory_space<vmem_shared>>
      %dma_start3A_1050 = arith.constant 0 : i32
      %dma_start3A_1051 = arith.constant 0 : i32
      %dma_start3A_1052 = tpu.memref_slice %arg8[%run_scoped3A_35, %dma_start3A_1050, %dma_start3A_1051] : memref<5x64x128xf32, #tpu.memory_space<vmem>> -> memref<1x64x128xf32, #tpu.memory_space<vmem>>
      %dma_start3A_1053 = tpu.memref_squeeze %dma_start3A_1052 : memref<1x64x128xf32, #tpu.memory_space<vmem>> -> memref<64x128xf32, #tpu.memory_space<vmem>>
      tpu.enqueue_dma source(%dma_start3A_1053 : memref<64x128xf32, #tpu.memory_space<vmem>>) target(%dma_start3A_1049 : memref<64x128xf32, #tpu.memory_space<vmem_shared>>) target_semaphore(%run_scoped3A_1041 : memref<!tpu.dma_semaphore, #tpu.memory_space<semaphore_mem>>)
      %dma_wait3A_1054 = arith.constant 0 : i32
      %dma_wait3A_1055 = arith.constant 0 : i32
      %dma_wait3A_1056 = tpu.memref_slice %arg8[%run_scoped3A_35, %dma_wait3A_1054, %dma_wait3A_1055] : memref<5x64x128xf32, #tpu.memory_space<vmem>> -> memref<1x64x128xf32, #tpu.memory_space<vmem>>
      %dma_wait3A_1057 = tpu.memref_squeeze %dma_wait3A_1056 : memref<1x64x128xf32, #tpu.memory_space<vmem>> -> memref<64x128xf32, #tpu.memory_space<vmem>>
      %dma_wait3A_1058 = arith.constant 0 : i32
      %dma_wait3A_1059 = tpu.memref_slice %arg9[%add3A_34, %dma_wait3A_1058] : memref<10112x128xf32, #tpu.memory_space<vmem_shared>> -> memref<64x128xf32, #tpu.memory_space<vmem_shared>>
      %dma_wait3A_1060 = arith.constant 0 : i32
      %dma_wait3A_1061 = tpu.memref_slice %arg9[%add3A_34, %dma_wait3A_1060] : memref<10112x128xf32, #tpu.memory_space<vmem_shared>> -> memref<64x128xf32, #tpu.memory_space<vmem_shared>>
      %dma_wait3A_1062 = arith.constant 0 : i32
      %dma_wait3A_1063 = arith.constant 0 : i32
      %dma_wait3A_1064 = tpu.memref_slice %arg8[%run_scoped3A_35, %dma_wait3A_1062, %dma_wait3A_1063] : memref<5x64x128xf32, #tpu.memory_space<vmem>> -> memref<1x64x128xf32, #tpu.memory_space<vmem>>
      %dma_wait3A_1065 = tpu.memref_squeeze %dma_wait3A_1064 : memref<1x64x128xf32, #tpu.memory_space<vmem>> -> memref<64x128xf32, #tpu.memory_space<vmem>>
      tpu.wait_dma2 semaphore(%run_scoped3A_1041 : memref<!tpu.dma_semaphore, #tpu.memory_space<semaphore_mem>>) src(%dma_wait3A_1065 : memref<64x128xf32, #tpu.memory_space<vmem>>) dst(%dma_wait3A_1061 : memref<64x128xf32, #tpu.memory_space<vmem_shared>>)
      tpu.yield
    }) : () -> ()
    %mul3A_36 = arith.constant 632 : i32
    %mul3A_37 = arith.muli %arg1, %mul3A_36 : i32
    %add3A_38 = arith.constant 384 : i32
    %add3A_39 = arith.addi %mul3A_37, %add3A_38 : i32
    %run_scoped3A_40 = arith.constant 0 : i32
    "tpu.region"() ({
      %run_scoped3A_1041 = tpu.sem_alloc : memref<!tpu.dma_semaphore, #tpu.memory_space<semaphore_mem>>
      %dma_start3A_1042 = arith.constant 0 : i32
      %dma_start3A_1043 = arith.constant 0 : i32
      %dma_start3A_1044 = tpu.memref_slice %arg8[%run_scoped3A_40, %dma_start3A_1042, %dma_start3A_1043] : memref<5x64x128xf32, #tpu.memory_space<vmem>> -> memref<1x64x128xf32, #tpu.memory_space<vmem>>
      %dma_start3A_1045 = tpu.memref_squeeze %dma_start3A_1044 : memref<1x64x128xf32, #tpu.memory_space<vmem>> -> memref<64x128xf32, #tpu.memory_space<vmem>>
      %dma_start3A_1046 = arith.constant 0 : i32
      %dma_start3A_1047 = tpu.memref_slice %arg9[%add3A_39, %dma_start3A_1046] : memref<10112x128xf32, #tpu.memory_space<vmem_shared>> -> memref<64x128xf32, #tpu.memory_space<vmem_shared>>
      %dma_start3A_1048 = arith.constant 0 : i32
      %dma_start3A_1049 = tpu.memref_slice %arg9[%add3A_39, %dma_start3A_1048] : memref<10112x128xf32, #tpu.memory_space<vmem_shared>> -> memref<64x128xf32, #tpu.memory_space<vmem_shared>>
      %dma_start3A_1050 = arith.constant 0 : i32
      %dma_start3A_1051 = arith.constant 0 : i32
      %dma_start3A_1052 = tpu.memref_slice %arg8[%run_scoped3A_40, %dma_start3A_1050, %dma_start3A_1051] : memref<5x64x128xf32, #tpu.memory_space<vmem>> -> memref<1x64x128xf32, #tpu.memory_space<vmem>>
      %dma_start3A_1053 = tpu.memref_squeeze %dma_start3A_1052 : memref<1x64x128xf32, #tpu.memory_space<vmem>> -> memref<64x128xf32, #tpu.memory_space<vmem>>
      tpu.enqueue_dma source(%dma_start3A_1053 : memref<64x128xf32, #tpu.memory_space<vmem>>) target(%dma_start3A_1049 : memref<64x128xf32, #tpu.memory_space<vmem_shared>>) target_semaphore(%run_scoped3A_1041 : memref<!tpu.dma_semaphore, #tpu.memory_space<semaphore_mem>>)
      %dma_wait3A_1054 = arith.constant 0 : i32
      %dma_wait3A_1055 = arith.constant 0 : i32
      %dma_wait3A_1056 = tpu.memref_slice %arg8[%run_scoped3A_40, %dma_wait3A_1054, %dma_wait3A_1055] : memref<5x64x128xf32, #tpu.memory_space<vmem>> -> memref<1x64x128xf32, #tpu.memory_space<vmem>>
      %dma_wait3A_1057 = tpu.memref_squeeze %dma_wait3A_1056 : memref<1x64x128xf32, #tpu.memory_space<vmem>> -> memref<64x128xf32, #tpu.memory_space<vmem>>
      %dma_wait3A_1058 = arith.constant 0 : i32
      %dma_wait3A_1059 = tpu.memref_slice %arg9[%add3A_39, %dma_wait3A_1058] : memref<10112x128xf32, #tpu.memory_space<vmem_shared>> -> memref<64x128xf32, #tpu.memory_space<vmem_shared>>
      %dma_wait3A_1060 = arith.constant 0 : i32
      %dma_wait3A_1061 = tpu.memref_slice %arg9[%add3A_39, %dma_wait3A_1060] : memref<10112x128xf32, #tpu.memory_space<vmem_shared>> -> memref<64x128xf32, #tpu.memory_space<vmem_shared>>
      %dma_wait3A_1062 = arith.constant 0 : i32
      %dma_wait3A_1063 = arith.constant 0 : i32
      %dma_wait3A_1064 = tpu.memref_slice %arg8[%run_scoped3A_40, %dma_wait3A_1062, %dma_wait3A_1063] : memref<5x64x128xf32, #tpu.memory_space<vmem>> -> memref<1x64x128xf32, #tpu.memory_space<vmem>>
      %dma_wait3A_1065 = tpu.memref_squeeze %dma_wait3A_1064 : memref<1x64x128xf32, #tpu.memory_space<vmem>> -> memref<64x128xf32, #tpu.memory_space<vmem>>
      tpu.wait_dma2 semaphore(%run_scoped3A_1041 : memref<!tpu.dma_semaphore, #tpu.memory_space<semaphore_mem>>) src(%dma_wait3A_1065 : memref<64x128xf32, #tpu.memory_space<vmem>>) dst(%dma_wait3A_1061 : memref<64x128xf32, #tpu.memory_space<vmem_shared>>)
      tpu.yield
    }) : () -> ()
    %mul3A_41 = arith.constant 632 : i32
    %mul3A_42 = arith.muli %arg1, %mul3A_41 : i32
    %add3A_43 = arith.constant 448 : i32
    %add3A_44 = arith.addi %mul3A_42, %add3A_43 : i32
    %run_scoped3A_45 = arith.constant 0 : i32
    "tpu.region"() ({
      %run_scoped3A_1041 = tpu.sem_alloc : memref<!tpu.dma_semaphore, #tpu.memory_space<semaphore_mem>>
      %dma_start3A_1042 = arith.constant 0 : i32
      %dma_start3A_1043 = arith.constant 0 : i32
      %dma_start3A_1044 = tpu.memref_slice %arg8[%run_scoped3A_45, %dma_start3A_1042, %dma_start3A_1043] : memref<5x64x128xf32, #tpu.memory_space<vmem>> -> memref<1x64x128xf32, #tpu.memory_space<vmem>>
      %dma_start3A_1045 = tpu.memref_squeeze %dma_start3A_1044 : memref<1x64x128xf32, #tpu.memory_space<vmem>> -> memref<64x128xf32, #tpu.memory_space<vmem>>
      %dma_start3A_1046 = arith.constant 0 : i32
      %dma_start3A_1047 = tpu.memref_slice %arg9[%add3A_44, %dma_start3A_1046] : memref<10112x128xf32, #tpu.memory_space<vmem_shared>> -> memref<64x128xf32, #tpu.memory_space<vmem_shared>>
      %dma_start3A_1048 = arith.constant 0 : i32
      %dma_start3A_1049 = tpu.memref_slice %arg9[%add3A_44, %dma_start3A_1048] : memref<10112x128xf32, #tpu.memory_space<vmem_shared>> -> memref<64x128xf32, #tpu.memory_space<vmem_shared>>
      %dma_start3A_1050 = arith.constant 0 : i32
      %dma_start3A_1051 = arith.constant 0 : i32
      %dma_start3A_1052 = tpu.memref_slice %arg8[%run_scoped3A_45, %dma_start3A_1050, %dma_start3A_1051] : memref<5x64x128xf32, #tpu.memory_space<vmem>> -> memref<1x64x128xf32, #tpu.memory_space<vmem>>
      %dma_start3A_1053 = tpu.memref_squeeze %dma_start3A_1052 : memref<1x64x128xf32, #tpu.memory_space<vmem>> -> memref<64x128xf32, #tpu.memory_space<vmem>>
      tpu.enqueue_dma source(%dma_start3A_1053 : memref<64x128xf32, #tpu.memory_space<vmem>>) target(%dma_start3A_1049 : memref<64x128xf32, #tpu.memory_space<vmem_shared>>) target_semaphore(%run_scoped3A_1041 : memref<!tpu.dma_semaphore, #tpu.memory_space<semaphore_mem>>)
      %dma_wait3A_1054 = arith.constant 0 : i32
      %dma_wait3A_1055 = arith.constant 0 : i32
      %dma_wait3A_1056 = tpu.memref_slice %arg8[%run_scoped3A_45, %dma_wait3A_1054, %dma_wait3A_1055] : memref<5x64x128xf32, #tpu.memory_space<vmem>> -> memref<1x64x128xf32, #tpu.memory_space<vmem>>
      %dma_wait3A_1057 = tpu.memref_squeeze %dma_wait3A_1056 : memref<1x64x128xf32, #tpu.memory_space<vmem>> -> memref<64x128xf32, #tpu.memory_space<vmem>>
      %dma_wait3A_1058 = arith.constant 0 : i32
      %dma_wait3A_1059 = tpu.memref_slice %arg9[%add3A_44, %dma_wait3A_1058] : memref<10112x128xf32, #tpu.memory_space<vmem_shared>> -> memref<64x128xf32, #tpu.memory_space<vmem_shared>>
      %dma_wait3A_1060 = arith.constant 0 : i32
      %dma_wait3A_1061 = tpu.memref_slice %arg9[%add3A_44, %dma_wait3A_1060] : memref<10112x128xf32, #tpu.memory_space<vmem_shared>> -> memref<64x128xf32, #tpu.memory_space<vmem_shared>>
      %dma_wait3A_1062 = arith.constant 0 : i32
      %dma_wait3A_1063 = arith.constant 0 : i32
      %dma_wait3A_1064 = tpu.memref_slice %arg8[%run_scoped3A_45, %dma_wait3A_1062, %dma_wait3A_1063] : memref<5x64x128xf32, #tpu.memory_space<vmem>> -> memref<1x64x128xf32, #tpu.memory_space<vmem>>
      %dma_wait3A_1065 = tpu.memref_squeeze %dma_wait3A_1064 : memref<1x64x128xf32, #tpu.memory_space<vmem>> -> memref<64x128xf32, #tpu.memory_space<vmem>>
      tpu.wait_dma2 semaphore(%run_scoped3A_1041 : memref<!tpu.dma_semaphore, #tpu.memory_space<semaphore_mem>>) src(%dma_wait3A_1065 : memref<64x128xf32, #tpu.memory_space<vmem>>) dst(%dma_wait3A_1061 : memref<64x128xf32, #tpu.memory_space<vmem_shared>>)
      tpu.yield
    }) : () -> ()
    %mul3A_46 = arith.constant 632 : i32
    %mul3A_47 = arith.muli %arg1, %mul3A_46 : i32
    %add3A_48 = arith.constant 512 : i32
    %add3A_49 = arith.addi %mul3A_47, %add3A_48 : i32
    %run_scoped3A_50 = arith.constant 0 : i32
    "tpu.region"() ({
      %run_scoped3A_1041 = tpu.sem_alloc : memref<!tpu.dma_semaphore, #tpu.memory_space<semaphore_mem>>
      %dma_start3A_1042 = arith.constant 0 : i32
      %dma_start3A_1043 = arith.constant 0 : i32
      %dma_start3A_1044 = tpu.memref_slice %arg8[%run_scoped3A_50, %dma_start3A_1042, %dma_start3A_1043] : memref<5x64x128xf32, #tpu.memory_space<vmem>> -> memref<1x64x128xf32, #tpu.memory_space<vmem>>
      %dma_start3A_1045 = tpu.memref_squeeze %dma_start3A_1044 : memref<1x64x128xf32, #tpu.memory_space<vmem>> -> memref<64x128xf32, #tpu.memory_space<vmem>>
      %dma_start3A_1046 = arith.constant 0 : i32
      %dma_start3A_1047 = tpu.memref_slice %arg9[%add3A_49, %dma_start3A_1046] : memref<10112x128xf32, #tpu.memory_space<vmem_shared>> -> memref<64x128xf32, #tpu.memory_space<vmem_shared>>
      %dma_start3A_1048 = arith.constant 0 : i32
      %dma_start3A_1049 = tpu.memref_slice %arg9[%add3A_49, %dma_start3A_1048] : memref<10112x128xf32, #tpu.memory_space<vmem_shared>> -> memref<64x128xf32, #tpu.memory_space<vmem_shared>>
      %dma_start3A_1050 = arith.constant 0 : i32
      %dma_start3A_1051 = arith.constant 0 : i32
      %dma_start3A_1052 = tpu.memref_slice %arg8[%run_scoped3A_50, %dma_start3A_1050, %dma_start3A_1051] : memref<5x64x128xf32, #tpu.memory_space<vmem>> -> memref<1x64x128xf32, #tpu.memory_space<vmem>>
      %dma_start3A_1053 = tpu.memref_squeeze %dma_start3A_1052 : memref<1x64x128xf32, #tpu.memory_space<vmem>> -> memref<64x128xf32, #tpu.memory_space<vmem>>
      tpu.enqueue_dma source(%dma_start3A_1053 : memref<64x128xf32, #tpu.memory_space<vmem>>) target(%dma_start3A_1049 : memref<64x128xf32, #tpu.memory_space<vmem_shared>>) target_semaphore(%run_scoped3A_1041 : memref<!tpu.dma_semaphore, #tpu.memory_space<semaphore_mem>>)
      %dma_wait3A_1054 = arith.constant 0 : i32
      %dma_wait3A_1055 = arith.constant 0 : i32
      %dma_wait3A_1056 = tpu.memref_slice %arg8[%run_scoped3A_50, %dma_wait3A_1054, %dma_wait3A_1055] : memref<5x64x128xf32, #tpu.memory_space<vmem>> -> memref<1x64x128xf32, #tpu.memory_space<vmem>>
      %dma_wait3A_1057 = tpu.memref_squeeze %dma_wait3A_1056 : memref<1x64x128xf32, #tpu.memory_space<vmem>> -> memref<64x128xf32, #tpu.memory_space<vmem>>
      %dma_wait3A_1058 = arith.constant 0 : i32
      %dma_wait3A_1059 = tpu.memref_slice %arg9[%add3A_49, %dma_wait3A_1058] : memref<10112x128xf32, #tpu.memory_space<vmem_shared>> -> memref<64x128xf32, #tpu.memory_space<vmem_shared>>
      %dma_wait3A_1060 = arith.constant 0 : i32
      %dma_wait3A_1061 = tpu.memref_slice %arg9[%add3A_49, %dma_wait3A_1060] : memref<10112x128xf32, #tpu.memory_space<vmem_shared>> -> memref<64x128xf32, #tpu.memory_space<vmem_shared>>
      %dma_wait3A_1062 = arith.constant 0 : i32
      %dma_wait3A_1063 = arith.constant 0 : i32
      %dma_wait3A_1064 = tpu.memref_slice %arg8[%run_scoped3A_50, %dma_wait3A_1062, %dma_wait3A_1063] : memref<5x64x128xf32, #tpu.memory_space<vmem>> -> memref<1x64x128xf32, #tpu.memory_space<vmem>>
      %dma_wait3A_1065 = tpu.memref_squeeze %dma_wait3A_1064 : memref<1x64x128xf32, #tpu.memory_space<vmem>> -> memref<64x128xf32, #tpu.memory_space<vmem>>
      tpu.wait_dma2 semaphore(%run_scoped3A_1041 : memref<!tpu.dma_semaphore, #tpu.memory_space<semaphore_mem>>) src(%dma_wait3A_1065 : memref<64x128xf32, #tpu.memory_space<vmem>>) dst(%dma_wait3A_1061 : memref<64x128xf32, #tpu.memory_space<vmem_shared>>)
      tpu.yield
    }) : () -> ()
    %mul3A_51 = arith.constant 632 : i32
    %mul3A_52 = arith.muli %arg1, %mul3A_51 : i32
    %add3A_53 = arith.constant 576 : i32
    %add3A_54 = arith.addi %mul3A_52, %add3A_53 : i32
    %run_scoped3A_55 = arith.constant 0 : i32
    "tpu.region"() ({
      %run_scoped3A_1041 = tpu.sem_alloc : memref<!tpu.dma_semaphore, #tpu.memory_space<semaphore_mem>>
      %dma_start3A_1042 = arith.constant 0 : i32
      %dma_start3A_1043 = arith.constant 0 : i32
      %dma_start3A_1044 = tpu.memref_slice %arg8[%run_scoped3A_55, %dma_start3A_1042, %dma_start3A_1043] : memref<5x64x128xf32, #tpu.memory_space<vmem>> -> memref<1x56x128xf32, #tpu.memory_space<vmem>>
      %dma_start3A_1045 = tpu.memref_squeeze %dma_start3A_1044 : memref<1x56x128xf32, #tpu.memory_space<vmem>> -> memref<56x128xf32, #tpu.memory_space<vmem>>
      %dma_start3A_1046 = arith.constant 0 : i32
      %dma_start3A_1047 = tpu.memref_slice %arg9[%add3A_54, %dma_start3A_1046] : memref<10112x128xf32, #tpu.memory_space<vmem_shared>> -> memref<56x128xf32, #tpu.memory_space<vmem_shared>>
      %dma_start3A_1048 = arith.constant 0 : i32
      %dma_start3A_1049 = tpu.memref_slice %arg9[%add3A_54, %dma_start3A_1048] : memref<10112x128xf32, #tpu.memory_space<vmem_shared>> -> memref<56x128xf32, #tpu.memory_space<vmem_shared>>
      %dma_start3A_1050 = arith.constant 0 : i32
      %dma_start3A_1051 = arith.constant 0 : i32
      %dma_start3A_1052 = tpu.memref_slice %arg8[%run_scoped3A_55, %dma_start3A_1050, %dma_start3A_1051] : memref<5x64x128xf32, #tpu.memory_space<vmem>> -> memref<1x56x128xf32, #tpu.memory_space<vmem>>
      %dma_start3A_1053 = tpu.memref_squeeze %dma_start3A_1052 : memref<1x56x128xf32, #tpu.memory_space<vmem>> -> memref<56x128xf32, #tpu.memory_space<vmem>>
      tpu.enqueue_dma source(%dma_start3A_1053 : memref<56x128xf32, #tpu.memory_space<vmem>>) target(%dma_start3A_1049 : memref<56x128xf32, #tpu.memory_space<vmem_shared>>) target_semaphore(%run_scoped3A_1041 : memref<!tpu.dma_semaphore, #tpu.memory_space<semaphore_mem>>)
      %dma_wait3A_1054 = arith.constant 0 : i32
      %dma_wait3A_1055 = arith.constant 0 : i32
      %dma_wait3A_1056 = tpu.memref_slice %arg8[%run_scoped3A_55, %dma_wait3A_1054, %dma_wait3A_1055] : memref<5x64x128xf32, #tpu.memory_space<vmem>> -> memref<1x56x128xf32, #tpu.memory_space<vmem>>
      %dma_wait3A_1057 = tpu.memref_squeeze %dma_wait3A_1056 : memref<1x56x128xf32, #tpu.memory_space<vmem>> -> memref<56x128xf32, #tpu.memory_space<vmem>>
      %dma_wait3A_1058 = arith.constant 0 : i32
      %dma_wait3A_1059 = tpu.memref_slice %arg9[%add3A_54, %dma_wait3A_1058] : memref<10112x128xf32, #tpu.memory_space<vmem_shared>> -> memref<56x128xf32, #tpu.memory_space<vmem_shared>>
      %dma_wait3A_1060 = arith.constant 0 : i32
      %dma_wait3A_1061 = tpu.memref_slice %arg9[%add3A_54, %dma_wait3A_1060] : memref<10112x128xf32, #tpu.memory_space<vmem_shared>> -> memref<56x128xf32, #tpu.memory_space<vmem_shared>>
      %dma_wait3A_1062 = arith.constant 0 : i32
      %dma_wait3A_1063 = arith.constant 0 : i32
      %dma_wait3A_1064 = tpu.memref_slice %arg8[%run_scoped3A_55, %dma_wait3A_1062, %dma_wait3A_1063] : memref<5x64x128xf32, #tpu.memory_space<vmem>> -> memref<1x56x128xf32, #tpu.memory_space<vmem>>
      %dma_wait3A_1065 = tpu.memref_squeeze %dma_wait3A_1064 : memref<1x56x128xf32, #tpu.memory_space<vmem>> -> memref<56x128xf32, #tpu.memory_space<vmem>>
      tpu.wait_dma2 semaphore(%run_scoped3A_1041 : memref<!tpu.dma_semaphore, #tpu.memory_space<semaphore_mem>>) src(%dma_wait3A_1065 : memref<56x128xf32, #tpu.memory_space<vmem>>) dst(%dma_wait3A_1061 : memref<56x128xf32, #tpu.memory_space<vmem_shared>>)
      tpu.yield
    }) : () -> ()
    %barrier3A = arith.constant 0 : index
    tpu.barrier barrier_id(%barrier3A)
    %rem3A = arith.constant 0 : i32
    %rem3A_56 = arith.constant 8 : i32
    %rem3A_57 = arith.remsi %rem3A, %rem3A_56 : i32
    %dma_start3A = arith.constant 0 : i32
    %dma_start3A_58 = arith.constant 0 : i32
    %dma_start3A_59 = tpu.memref_slice %arg6[%rem3A_57, %dma_start3A_58] : memref<8x64xi32, #tpu.memory_space<vmem>> -> memref<1x64xi32, #tpu.memory_space<vmem>>
    %dma_start3A_60 = tpu.memref_squeeze %dma_start3A_59 : memref<1x64xi32, #tpu.memory_space<vmem>> -> memref<64xi32, #tpu.memory_space<vmem>>
    %dma_start3A_61 = arith.constant 0 : i32
    %dma_start3A_62 = tpu.memref_slice %arg3[%add3A, %dma_start3A, %dma_start3A_61] : memref<32x160x64xi32, #tpu.memory_space<hbm>> -> memref<1x1x64xi32, #tpu.memory_space<hbm>>
    %dma_start3A_63 = tpu.memref_squeeze %dma_start3A_62 : memref<1x1x64xi32, #tpu.memory_space<hbm>> -> memref<64xi32, #tpu.memory_space<hbm>>
    %dma_start3A_64 = arith.constant 0 : i32
    %dma_start3A_65 = tpu.memref_slice %arg6[%rem3A_57, %dma_start3A_64] : memref<8x64xi32, #tpu.memory_space<vmem>> -> memref<1x64xi32, #tpu.memory_space<vmem>>
    %dma_start3A_66 = tpu.memref_squeeze %dma_start3A_65 : memref<1x64xi32, #tpu.memory_space<vmem>> -> memref<64xi32, #tpu.memory_space<vmem>>
    %dma_start3A_67 = arith.constant 0 : i32
    %dma_start3A_68 = tpu.memref_slice %arg3[%add3A, %dma_start3A, %dma_start3A_67] : memref<32x160x64xi32, #tpu.memory_space<hbm>> -> memref<1x1x64xi32, #tpu.memory_space<hbm>>
    %dma_start3A_69 = tpu.memref_squeeze %dma_start3A_68 : memref<1x1x64xi32, #tpu.memory_space<hbm>> -> memref<64xi32, #tpu.memory_space<hbm>>
    tpu.enqueue_dma source(%dma_start3A_69 : memref<64xi32, #tpu.memory_space<hbm>>) target(%dma_start3A_66 : memref<64xi32, #tpu.memory_space<vmem>>) target_semaphore(%arg12 : memref<!tpu.dma_semaphore, #tpu.memory_space<semaphore_mem>>)
    %dma_start3A_70 = arith.constant 0 : i32
    %dma_start3A_71 = arith.constant 0 : i32
    %dma_start3A_72 = tpu.memref_slice %arg7[%rem3A_57, %dma_start3A_71] : memref<8x64xi32, #tpu.memory_space<vmem>> -> memref<1x64xi32, #tpu.memory_space<vmem>>
    %dma_start3A_73 = tpu.memref_squeeze %dma_start3A_72 : memref<1x64xi32, #tpu.memory_space<vmem>> -> memref<64xi32, #tpu.memory_space<vmem>>
    %dma_start3A_74 = arith.constant 0 : i32
    %dma_start3A_75 = tpu.memref_slice %arg4[%add3A, %dma_start3A_70, %dma_start3A_74] : memref<32x160x64xi32, #tpu.memory_space<hbm>> -> memref<1x1x64xi32, #tpu.memory_space<hbm>>
    %dma_start3A_76 = tpu.memref_squeeze %dma_start3A_75 : memref<1x1x64xi32, #tpu.memory_space<hbm>> -> memref<64xi32, #tpu.memory_space<hbm>>
    %dma_start3A_77 = arith.constant 0 : i32
    %dma_start3A_78 = tpu.memref_slice %arg7[%rem3A_57, %dma_start3A_77] : memref<8x64xi32, #tpu.memory_space<vmem>> -> memref<1x64xi32, #tpu.memory_space<vmem>>
    %dma_start3A_79 = tpu.memref_squeeze %dma_start3A_78 : memref<1x64xi32, #tpu.memory_space<vmem>> -> memref<64xi32, #tpu.memory_space<vmem>>
    %dma_start3A_80 = arith.constant 0 : i32
    %dma_start3A_81 = tpu.memref_slice %arg4[%add3A, %dma_start3A_70, %dma_start3A_80] : memref<32x160x64xi32, #tpu.memory_space<hbm>> -> memref<1x1x64xi32, #tpu.memory_space<hbm>>
    %dma_start3A_82 = tpu.memref_squeeze %dma_start3A_81 : memref<1x1x64xi32, #tpu.memory_space<hbm>> -> memref<64xi32, #tpu.memory_space<hbm>>
    tpu.enqueue_dma source(%dma_start3A_82 : memref<64xi32, #tpu.memory_space<hbm>>) target(%dma_start3A_79 : memref<64xi32, #tpu.memory_space<vmem>>) target_semaphore(%arg12 : memref<!tpu.dma_semaphore, #tpu.memory_space<semaphore_mem>>)
    %rem3A_83 = arith.constant 1 : i32
    %rem3A_84 = arith.constant 8 : i32
    %rem3A_85 = arith.remsi %rem3A_83, %rem3A_84 : i32
    %dma_start3A_86 = arith.constant 1 : i32
    %dma_start3A_87 = arith.constant 0 : i32
    %dma_start3A_88 = tpu.memref_slice %arg6[%rem3A_85, %dma_start3A_87] : memref<8x64xi32, #tpu.memory_space<vmem>> -> memref<1x64xi32, #tpu.memory_space<vmem>>
    %dma_start3A_89 = tpu.memref_squeeze %dma_start3A_88 : memref<1x64xi32, #tpu.memory_space<vmem>> -> memref<64xi32, #tpu.memory_space<vmem>>
    %dma_start3A_90 = arith.constant 0 : i32
    %dma_start3A_91 = tpu.memref_slice %arg3[%add3A, %dma_start3A_86, %dma_start3A_90] : memref<32x160x64xi32, #tpu.memory_space<hbm>> -> memref<1x1x64xi32, #tpu.memory_space<hbm>>
    %dma_start3A_92 = tpu.memref_squeeze %dma_start3A_91 : memref<1x1x64xi32, #tpu.memory_space<hbm>> -> memref<64xi32, #tpu.memory_space<hbm>>
    %dma_start3A_93 = arith.constant 0 : i32
    %dma_start3A_94 = tpu.memref_slice %arg6[%rem3A_85, %dma_start3A_93] : memref<8x64xi32, #tpu.memory_space<vmem>> -> memref<1x64xi32, #tpu.memory_space<vmem>>
    %dma_start3A_95 = tpu.memref_squeeze %dma_start3A_94 : memref<1x64xi32, #tpu.memory_space<vmem>> -> memref<64xi32, #tpu.memory_space<vmem>>
    %dma_start3A_96 = arith.constant 0 : i32
    %dma_start3A_97 = tpu.memref_slice %arg3[%add3A, %dma_start3A_86, %dma_start3A_96] : memref<32x160x64xi32, #tpu.memory_space<hbm>> -> memref<1x1x64xi32, #tpu.memory_space<hbm>>
    %dma_start3A_98 = tpu.memref_squeeze %dma_start3A_97 : memref<1x1x64xi32, #tpu.memory_space<hbm>> -> memref<64xi32, #tpu.memory_space<hbm>>
    tpu.enqueue_dma source(%dma_start3A_98 : memref<64xi32, #tpu.memory_space<hbm>>) target(%dma_start3A_95 : memref<64xi32, #tpu.memory_space<vmem>>) target_semaphore(%arg12 : memref<!tpu.dma_semaphore, #tpu.memory_space<semaphore_mem>>)
    %dma_start3A_99 = arith.constant 1 : i32
    %dma_start3A_100 = arith.constant 0 : i32
    %dma_start3A_101 = tpu.memref_slice %arg7[%rem3A_85, %dma_start3A_100] : memref<8x64xi32, #tpu.memory_space<vmem>> -> memref<1x64xi32, #tpu.memory_space<vmem>>
    %dma_start3A_102 = tpu.memref_squeeze %dma_start3A_101 : memref<1x64xi32, #tpu.memory_space<vmem>> -> memref<64xi32, #tpu.memory_space<vmem>>
    %dma_start3A_103 = arith.constant 0 : i32
    %dma_start3A_104 = tpu.memref_slice %arg4[%add3A, %dma_start3A_99, %dma_start3A_103] : memref<32x160x64xi32, #tpu.memory_space<hbm>> -> memref<1x1x64xi32, #tpu.memory_space<hbm>>
    %dma_start3A_105 = tpu.memref_squeeze %dma_start3A_104 : memref<1x1x64xi32, #tpu.memory_space<hbm>> -> memref<64xi32, #tpu.memory_space<hbm>>
    %dma_start3A_106 = arith.constant 0 : i32
    %dma_start3A_107 = tpu.memref_slice %arg7[%rem3A_85, %dma_start3A_106] : memref<8x64xi32, #tpu.memory_space<vmem>> -> memref<1x64xi32, #tpu.memory_space<vmem>>
    %dma_start3A_108 = tpu.memref_squeeze %dma_start3A_107 : memref<1x64xi32, #tpu.memory_space<vmem>> -> memref<64xi32, #tpu.memory_space<vmem>>
    %dma_start3A_109 = arith.constant 0 : i32
    %dma_start3A_110 = tpu.memref_slice %arg4[%add3A, %dma_start3A_99, %dma_start3A_109] : memref<32x160x64xi32, #tpu.memory_space<hbm>> -> memref<1x1x64xi32, #tpu.memory_space<hbm>>
    %dma_start3A_111 = tpu.memref_squeeze %dma_start3A_110 : memref<1x1x64xi32, #tpu.memory_space<hbm>> -> memref<64xi32, #tpu.memory_space<hbm>>
    tpu.enqueue_dma source(%dma_start3A_111 : memref<64xi32, #tpu.memory_space<hbm>>) target(%dma_start3A_108 : memref<64xi32, #tpu.memory_space<vmem>>) target_semaphore(%arg12 : memref<!tpu.dma_semaphore, #tpu.memory_space<semaphore_mem>>)
    %rem3A_112 = arith.constant 2 : i32
    %rem3A_113 = arith.constant 8 : i32
    %rem3A_114 = arith.remsi %rem3A_112, %rem3A_113 : i32
    %dma_start3A_115 = arith.constant 2 : i32
    %dma_start3A_116 = arith.constant 0 : i32
    %dma_start3A_117 = tpu.memref_slice %arg6[%rem3A_114, %dma_start3A_116] : memref<8x64xi32, #tpu.memory_space<vmem>> -> memref<1x64xi32, #tpu.memory_space<vmem>>
    %dma_start3A_118 = tpu.memref_squeeze %dma_start3A_117 : memref<1x64xi32, #tpu.memory_space<vmem>> -> memref<64xi32, #tpu.memory_space<vmem>>
    %dma_start3A_119 = arith.constant 0 : i32
    %dma_start3A_120 = tpu.memref_slice %arg3[%add3A, %dma_start3A_115, %dma_start3A_119] : memref<32x160x64xi32, #tpu.memory_space<hbm>> -> memref<1x1x64xi32, #tpu.memory_space<hbm>>
    %dma_start3A_121 = tpu.memref_squeeze %dma_start3A_120 : memref<1x1x64xi32, #tpu.memory_space<hbm>> -> memref<64xi32, #tpu.memory_space<hbm>>
    %dma_start3A_122 = arith.constant 0 : i32
    %dma_start3A_123 = tpu.memref_slice %arg6[%rem3A_114, %dma_start3A_122] : memref<8x64xi32, #tpu.memory_space<vmem>> -> memref<1x64xi32, #tpu.memory_space<vmem>>
    %dma_start3A_124 = tpu.memref_squeeze %dma_start3A_123 : memref<1x64xi32, #tpu.memory_space<vmem>> -> memref<64xi32, #tpu.memory_space<vmem>>
    %dma_start3A_125 = arith.constant 0 : i32
    %dma_start3A_126 = tpu.memref_slice %arg3[%add3A, %dma_start3A_115, %dma_start3A_125] : memref<32x160x64xi32, #tpu.memory_space<hbm>> -> memref<1x1x64xi32, #tpu.memory_space<hbm>>
    %dma_start3A_127 = tpu.memref_squeeze %dma_start3A_126 : memref<1x1x64xi32, #tpu.memory_space<hbm>> -> memref<64xi32, #tpu.memory_space<hbm>>
    tpu.enqueue_dma source(%dma_start3A_127 : memref<64xi32, #tpu.memory_space<hbm>>) target(%dma_start3A_124 : memref<64xi32, #tpu.memory_space<vmem>>) target_semaphore(%arg12 : memref<!tpu.dma_semaphore, #tpu.memory_space<semaphore_mem>>)
    %dma_start3A_128 = arith.constant 2 : i32
    %dma_start3A_129 = arith.constant 0 : i32
    %dma_start3A_130 = tpu.memref_slice %arg7[%rem3A_114, %dma_start3A_129] : memref<8x64xi32, #tpu.memory_space<vmem>> -> memref<1x64xi32, #tpu.memory_space<vmem>>
    %dma_start3A_131 = tpu.memref_squeeze %dma_start3A_130 : memref<1x64xi32, #tpu.memory_space<vmem>> -> memref<64xi32, #tpu.memory_space<vmem>>
    %dma_start3A_132 = arith.constant 0 : i32
    %dma_start3A_133 = tpu.memref_slice %arg4[%add3A, %dma_start3A_128, %dma_start3A_132] : memref<32x160x64xi32, #tpu.memory_space<hbm>> -> memref<1x1x64xi32, #tpu.memory_space<hbm>>
    %dma_start3A_134 = tpu.memref_squeeze %dma_start3A_133 : memref<1x1x64xi32, #tpu.memory_space<hbm>> -> memref<64xi32, #tpu.memory_space<hbm>>
    %dma_start3A_135 = arith.constant 0 : i32
    %dma_start3A_136 = tpu.memref_slice %arg7[%rem3A_114, %dma_start3A_135] : memref<8x64xi32, #tpu.memory_space<vmem>> -> memref<1x64xi32, #tpu.memory_space<vmem>>
    %dma_start3A_137 = tpu.memref_squeeze %dma_start3A_136 : memref<1x64xi32, #tpu.memory_space<vmem>> -> memref<64xi32, #tpu.memory_space<vmem>>
    %dma_start3A_138 = arith.constant 0 : i32
    %dma_start3A_139 = tpu.memref_slice %arg4[%add3A, %dma_start3A_128, %dma_start3A_138] : memref<32x160x64xi32, #tpu.memory_space<hbm>> -> memref<1x1x64xi32, #tpu.memory_space<hbm>>
    %dma_start3A_140 = tpu.memref_squeeze %dma_start3A_139 : memref<1x1x64xi32, #tpu.memory_space<hbm>> -> memref<64xi32, #tpu.memory_space<hbm>>
    tpu.enqueue_dma source(%dma_start3A_140 : memref<64xi32, #tpu.memory_space<hbm>>) target(%dma_start3A_137 : memref<64xi32, #tpu.memory_space<vmem>>) target_semaphore(%arg12 : memref<!tpu.dma_semaphore, #tpu.memory_space<semaphore_mem>>)
    %rem3A_141 = arith.constant 3 : i32
    %rem3A_142 = arith.constant 8 : i32
    %rem3A_143 = arith.remsi %rem3A_141, %rem3A_142 : i32
    %dma_start3A_144 = arith.constant 3 : i32
    %dma_start3A_145 = arith.constant 0 : i32
    %dma_start3A_146 = tpu.memref_slice %arg6[%rem3A_143, %dma_start3A_145] : memref<8x64xi32, #tpu.memory_space<vmem>> -> memref<1x64xi32, #tpu.memory_space<vmem>>
    %dma_start3A_147 = tpu.memref_squeeze %dma_start3A_146 : memref<1x64xi32, #tpu.memory_space<vmem>> -> memref<64xi32, #tpu.memory_space<vmem>>
    %dma_start3A_148 = arith.constant 0 : i32
    %dma_start3A_149 = tpu.memref_slice %arg3[%add3A, %dma_start3A_144, %dma_start3A_148] : memref<32x160x64xi32, #tpu.memory_space<hbm>> -> memref<1x1x64xi32, #tpu.memory_space<hbm>>
    %dma_start3A_150 = tpu.memref_squeeze %dma_start3A_149 : memref<1x1x64xi32, #tpu.memory_space<hbm>> -> memref<64xi32, #tpu.memory_space<hbm>>
    %dma_start3A_151 = arith.constant 0 : i32
    %dma_start3A_152 = tpu.memref_slice %arg6[%rem3A_143, %dma_start3A_151] : memref<8x64xi32, #tpu.memory_space<vmem>> -> memref<1x64xi32, #tpu.memory_space<vmem>>
    %dma_start3A_153 = tpu.memref_squeeze %dma_start3A_152 : memref<1x64xi32, #tpu.memory_space<vmem>> -> memref<64xi32, #tpu.memory_space<vmem>>
    %dma_start3A_154 = arith.constant 0 : i32
    %dma_start3A_155 = tpu.memref_slice %arg3[%add3A, %dma_start3A_144, %dma_start3A_154] : memref<32x160x64xi32, #tpu.memory_space<hbm>> -> memref<1x1x64xi32, #tpu.memory_space<hbm>>
    %dma_start3A_156 = tpu.memref_squeeze %dma_start3A_155 : memref<1x1x64xi32, #tpu.memory_space<hbm>> -> memref<64xi32, #tpu.memory_space<hbm>>
    tpu.enqueue_dma source(%dma_start3A_156 : memref<64xi32, #tpu.memory_space<hbm>>) target(%dma_start3A_153 : memref<64xi32, #tpu.memory_space<vmem>>) target_semaphore(%arg12 : memref<!tpu.dma_semaphore, #tpu.memory_space<semaphore_mem>>)
    %dma_start3A_157 = arith.constant 3 : i32
    %dma_start3A_158 = arith.constant 0 : i32
    %dma_start3A_159 = tpu.memref_slice %arg7[%rem3A_143, %dma_start3A_158] : memref<8x64xi32, #tpu.memory_space<vmem>> -> memref<1x64xi32, #tpu.memory_space<vmem>>
    %dma_start3A_160 = tpu.memref_squeeze %dma_start3A_159 : memref<1x64xi32, #tpu.memory_space<vmem>> -> memref<64xi32, #tpu.memory_space<vmem>>
    %dma_start3A_161 = arith.constant 0 : i32
    %dma_start3A_162 = tpu.memref_slice %arg4[%add3A, %dma_start3A_157, %dma_start3A_161] : memref<32x160x64xi32, #tpu.memory_space<hbm>> -> memref<1x1x64xi32, #tpu.memory_space<hbm>>
    %dma_start3A_163 = tpu.memref_squeeze %dma_start3A_162 : memref<1x1x64xi32, #tpu.memory_space<hbm>> -> memref<64xi32, #tpu.memory_space<hbm>>
    %dma_start3A_164 = arith.constant 0 : i32
    %dma_start3A_165 = tpu.memref_slice %arg7[%rem3A_143, %dma_start3A_164] : memref<8x64xi32, #tpu.memory_space<vmem>> -> memref<1x64xi32, #tpu.memory_space<vmem>>
    %dma_start3A_166 = tpu.memref_squeeze %dma_start3A_165 : memref<1x64xi32, #tpu.memory_space<vmem>> -> memref<64xi32, #tpu.memory_space<vmem>>
    %dma_start3A_167 = arith.constant 0 : i32
    %dma_start3A_168 = tpu.memref_slice %arg4[%add3A, %dma_start3A_157, %dma_start3A_167] : memref<32x160x64xi32, #tpu.memory_space<hbm>> -> memref<1x1x64xi32, #tpu.memory_space<hbm>>
    %dma_start3A_169 = tpu.memref_squeeze %dma_start3A_168 : memref<1x1x64xi32, #tpu.memory_space<hbm>> -> memref<64xi32, #tpu.memory_space<hbm>>
    tpu.enqueue_dma source(%dma_start3A_169 : memref<64xi32, #tpu.memory_space<hbm>>) target(%dma_start3A_166 : memref<64xi32, #tpu.memory_space<vmem>>) target_semaphore(%arg12 : memref<!tpu.dma_semaphore, #tpu.memory_space<semaphore_mem>>)
    %rem3A_170 = arith.constant 4 : i32
    %rem3A_171 = arith.constant 8 : i32
    %rem3A_172 = arith.remsi %rem3A_170, %rem3A_171 : i32
    %dma_start3A_173 = arith.constant 4 : i32
    %dma_start3A_174 = arith.constant 0 : i32
    %dma_start3A_175 = tpu.memref_slice %arg6[%rem3A_172, %dma_start3A_174] : memref<8x64xi32, #tpu.memory_space<vmem>> -> memref<1x64xi32, #tpu.memory_space<vmem>>
    %dma_start3A_176 = tpu.memref_squeeze %dma_start3A_175 : memref<1x64xi32, #tpu.memory_space<vmem>> -> memref<64xi32, #tpu.memory_space<vmem>>
    %dma_start3A_177 = arith.constant 0 : i32
    %dma_start3A_178 = tpu.memref_slice %arg3[%add3A, %dma_start3A_173, %dma_start3A_177] : memref<32x160x64xi32, #tpu.memory_space<hbm>> -> memref<1x1x64xi32, #tpu.memory_space<hbm>>
    %dma_start3A_179 = tpu.memref_squeeze %dma_start3A_178 : memref<1x1x64xi32, #tpu.memory_space<hbm>> -> memref<64xi32, #tpu.memory_space<hbm>>
    %dma_start3A_180 = arith.constant 0 : i32
    %dma_start3A_181 = tpu.memref_slice %arg6[%rem3A_172, %dma_start3A_180] : memref<8x64xi32, #tpu.memory_space<vmem>> -> memref<1x64xi32, #tpu.memory_space<vmem>>
    %dma_start3A_182 = tpu.memref_squeeze %dma_start3A_181 : memref<1x64xi32, #tpu.memory_space<vmem>> -> memref<64xi32, #tpu.memory_space<vmem>>
    %dma_start3A_183 = arith.constant 0 : i32
    %dma_start3A_184 = tpu.memref_slice %arg3[%add3A, %dma_start3A_173, %dma_start3A_183] : memref<32x160x64xi32, #tpu.memory_space<hbm>> -> memref<1x1x64xi32, #tpu.memory_space<hbm>>
    %dma_start3A_185 = tpu.memref_squeeze %dma_start3A_184 : memref<1x1x64xi32, #tpu.memory_space<hbm>> -> memref<64xi32, #tpu.memory_space<hbm>>
    tpu.enqueue_dma source(%dma_start3A_185 : memref<64xi32, #tpu.memory_space<hbm>>) target(%dma_start3A_182 : memref<64xi32, #tpu.memory_space<vmem>>) target_semaphore(%arg12 : memref<!tpu.dma_semaphore, #tpu.memory_space<semaphore_mem>>)
    %dma_start3A_186 = arith.constant 4 : i32
    %dma_start3A_187 = arith.constant 0 : i32
    %dma_start3A_188 = tpu.memref_slice %arg7[%rem3A_172, %dma_start3A_187] : memref<8x64xi32, #tpu.memory_space<vmem>> -> memref<1x64xi32, #tpu.memory_space<vmem>>
    %dma_start3A_189 = tpu.memref_squeeze %dma_start3A_188 : memref<1x64xi32, #tpu.memory_space<vmem>> -> memref<64xi32, #tpu.memory_space<vmem>>
    %dma_start3A_190 = arith.constant 0 : i32
    %dma_start3A_191 = tpu.memref_slice %arg4[%add3A, %dma_start3A_186, %dma_start3A_190] : memref<32x160x64xi32, #tpu.memory_space<hbm>> -> memref<1x1x64xi32, #tpu.memory_space<hbm>>
    %dma_start3A_192 = tpu.memref_squeeze %dma_start3A_191 : memref<1x1x64xi32, #tpu.memory_space<hbm>> -> memref<64xi32, #tpu.memory_space<hbm>>
    %dma_start3A_193 = arith.constant 0 : i32
    %dma_start3A_194 = tpu.memref_slice %arg7[%rem3A_172, %dma_start3A_193] : memref<8x64xi32, #tpu.memory_space<vmem>> -> memref<1x64xi32, #tpu.memory_space<vmem>>
    %dma_start3A_195 = tpu.memref_squeeze %dma_start3A_194 : memref<1x64xi32, #tpu.memory_space<vmem>> -> memref<64xi32, #tpu.memory_space<vmem>>
    %dma_start3A_196 = arith.constant 0 : i32
    %dma_start3A_197 = tpu.memref_slice %arg4[%add3A, %dma_start3A_186, %dma_start3A_196] : memref<32x160x64xi32, #tpu.memory_space<hbm>> -> memref<1x1x64xi32, #tpu.memory_space<hbm>>
    %dma_start3A_198 = tpu.memref_squeeze %dma_start3A_197 : memref<1x1x64xi32, #tpu.memory_space<hbm>> -> memref<64xi32, #tpu.memory_space<hbm>>
    tpu.enqueue_dma source(%dma_start3A_198 : memref<64xi32, #tpu.memory_space<hbm>>) target(%dma_start3A_195 : memref<64xi32, #tpu.memory_space<vmem>>) target_semaphore(%arg12 : memref<!tpu.dma_semaphore, #tpu.memory_space<semaphore_mem>>)
    %rem3A_199 = arith.constant 5 : i32
    %rem3A_200 = arith.constant 8 : i32
    %rem3A_201 = arith.remsi %rem3A_199, %rem3A_200 : i32
    %dma_start3A_202 = arith.constant 5 : i32
    %dma_start3A_203 = arith.constant 0 : i32
    %dma_start3A_204 = tpu.memref_slice %arg6[%rem3A_201, %dma_start3A_203] : memref<8x64xi32, #tpu.memory_space<vmem>> -> memref<1x64xi32, #tpu.memory_space<vmem>>
    %dma_start3A_205 = tpu.memref_squeeze %dma_start3A_204 : memref<1x64xi32, #tpu.memory_space<vmem>> -> memref<64xi32, #tpu.memory_space<vmem>>
    %dma_start3A_206 = arith.constant 0 : i32
    %dma_start3A_207 = tpu.memref_slice %arg3[%add3A, %dma_start3A_202, %dma_start3A_206] : memref<32x160x64xi32, #tpu.memory_space<hbm>> -> memref<1x1x64xi32, #tpu.memory_space<hbm>>
    %dma_start3A_208 = tpu.memref_squeeze %dma_start3A_207 : memref<1x1x64xi32, #tpu.memory_space<hbm>> -> memref<64xi32, #tpu.memory_space<hbm>>
    %dma_start3A_209 = arith.constant 0 : i32
    %dma_start3A_210 = tpu.memref_slice %arg6[%rem3A_201, %dma_start3A_209] : memref<8x64xi32, #tpu.memory_space<vmem>> -> memref<1x64xi32, #tpu.memory_space<vmem>>
    %dma_start3A_211 = tpu.memref_squeeze %dma_start3A_210 : memref<1x64xi32, #tpu.memory_space<vmem>> -> memref<64xi32, #tpu.memory_space<vmem>>
    %dma_start3A_212 = arith.constant 0 : i32
    %dma_start3A_213 = tpu.memref_slice %arg3[%add3A, %dma_start3A_202, %dma_start3A_212] : memref<32x160x64xi32, #tpu.memory_space<hbm>> -> memref<1x1x64xi32, #tpu.memory_space<hbm>>
    %dma_start3A_214 = tpu.memref_squeeze %dma_start3A_213 : memref<1x1x64xi32, #tpu.memory_space<hbm>> -> memref<64xi32, #tpu.memory_space<hbm>>
    tpu.enqueue_dma source(%dma_start3A_214 : memref<64xi32, #tpu.memory_space<hbm>>) target(%dma_start3A_211 : memref<64xi32, #tpu.memory_space<vmem>>) target_semaphore(%arg12 : memref<!tpu.dma_semaphore, #tpu.memory_space<semaphore_mem>>)
    %dma_start3A_215 = arith.constant 5 : i32
    %dma_start3A_216 = arith.constant 0 : i32
    %dma_start3A_217 = tpu.memref_slice %arg7[%rem3A_201, %dma_start3A_216] : memref<8x64xi32, #tpu.memory_space<vmem>> -> memref<1x64xi32, #tpu.memory_space<vmem>>
    %dma_start3A_218 = tpu.memref_squeeze %dma_start3A_217 : memref<1x64xi32, #tpu.memory_space<vmem>> -> memref<64xi32, #tpu.memory_space<vmem>>
    %dma_start3A_219 = arith.constant 0 : i32
    %dma_start3A_220 = tpu.memref_slice %arg4[%add3A, %dma_start3A_215, %dma_start3A_219] : memref<32x160x64xi32, #tpu.memory_space<hbm>> -> memref<1x1x64xi32, #tpu.memory_space<hbm>>
    %dma_start3A_221 = tpu.memref_squeeze %dma_start3A_220 : memref<1x1x64xi32, #tpu.memory_space<hbm>> -> memref<64xi32, #tpu.memory_space<hbm>>
    %dma_start3A_222 = arith.constant 0 : i32
    %dma_start3A_223 = tpu.memref_slice %arg7[%rem3A_201, %dma_start3A_222] : memref<8x64xi32, #tpu.memory_space<vmem>> -> memref<1x64xi32, #tpu.memory_space<vmem>>
    %dma_start3A_224 = tpu.memref_squeeze %dma_start3A_223 : memref<1x64xi32, #tpu.memory_space<vmem>> -> memref<64xi32, #tpu.memory_space<vmem>>
    %dma_start3A_225 = arith.constant 0 : i32
    %dma_start3A_226 = tpu.memref_slice %arg4[%add3A, %dma_start3A_215, %dma_start3A_225] : memref<32x160x64xi32, #tpu.memory_space<hbm>> -> memref<1x1x64xi32, #tpu.memory_space<hbm>>
    %dma_start3A_227 = tpu.memref_squeeze %dma_start3A_226 : memref<1x1x64xi32, #tpu.memory_space<hbm>> -> memref<64xi32, #tpu.memory_space<hbm>>
    tpu.enqueue_dma source(%dma_start3A_227 : memref<64xi32, #tpu.memory_space<hbm>>) target(%dma_start3A_224 : memref<64xi32, #tpu.memory_space<vmem>>) target_semaphore(%arg12 : memref<!tpu.dma_semaphore, #tpu.memory_space<semaphore_mem>>)
    %rem3A_228 = arith.constant 6 : i32
    %rem3A_229 = arith.constant 8 : i32
    %rem3A_230 = arith.remsi %rem3A_228, %rem3A_229 : i32
    %dma_start3A_231 = arith.constant 6 : i32
    %dma_start3A_232 = arith.constant 0 : i32
    %dma_start3A_233 = tpu.memref_slice %arg6[%rem3A_230, %dma_start3A_232] : memref<8x64xi32, #tpu.memory_space<vmem>> -> memref<1x64xi32, #tpu.memory_space<vmem>>
    %dma_start3A_234 = tpu.memref_squeeze %dma_start3A_233 : memref<1x64xi32, #tpu.memory_space<vmem>> -> memref<64xi32, #tpu.memory_space<vmem>>
    %dma_start3A_235 = arith.constant 0 : i32
    %dma_start3A_236 = tpu.memref_slice %arg3[%add3A, %dma_start3A_231, %dma_start3A_235] : memref<32x160x64xi32, #tpu.memory_space<hbm>> -> memref<1x1x64xi32, #tpu.memory_space<hbm>>
    %dma_start3A_237 = tpu.memref_squeeze %dma_start3A_236 : memref<1x1x64xi32, #tpu.memory_space<hbm>> -> memref<64xi32, #tpu.memory_space<hbm>>
    %dma_start3A_238 = arith.constant 0 : i32
    %dma_start3A_239 = tpu.memref_slice %arg6[%rem3A_230, %dma_start3A_238] : memref<8x64xi32, #tpu.memory_space<vmem>> -> memref<1x64xi32, #tpu.memory_space<vmem>>
    %dma_start3A_240 = tpu.memref_squeeze %dma_start3A_239 : memref<1x64xi32, #tpu.memory_space<vmem>> -> memref<64xi32, #tpu.memory_space<vmem>>
    %dma_start3A_241 = arith.constant 0 : i32
    %dma_start3A_242 = tpu.memref_slice %arg3[%add3A, %dma_start3A_231, %dma_start3A_241] : memref<32x160x64xi32, #tpu.memory_space<hbm>> -> memref<1x1x64xi32, #tpu.memory_space<hbm>>
    %dma_start3A_243 = tpu.memref_squeeze %dma_start3A_242 : memref<1x1x64xi32, #tpu.memory_space<hbm>> -> memref<64xi32, #tpu.memory_space<hbm>>
    tpu.enqueue_dma source(%dma_start3A_243 : memref<64xi32, #tpu.memory_space<hbm>>) target(%dma_start3A_240 : memref<64xi32, #tpu.memory_space<vmem>>) target_semaphore(%arg12 : memref<!tpu.dma_semaphore, #tpu.memory_space<semaphore_mem>>)
    %dma_start3A_244 = arith.constant 6 : i32
    %dma_start3A_245 = arith.constant 0 : i32
    %dma_start3A_246 = tpu.memref_slice %arg7[%rem3A_230, %dma_start3A_245] : memref<8x64xi32, #tpu.memory_space<vmem>> -> memref<1x64xi32, #tpu.memory_space<vmem>>
    %dma_start3A_247 = tpu.memref_squeeze %dma_start3A_246 : memref<1x64xi32, #tpu.memory_space<vmem>> -> memref<64xi32, #tpu.memory_space<vmem>>
    %dma_start3A_248 = arith.constant 0 : i32
    %dma_start3A_249 = tpu.memref_slice %arg4[%add3A, %dma_start3A_244, %dma_start3A_248] : memref<32x160x64xi32, #tpu.memory_space<hbm>> -> memref<1x1x64xi32, #tpu.memory_space<hbm>>
    %dma_start3A_250 = tpu.memref_squeeze %dma_start3A_249 : memref<1x1x64xi32, #tpu.memory_space<hbm>> -> memref<64xi32, #tpu.memory_space<hbm>>
    %dma_start3A_251 = arith.constant 0 : i32
    %dma_start3A_252 = tpu.memref_slice %arg7[%rem3A_230, %dma_start3A_251] : memref<8x64xi32, #tpu.memory_space<vmem>> -> memref<1x64xi32, #tpu.memory_space<vmem>>
    %dma_start3A_253 = tpu.memref_squeeze %dma_start3A_252 : memref<1x64xi32, #tpu.memory_space<vmem>> -> memref<64xi32, #tpu.memory_space<vmem>>
    %dma_start3A_254 = arith.constant 0 : i32
    %dma_start3A_255 = tpu.memref_slice %arg4[%add3A, %dma_start3A_244, %dma_start3A_254] : memref<32x160x64xi32, #tpu.memory_space<hbm>> -> memref<1x1x64xi32, #tpu.memory_space<hbm>>
    %dma_start3A_256 = tpu.memref_squeeze %dma_start3A_255 : memref<1x1x64xi32, #tpu.memory_space<hbm>> -> memref<64xi32, #tpu.memory_space<hbm>>
    tpu.enqueue_dma source(%dma_start3A_256 : memref<64xi32, #tpu.memory_space<hbm>>) target(%dma_start3A_253 : memref<64xi32, #tpu.memory_space<vmem>>) target_semaphore(%arg12 : memref<!tpu.dma_semaphore, #tpu.memory_space<semaphore_mem>>)
    %rem3A_257 = arith.constant 7 : i32
    %rem3A_258 = arith.constant 8 : i32
    %rem3A_259 = arith.remsi %rem3A_257, %rem3A_258 : i32
    %dma_start3A_260 = arith.constant 7 : i32
    %dma_start3A_261 = arith.constant 0 : i32
    %dma_start3A_262 = tpu.memref_slice %arg6[%rem3A_259, %dma_start3A_261] : memref<8x64xi32, #tpu.memory_space<vmem>> -> memref<1x64xi32, #tpu.memory_space<vmem>>
    %dma_start3A_263 = tpu.memref_squeeze %dma_start3A_262 : memref<1x64xi32, #tpu.memory_space<vmem>> -> memref<64xi32, #tpu.memory_space<vmem>>
    %dma_start3A_264 = arith.constant 0 : i32
    %dma_start3A_265 = tpu.memref_slice %arg3[%add3A, %dma_start3A_260, %dma_start3A_264] : memref<32x160x64xi32, #tpu.memory_space<hbm>> -> memref<1x1x64xi32, #tpu.memory_space<hbm>>
    %dma_start3A_266 = tpu.memref_squeeze %dma_start3A_265 : memref<1x1x64xi32, #tpu.memory_space<hbm>> -> memref<64xi32, #tpu.memory_space<hbm>>
    %dma_start3A_267 = arith.constant 0 : i32
    %dma_start3A_268 = tpu.memref_slice %arg6[%rem3A_259, %dma_start3A_267] : memref<8x64xi32, #tpu.memory_space<vmem>> -> memref<1x64xi32, #tpu.memory_space<vmem>>
    %dma_start3A_269 = tpu.memref_squeeze %dma_start3A_268 : memref<1x64xi32, #tpu.memory_space<vmem>> -> memref<64xi32, #tpu.memory_space<vmem>>
    %dma_start3A_270 = arith.constant 0 : i32
    %dma_start3A_271 = tpu.memref_slice %arg3[%add3A, %dma_start3A_260, %dma_start3A_270] : memref<32x160x64xi32, #tpu.memory_space<hbm>> -> memref<1x1x64xi32, #tpu.memory_space<hbm>>
    %dma_start3A_272 = tpu.memref_squeeze %dma_start3A_271 : memref<1x1x64xi32, #tpu.memory_space<hbm>> -> memref<64xi32, #tpu.memory_space<hbm>>
    tpu.enqueue_dma source(%dma_start3A_272 : memref<64xi32, #tpu.memory_space<hbm>>) target(%dma_start3A_269 : memref<64xi32, #tpu.memory_space<vmem>>) target_semaphore(%arg12 : memref<!tpu.dma_semaphore, #tpu.memory_space<semaphore_mem>>)
    %dma_start3A_273 = arith.constant 7 : i32
    %dma_start3A_274 = arith.constant 0 : i32
    %dma_start3A_275 = tpu.memref_slice %arg7[%rem3A_259, %dma_start3A_274] : memref<8x64xi32, #tpu.memory_space<vmem>> -> memref<1x64xi32, #tpu.memory_space<vmem>>
    %dma_start3A_276 = tpu.memref_squeeze %dma_start3A_275 : memref<1x64xi32, #tpu.memory_space<vmem>> -> memref<64xi32, #tpu.memory_space<vmem>>
    %dma_start3A_277 = arith.constant 0 : i32
    %dma_start3A_278 = tpu.memref_slice %arg4[%add3A, %dma_start3A_273, %dma_start3A_277] : memref<32x160x64xi32, #tpu.memory_space<hbm>> -> memref<1x1x64xi32, #tpu.memory_space<hbm>>
    %dma_start3A_279 = tpu.memref_squeeze %dma_start3A_278 : memref<1x1x64xi32, #tpu.memory_space<hbm>> -> memref<64xi32, #tpu.memory_space<hbm>>
    %dma_start3A_280 = arith.constant 0 : i32
    %dma_start3A_281 = tpu.memref_slice %arg7[%rem3A_259, %dma_start3A_280] : memref<8x64xi32, #tpu.memory_space<vmem>> -> memref<1x64xi32, #tpu.memory_space<vmem>>
    %dma_start3A_282 = tpu.memref_squeeze %dma_start3A_281 : memref<1x64xi32, #tpu.memory_space<vmem>> -> memref<64xi32, #tpu.memory_space<vmem>>
    %dma_start3A_283 = arith.constant 0 : i32
    %dma_start3A_284 = tpu.memref_slice %arg4[%add3A, %dma_start3A_273, %dma_start3A_283] : memref<32x160x64xi32, #tpu.memory_space<hbm>> -> memref<1x1x64xi32, #tpu.memory_space<hbm>>
    %dma_start3A_285 = tpu.memref_squeeze %dma_start3A_284 : memref<1x1x64xi32, #tpu.memory_space<hbm>> -> memref<64xi32, #tpu.memory_space<hbm>>
    tpu.enqueue_dma source(%dma_start3A_285 : memref<64xi32, #tpu.memory_space<hbm>>) target(%dma_start3A_282 : memref<64xi32, #tpu.memory_space<vmem>>) target_semaphore(%arg12 : memref<!tpu.dma_semaphore, #tpu.memory_space<semaphore_mem>>)
    %rem3A_286 = arith.constant 0 : i32
    %rem3A_287 = arith.constant 8 : i32
    %rem3A_288 = arith.remsi %rem3A_286, %rem3A_287 : i32
    %dma_wait3A = arith.constant 0 : i32
    %dma_wait3A_289 = arith.constant 0 : i32
    %dma_wait3A_290 = tpu.memref_slice %arg6[%rem3A_288, %dma_wait3A_289] : memref<8x64xi32, #tpu.memory_space<vmem>> -> memref<1x64xi32, #tpu.memory_space<vmem>>
    %dma_wait3A_291 = tpu.memref_squeeze %dma_wait3A_290 : memref<1x64xi32, #tpu.memory_space<vmem>> -> memref<64xi32, #tpu.memory_space<vmem>>
    %dma_wait3A_292 = arith.constant 0 : i32
    %dma_wait3A_293 = tpu.memref_slice %arg3[%add3A, %dma_wait3A, %dma_wait3A_292] : memref<32x160x64xi32, #tpu.memory_space<hbm>> -> memref<1x1x64xi32, #tpu.memory_space<hbm>>
    %dma_wait3A_294 = tpu.memref_squeeze %dma_wait3A_293 : memref<1x1x64xi32, #tpu.memory_space<hbm>> -> memref<64xi32, #tpu.memory_space<hbm>>
    %dma_wait3A_295 = arith.constant 0 : i32
    %dma_wait3A_296 = tpu.memref_slice %arg6[%rem3A_288, %dma_wait3A_295] : memref<8x64xi32, #tpu.memory_space<vmem>> -> memref<1x64xi32, #tpu.memory_space<vmem>>
    %dma_wait3A_297 = tpu.memref_squeeze %dma_wait3A_296 : memref<1x64xi32, #tpu.memory_space<vmem>> -> memref<64xi32, #tpu.memory_space<vmem>>
    %dma_wait3A_298 = arith.constant 0 : i32
    %dma_wait3A_299 = tpu.memref_slice %arg3[%add3A, %dma_wait3A, %dma_wait3A_298] : memref<32x160x64xi32, #tpu.memory_space<hbm>> -> memref<1x1x64xi32, #tpu.memory_space<hbm>>
    %dma_wait3A_300 = tpu.memref_squeeze %dma_wait3A_299 : memref<1x1x64xi32, #tpu.memory_space<hbm>> -> memref<64xi32, #tpu.memory_space<hbm>>
    tpu.wait_dma2 semaphore(%arg12 : memref<!tpu.dma_semaphore, #tpu.memory_space<semaphore_mem>>) src(%dma_wait3A_300 : memref<64xi32, #tpu.memory_space<hbm>>) dst(%dma_wait3A_297 : memref<64xi32, #tpu.memory_space<vmem>>)
    %dma_wait3A_301 = arith.constant 0 : i32
    %dma_wait3A_302 = arith.constant 0 : i32
    %dma_wait3A_303 = tpu.memref_slice %arg7[%rem3A_288, %dma_wait3A_302] : memref<8x64xi32, #tpu.memory_space<vmem>> -> memref<1x64xi32, #tpu.memory_space<vmem>>
    %dma_wait3A_304 = tpu.memref_squeeze %dma_wait3A_303 : memref<1x64xi32, #tpu.memory_space<vmem>> -> memref<64xi32, #tpu.memory_space<vmem>>
    %dma_wait3A_305 = arith.constant 0 : i32
    %dma_wait3A_306 = tpu.memref_slice %arg4[%add3A, %dma_wait3A_301, %dma_wait3A_305] : memref<32x160x64xi32, #tpu.memory_space<hbm>> -> memref<1x1x64xi32, #tpu.memory_space<hbm>>
    %dma_wait3A_307 = tpu.memref_squeeze %dma_wait3A_306 : memref<1x1x64xi32, #tpu.memory_space<hbm>> -> memref<64xi32, #tpu.memory_space<hbm>>
    %dma_wait3A_308 = arith.constant 0 : i32
    %dma_wait3A_309 = tpu.memref_slice %arg7[%rem3A_288, %dma_wait3A_308] : memref<8x64xi32, #tpu.memory_space<vmem>> -> memref<1x64xi32, #tpu.memory_space<vmem>>
    %dma_wait3A_310 = tpu.memref_squeeze %dma_wait3A_309 : memref<1x64xi32, #tpu.memory_space<vmem>> -> memref<64xi32, #tpu.memory_space<vmem>>
    %dma_wait3A_311 = arith.constant 0 : i32
    %dma_wait3A_312 = tpu.memref_slice %arg4[%add3A, %dma_wait3A_301, %dma_wait3A_311] : memref<32x160x64xi32, #tpu.memory_space<hbm>> -> memref<1x1x64xi32, #tpu.memory_space<hbm>>
    %dma_wait3A_313 = tpu.memref_squeeze %dma_wait3A_312 : memref<1x1x64xi32, #tpu.memory_space<hbm>> -> memref<64xi32, #tpu.memory_space<hbm>>
    tpu.wait_dma2 semaphore(%arg12 : memref<!tpu.dma_semaphore, #tpu.memory_space<semaphore_mem>>) src(%dma_wait3A_313 : memref<64xi32, #tpu.memory_space<hbm>>) dst(%dma_wait3A_310 : memref<64xi32, #tpu.memory_space<vmem>>)
    %rem3A_314 = arith.constant 0 : i32
    %rem3A_315 = arith.constant 8 : i32
    %rem3A_316 = arith.remsi %rem3A_314, %rem3A_315 : i32
    %rem3A_317 = arith.constant 0 : i32
    %rem3A_318 = arith.constant 5 : i32
    %rem3A_319 = arith.remsi %rem3A_317, %rem3A_318 : i32
    %dma_start3A_320 = arith.constant 0 : i32
    %dma_start3A_321 = arith.constant 0 : i32
    %dma_start3A_322 = tpu.memref_slice %arg8[%rem3A_319, %dma_start3A_320, %dma_start3A_321] : memref<5x64x128xf32, #tpu.memory_space<vmem>> -> memref<1x64x128xf32, #tpu.memory_space<vmem>>
    %dma_start3A_323 = tpu.memref_squeeze %dma_start3A_322 : memref<1x64x128xf32, #tpu.memory_space<vmem>> -> memref<64x128xf32, #tpu.memory_space<vmem>>
    %dma_start3A_324 = arith.constant 0 : i32
    %dma_start3A_325 = tpu.memref_slice %arg6[%rem3A_316, %dma_start3A_324] : memref<8x64xi32, #tpu.memory_space<vmem>> -> memref<1x64xi32, #tpu.memory_space<vmem>>
    %dma_start3A_326 = tpu.memref_squeeze %dma_start3A_325 : memref<1x64xi32, #tpu.memory_space<vmem>> -> memref<64xi32, #tpu.memory_space<vmem>>
    %dma_start3A_327 = arith.constant 0 : i32
    %dma_start3A_328 = arith.constant 0 : i32
    %dma_start3A_329 = tpu.memref_slice %arg2[%dma_start3A_327, %dma_start3A_328] : memref<10000x128xf32, #tpu.memory_space<hbm>> -> memref<10000x128xf32, #tpu.memory_space<hbm>>
    tpu.enqueue_indirect_dma source(%dma_start3A_329 : memref<10000x128xf32, #tpu.memory_space<hbm>>) target(%dma_start3A_323 : memref<64x128xf32, #tpu.memory_space<vmem>>) offsets(%dma_start3A_326 : memref<64xi32, #tpu.memory_space<vmem>>) semaphore(%arg10 : memref<!tpu.dma_semaphore, #tpu.memory_space<semaphore_mem>>)
    %rem3A_330 = arith.constant 1 : i32
    %rem3A_331 = arith.constant 8 : i32
    %rem3A_332 = arith.remsi %rem3A_330, %rem3A_331 : i32
    %dma_wait3A_333 = arith.constant 1 : i32
    %dma_wait3A_334 = arith.constant 0 : i32
    %dma_wait3A_335 = tpu.memref_slice %arg6[%rem3A_332, %dma_wait3A_334] : memref<8x64xi32, #tpu.memory_space<vmem>> -> memref<1x64xi32, #tpu.memory_space<vmem>>
    %dma_wait3A_336 = tpu.memref_squeeze %dma_wait3A_335 : memref<1x64xi32, #tpu.memory_space<vmem>> -> memref<64xi32, #tpu.memory_space<vmem>>
    %dma_wait3A_337 = arith.constant 0 : i32
    %dma_wait3A_338 = tpu.memref_slice %arg3[%add3A, %dma_wait3A_333, %dma_wait3A_337] : memref<32x160x64xi32, #tpu.memory_space<hbm>> -> memref<1x1x64xi32, #tpu.memory_space<hbm>>
    %dma_wait3A_339 = tpu.memref_squeeze %dma_wait3A_338 : memref<1x1x64xi32, #tpu.memory_space<hbm>> -> memref<64xi32, #tpu.memory_space<hbm>>
    %dma_wait3A_340 = arith.constant 0 : i32
    %dma_wait3A_341 = tpu.memref_slice %arg6[%rem3A_332, %dma_wait3A_340] : memref<8x64xi32, #tpu.memory_space<vmem>> -> memref<1x64xi32, #tpu.memory_space<vmem>>
    %dma_wait3A_342 = tpu.memref_squeeze %dma_wait3A_341 : memref<1x64xi32, #tpu.memory_space<vmem>> -> memref<64xi32, #tpu.memory_space<vmem>>
    %dma_wait3A_343 = arith.constant 0 : i32
    %dma_wait3A_344 = tpu.memref_slice %arg3[%add3A, %dma_wait3A_333, %dma_wait3A_343] : memref<32x160x64xi32, #tpu.memory_space<hbm>> -> memref<1x1x64xi32, #tpu.memory_space<hbm>>
    %dma_wait3A_345 = tpu.memref_squeeze %dma_wait3A_344 : memref<1x1x64xi32, #tpu.memory_space<hbm>> -> memref<64xi32, #tpu.memory_space<hbm>>
    tpu.wait_dma2 semaphore(%arg12 : memref<!tpu.dma_semaphore, #tpu.memory_space<semaphore_mem>>) src(%dma_wait3A_345 : memref<64xi32, #tpu.memory_space<hbm>>) dst(%dma_wait3A_342 : memref<64xi32, #tpu.memory_space<vmem>>)
    %dma_wait3A_346 = arith.constant 1 : i32
    %dma_wait3A_347 = arith.constant 0 : i32
    %dma_wait3A_348 = tpu.memref_slice %arg7[%rem3A_332, %dma_wait3A_347] : memref<8x64xi32, #tpu.memory_space<vmem>> -> memref<1x64xi32, #tpu.memory_space<vmem>>
    %dma_wait3A_349 = tpu.memref_squeeze %dma_wait3A_348 : memref<1x64xi32, #tpu.memory_space<vmem>> -> memref<64xi32, #tpu.memory_space<vmem>>
    %dma_wait3A_350 = arith.constant 0 : i32
    %dma_wait3A_351 = tpu.memref_slice %arg4[%add3A, %dma_wait3A_346, %dma_wait3A_350] : memref<32x160x64xi32, #tpu.memory_space<hbm>> -> memref<1x1x64xi32, #tpu.memory_space<hbm>>
    %dma_wait3A_352 = tpu.memref_squeeze %dma_wait3A_351 : memref<1x1x64xi32, #tpu.memory_space<hbm>> -> memref<64xi32, #tpu.memory_space<hbm>>
    %dma_wait3A_353 = arith.constant 0 : i32
    %dma_wait3A_354 = tpu.memref_slice %arg7[%rem3A_332, %dma_wait3A_353] : memref<8x64xi32, #tpu.memory_space<vmem>> -> memref<1x64xi32, #tpu.memory_space<vmem>>
    %dma_wait3A_355 = tpu.memref_squeeze %dma_wait3A_354 : memref<1x64xi32, #tpu.memory_space<vmem>> -> memref<64xi32, #tpu.memory_space<vmem>>
    %dma_wait3A_356 = arith.constant 0 : i32
    %dma_wait3A_357 = tpu.memref_slice %arg4[%add3A, %dma_wait3A_346, %dma_wait3A_356] : memref<32x160x64xi32, #tpu.memory_space<hbm>> -> memref<1x1x64xi32, #tpu.memory_space<hbm>>
    %dma_wait3A_358 = tpu.memref_squeeze %dma_wait3A_357 : memref<1x1x64xi32, #tpu.memory_space<hbm>> -> memref<64xi32, #tpu.memory_space<hbm>>
    tpu.wait_dma2 semaphore(%arg12 : memref<!tpu.dma_semaphore, #tpu.memory_space<semaphore_mem>>) src(%dma_wait3A_358 : memref<64xi32, #tpu.memory_space<hbm>>) dst(%dma_wait3A_355 : memref<64xi32, #tpu.memory_space<vmem>>)
    %rem3A_359 = arith.constant 1 : i32
    %rem3A_360 = arith.constant 8 : i32
    %rem3A_361 = arith.remsi %rem3A_359, %rem3A_360 : i32
    %rem3A_362 = arith.constant 1 : i32
    %rem3A_363 = arith.constant 5 : i32
    %rem3A_364 = arith.remsi %rem3A_362, %rem3A_363 : i32
    %dma_start3A_365 = arith.constant 0 : i32
    %dma_start3A_366 = arith.constant 0 : i32
    %dma_start3A_367 = tpu.memref_slice %arg8[%rem3A_364, %dma_start3A_365, %dma_start3A_366] : memref<5x64x128xf32, #tpu.memory_space<vmem>> -> memref<1x64x128xf32, #tpu.memory_space<vmem>>
    %dma_start3A_368 = tpu.memref_squeeze %dma_start3A_367 : memref<1x64x128xf32, #tpu.memory_space<vmem>> -> memref<64x128xf32, #tpu.memory_space<vmem>>
    %dma_start3A_369 = arith.constant 0 : i32
    %dma_start3A_370 = tpu.memref_slice %arg6[%rem3A_361, %dma_start3A_369] : memref<8x64xi32, #tpu.memory_space<vmem>> -> memref<1x64xi32, #tpu.memory_space<vmem>>
    %dma_start3A_371 = tpu.memref_squeeze %dma_start3A_370 : memref<1x64xi32, #tpu.memory_space<vmem>> -> memref<64xi32, #tpu.memory_space<vmem>>
    %dma_start3A_372 = arith.constant 0 : i32
    %dma_start3A_373 = arith.constant 0 : i32
    %dma_start3A_374 = tpu.memref_slice %arg2[%dma_start3A_372, %dma_start3A_373] : memref<10000x128xf32, #tpu.memory_space<hbm>> -> memref<10000x128xf32, #tpu.memory_space<hbm>>
    tpu.enqueue_indirect_dma source(%dma_start3A_374 : memref<10000x128xf32, #tpu.memory_space<hbm>>) target(%dma_start3A_368 : memref<64x128xf32, #tpu.memory_space<vmem>>) offsets(%dma_start3A_371 : memref<64xi32, #tpu.memory_space<vmem>>) semaphore(%arg10 : memref<!tpu.dma_semaphore, #tpu.memory_space<semaphore_mem>>)
    %rem3A_375 = arith.constant 2 : i32
    %rem3A_376 = arith.constant 8 : i32
    %rem3A_377 = arith.remsi %rem3A_375, %rem3A_376 : i32
    %dma_wait3A_378 = arith.constant 2 : i32
    %dma_wait3A_379 = arith.constant 0 : i32
    %dma_wait3A_380 = tpu.memref_slice %arg6[%rem3A_377, %dma_wait3A_379] : memref<8x64xi32, #tpu.memory_space<vmem>> -> memref<1x64xi32, #tpu.memory_space<vmem>>
    %dma_wait3A_381 = tpu.memref_squeeze %dma_wait3A_380 : memref<1x64xi32, #tpu.memory_space<vmem>> -> memref<64xi32, #tpu.memory_space<vmem>>
    %dma_wait3A_382 = arith.constant 0 : i32
    %dma_wait3A_383 = tpu.memref_slice %arg3[%add3A, %dma_wait3A_378, %dma_wait3A_382] : memref<32x160x64xi32, #tpu.memory_space<hbm>> -> memref<1x1x64xi32, #tpu.memory_space<hbm>>
    %dma_wait3A_384 = tpu.memref_squeeze %dma_wait3A_383 : memref<1x1x64xi32, #tpu.memory_space<hbm>> -> memref<64xi32, #tpu.memory_space<hbm>>
    %dma_wait3A_385 = arith.constant 0 : i32
    %dma_wait3A_386 = tpu.memref_slice %arg6[%rem3A_377, %dma_wait3A_385] : memref<8x64xi32, #tpu.memory_space<vmem>> -> memref<1x64xi32, #tpu.memory_space<vmem>>
    %dma_wait3A_387 = tpu.memref_squeeze %dma_wait3A_386 : memref<1x64xi32, #tpu.memory_space<vmem>> -> memref<64xi32, #tpu.memory_space<vmem>>
    %dma_wait3A_388 = arith.constant 0 : i32
    %dma_wait3A_389 = tpu.memref_slice %arg3[%add3A, %dma_wait3A_378, %dma_wait3A_388] : memref<32x160x64xi32, #tpu.memory_space<hbm>> -> memref<1x1x64xi32, #tpu.memory_space<hbm>>
    %dma_wait3A_390 = tpu.memref_squeeze %dma_wait3A_389 : memref<1x1x64xi32, #tpu.memory_space<hbm>> -> memref<64xi32, #tpu.memory_space<hbm>>
    tpu.wait_dma2 semaphore(%arg12 : memref<!tpu.dma_semaphore, #tpu.memory_space<semaphore_mem>>) src(%dma_wait3A_390 : memref<64xi32, #tpu.memory_space<hbm>>) dst(%dma_wait3A_387 : memref<64xi32, #tpu.memory_space<vmem>>)
    %dma_wait3A_391 = arith.constant 2 : i32
    %dma_wait3A_392 = arith.constant 0 : i32
    %dma_wait3A_393 = tpu.memref_slice %arg7[%rem3A_377, %dma_wait3A_392] : memref<8x64xi32, #tpu.memory_space<vmem>> -> memref<1x64xi32, #tpu.memory_space<vmem>>
    %dma_wait3A_394 = tpu.memref_squeeze %dma_wait3A_393 : memref<1x64xi32, #tpu.memory_space<vmem>> -> memref<64xi32, #tpu.memory_space<vmem>>
    %dma_wait3A_395 = arith.constant 0 : i32
    %dma_wait3A_396 = tpu.memref_slice %arg4[%add3A, %dma_wait3A_391, %dma_wait3A_395] : memref<32x160x64xi32, #tpu.memory_space<hbm>> -> memref<1x1x64xi32, #tpu.memory_space<hbm>>
    %dma_wait3A_397 = tpu.memref_squeeze %dma_wait3A_396 : memref<1x1x64xi32, #tpu.memory_space<hbm>> -> memref<64xi32, #tpu.memory_space<hbm>>
    %dma_wait3A_398 = arith.constant 0 : i32
    %dma_wait3A_399 = tpu.memref_slice %arg7[%rem3A_377, %dma_wait3A_398] : memref<8x64xi32, #tpu.memory_space<vmem>> -> memref<1x64xi32, #tpu.memory_space<vmem>>
    %dma_wait3A_400 = tpu.memref_squeeze %dma_wait3A_399 : memref<1x64xi32, #tpu.memory_space<vmem>> -> memref<64xi32, #tpu.memory_space<vmem>>
    %dma_wait3A_401 = arith.constant 0 : i32
    %dma_wait3A_402 = tpu.memref_slice %arg4[%add3A, %dma_wait3A_391, %dma_wait3A_401] : memref<32x160x64xi32, #tpu.memory_space<hbm>> -> memref<1x1x64xi32, #tpu.memory_space<hbm>>
    %dma_wait3A_403 = tpu.memref_squeeze %dma_wait3A_402 : memref<1x1x64xi32, #tpu.memory_space<hbm>> -> memref<64xi32, #tpu.memory_space<hbm>>
    tpu.wait_dma2 semaphore(%arg12 : memref<!tpu.dma_semaphore, #tpu.memory_space<semaphore_mem>>) src(%dma_wait3A_403 : memref<64xi32, #tpu.memory_space<hbm>>) dst(%dma_wait3A_400 : memref<64xi32, #tpu.memory_space<vmem>>)
    %rem3A_404 = arith.constant 2 : i32
    %rem3A_405 = arith.constant 8 : i32
    %rem3A_406 = arith.remsi %rem3A_404, %rem3A_405 : i32
    %rem3A_407 = arith.constant 2 : i32
    %rem3A_408 = arith.constant 5 : i32
    %rem3A_409 = arith.remsi %rem3A_407, %rem3A_408 : i32
    %dma_start3A_410 = arith.constant 0 : i32
    %dma_start3A_411 = arith.constant 0 : i32
    %dma_start3A_412 = tpu.memref_slice %arg8[%rem3A_409, %dma_start3A_410, %dma_start3A_411] : memref<5x64x128xf32, #tpu.memory_space<vmem>> -> memref<1x64x128xf32, #tpu.memory_space<vmem>>
    %dma_start3A_413 = tpu.memref_squeeze %dma_start3A_412 : memref<1x64x128xf32, #tpu.memory_space<vmem>> -> memref<64x128xf32, #tpu.memory_space<vmem>>
    %dma_start3A_414 = arith.constant 0 : i32
    %dma_start3A_415 = tpu.memref_slice %arg6[%rem3A_406, %dma_start3A_414] : memref<8x64xi32, #tpu.memory_space<vmem>> -> memref<1x64xi32, #tpu.memory_space<vmem>>
    %dma_start3A_416 = tpu.memref_squeeze %dma_start3A_415 : memref<1x64xi32, #tpu.memory_space<vmem>> -> memref<64xi32, #tpu.memory_space<vmem>>
    %dma_start3A_417 = arith.constant 0 : i32
    %dma_start3A_418 = arith.constant 0 : i32
    %dma_start3A_419 = tpu.memref_slice %arg2[%dma_start3A_417, %dma_start3A_418] : memref<10000x128xf32, #tpu.memory_space<hbm>> -> memref<10000x128xf32, #tpu.memory_space<hbm>>
    tpu.enqueue_indirect_dma source(%dma_start3A_419 : memref<10000x128xf32, #tpu.memory_space<hbm>>) target(%dma_start3A_413 : memref<64x128xf32, #tpu.memory_space<vmem>>) offsets(%dma_start3A_416 : memref<64xi32, #tpu.memory_space<vmem>>) semaphore(%arg10 : memref<!tpu.dma_semaphore, #tpu.memory_space<semaphore_mem>>)
    %rem3A_420 = arith.constant 3 : i32
    %rem3A_421 = arith.constant 8 : i32
    %rem3A_422 = arith.remsi %rem3A_420, %rem3A_421 : i32
    %dma_wait3A_423 = arith.constant 3 : i32
    %dma_wait3A_424 = arith.constant 0 : i32
    %dma_wait3A_425 = tpu.memref_slice %arg6[%rem3A_422, %dma_wait3A_424] : memref<8x64xi32, #tpu.memory_space<vmem>> -> memref<1x64xi32, #tpu.memory_space<vmem>>
    %dma_wait3A_426 = tpu.memref_squeeze %dma_wait3A_425 : memref<1x64xi32, #tpu.memory_space<vmem>> -> memref<64xi32, #tpu.memory_space<vmem>>
    %dma_wait3A_427 = arith.constant 0 : i32
    %dma_wait3A_428 = tpu.memref_slice %arg3[%add3A, %dma_wait3A_423, %dma_wait3A_427] : memref<32x160x64xi32, #tpu.memory_space<hbm>> -> memref<1x1x64xi32, #tpu.memory_space<hbm>>
    %dma_wait3A_429 = tpu.memref_squeeze %dma_wait3A_428 : memref<1x1x64xi32, #tpu.memory_space<hbm>> -> memref<64xi32, #tpu.memory_space<hbm>>
    %dma_wait3A_430 = arith.constant 0 : i32
    %dma_wait3A_431 = tpu.memref_slice %arg6[%rem3A_422, %dma_wait3A_430] : memref<8x64xi32, #tpu.memory_space<vmem>> -> memref<1x64xi32, #tpu.memory_space<vmem>>
    %dma_wait3A_432 = tpu.memref_squeeze %dma_wait3A_431 : memref<1x64xi32, #tpu.memory_space<vmem>> -> memref<64xi32, #tpu.memory_space<vmem>>
    %dma_wait3A_433 = arith.constant 0 : i32
    %dma_wait3A_434 = tpu.memref_slice %arg3[%add3A, %dma_wait3A_423, %dma_wait3A_433] : memref<32x160x64xi32, #tpu.memory_space<hbm>> -> memref<1x1x64xi32, #tpu.memory_space<hbm>>
    %dma_wait3A_435 = tpu.memref_squeeze %dma_wait3A_434 : memref<1x1x64xi32, #tpu.memory_space<hbm>> -> memref<64xi32, #tpu.memory_space<hbm>>
    tpu.wait_dma2 semaphore(%arg12 : memref<!tpu.dma_semaphore, #tpu.memory_space<semaphore_mem>>) src(%dma_wait3A_435 : memref<64xi32, #tpu.memory_space<hbm>>) dst(%dma_wait3A_432 : memref<64xi32, #tpu.memory_space<vmem>>)
    %dma_wait3A_436 = arith.constant 3 : i32
    %dma_wait3A_437 = arith.constant 0 : i32
    %dma_wait3A_438 = tpu.memref_slice %arg7[%rem3A_422, %dma_wait3A_437] : memref<8x64xi32, #tpu.memory_space<vmem>> -> memref<1x64xi32, #tpu.memory_space<vmem>>
    %dma_wait3A_439 = tpu.memref_squeeze %dma_wait3A_438 : memref<1x64xi32, #tpu.memory_space<vmem>> -> memref<64xi32, #tpu.memory_space<vmem>>
    %dma_wait3A_440 = arith.constant 0 : i32
    %dma_wait3A_441 = tpu.memref_slice %arg4[%add3A, %dma_wait3A_436, %dma_wait3A_440] : memref<32x160x64xi32, #tpu.memory_space<hbm>> -> memref<1x1x64xi32, #tpu.memory_space<hbm>>
    %dma_wait3A_442 = tpu.memref_squeeze %dma_wait3A_441 : memref<1x1x64xi32, #tpu.memory_space<hbm>> -> memref<64xi32, #tpu.memory_space<hbm>>
    %dma_wait3A_443 = arith.constant 0 : i32
    %dma_wait3A_444 = tpu.memref_slice %arg7[%rem3A_422, %dma_wait3A_443] : memref<8x64xi32, #tpu.memory_space<vmem>> -> memref<1x64xi32, #tpu.memory_space<vmem>>
    %dma_wait3A_445 = tpu.memref_squeeze %dma_wait3A_444 : memref<1x64xi32, #tpu.memory_space<vmem>> -> memref<64xi32, #tpu.memory_space<vmem>>
    %dma_wait3A_446 = arith.constant 0 : i32
    %dma_wait3A_447 = tpu.memref_slice %arg4[%add3A, %dma_wait3A_436, %dma_wait3A_446] : memref<32x160x64xi32, #tpu.memory_space<hbm>> -> memref<1x1x64xi32, #tpu.memory_space<hbm>>
    %dma_wait3A_448 = tpu.memref_squeeze %dma_wait3A_447 : memref<1x1x64xi32, #tpu.memory_space<hbm>> -> memref<64xi32, #tpu.memory_space<hbm>>
    tpu.wait_dma2 semaphore(%arg12 : memref<!tpu.dma_semaphore, #tpu.memory_space<semaphore_mem>>) src(%dma_wait3A_448 : memref<64xi32, #tpu.memory_space<hbm>>) dst(%dma_wait3A_445 : memref<64xi32, #tpu.memory_space<vmem>>)
    %rem3A_449 = arith.constant 3 : i32
    %rem3A_450 = arith.constant 8 : i32
    %rem3A_451 = arith.remsi %rem3A_449, %rem3A_450 : i32
    %rem3A_452 = arith.constant 3 : i32
    %rem3A_453 = arith.constant 5 : i32
    %rem3A_454 = arith.remsi %rem3A_452, %rem3A_453 : i32
    %dma_start3A_455 = arith.constant 0 : i32
    %dma_start3A_456 = arith.constant 0 : i32
    %dma_start3A_457 = tpu.memref_slice %arg8[%rem3A_454, %dma_start3A_455, %dma_start3A_456] : memref<5x64x128xf32, #tpu.memory_space<vmem>> -> memref<1x64x128xf32, #tpu.memory_space<vmem>>
    %dma_start3A_458 = tpu.memref_squeeze %dma_start3A_457 : memref<1x64x128xf32, #tpu.memory_space<vmem>> -> memref<64x128xf32, #tpu.memory_space<vmem>>
    %dma_start3A_459 = arith.constant 0 : i32
    %dma_start3A_460 = tpu.memref_slice %arg6[%rem3A_451, %dma_start3A_459] : memref<8x64xi32, #tpu.memory_space<vmem>> -> memref<1x64xi32, #tpu.memory_space<vmem>>
    %dma_start3A_461 = tpu.memref_squeeze %dma_start3A_460 : memref<1x64xi32, #tpu.memory_space<vmem>> -> memref<64xi32, #tpu.memory_space<vmem>>
    %dma_start3A_462 = arith.constant 0 : i32
    %dma_start3A_463 = arith.constant 0 : i32
    %dma_start3A_464 = tpu.memref_slice %arg2[%dma_start3A_462, %dma_start3A_463] : memref<10000x128xf32, #tpu.memory_space<hbm>> -> memref<10000x128xf32, #tpu.memory_space<hbm>>
    tpu.enqueue_indirect_dma source(%dma_start3A_464 : memref<10000x128xf32, #tpu.memory_space<hbm>>) target(%dma_start3A_458 : memref<64x128xf32, #tpu.memory_space<vmem>>) offsets(%dma_start3A_461 : memref<64xi32, #tpu.memory_space<vmem>>) semaphore(%arg10 : memref<!tpu.dma_semaphore, #tpu.memory_space<semaphore_mem>>)
    %rem3A_465 = arith.constant 0 : i32
    %rem3A_466 = arith.constant 8 : i32
    %rem3A_467 = arith.remsi %rem3A_465, %rem3A_466 : i32
    %rem3A_468 = arith.constant 0 : i32
    %rem3A_469 = arith.constant 5 : i32
    %rem3A_470 = arith.remsi %rem3A_468, %rem3A_469 : i32
    %dma_wait3A_471 = arith.constant 0 : i32
    %dma_wait3A_472 = arith.constant 0 : i32
    %dma_wait3A_473 = tpu.memref_slice %arg8[%rem3A_470, %dma_wait3A_471, %dma_wait3A_472] : memref<5x64x128xf32, #tpu.memory_space<vmem>> -> memref<1x64x128xf32, #tpu.memory_space<vmem>>
    %dma_wait3A_474 = tpu.memref_squeeze %dma_wait3A_473 : memref<1x64x128xf32, #tpu.memory_space<vmem>> -> memref<64x128xf32, #tpu.memory_space<vmem>>
    %dma_wait3A_475 = arith.constant 0 : i32
    %dma_wait3A_476 = tpu.memref_slice %arg6[%rem3A_467, %dma_wait3A_475] : memref<8x64xi32, #tpu.memory_space<vmem>> -> memref<1x64xi32, #tpu.memory_space<vmem>>
    %dma_wait3A_477 = tpu.memref_squeeze %dma_wait3A_476 : memref<1x64xi32, #tpu.memory_space<vmem>> -> memref<64xi32, #tpu.memory_space<vmem>>
    %dma_wait3A_478 = arith.constant 0 : i32
    %dma_wait3A_479 = arith.constant 0 : i32
    %dma_wait3A_480 = tpu.memref_slice %arg2[%dma_wait3A_478, %dma_wait3A_479] : memref<10000x128xf32, #tpu.memory_space<hbm>> -> memref<10000x128xf32, #tpu.memory_space<hbm>>
    tpu.wait_indirect_dma semaphore(%arg10 : memref<!tpu.dma_semaphore, #tpu.memory_space<semaphore_mem>>) src(%dma_wait3A_480 : memref<10000x128xf32, #tpu.memory_space<hbm>>) dst(%dma_wait3A_474 : memref<64x128xf32, #tpu.memory_space<vmem>>)
    %rem3A_481 = arith.constant 0 : i32
    %rem3A_482 = arith.constant 5 : i32
    %rem3A_483 = arith.remsi %rem3A_481, %rem3A_482 : i32
    %rem3A_484 = arith.constant 0 : i32
    %rem3A_485 = arith.constant 8 : i32
    %rem3A_486 = arith.remsi %rem3A_484, %rem3A_485 : i32
    %dma_start3A_487 = arith.constant 0 : i32
    %dma_start3A_488 = arith.constant 0 : i32
    %dma_start3A_489 = tpu.memref_slice %arg8[%rem3A_483, %dma_start3A_487, %dma_start3A_488] : memref<5x64x128xf32, #tpu.memory_space<vmem>> -> memref<1x64x128xf32, #tpu.memory_space<vmem>>
    %dma_start3A_490 = tpu.memref_squeeze %dma_start3A_489 : memref<1x64x128xf32, #tpu.memory_space<vmem>> -> memref<64x128xf32, #tpu.memory_space<vmem>>
    %dma_start3A_491 = arith.constant 0 : i32
    %dma_start3A_492 = tpu.memref_slice %arg7[%rem3A_486, %dma_start3A_491] : memref<8x64xi32, #tpu.memory_space<vmem>> -> memref<1x64xi32, #tpu.memory_space<vmem>>
    %dma_start3A_493 = tpu.memref_squeeze %dma_start3A_492 : memref<1x64xi32, #tpu.memory_space<vmem>> -> memref<64xi32, #tpu.memory_space<vmem>>
    %dma_start3A_494 = arith.constant 0 : i32
    %dma_start3A_495 = arith.constant 0 : i32
    %dma_start3A_496 = tpu.memref_slice %arg9[%dma_start3A_494, %dma_start3A_495] : memref<10112x128xf32, #tpu.memory_space<vmem_shared>> -> memref<10112x128xf32, #tpu.memory_space<vmem_shared>>
    tpu.enqueue_indirect_dma source(%dma_start3A_490 : memref<64x128xf32, #tpu.memory_space<vmem>>) target(%dma_start3A_496 : memref<10112x128xf32, #tpu.memory_space<vmem_shared>>) offsets(%dma_start3A_493 : memref<64xi32, #tpu.memory_space<vmem>>) semaphore(%arg11 : memref<!tpu.dma_semaphore, #tpu.memory_space<semaphore_mem>>) {add = true}
    %scan3A_497 = arith.constant 0 : i32
    %scan3A_498 = arith.constant 1 : i32
    %scan3A_499 = arith.constant 152 : i32
    %scan3A_500 = arith.addi %scan3A_498, %scan3A_499 : i32
    %scan3A_501 = arith.constant 1 : i32
    %scan3A_502 = scf.for %scan3A_1041 = %scan3A_498 to %scan3A_500 step %scan3A_501 iter_args(%scan3A_1042 = %scan3A_497) -> (i32)  : i32 {
      %add3A_1043 = arith.constant 3 : i32
      %add3A_1044 = arith.addi %scan3A_1041, %add3A_1043 : i32
      %rem3A_1045 = arith.constant 8 : i32
      %rem3A_1046 = arith.remsi %add3A_1044, %rem3A_1045 : i32
      %dma_wait3A_1047 = arith.constant 0 : i32
      %dma_wait3A_1048 = tpu.memref_slice %arg6[%rem3A_1046, %dma_wait3A_1047] : memref<8x64xi32, #tpu.memory_space<vmem>> -> memref<1x64xi32, #tpu.memory_space<vmem>>
      %dma_wait3A_1049 = tpu.memref_squeeze %dma_wait3A_1048 : memref<1x64xi32, #tpu.memory_space<vmem>> -> memref<64xi32, #tpu.memory_space<vmem>>
      %dma_wait3A_1050 = arith.constant 0 : i32
      %dma_wait3A_1051 = tpu.memref_slice %arg3[%add3A, %add3A_1044, %dma_wait3A_1050] : memref<32x160x64xi32, #tpu.memory_space<hbm>> -> memref<1x1x64xi32, #tpu.memory_space<hbm>>
      %dma_wait3A_1052 = tpu.memref_squeeze %dma_wait3A_1051 : memref<1x1x64xi32, #tpu.memory_space<hbm>> -> memref<64xi32, #tpu.memory_space<hbm>>
      %dma_wait3A_1053 = arith.constant 0 : i32
      %dma_wait3A_1054 = tpu.memref_slice %arg6[%rem3A_1046, %dma_wait3A_1053] : memref<8x64xi32, #tpu.memory_space<vmem>> -> memref<1x64xi32, #tpu.memory_space<vmem>>
      %dma_wait3A_1055 = tpu.memref_squeeze %dma_wait3A_1054 : memref<1x64xi32, #tpu.memory_space<vmem>> -> memref<64xi32, #tpu.memory_space<vmem>>
      %dma_wait3A_1056 = arith.constant 0 : i32
      %dma_wait3A_1057 = tpu.memref_slice %arg3[%add3A, %add3A_1044, %dma_wait3A_1056] : memref<32x160x64xi32, #tpu.memory_space<hbm>> -> memref<1x1x64xi32, #tpu.memory_space<hbm>>
      %dma_wait3A_1058 = tpu.memref_squeeze %dma_wait3A_1057 : memref<1x1x64xi32, #tpu.memory_space<hbm>> -> memref<64xi32, #tpu.memory_space<hbm>>
      tpu.wait_dma2 semaphore(%arg12 : memref<!tpu.dma_semaphore, #tpu.memory_space<semaphore_mem>>) src(%dma_wait3A_1058 : memref<64xi32, #tpu.memory_space<hbm>>) dst(%dma_wait3A_1055 : memref<64xi32, #tpu.memory_space<vmem>>)
      %dma_wait3A_1059 = arith.constant 0 : i32
      %dma_wait3A_1060 = tpu.memref_slice %arg7[%rem3A_1046, %dma_wait3A_1059] : memref<8x64xi32, #tpu.memory_space<vmem>> -> memref<1x64xi32, #tpu.memory_space<vmem>>
      %dma_wait3A_1061 = tpu.memref_squeeze %dma_wait3A_1060 : memref<1x64xi32, #tpu.memory_space<vmem>> -> memref<64xi32, #tpu.memory_space<vmem>>
      %dma_wait3A_1062 = arith.constant 0 : i32
      %dma_wait3A_1063 = tpu.memref_slice %arg4[%add3A, %add3A_1044, %dma_wait3A_1062] : memref<32x160x64xi32, #tpu.memory_space<hbm>> -> memref<1x1x64xi32, #tpu.memory_space<hbm>>
      %dma_wait3A_1064 = tpu.memref_squeeze %dma_wait3A_1063 : memref<1x1x64xi32, #tpu.memory_space<hbm>> -> memref<64xi32, #tpu.memory_space<hbm>>
      %dma_wait3A_1065 = arith.constant 0 : i32
      %dma_wait3A_1066 = tpu.memref_slice %arg7[%rem3A_1046, %dma_wait3A_1065] : memref<8x64xi32, #tpu.memory_space<vmem>> -> memref<1x64xi32, #tpu.memory_space<vmem>>
      %dma_wait3A_1067 = tpu.memref_squeeze %dma_wait3A_1066 : memref<1x64xi32, #tpu.memory_space<vmem>> -> memref<64xi32, #tpu.memory_space<vmem>>
      %dma_wait3A_1068 = arith.constant 0 : i32
      %dma_wait3A_1069 = tpu.memref_slice %arg4[%add3A, %add3A_1044, %dma_wait3A_1068] : memref<32x160x64xi32, #tpu.memory_space<hbm>> -> memref<1x1x64xi32, #tpu.memory_space<hbm>>
      %dma_wait3A_1070 = tpu.memref_squeeze %dma_wait3A_1069 : memref<1x1x64xi32, #tpu.memory_space<hbm>> -> memref<64xi32, #tpu.memory_space<hbm>>
      tpu.wait_dma2 semaphore(%arg12 : memref<!tpu.dma_semaphore, #tpu.memory_space<semaphore_mem>>) src(%dma_wait3A_1070 : memref<64xi32, #tpu.memory_space<hbm>>) dst(%dma_wait3A_1067 : memref<64xi32, #tpu.memory_space<vmem>>)
      %add3A_1071 = arith.constant 3 : i32
      %add3A_1072 = arith.addi %scan3A_1041, %add3A_1071 : i32
      %rem3A_1073 = arith.constant 8 : i32
      %rem3A_1074 = arith.remsi %add3A_1072, %rem3A_1073 : i32
      %rem3A_1075 = arith.constant 5 : i32
      %rem3A_1076 = arith.remsi %add3A_1072, %rem3A_1075 : i32
      %dma_start3A_1077 = arith.constant 0 : i32
      %dma_start3A_1078 = arith.constant 0 : i32
      %dma_start3A_1079 = tpu.memref_slice %arg8[%rem3A_1076, %dma_start3A_1077, %dma_start3A_1078] : memref<5x64x128xf32, #tpu.memory_space<vmem>> -> memref<1x64x128xf32, #tpu.memory_space<vmem>>
      %dma_start3A_1080 = tpu.memref_squeeze %dma_start3A_1079 : memref<1x64x128xf32, #tpu.memory_space<vmem>> -> memref<64x128xf32, #tpu.memory_space<vmem>>
      %dma_start3A_1081 = arith.constant 0 : i32
      %dma_start3A_1082 = tpu.memref_slice %arg6[%rem3A_1074, %dma_start3A_1081] : memref<8x64xi32, #tpu.memory_space<vmem>> -> memref<1x64xi32, #tpu.memory_space<vmem>>
      %dma_start3A_1083 = tpu.memref_squeeze %dma_start3A_1082 : memref<1x64xi32, #tpu.memory_space<vmem>> -> memref<64xi32, #tpu.memory_space<vmem>>
      %dma_start3A_1084 = arith.constant 0 : i32
      %dma_start3A_1085 = arith.constant 0 : i32
      %dma_start3A_1086 = tpu.memref_slice %arg2[%dma_start3A_1084, %dma_start3A_1085] : memref<10000x128xf32, #tpu.memory_space<hbm>> -> memref<10000x128xf32, #tpu.memory_space<hbm>>
      tpu.enqueue_indirect_dma source(%dma_start3A_1086 : memref<10000x128xf32, #tpu.memory_space<hbm>>) target(%dma_start3A_1080 : memref<64x128xf32, #tpu.memory_space<vmem>>) offsets(%dma_start3A_1083 : memref<64xi32, #tpu.memory_space<vmem>>) semaphore(%arg10 : memref<!tpu.dma_semaphore, #tpu.memory_space<semaphore_mem>>)
      %rem3A_1087 = arith.constant 8 : i32
      %rem3A_1088 = arith.remsi %scan3A_1041, %rem3A_1087 : i32
      %rem3A_1089 = arith.constant 5 : i32
      %rem3A_1090 = arith.remsi %scan3A_1041, %rem3A_1089 : i32
      %dma_wait3A_1091 = arith.constant 0 : i32
      %dma_wait3A_1092 = arith.constant 0 : i32
      %dma_wait3A_1093 = tpu.memref_slice %arg8[%rem3A_1090, %dma_wait3A_1091, %dma_wait3A_1092] : memref<5x64x128xf32, #tpu.memory_space<vmem>> -> memref<1x64x128xf32, #tpu.memory_space<vmem>>
      %dma_wait3A_1094 = tpu.memref_squeeze %dma_wait3A_1093 : memref<1x64x128xf32, #tpu.memory_space<vmem>> -> memref<64x128xf32, #tpu.memory_space<vmem>>
      %dma_wait3A_1095 = arith.constant 0 : i32
      %dma_wait3A_1096 = tpu.memref_slice %arg6[%rem3A_1088, %dma_wait3A_1095] : memref<8x64xi32, #tpu.memory_space<vmem>> -> memref<1x64xi32, #tpu.memory_space<vmem>>
      %dma_wait3A_1097 = tpu.memref_squeeze %dma_wait3A_1096 : memref<1x64xi32, #tpu.memory_space<vmem>> -> memref<64xi32, #tpu.memory_space<vmem>>
      %dma_wait3A_1098 = arith.constant 0 : i32
      %dma_wait3A_1099 = arith.constant 0 : i32
      %dma_wait3A_1100 = tpu.memref_slice %arg2[%dma_wait3A_1098, %dma_wait3A_1099] : memref<10000x128xf32, #tpu.memory_space<hbm>> -> memref<10000x128xf32, #tpu.memory_space<hbm>>
      tpu.wait_indirect_dma semaphore(%arg10 : memref<!tpu.dma_semaphore, #tpu.memory_space<semaphore_mem>>) src(%dma_wait3A_1100 : memref<10000x128xf32, #tpu.memory_space<hbm>>) dst(%dma_wait3A_1094 : memref<64x128xf32, #tpu.memory_space<vmem>>)
      %sub3A = arith.constant 1 : i32
      %sub3A_1101 = arith.subi %scan3A_1041, %sub3A : i32
      %rem3A_1102 = arith.constant 5 : i32
      %rem3A_1103 = arith.remsi %sub3A_1101, %rem3A_1102 : i32
      %rem3A_1104 = arith.constant 8 : i32
      %rem3A_1105 = arith.remsi %sub3A_1101, %rem3A_1104 : i32
      %dma_wait3A_1106 = arith.constant 0 : i32
      %dma_wait3A_1107 = arith.constant 0 : i32
      %dma_wait3A_1108 = tpu.memref_slice %arg8[%rem3A_1103, %dma_wait3A_1106, %dma_wait3A_1107] : memref<5x64x128xf32, #tpu.memory_space<vmem>> -> memref<1x64x128xf32, #tpu.memory_space<vmem>>
      %dma_wait3A_1109 = tpu.memref_squeeze %dma_wait3A_1108 : memref<1x64x128xf32, #tpu.memory_space<vmem>> -> memref<64x128xf32, #tpu.memory_space<vmem>>
      %dma_wait3A_1110 = arith.constant 0 : i32
      %dma_wait3A_1111 = tpu.memref_slice %arg7[%rem3A_1105, %dma_wait3A_1110] : memref<8x64xi32, #tpu.memory_space<vmem>> -> memref<1x64xi32, #tpu.memory_space<vmem>>
      %dma_wait3A_1112 = tpu.memref_squeeze %dma_wait3A_1111 : memref<1x64xi32, #tpu.memory_space<vmem>> -> memref<64xi32, #tpu.memory_space<vmem>>
      %dma_wait3A_1113 = arith.constant 0 : i32
      %dma_wait3A_1114 = arith.constant 0 : i32
      %dma_wait3A_1115 = tpu.memref_slice %arg9[%dma_wait3A_1113, %dma_wait3A_1114] : memref<10112x128xf32, #tpu.memory_space<vmem_shared>> -> memref<10112x128xf32, #tpu.memory_space<vmem_shared>>
      tpu.wait_indirect_dma semaphore(%arg11 : memref<!tpu.dma_semaphore, #tpu.memory_space<semaphore_mem>>) src(%dma_wait3A_1109 : memref<64x128xf32, #tpu.memory_space<vmem>>) dst(%dma_wait3A_1115 : memref<10112x128xf32, #tpu.memory_space<vmem_shared>>)
      %add3A_1116 = arith.constant 4 : i32
      %add3A_1117 = arith.addi %scan3A_1041, %add3A_1116 : i32
      %add3A_1118 = arith.constant 3 : i32
      %add3A_1119 = arith.addi %add3A_1117, %add3A_1118 : i32
      %rem3A_1120 = arith.constant 8 : i32
      %rem3A_1121 = arith.remsi %add3A_1119, %rem3A_1120 : i32
      %dma_start3A_1122 = arith.constant 0 : i32
      %dma_start3A_1123 = tpu.memref_slice %arg6[%rem3A_1121, %dma_start3A_1122] : memref<8x64xi32, #tpu.memory_space<vmem>> -> memref<1x64xi32, #tpu.memory_space<vmem>>
      %dma_start3A_1124 = tpu.memref_squeeze %dma_start3A_1123 : memref<1x64xi32, #tpu.memory_space<vmem>> -> memref<64xi32, #tpu.memory_space<vmem>>
      %dma_start3A_1125 = arith.constant 0 : i32
      %dma_start3A_1126 = tpu.memref_slice %arg3[%add3A, %add3A_1119, %dma_start3A_1125] : memref<32x160x64xi32, #tpu.memory_space<hbm>> -> memref<1x1x64xi32, #tpu.memory_space<hbm>>
      %dma_start3A_1127 = tpu.memref_squeeze %dma_start3A_1126 : memref<1x1x64xi32, #tpu.memory_space<hbm>> -> memref<64xi32, #tpu.memory_space<hbm>>
      %dma_start3A_1128 = arith.constant 0 : i32
      %dma_start3A_1129 = tpu.memref_slice %arg6[%rem3A_1121, %dma_start3A_1128] : memref<8x64xi32, #tpu.memory_space<vmem>> -> memref<1x64xi32, #tpu.memory_space<vmem>>
      %dma_start3A_1130 = tpu.memref_squeeze %dma_start3A_1129 : memref<1x64xi32, #tpu.memory_space<vmem>> -> memref<64xi32, #tpu.memory_space<vmem>>
      %dma_start3A_1131 = arith.constant 0 : i32
      %dma_start3A_1132 = tpu.memref_slice %arg3[%add3A, %add3A_1119, %dma_start3A_1131] : memref<32x160x64xi32, #tpu.memory_space<hbm>> -> memref<1x1x64xi32, #tpu.memory_space<hbm>>
      %dma_start3A_1133 = tpu.memref_squeeze %dma_start3A_1132 : memref<1x1x64xi32, #tpu.memory_space<hbm>> -> memref<64xi32, #tpu.memory_space<hbm>>
      tpu.enqueue_dma source(%dma_start3A_1133 : memref<64xi32, #tpu.memory_space<hbm>>) target(%dma_start3A_1130 : memref<64xi32, #tpu.memory_space<vmem>>) target_semaphore(%arg12 : memref<!tpu.dma_semaphore, #tpu.memory_space<semaphore_mem>>)
      %dma_start3A_1134 = arith.constant 0 : i32
      %dma_start3A_1135 = tpu.memref_slice %arg7[%rem3A_1121, %dma_start3A_1134] : memref<8x64xi32, #tpu.memory_space<vmem>> -> memref<1x64xi32, #tpu.memory_space<vmem>>
      %dma_start3A_1136 = tpu.memref_squeeze %dma_start3A_1135 : memref<1x64xi32, #tpu.memory_space<vmem>> -> memref<64xi32, #tpu.memory_space<vmem>>
      %dma_start3A_1137 = arith.constant 0 : i32
      %dma_start3A_1138 = tpu.memref_slice %arg4[%add3A, %add3A_1119, %dma_start3A_1137] : memref<32x160x64xi32, #tpu.memory_space<hbm>> -> memref<1x1x64xi32, #tpu.memory_space<hbm>>
      %dma_start3A_1139 = tpu.memref_squeeze %dma_start3A_1138 : memref<1x1x64xi32, #tpu.memory_space<hbm>> -> memref<64xi32, #tpu.memory_space<hbm>>
      %dma_start3A_1140 = arith.constant 0 : i32
      %dma_start3A_1141 = tpu.memref_slice %arg7[%rem3A_1121, %dma_start3A_1140] : memref<8x64xi32, #tpu.memory_space<vmem>> -> memref<1x64xi32, #tpu.memory_space<vmem>>
      %dma_start3A_1142 = tpu.memref_squeeze %dma_start3A_1141 : memref<1x64xi32, #tpu.memory_space<vmem>> -> memref<64xi32, #tpu.memory_space<vmem>>
      %dma_start3A_1143 = arith.constant 0 : i32
      %dma_start3A_1144 = tpu.memref_slice %arg4[%add3A, %add3A_1119, %dma_start3A_1143] : memref<32x160x64xi32, #tpu.memory_space<hbm>> -> memref<1x1x64xi32, #tpu.memory_space<hbm>>
      %dma_start3A_1145 = tpu.memref_squeeze %dma_start3A_1144 : memref<1x1x64xi32, #tpu.memory_space<hbm>> -> memref<64xi32, #tpu.memory_space<hbm>>
      tpu.enqueue_dma source(%dma_start3A_1145 : memref<64xi32, #tpu.memory_space<hbm>>) target(%dma_start3A_1142 : memref<64xi32, #tpu.memory_space<vmem>>) target_semaphore(%arg12 : memref<!tpu.dma_semaphore, #tpu.memory_space<semaphore_mem>>)
      %rem3A_1146 = arith.constant 5 : i32
      %rem3A_1147 = arith.remsi %scan3A_1041, %rem3A_1146 : i32
      %rem3A_1148 = arith.constant 8 : i32
      %rem3A_1149 = arith.remsi %scan3A_1041, %rem3A_1148 : i32
      %dma_start3A_1150 = arith.constant 0 : i32
      %dma_start3A_1151 = arith.constant 0 : i32
      %dma_start3A_1152 = tpu.memref_slice %arg8[%rem3A_1147, %dma_start3A_1150, %dma_start3A_1151] : memref<5x64x128xf32, #tpu.memory_space<vmem>> -> memref<1x64x128xf32, #tpu.memory_space<vmem>>
      %dma_start3A_1153 = tpu.memref_squeeze %dma_start3A_1152 : memref<1x64x128xf32, #tpu.memory_space<vmem>> -> memref<64x128xf32, #tpu.memory_space<vmem>>
      %dma_start3A_1154 = arith.constant 0 : i32
      %dma_start3A_1155 = tpu.memref_slice %arg7[%rem3A_1149, %dma_start3A_1154] : memref<8x64xi32, #tpu.memory_space<vmem>> -> memref<1x64xi32, #tpu.memory_space<vmem>>
      %dma_start3A_1156 = tpu.memref_squeeze %dma_start3A_1155 : memref<1x64xi32, #tpu.memory_space<vmem>> -> memref<64xi32, #tpu.memory_space<vmem>>
      %dma_start3A_1157 = arith.constant 0 : i32
      %dma_start3A_1158 = arith.constant 0 : i32
      %dma_start3A_1159 = tpu.memref_slice %arg9[%dma_start3A_1157, %dma_start3A_1158] : memref<10112x128xf32, #tpu.memory_space<vmem_shared>> -> memref<10112x128xf32, #tpu.memory_space<vmem_shared>>
      tpu.enqueue_indirect_dma source(%dma_start3A_1153 : memref<64x128xf32, #tpu.memory_space<vmem>>) target(%dma_start3A_1159 : memref<10112x128xf32, #tpu.memory_space<vmem_shared>>) offsets(%dma_start3A_1156 : memref<64xi32, #tpu.memory_space<vmem>>) semaphore(%arg11 : memref<!tpu.dma_semaphore, #tpu.memory_space<semaphore_mem>>) {add = true}
      %scan3A_1160 = arith.constant 0 : i32
      scf.yield %scan3A_1160 : i32
    }
    %scan3A_503 = arith.constant 152 : i32
    %rem3A_504 = arith.constant 156 : i32
    %rem3A_505 = arith.constant 8 : i32
    %rem3A_506 = arith.remsi %rem3A_504, %rem3A_505 : i32
    %dma_wait3A_507 = arith.constant 156 : i32
    %dma_wait3A_508 = arith.constant 0 : i32
    %dma_wait3A_509 = tpu.memref_slice %arg6[%rem3A_506, %dma_wait3A_508] : memref<8x64xi32, #tpu.memory_space<vmem>> -> memref<1x64xi32, #tpu.memory_space<vmem>>
    %dma_wait3A_510 = tpu.memref_squeeze %dma_wait3A_509 : memref<1x64xi32, #tpu.memory_space<vmem>> -> memref<64xi32, #tpu.memory_space<vmem>>
    %dma_wait3A_511 = arith.constant 0 : i32
    %dma_wait3A_512 = tpu.memref_slice %arg3[%add3A, %dma_wait3A_507, %dma_wait3A_511] : memref<32x160x64xi32, #tpu.memory_space<hbm>> -> memref<1x1x64xi32, #tpu.memory_space<hbm>>
    %dma_wait3A_513 = tpu.memref_squeeze %dma_wait3A_512 : memref<1x1x64xi32, #tpu.memory_space<hbm>> -> memref<64xi32, #tpu.memory_space<hbm>>
    %dma_wait3A_514 = arith.constant 0 : i32
    %dma_wait3A_515 = tpu.memref_slice %arg6[%rem3A_506, %dma_wait3A_514] : memref<8x64xi32, #tpu.memory_space<vmem>> -> memref<1x64xi32, #tpu.memory_space<vmem>>
    %dma_wait3A_516 = tpu.memref_squeeze %dma_wait3A_515 : memref<1x64xi32, #tpu.memory_space<vmem>> -> memref<64xi32, #tpu.memory_space<vmem>>
    %dma_wait3A_517 = arith.constant 0 : i32
    %dma_wait3A_518 = tpu.memref_slice %arg3[%add3A, %dma_wait3A_507, %dma_wait3A_517] : memref<32x160x64xi32, #tpu.memory_space<hbm>> -> memref<1x1x64xi32, #tpu.memory_space<hbm>>
    %dma_wait3A_519 = tpu.memref_squeeze %dma_wait3A_518 : memref<1x1x64xi32, #tpu.memory_space<hbm>> -> memref<64xi32, #tpu.memory_space<hbm>>
    tpu.wait_dma2 semaphore(%arg12 : memref<!tpu.dma_semaphore, #tpu.memory_space<semaphore_mem>>) src(%dma_wait3A_519 : memref<64xi32, #tpu.memory_space<hbm>>) dst(%dma_wait3A_516 : memref<64xi32, #tpu.memory_space<vmem>>)
    %dma_wait3A_520 = arith.constant 156 : i32
    %dma_wait3A_521 = arith.constant 0 : i32
    %dma_wait3A_522 = tpu.memref_slice %arg7[%rem3A_506, %dma_wait3A_521] : memref<8x64xi32, #tpu.memory_space<vmem>> -> memref<1x64xi32, #tpu.memory_space<vmem>>
    %dma_wait3A_523 = tpu.memref_squeeze %dma_wait3A_522 : memref<1x64xi32, #tpu.memory_space<vmem>> -> memref<64xi32, #tpu.memory_space<vmem>>
    %dma_wait3A_524 = arith.constant 0 : i32
    %dma_wait3A_525 = tpu.memref_slice %arg4[%add3A, %dma_wait3A_520, %dma_wait3A_524] : memref<32x160x64xi32, #tpu.memory_space<hbm>> -> memref<1x1x64xi32, #tpu.memory_space<hbm>>
    %dma_wait3A_526 = tpu.memref_squeeze %dma_wait3A_525 : memref<1x1x64xi32, #tpu.memory_space<hbm>> -> memref<64xi32, #tpu.memory_space<hbm>>
    %dma_wait3A_527 = arith.constant 0 : i32
    %dma_wait3A_528 = tpu.memref_slice %arg7[%rem3A_506, %dma_wait3A_527] : memref<8x64xi32, #tpu.memory_space<vmem>> -> memref<1x64xi32, #tpu.memory_space<vmem>>
    %dma_wait3A_529 = tpu.memref_squeeze %dma_wait3A_528 : memref<1x64xi32, #tpu.memory_space<vmem>> -> memref<64xi32, #tpu.memory_space<vmem>>
    %dma_wait3A_530 = arith.constant 0 : i32
    %dma_wait3A_531 = tpu.memref_slice %arg4[%add3A, %dma_wait3A_520, %dma_wait3A_530] : memref<32x160x64xi32, #tpu.memory_space<hbm>> -> memref<1x1x64xi32, #tpu.memory_space<hbm>>
    %dma_wait3A_532 = tpu.memref_squeeze %dma_wait3A_531 : memref<1x1x64xi32, #tpu.memory_space<hbm>> -> memref<64xi32, #tpu.memory_space<hbm>>
    tpu.wait_dma2 semaphore(%arg12 : memref<!tpu.dma_semaphore, #tpu.memory_space<semaphore_mem>>) src(%dma_wait3A_532 : memref<64xi32, #tpu.memory_space<hbm>>) dst(%dma_wait3A_529 : memref<64xi32, #tpu.memory_space<vmem>>)
    %rem3A_533 = arith.constant 156 : i32
    %rem3A_534 = arith.constant 8 : i32
    %rem3A_535 = arith.remsi %rem3A_533, %rem3A_534 : i32
    %rem3A_536 = arith.constant 156 : i32
    %rem3A_537 = arith.constant 5 : i32
    %rem3A_538 = arith.remsi %rem3A_536, %rem3A_537 : i32
    %dma_start3A_539 = arith.constant 0 : i32
    %dma_start3A_540 = arith.constant 0 : i32
    %dma_start3A_541 = tpu.memref_slice %arg8[%rem3A_538, %dma_start3A_539, %dma_start3A_540] : memref<5x64x128xf32, #tpu.memory_space<vmem>> -> memref<1x64x128xf32, #tpu.memory_space<vmem>>
    %dma_start3A_542 = tpu.memref_squeeze %dma_start3A_541 : memref<1x64x128xf32, #tpu.memory_space<vmem>> -> memref<64x128xf32, #tpu.memory_space<vmem>>
    %dma_start3A_543 = arith.constant 0 : i32
    %dma_start3A_544 = tpu.memref_slice %arg6[%rem3A_535, %dma_start3A_543] : memref<8x64xi32, #tpu.memory_space<vmem>> -> memref<1x64xi32, #tpu.memory_space<vmem>>
    %dma_start3A_545 = tpu.memref_squeeze %dma_start3A_544 : memref<1x64xi32, #tpu.memory_space<vmem>> -> memref<64xi32, #tpu.memory_space<vmem>>
    %dma_start3A_546 = arith.constant 0 : i32
    %dma_start3A_547 = arith.constant 0 : i32
    %dma_start3A_548 = tpu.memref_slice %arg2[%dma_start3A_546, %dma_start3A_547] : memref<10000x128xf32, #tpu.memory_space<hbm>> -> memref<10000x128xf32, #tpu.memory_space<hbm>>
    tpu.enqueue_indirect_dma source(%dma_start3A_548 : memref<10000x128xf32, #tpu.memory_space<hbm>>) target(%dma_start3A_542 : memref<64x128xf32, #tpu.memory_space<vmem>>) offsets(%dma_start3A_545 : memref<64xi32, #tpu.memory_space<vmem>>) semaphore(%arg10 : memref<!tpu.dma_semaphore, #tpu.memory_space<semaphore_mem>>)
    %rem3A_549 = arith.constant 153 : i32
    %rem3A_550 = arith.constant 8 : i32
    %rem3A_551 = arith.remsi %rem3A_549, %rem3A_550 : i32
    %rem3A_552 = arith.constant 153 : i32
    %rem3A_553 = arith.constant 5 : i32
    %rem3A_554 = arith.remsi %rem3A_552, %rem3A_553 : i32
    %dma_wait3A_555 = arith.constant 0 : i32
    %dma_wait3A_556 = arith.constant 0 : i32
    %dma_wait3A_557 = tpu.memref_slice %arg8[%rem3A_554, %dma_wait3A_555, %dma_wait3A_556] : memref<5x64x128xf32, #tpu.memory_space<vmem>> -> memref<1x64x128xf32, #tpu.memory_space<vmem>>
    %dma_wait3A_558 = tpu.memref_squeeze %dma_wait3A_557 : memref<1x64x128xf32, #tpu.memory_space<vmem>> -> memref<64x128xf32, #tpu.memory_space<vmem>>
    %dma_wait3A_559 = arith.constant 0 : i32
    %dma_wait3A_560 = tpu.memref_slice %arg6[%rem3A_551, %dma_wait3A_559] : memref<8x64xi32, #tpu.memory_space<vmem>> -> memref<1x64xi32, #tpu.memory_space<vmem>>
    %dma_wait3A_561 = tpu.memref_squeeze %dma_wait3A_560 : memref<1x64xi32, #tpu.memory_space<vmem>> -> memref<64xi32, #tpu.memory_space<vmem>>
    %dma_wait3A_562 = arith.constant 0 : i32
    %dma_wait3A_563 = arith.constant 0 : i32
    %dma_wait3A_564 = tpu.memref_slice %arg2[%dma_wait3A_562, %dma_wait3A_563] : memref<10000x128xf32, #tpu.memory_space<hbm>> -> memref<10000x128xf32, #tpu.memory_space<hbm>>
    tpu.wait_indirect_dma semaphore(%arg10 : memref<!tpu.dma_semaphore, #tpu.memory_space<semaphore_mem>>) src(%dma_wait3A_564 : memref<10000x128xf32, #tpu.memory_space<hbm>>) dst(%dma_wait3A_558 : memref<64x128xf32, #tpu.memory_space<vmem>>)
    %rem3A_565 = arith.constant 152 : i32
    %rem3A_566 = arith.constant 5 : i32
    %rem3A_567 = arith.remsi %rem3A_565, %rem3A_566 : i32
    %rem3A_568 = arith.constant 152 : i32
    %rem3A_569 = arith.constant 8 : i32
    %rem3A_570 = arith.remsi %rem3A_568, %rem3A_569 : i32
    %dma_wait3A_571 = arith.constant 0 : i32
    %dma_wait3A_572 = arith.constant 0 : i32
    %dma_wait3A_573 = tpu.memref_slice %arg8[%rem3A_567, %dma_wait3A_571, %dma_wait3A_572] : memref<5x64x128xf32, #tpu.memory_space<vmem>> -> memref<1x64x128xf32, #tpu.memory_space<vmem>>
    %dma_wait3A_574 = tpu.memref_squeeze %dma_wait3A_573 : memref<1x64x128xf32, #tpu.memory_space<vmem>> -> memref<64x128xf32, #tpu.memory_space<vmem>>
    %dma_wait3A_575 = arith.constant 0 : i32
    %dma_wait3A_576 = tpu.memref_slice %arg7[%rem3A_570, %dma_wait3A_575] : memref<8x64xi32, #tpu.memory_space<vmem>> -> memref<1x64xi32, #tpu.memory_space<vmem>>
    %dma_wait3A_577 = tpu.memref_squeeze %dma_wait3A_576 : memref<1x64xi32, #tpu.memory_space<vmem>> -> memref<64xi32, #tpu.memory_space<vmem>>
    %dma_wait3A_578 = arith.constant 0 : i32
    %dma_wait3A_579 = arith.constant 0 : i32
    %dma_wait3A_580 = tpu.memref_slice %arg9[%dma_wait3A_578, %dma_wait3A_579] : memref<10112x128xf32, #tpu.memory_space<vmem_shared>> -> memref<10112x128xf32, #tpu.memory_space<vmem_shared>>
    tpu.wait_indirect_dma semaphore(%arg11 : memref<!tpu.dma_semaphore, #tpu.memory_space<semaphore_mem>>) src(%dma_wait3A_574 : memref<64x128xf32, #tpu.memory_space<vmem>>) dst(%dma_wait3A_580 : memref<10112x128xf32, #tpu.memory_space<vmem_shared>>)
    %rem3A_581 = arith.constant 153 : i32
    %rem3A_582 = arith.constant 5 : i32
    %rem3A_583 = arith.remsi %rem3A_581, %rem3A_582 : i32
    %rem3A_584 = arith.constant 153 : i32
    %rem3A_585 = arith.constant 8 : i32
    %rem3A_586 = arith.remsi %rem3A_584, %rem3A_585 : i32
    %dma_start3A_587 = arith.constant 0 : i32
    %dma_start3A_588 = arith.constant 0 : i32
    %dma_start3A_589 = tpu.memref_slice %arg8[%rem3A_583, %dma_start3A_587, %dma_start3A_588] : memref<5x64x128xf32, #tpu.memory_space<vmem>> -> memref<1x64x128xf32, #tpu.memory_space<vmem>>
    %dma_start3A_590 = tpu.memref_squeeze %dma_start3A_589 : memref<1x64x128xf32, #tpu.memory_space<vmem>> -> memref<64x128xf32, #tpu.memory_space<vmem>>
    %dma_start3A_591 = arith.constant 0 : i32
    %dma_start3A_592 = tpu.memref_slice %arg7[%rem3A_586, %dma_start3A_591] : memref<8x64xi32, #tpu.memory_space<vmem>> -> memref<1x64xi32, #tpu.memory_space<vmem>>
    %dma_start3A_593 = tpu.memref_squeeze %dma_start3A_592 : memref<1x64xi32, #tpu.memory_space<vmem>> -> memref<64xi32, #tpu.memory_space<vmem>>
    %dma_start3A_594 = arith.constant 0 : i32
    %dma_start3A_595 = arith.constant 0 : i32
    %dma_start3A_596 = tpu.memref_slice %arg9[%dma_start3A_594, %dma_start3A_595] : memref<10112x128xf32, #tpu.memory_space<vmem_shared>> -> memref<10112x128xf32, #tpu.memory_space<vmem_shared>>
    tpu.enqueue_indirect_dma source(%dma_start3A_590 : memref<64x128xf32, #tpu.memory_space<vmem>>) target(%dma_start3A_596 : memref<10112x128xf32, #tpu.memory_space<vmem_shared>>) offsets(%dma_start3A_593 : memref<64xi32, #tpu.memory_space<vmem>>) semaphore(%arg11 : memref<!tpu.dma_semaphore, #tpu.memory_space<semaphore_mem>>) {add = true}
    %rem3A_597 = arith.constant 157 : i32
    %rem3A_598 = arith.constant 8 : i32
    %rem3A_599 = arith.remsi %rem3A_597, %rem3A_598 : i32
    %dma_wait3A_600 = arith.constant 157 : i32
    %dma_wait3A_601 = arith.constant 0 : i32
    %dma_wait3A_602 = tpu.memref_slice %arg6[%rem3A_599, %dma_wait3A_601] : memref<8x64xi32, #tpu.memory_space<vmem>> -> memref<1x64xi32, #tpu.memory_space<vmem>>
    %dma_wait3A_603 = tpu.memref_squeeze %dma_wait3A_602 : memref<1x64xi32, #tpu.memory_space<vmem>> -> memref<64xi32, #tpu.memory_space<vmem>>
    %dma_wait3A_604 = arith.constant 0 : i32
    %dma_wait3A_605 = tpu.memref_slice %arg3[%add3A, %dma_wait3A_600, %dma_wait3A_604] : memref<32x160x64xi32, #tpu.memory_space<hbm>> -> memref<1x1x64xi32, #tpu.memory_space<hbm>>
    %dma_wait3A_606 = tpu.memref_squeeze %dma_wait3A_605 : memref<1x1x64xi32, #tpu.memory_space<hbm>> -> memref<64xi32, #tpu.memory_space<hbm>>
    %dma_wait3A_607 = arith.constant 0 : i32
    %dma_wait3A_608 = tpu.memref_slice %arg6[%rem3A_599, %dma_wait3A_607] : memref<8x64xi32, #tpu.memory_space<vmem>> -> memref<1x64xi32, #tpu.memory_space<vmem>>
    %dma_wait3A_609 = tpu.memref_squeeze %dma_wait3A_608 : memref<1x64xi32, #tpu.memory_space<vmem>> -> memref<64xi32, #tpu.memory_space<vmem>>
    %dma_wait3A_610 = arith.constant 0 : i32
    %dma_wait3A_611 = tpu.memref_slice %arg3[%add3A, %dma_wait3A_600, %dma_wait3A_610] : memref<32x160x64xi32, #tpu.memory_space<hbm>> -> memref<1x1x64xi32, #tpu.memory_space<hbm>>
    %dma_wait3A_612 = tpu.memref_squeeze %dma_wait3A_611 : memref<1x1x64xi32, #tpu.memory_space<hbm>> -> memref<64xi32, #tpu.memory_space<hbm>>
    tpu.wait_dma2 semaphore(%arg12 : memref<!tpu.dma_semaphore, #tpu.memory_space<semaphore_mem>>) src(%dma_wait3A_612 : memref<64xi32, #tpu.memory_space<hbm>>) dst(%dma_wait3A_609 : memref<64xi32, #tpu.memory_space<vmem>>)
    %dma_wait3A_613 = arith.constant 157 : i32
    %dma_wait3A_614 = arith.constant 0 : i32
    %dma_wait3A_615 = tpu.memref_slice %arg7[%rem3A_599, %dma_wait3A_614] : memref<8x64xi32, #tpu.memory_space<vmem>> -> memref<1x64xi32, #tpu.memory_space<vmem>>
    %dma_wait3A_616 = tpu.memref_squeeze %dma_wait3A_615 : memref<1x64xi32, #tpu.memory_space<vmem>> -> memref<64xi32, #tpu.memory_space<vmem>>
    %dma_wait3A_617 = arith.constant 0 : i32
    %dma_wait3A_618 = tpu.memref_slice %arg4[%add3A, %dma_wait3A_613, %dma_wait3A_617] : memref<32x160x64xi32, #tpu.memory_space<hbm>> -> memref<1x1x64xi32, #tpu.memory_space<hbm>>
    %dma_wait3A_619 = tpu.memref_squeeze %dma_wait3A_618 : memref<1x1x64xi32, #tpu.memory_space<hbm>> -> memref<64xi32, #tpu.memory_space<hbm>>
    %dma_wait3A_620 = arith.constant 0 : i32
    %dma_wait3A_621 = tpu.memref_slice %arg7[%rem3A_599, %dma_wait3A_620] : memref<8x64xi32, #tpu.memory_space<vmem>> -> memref<1x64xi32, #tpu.memory_space<vmem>>
    %dma_wait3A_622 = tpu.memref_squeeze %dma_wait3A_621 : memref<1x64xi32, #tpu.memory_space<vmem>> -> memref<64xi32, #tpu.memory_space<vmem>>
    %dma_wait3A_623 = arith.constant 0 : i32
    %dma_wait3A_624 = tpu.memref_slice %arg4[%add3A, %dma_wait3A_613, %dma_wait3A_623] : memref<32x160x64xi32, #tpu.memory_space<hbm>> -> memref<1x1x64xi32, #tpu.memory_space<hbm>>
    %dma_wait3A_625 = tpu.memref_squeeze %dma_wait3A_624 : memref<1x1x64xi32, #tpu.memory_space<hbm>> -> memref<64xi32, #tpu.memory_space<hbm>>
    tpu.wait_dma2 semaphore(%arg12 : memref<!tpu.dma_semaphore, #tpu.memory_space<semaphore_mem>>) src(%dma_wait3A_625 : memref<64xi32, #tpu.memory_space<hbm>>) dst(%dma_wait3A_622 : memref<64xi32, #tpu.memory_space<vmem>>)
    %rem3A_626 = arith.constant 157 : i32
    %rem3A_627 = arith.constant 8 : i32
    %rem3A_628 = arith.remsi %rem3A_626, %rem3A_627 : i32
    %rem3A_629 = arith.constant 157 : i32
    %rem3A_630 = arith.constant 5 : i32
    %rem3A_631 = arith.remsi %rem3A_629, %rem3A_630 : i32
    %dma_start3A_632 = arith.constant 0 : i32
    %dma_start3A_633 = arith.constant 0 : i32
    %dma_start3A_634 = tpu.memref_slice %arg8[%rem3A_631, %dma_start3A_632, %dma_start3A_633] : memref<5x64x128xf32, #tpu.memory_space<vmem>> -> memref<1x64x128xf32, #tpu.memory_space<vmem>>
    %dma_start3A_635 = tpu.memref_squeeze %dma_start3A_634 : memref<1x64x128xf32, #tpu.memory_space<vmem>> -> memref<64x128xf32, #tpu.memory_space<vmem>>
    %dma_start3A_636 = arith.constant 0 : i32
    %dma_start3A_637 = tpu.memref_slice %arg6[%rem3A_628, %dma_start3A_636] : memref<8x64xi32, #tpu.memory_space<vmem>> -> memref<1x64xi32, #tpu.memory_space<vmem>>
    %dma_start3A_638 = tpu.memref_squeeze %dma_start3A_637 : memref<1x64xi32, #tpu.memory_space<vmem>> -> memref<64xi32, #tpu.memory_space<vmem>>
    %dma_start3A_639 = arith.constant 0 : i32
    %dma_start3A_640 = arith.constant 0 : i32
    %dma_start3A_641 = tpu.memref_slice %arg2[%dma_start3A_639, %dma_start3A_640] : memref<10000x128xf32, #tpu.memory_space<hbm>> -> memref<10000x128xf32, #tpu.memory_space<hbm>>
    tpu.enqueue_indirect_dma source(%dma_start3A_641 : memref<10000x128xf32, #tpu.memory_space<hbm>>) target(%dma_start3A_635 : memref<64x128xf32, #tpu.memory_space<vmem>>) offsets(%dma_start3A_638 : memref<64xi32, #tpu.memory_space<vmem>>) semaphore(%arg10 : memref<!tpu.dma_semaphore, #tpu.memory_space<semaphore_mem>>)
    %rem3A_642 = arith.constant 154 : i32
    %rem3A_643 = arith.constant 8 : i32
    %rem3A_644 = arith.remsi %rem3A_642, %rem3A_643 : i32
    %rem3A_645 = arith.constant 154 : i32
    %rem3A_646 = arith.constant 5 : i32
    %rem3A_647 = arith.remsi %rem3A_645, %rem3A_646 : i32
    %dma_wait3A_648 = arith.constant 0 : i32
    %dma_wait3A_649 = arith.constant 0 : i32
    %dma_wait3A_650 = tpu.memref_slice %arg8[%rem3A_647, %dma_wait3A_648, %dma_wait3A_649] : memref<5x64x128xf32, #tpu.memory_space<vmem>> -> memref<1x64x128xf32, #tpu.memory_space<vmem>>
    %dma_wait3A_651 = tpu.memref_squeeze %dma_wait3A_650 : memref<1x64x128xf32, #tpu.memory_space<vmem>> -> memref<64x128xf32, #tpu.memory_space<vmem>>
    %dma_wait3A_652 = arith.constant 0 : i32
    %dma_wait3A_653 = tpu.memref_slice %arg6[%rem3A_644, %dma_wait3A_652] : memref<8x64xi32, #tpu.memory_space<vmem>> -> memref<1x64xi32, #tpu.memory_space<vmem>>
    %dma_wait3A_654 = tpu.memref_squeeze %dma_wait3A_653 : memref<1x64xi32, #tpu.memory_space<vmem>> -> memref<64xi32, #tpu.memory_space<vmem>>
    %dma_wait3A_655 = arith.constant 0 : i32
    %dma_wait3A_656 = arith.constant 0 : i32
    %dma_wait3A_657 = tpu.memref_slice %arg2[%dma_wait3A_655, %dma_wait3A_656] : memref<10000x128xf32, #tpu.memory_space<hbm>> -> memref<10000x128xf32, #tpu.memory_space<hbm>>
    tpu.wait_indirect_dma semaphore(%arg10 : memref<!tpu.dma_semaphore, #tpu.memory_space<semaphore_mem>>) src(%dma_wait3A_657 : memref<10000x128xf32, #tpu.memory_space<hbm>>) dst(%dma_wait3A_651 : memref<64x128xf32, #tpu.memory_space<vmem>>)
    %rem3A_658 = arith.constant 153 : i32
    %rem3A_659 = arith.constant 5 : i32
    %rem3A_660 = arith.remsi %rem3A_658, %rem3A_659 : i32
    %rem3A_661 = arith.constant 153 : i32
    %rem3A_662 = arith.constant 8 : i32
    %rem3A_663 = arith.remsi %rem3A_661, %rem3A_662 : i32
    %dma_wait3A_664 = arith.constant 0 : i32
    %dma_wait3A_665 = arith.constant 0 : i32
    %dma_wait3A_666 = tpu.memref_slice %arg8[%rem3A_660, %dma_wait3A_664, %dma_wait3A_665] : memref<5x64x128xf32, #tpu.memory_space<vmem>> -> memref<1x64x128xf32, #tpu.memory_space<vmem>>
    %dma_wait3A_667 = tpu.memref_squeeze %dma_wait3A_666 : memref<1x64x128xf32, #tpu.memory_space<vmem>> -> memref<64x128xf32, #tpu.memory_space<vmem>>
    %dma_wait3A_668 = arith.constant 0 : i32
    %dma_wait3A_669 = tpu.memref_slice %arg7[%rem3A_663, %dma_wait3A_668] : memref<8x64xi32, #tpu.memory_space<vmem>> -> memref<1x64xi32, #tpu.memory_space<vmem>>
    %dma_wait3A_670 = tpu.memref_squeeze %dma_wait3A_669 : memref<1x64xi32, #tpu.memory_space<vmem>> -> memref<64xi32, #tpu.memory_space<vmem>>
    %dma_wait3A_671 = arith.constant 0 : i32
    %dma_wait3A_672 = arith.constant 0 : i32
    %dma_wait3A_673 = tpu.memref_slice %arg9[%dma_wait3A_671, %dma_wait3A_672] : memref<10112x128xf32, #tpu.memory_space<vmem_shared>> -> memref<10112x128xf32, #tpu.memory_space<vmem_shared>>
    tpu.wait_indirect_dma semaphore(%arg11 : memref<!tpu.dma_semaphore, #tpu.memory_space<semaphore_mem>>) src(%dma_wait3A_667 : memref<64x128xf32, #tpu.memory_space<vmem>>) dst(%dma_wait3A_673 : memref<10112x128xf32, #tpu.memory_space<vmem_shared>>)
    %rem3A_674 = arith.constant 154 : i32
    %rem3A_675 = arith.constant 5 : i32
    %rem3A_676 = arith.remsi %rem3A_674, %rem3A_675 : i32
    %rem3A_677 = arith.constant 154 : i32
    %rem3A_678 = arith.constant 8 : i32
    %rem3A_679 = arith.remsi %rem3A_677, %rem3A_678 : i32
    %dma_start3A_680 = arith.constant 0 : i32
    %dma_start3A_681 = arith.constant 0 : i32
    %dma_start3A_682 = tpu.memref_slice %arg8[%rem3A_676, %dma_start3A_680, %dma_start3A_681] : memref<5x64x128xf32, #tpu.memory_space<vmem>> -> memref<1x64x128xf32, #tpu.memory_space<vmem>>
    %dma_start3A_683 = tpu.memref_squeeze %dma_start3A_682 : memref<1x64x128xf32, #tpu.memory_space<vmem>> -> memref<64x128xf32, #tpu.memory_space<vmem>>
    %dma_start3A_684 = arith.constant 0 : i32
    %dma_start3A_685 = tpu.memref_slice %arg7[%rem3A_679, %dma_start3A_684] : memref<8x64xi32, #tpu.memory_space<vmem>> -> memref<1x64xi32, #tpu.memory_space<vmem>>
    %dma_start3A_686 = tpu.memref_squeeze %dma_start3A_685 : memref<1x64xi32, #tpu.memory_space<vmem>> -> memref<64xi32, #tpu.memory_space<vmem>>
    %dma_start3A_687 = arith.constant 0 : i32
    %dma_start3A_688 = arith.constant 0 : i32
    %dma_start3A_689 = tpu.memref_slice %arg9[%dma_start3A_687, %dma_start3A_688] : memref<10112x128xf32, #tpu.memory_space<vmem_shared>> -> memref<10112x128xf32, #tpu.memory_space<vmem_shared>>
    tpu.enqueue_indirect_dma source(%dma_start3A_683 : memref<64x128xf32, #tpu.memory_space<vmem>>) target(%dma_start3A_689 : memref<10112x128xf32, #tpu.memory_space<vmem_shared>>) offsets(%dma_start3A_686 : memref<64xi32, #tpu.memory_space<vmem>>) semaphore(%arg11 : memref<!tpu.dma_semaphore, #tpu.memory_space<semaphore_mem>>) {add = true}
    %rem3A_690 = arith.constant 158 : i32
    %rem3A_691 = arith.constant 8 : i32
    %rem3A_692 = arith.remsi %rem3A_690, %rem3A_691 : i32
    %dma_wait3A_693 = arith.constant 158 : i32
    %dma_wait3A_694 = arith.constant 0 : i32
    %dma_wait3A_695 = tpu.memref_slice %arg6[%rem3A_692, %dma_wait3A_694] : memref<8x64xi32, #tpu.memory_space<vmem>> -> memref<1x64xi32, #tpu.memory_space<vmem>>
    %dma_wait3A_696 = tpu.memref_squeeze %dma_wait3A_695 : memref<1x64xi32, #tpu.memory_space<vmem>> -> memref<64xi32, #tpu.memory_space<vmem>>
    %dma_wait3A_697 = arith.constant 0 : i32
    %dma_wait3A_698 = tpu.memref_slice %arg3[%add3A, %dma_wait3A_693, %dma_wait3A_697] : memref<32x160x64xi32, #tpu.memory_space<hbm>> -> memref<1x1x64xi32, #tpu.memory_space<hbm>>
    %dma_wait3A_699 = tpu.memref_squeeze %dma_wait3A_698 : memref<1x1x64xi32, #tpu.memory_space<hbm>> -> memref<64xi32, #tpu.memory_space<hbm>>
    %dma_wait3A_700 = arith.constant 0 : i32
    %dma_wait3A_701 = tpu.memref_slice %arg6[%rem3A_692, %dma_wait3A_700] : memref<8x64xi32, #tpu.memory_space<vmem>> -> memref<1x64xi32, #tpu.memory_space<vmem>>
    %dma_wait3A_702 = tpu.memref_squeeze %dma_wait3A_701 : memref<1x64xi32, #tpu.memory_space<vmem>> -> memref<64xi32, #tpu.memory_space<vmem>>
    %dma_wait3A_703 = arith.constant 0 : i32
    %dma_wait3A_704 = tpu.memref_slice %arg3[%add3A, %dma_wait3A_693, %dma_wait3A_703] : memref<32x160x64xi32, #tpu.memory_space<hbm>> -> memref<1x1x64xi32, #tpu.memory_space<hbm>>
    %dma_wait3A_705 = tpu.memref_squeeze %dma_wait3A_704 : memref<1x1x64xi32, #tpu.memory_space<hbm>> -> memref<64xi32, #tpu.memory_space<hbm>>
    tpu.wait_dma2 semaphore(%arg12 : memref<!tpu.dma_semaphore, #tpu.memory_space<semaphore_mem>>) src(%dma_wait3A_705 : memref<64xi32, #tpu.memory_space<hbm>>) dst(%dma_wait3A_702 : memref<64xi32, #tpu.memory_space<vmem>>)
    %dma_wait3A_706 = arith.constant 158 : i32
    %dma_wait3A_707 = arith.constant 0 : i32
    %dma_wait3A_708 = tpu.memref_slice %arg7[%rem3A_692, %dma_wait3A_707] : memref<8x64xi32, #tpu.memory_space<vmem>> -> memref<1x64xi32, #tpu.memory_space<vmem>>
    %dma_wait3A_709 = tpu.memref_squeeze %dma_wait3A_708 : memref<1x64xi32, #tpu.memory_space<vmem>> -> memref<64xi32, #tpu.memory_space<vmem>>
    %dma_wait3A_710 = arith.constant 0 : i32
    %dma_wait3A_711 = tpu.memref_slice %arg4[%add3A, %dma_wait3A_706, %dma_wait3A_710] : memref<32x160x64xi32, #tpu.memory_space<hbm>> -> memref<1x1x64xi32, #tpu.memory_space<hbm>>
    %dma_wait3A_712 = tpu.memref_squeeze %dma_wait3A_711 : memref<1x1x64xi32, #tpu.memory_space<hbm>> -> memref<64xi32, #tpu.memory_space<hbm>>
    %dma_wait3A_713 = arith.constant 0 : i32
    %dma_wait3A_714 = tpu.memref_slice %arg7[%rem3A_692, %dma_wait3A_713] : memref<8x64xi32, #tpu.memory_space<vmem>> -> memref<1x64xi32, #tpu.memory_space<vmem>>
    %dma_wait3A_715 = tpu.memref_squeeze %dma_wait3A_714 : memref<1x64xi32, #tpu.memory_space<vmem>> -> memref<64xi32, #tpu.memory_space<vmem>>
    %dma_wait3A_716 = arith.constant 0 : i32
    %dma_wait3A_717 = tpu.memref_slice %arg4[%add3A, %dma_wait3A_706, %dma_wait3A_716] : memref<32x160x64xi32, #tpu.memory_space<hbm>> -> memref<1x1x64xi32, #tpu.memory_space<hbm>>
    %dma_wait3A_718 = tpu.memref_squeeze %dma_wait3A_717 : memref<1x1x64xi32, #tpu.memory_space<hbm>> -> memref<64xi32, #tpu.memory_space<hbm>>
    tpu.wait_dma2 semaphore(%arg12 : memref<!tpu.dma_semaphore, #tpu.memory_space<semaphore_mem>>) src(%dma_wait3A_718 : memref<64xi32, #tpu.memory_space<hbm>>) dst(%dma_wait3A_715 : memref<64xi32, #tpu.memory_space<vmem>>)
    %rem3A_719 = arith.constant 158 : i32
    %rem3A_720 = arith.constant 8 : i32
    %rem3A_721 = arith.remsi %rem3A_719, %rem3A_720 : i32
    %rem3A_722 = arith.constant 158 : i32
    %rem3A_723 = arith.constant 5 : i32
    %rem3A_724 = arith.remsi %rem3A_722, %rem3A_723 : i32
    %dma_start3A_725 = arith.constant 0 : i32
    %dma_start3A_726 = arith.constant 0 : i32
    %dma_start3A_727 = tpu.memref_slice %arg8[%rem3A_724, %dma_start3A_725, %dma_start3A_726] : memref<5x64x128xf32, #tpu.memory_space<vmem>> -> memref<1x64x128xf32, #tpu.memory_space<vmem>>
    %dma_start3A_728 = tpu.memref_squeeze %dma_start3A_727 : memref<1x64x128xf32, #tpu.memory_space<vmem>> -> memref<64x128xf32, #tpu.memory_space<vmem>>
    %dma_start3A_729 = arith.constant 0 : i32
    %dma_start3A_730 = tpu.memref_slice %arg6[%rem3A_721, %dma_start3A_729] : memref<8x64xi32, #tpu.memory_space<vmem>> -> memref<1x64xi32, #tpu.memory_space<vmem>>
    %dma_start3A_731 = tpu.memref_squeeze %dma_start3A_730 : memref<1x64xi32, #tpu.memory_space<vmem>> -> memref<64xi32, #tpu.memory_space<vmem>>
    %dma_start3A_732 = arith.constant 0 : i32
    %dma_start3A_733 = arith.constant 0 : i32
    %dma_start3A_734 = tpu.memref_slice %arg2[%dma_start3A_732, %dma_start3A_733] : memref<10000x128xf32, #tpu.memory_space<hbm>> -> memref<10000x128xf32, #tpu.memory_space<hbm>>
    tpu.enqueue_indirect_dma source(%dma_start3A_734 : memref<10000x128xf32, #tpu.memory_space<hbm>>) target(%dma_start3A_728 : memref<64x128xf32, #tpu.memory_space<vmem>>) offsets(%dma_start3A_731 : memref<64xi32, #tpu.memory_space<vmem>>) semaphore(%arg10 : memref<!tpu.dma_semaphore, #tpu.memory_space<semaphore_mem>>)
    %rem3A_735 = arith.constant 155 : i32
    %rem3A_736 = arith.constant 8 : i32
    %rem3A_737 = arith.remsi %rem3A_735, %rem3A_736 : i32
    %rem3A_738 = arith.constant 155 : i32
    %rem3A_739 = arith.constant 5 : i32
    %rem3A_740 = arith.remsi %rem3A_738, %rem3A_739 : i32
    %dma_wait3A_741 = arith.constant 0 : i32
    %dma_wait3A_742 = arith.constant 0 : i32
    %dma_wait3A_743 = tpu.memref_slice %arg8[%rem3A_740, %dma_wait3A_741, %dma_wait3A_742] : memref<5x64x128xf32, #tpu.memory_space<vmem>> -> memref<1x64x128xf32, #tpu.memory_space<vmem>>
    %dma_wait3A_744 = tpu.memref_squeeze %dma_wait3A_743 : memref<1x64x128xf32, #tpu.memory_space<vmem>> -> memref<64x128xf32, #tpu.memory_space<vmem>>
    %dma_wait3A_745 = arith.constant 0 : i32
    %dma_wait3A_746 = tpu.memref_slice %arg6[%rem3A_737, %dma_wait3A_745] : memref<8x64xi32, #tpu.memory_space<vmem>> -> memref<1x64xi32, #tpu.memory_space<vmem>>
    %dma_wait3A_747 = tpu.memref_squeeze %dma_wait3A_746 : memref<1x64xi32, #tpu.memory_space<vmem>> -> memref<64xi32, #tpu.memory_space<vmem>>
    %dma_wait3A_748 = arith.constant 0 : i32
    %dma_wait3A_749 = arith.constant 0 : i32
    %dma_wait3A_750 = tpu.memref_slice %arg2[%dma_wait3A_748, %dma_wait3A_749] : memref<10000x128xf32, #tpu.memory_space<hbm>> -> memref<10000x128xf32, #tpu.memory_space<hbm>>
    tpu.wait_indirect_dma semaphore(%arg10 : memref<!tpu.dma_semaphore, #tpu.memory_space<semaphore_mem>>) src(%dma_wait3A_750 : memref<10000x128xf32, #tpu.memory_space<hbm>>) dst(%dma_wait3A_744 : memref<64x128xf32, #tpu.memory_space<vmem>>)
    %rem3A_751 = arith.constant 154 : i32
    %rem3A_752 = arith.constant 5 : i32
    %rem3A_753 = arith.remsi %rem3A_751, %rem3A_752 : i32
    %rem3A_754 = arith.constant 154 : i32
    %rem3A_755 = arith.constant 8 : i32
    %rem3A_756 = arith.remsi %rem3A_754, %rem3A_755 : i32
    %dma_wait3A_757 = arith.constant 0 : i32
    %dma_wait3A_758 = arith.constant 0 : i32
    %dma_wait3A_759 = tpu.memref_slice %arg8[%rem3A_753, %dma_wait3A_757, %dma_wait3A_758] : memref<5x64x128xf32, #tpu.memory_space<vmem>> -> memref<1x64x128xf32, #tpu.memory_space<vmem>>
    %dma_wait3A_760 = tpu.memref_squeeze %dma_wait3A_759 : memref<1x64x128xf32, #tpu.memory_space<vmem>> -> memref<64x128xf32, #tpu.memory_space<vmem>>
    %dma_wait3A_761 = arith.constant 0 : i32
    %dma_wait3A_762 = tpu.memref_slice %arg7[%rem3A_756, %dma_wait3A_761] : memref<8x64xi32, #tpu.memory_space<vmem>> -> memref<1x64xi32, #tpu.memory_space<vmem>>
    %dma_wait3A_763 = tpu.memref_squeeze %dma_wait3A_762 : memref<1x64xi32, #tpu.memory_space<vmem>> -> memref<64xi32, #tpu.memory_space<vmem>>
    %dma_wait3A_764 = arith.constant 0 : i32
    %dma_wait3A_765 = arith.constant 0 : i32
    %dma_wait3A_766 = tpu.memref_slice %arg9[%dma_wait3A_764, %dma_wait3A_765] : memref<10112x128xf32, #tpu.memory_space<vmem_shared>> -> memref<10112x128xf32, #tpu.memory_space<vmem_shared>>
    tpu.wait_indirect_dma semaphore(%arg11 : memref<!tpu.dma_semaphore, #tpu.memory_space<semaphore_mem>>) src(%dma_wait3A_760 : memref<64x128xf32, #tpu.memory_space<vmem>>) dst(%dma_wait3A_766 : memref<10112x128xf32, #tpu.memory_space<vmem_shared>>)
    %rem3A_767 = arith.constant 155 : i32
    %rem3A_768 = arith.constant 5 : i32
    %rem3A_769 = arith.remsi %rem3A_767, %rem3A_768 : i32
    %rem3A_770 = arith.constant 155 : i32
    %rem3A_771 = arith.constant 8 : i32
    %rem3A_772 = arith.remsi %rem3A_770, %rem3A_771 : i32
    %dma_start3A_773 = arith.constant 0 : i32
    %dma_start3A_774 = arith.constant 0 : i32
    %dma_start3A_775 = tpu.memref_slice %arg8[%rem3A_769, %dma_start3A_773, %dma_start3A_774] : memref<5x64x128xf32, #tpu.memory_space<vmem>> -> memref<1x64x128xf32, #tpu.memory_space<vmem>>
    %dma_start3A_776 = tpu.memref_squeeze %dma_start3A_775 : memref<1x64x128xf32, #tpu.memory_space<vmem>> -> memref<64x128xf32, #tpu.memory_space<vmem>>
    %dma_start3A_777 = arith.constant 0 : i32
    %dma_start3A_778 = tpu.memref_slice %arg7[%rem3A_772, %dma_start3A_777] : memref<8x64xi32, #tpu.memory_space<vmem>> -> memref<1x64xi32, #tpu.memory_space<vmem>>
    %dma_start3A_779 = tpu.memref_squeeze %dma_start3A_778 : memref<1x64xi32, #tpu.memory_space<vmem>> -> memref<64xi32, #tpu.memory_space<vmem>>
    %dma_start3A_780 = arith.constant 0 : i32
    %dma_start3A_781 = arith.constant 0 : i32
    %dma_start3A_782 = tpu.memref_slice %arg9[%dma_start3A_780, %dma_start3A_781] : memref<10112x128xf32, #tpu.memory_space<vmem_shared>> -> memref<10112x128xf32, #tpu.memory_space<vmem_shared>>
    tpu.enqueue_indirect_dma source(%dma_start3A_776 : memref<64x128xf32, #tpu.memory_space<vmem>>) target(%dma_start3A_782 : memref<10112x128xf32, #tpu.memory_space<vmem_shared>>) offsets(%dma_start3A_779 : memref<64xi32, #tpu.memory_space<vmem>>) semaphore(%arg11 : memref<!tpu.dma_semaphore, #tpu.memory_space<semaphore_mem>>) {add = true}
    %rem3A_783 = arith.constant 159 : i32
    %rem3A_784 = arith.constant 8 : i32
    %rem3A_785 = arith.remsi %rem3A_783, %rem3A_784 : i32
    %dma_wait3A_786 = arith.constant 159 : i32
    %dma_wait3A_787 = arith.constant 0 : i32
    %dma_wait3A_788 = tpu.memref_slice %arg6[%rem3A_785, %dma_wait3A_787] : memref<8x64xi32, #tpu.memory_space<vmem>> -> memref<1x64xi32, #tpu.memory_space<vmem>>
    %dma_wait3A_789 = tpu.memref_squeeze %dma_wait3A_788 : memref<1x64xi32, #tpu.memory_space<vmem>> -> memref<64xi32, #tpu.memory_space<vmem>>
    %dma_wait3A_790 = arith.constant 0 : i32
    %dma_wait3A_791 = tpu.memref_slice %arg3[%add3A, %dma_wait3A_786, %dma_wait3A_790] : memref<32x160x64xi32, #tpu.memory_space<hbm>> -> memref<1x1x64xi32, #tpu.memory_space<hbm>>
    %dma_wait3A_792 = tpu.memref_squeeze %dma_wait3A_791 : memref<1x1x64xi32, #tpu.memory_space<hbm>> -> memref<64xi32, #tpu.memory_space<hbm>>
    %dma_wait3A_793 = arith.constant 0 : i32
    %dma_wait3A_794 = tpu.memref_slice %arg6[%rem3A_785, %dma_wait3A_793] : memref<8x64xi32, #tpu.memory_space<vmem>> -> memref<1x64xi32, #tpu.memory_space<vmem>>
    %dma_wait3A_795 = tpu.memref_squeeze %dma_wait3A_794 : memref<1x64xi32, #tpu.memory_space<vmem>> -> memref<64xi32, #tpu.memory_space<vmem>>
    %dma_wait3A_796 = arith.constant 0 : i32
    %dma_wait3A_797 = tpu.memref_slice %arg3[%add3A, %dma_wait3A_786, %dma_wait3A_796] : memref<32x160x64xi32, #tpu.memory_space<hbm>> -> memref<1x1x64xi32, #tpu.memory_space<hbm>>
    %dma_wait3A_798 = tpu.memref_squeeze %dma_wait3A_797 : memref<1x1x64xi32, #tpu.memory_space<hbm>> -> memref<64xi32, #tpu.memory_space<hbm>>
    tpu.wait_dma2 semaphore(%arg12 : memref<!tpu.dma_semaphore, #tpu.memory_space<semaphore_mem>>) src(%dma_wait3A_798 : memref<64xi32, #tpu.memory_space<hbm>>) dst(%dma_wait3A_795 : memref<64xi32, #tpu.memory_space<vmem>>)
    %dma_wait3A_799 = arith.constant 159 : i32
    %dma_wait3A_800 = arith.constant 0 : i32
    %dma_wait3A_801 = tpu.memref_slice %arg7[%rem3A_785, %dma_wait3A_800] : memref<8x64xi32, #tpu.memory_space<vmem>> -> memref<1x64xi32, #tpu.memory_space<vmem>>
    %dma_wait3A_802 = tpu.memref_squeeze %dma_wait3A_801 : memref<1x64xi32, #tpu.memory_space<vmem>> -> memref<64xi32, #tpu.memory_space<vmem>>
    %dma_wait3A_803 = arith.constant 0 : i32
    %dma_wait3A_804 = tpu.memref_slice %arg4[%add3A, %dma_wait3A_799, %dma_wait3A_803] : memref<32x160x64xi32, #tpu.memory_space<hbm>> -> memref<1x1x64xi32, #tpu.memory_space<hbm>>
    %dma_wait3A_805 = tpu.memref_squeeze %dma_wait3A_804 : memref<1x1x64xi32, #tpu.memory_space<hbm>> -> memref<64xi32, #tpu.memory_space<hbm>>
    %dma_wait3A_806 = arith.constant 0 : i32
    %dma_wait3A_807 = tpu.memref_slice %arg7[%rem3A_785, %dma_wait3A_806] : memref<8x64xi32, #tpu.memory_space<vmem>> -> memref<1x64xi32, #tpu.memory_space<vmem>>
    %dma_wait3A_808 = tpu.memref_squeeze %dma_wait3A_807 : memref<1x64xi32, #tpu.memory_space<vmem>> -> memref<64xi32, #tpu.memory_space<vmem>>
    %dma_wait3A_809 = arith.constant 0 : i32
    %dma_wait3A_810 = tpu.memref_slice %arg4[%add3A, %dma_wait3A_799, %dma_wait3A_809] : memref<32x160x64xi32, #tpu.memory_space<hbm>> -> memref<1x1x64xi32, #tpu.memory_space<hbm>>
    %dma_wait3A_811 = tpu.memref_squeeze %dma_wait3A_810 : memref<1x1x64xi32, #tpu.memory_space<hbm>> -> memref<64xi32, #tpu.memory_space<hbm>>
    tpu.wait_dma2 semaphore(%arg12 : memref<!tpu.dma_semaphore, #tpu.memory_space<semaphore_mem>>) src(%dma_wait3A_811 : memref<64xi32, #tpu.memory_space<hbm>>) dst(%dma_wait3A_808 : memref<64xi32, #tpu.memory_space<vmem>>)
    %rem3A_812 = arith.constant 159 : i32
    %rem3A_813 = arith.constant 8 : i32
    %rem3A_814 = arith.remsi %rem3A_812, %rem3A_813 : i32
    %rem3A_815 = arith.constant 159 : i32
    %rem3A_816 = arith.constant 5 : i32
    %rem3A_817 = arith.remsi %rem3A_815, %rem3A_816 : i32
    %dma_start3A_818 = arith.constant 0 : i32
    %dma_start3A_819 = arith.constant 0 : i32
    %dma_start3A_820 = tpu.memref_slice %arg8[%rem3A_817, %dma_start3A_818, %dma_start3A_819] : memref<5x64x128xf32, #tpu.memory_space<vmem>> -> memref<1x64x128xf32, #tpu.memory_space<vmem>>
    %dma_start3A_821 = tpu.memref_squeeze %dma_start3A_820 : memref<1x64x128xf32, #tpu.memory_space<vmem>> -> memref<64x128xf32, #tpu.memory_space<vmem>>
    %dma_start3A_822 = arith.constant 0 : i32
    %dma_start3A_823 = tpu.memref_slice %arg6[%rem3A_814, %dma_start3A_822] : memref<8x64xi32, #tpu.memory_space<vmem>> -> memref<1x64xi32, #tpu.memory_space<vmem>>
    %dma_start3A_824 = tpu.memref_squeeze %dma_start3A_823 : memref<1x64xi32, #tpu.memory_space<vmem>> -> memref<64xi32, #tpu.memory_space<vmem>>
    %dma_start3A_825 = arith.constant 0 : i32
    %dma_start3A_826 = arith.constant 0 : i32
    %dma_start3A_827 = tpu.memref_slice %arg2[%dma_start3A_825, %dma_start3A_826] : memref<10000x128xf32, #tpu.memory_space<hbm>> -> memref<10000x128xf32, #tpu.memory_space<hbm>>
    tpu.enqueue_indirect_dma source(%dma_start3A_827 : memref<10000x128xf32, #tpu.memory_space<hbm>>) target(%dma_start3A_821 : memref<64x128xf32, #tpu.memory_space<vmem>>) offsets(%dma_start3A_824 : memref<64xi32, #tpu.memory_space<vmem>>) semaphore(%arg10 : memref<!tpu.dma_semaphore, #tpu.memory_space<semaphore_mem>>)
    %rem3A_828 = arith.constant 156 : i32
    %rem3A_829 = arith.constant 8 : i32
    %rem3A_830 = arith.remsi %rem3A_828, %rem3A_829 : i32
    %rem3A_831 = arith.constant 156 : i32
    %rem3A_832 = arith.constant 5 : i32
    %rem3A_833 = arith.remsi %rem3A_831, %rem3A_832 : i32
    %dma_wait3A_834 = arith.constant 0 : i32
    %dma_wait3A_835 = arith.constant 0 : i32
    %dma_wait3A_836 = tpu.memref_slice %arg8[%rem3A_833, %dma_wait3A_834, %dma_wait3A_835] : memref<5x64x128xf32, #tpu.memory_space<vmem>> -> memref<1x64x128xf32, #tpu.memory_space<vmem>>
    %dma_wait3A_837 = tpu.memref_squeeze %dma_wait3A_836 : memref<1x64x128xf32, #tpu.memory_space<vmem>> -> memref<64x128xf32, #tpu.memory_space<vmem>>
    %dma_wait3A_838 = arith.constant 0 : i32
    %dma_wait3A_839 = tpu.memref_slice %arg6[%rem3A_830, %dma_wait3A_838] : memref<8x64xi32, #tpu.memory_space<vmem>> -> memref<1x64xi32, #tpu.memory_space<vmem>>
    %dma_wait3A_840 = tpu.memref_squeeze %dma_wait3A_839 : memref<1x64xi32, #tpu.memory_space<vmem>> -> memref<64xi32, #tpu.memory_space<vmem>>
    %dma_wait3A_841 = arith.constant 0 : i32
    %dma_wait3A_842 = arith.constant 0 : i32
    %dma_wait3A_843 = tpu.memref_slice %arg2[%dma_wait3A_841, %dma_wait3A_842] : memref<10000x128xf32, #tpu.memory_space<hbm>> -> memref<10000x128xf32, #tpu.memory_space<hbm>>
    tpu.wait_indirect_dma semaphore(%arg10 : memref<!tpu.dma_semaphore, #tpu.memory_space<semaphore_mem>>) src(%dma_wait3A_843 : memref<10000x128xf32, #tpu.memory_space<hbm>>) dst(%dma_wait3A_837 : memref<64x128xf32, #tpu.memory_space<vmem>>)
    %rem3A_844 = arith.constant 155 : i32
    %rem3A_845 = arith.constant 5 : i32
    %rem3A_846 = arith.remsi %rem3A_844, %rem3A_845 : i32
    %rem3A_847 = arith.constant 155 : i32
    %rem3A_848 = arith.constant 8 : i32
    %rem3A_849 = arith.remsi %rem3A_847, %rem3A_848 : i32
    %dma_wait3A_850 = arith.constant 0 : i32
    %dma_wait3A_851 = arith.constant 0 : i32
    %dma_wait3A_852 = tpu.memref_slice %arg8[%rem3A_846, %dma_wait3A_850, %dma_wait3A_851] : memref<5x64x128xf32, #tpu.memory_space<vmem>> -> memref<1x64x128xf32, #tpu.memory_space<vmem>>
    %dma_wait3A_853 = tpu.memref_squeeze %dma_wait3A_852 : memref<1x64x128xf32, #tpu.memory_space<vmem>> -> memref<64x128xf32, #tpu.memory_space<vmem>>
    %dma_wait3A_854 = arith.constant 0 : i32
    %dma_wait3A_855 = tpu.memref_slice %arg7[%rem3A_849, %dma_wait3A_854] : memref<8x64xi32, #tpu.memory_space<vmem>> -> memref<1x64xi32, #tpu.memory_space<vmem>>
    %dma_wait3A_856 = tpu.memref_squeeze %dma_wait3A_855 : memref<1x64xi32, #tpu.memory_space<vmem>> -> memref<64xi32, #tpu.memory_space<vmem>>
    %dma_wait3A_857 = arith.constant 0 : i32
    %dma_wait3A_858 = arith.constant 0 : i32
    %dma_wait3A_859 = tpu.memref_slice %arg9[%dma_wait3A_857, %dma_wait3A_858] : memref<10112x128xf32, #tpu.memory_space<vmem_shared>> -> memref<10112x128xf32, #tpu.memory_space<vmem_shared>>
    tpu.wait_indirect_dma semaphore(%arg11 : memref<!tpu.dma_semaphore, #tpu.memory_space<semaphore_mem>>) src(%dma_wait3A_853 : memref<64x128xf32, #tpu.memory_space<vmem>>) dst(%dma_wait3A_859 : memref<10112x128xf32, #tpu.memory_space<vmem_shared>>)
    %rem3A_860 = arith.constant 156 : i32
    %rem3A_861 = arith.constant 5 : i32
    %rem3A_862 = arith.remsi %rem3A_860, %rem3A_861 : i32
    %rem3A_863 = arith.constant 156 : i32
    %rem3A_864 = arith.constant 8 : i32
    %rem3A_865 = arith.remsi %rem3A_863, %rem3A_864 : i32
    %dma_start3A_866 = arith.constant 0 : i32
    %dma_start3A_867 = arith.constant 0 : i32
    %dma_start3A_868 = tpu.memref_slice %arg8[%rem3A_862, %dma_start3A_866, %dma_start3A_867] : memref<5x64x128xf32, #tpu.memory_space<vmem>> -> memref<1x64x128xf32, #tpu.memory_space<vmem>>
    %dma_start3A_869 = tpu.memref_squeeze %dma_start3A_868 : memref<1x64x128xf32, #tpu.memory_space<vmem>> -> memref<64x128xf32, #tpu.memory_space<vmem>>
    %dma_start3A_870 = arith.constant 0 : i32
    %dma_start3A_871 = tpu.memref_slice %arg7[%rem3A_865, %dma_start3A_870] : memref<8x64xi32, #tpu.memory_space<vmem>> -> memref<1x64xi32, #tpu.memory_space<vmem>>
    %dma_start3A_872 = tpu.memref_squeeze %dma_start3A_871 : memref<1x64xi32, #tpu.memory_space<vmem>> -> memref<64xi32, #tpu.memory_space<vmem>>
    %dma_start3A_873 = arith.constant 0 : i32
    %dma_start3A_874 = arith.constant 0 : i32
    %dma_start3A_875 = tpu.memref_slice %arg9[%dma_start3A_873, %dma_start3A_874] : memref<10112x128xf32, #tpu.memory_space<vmem_shared>> -> memref<10112x128xf32, #tpu.memory_space<vmem_shared>>
    tpu.enqueue_indirect_dma source(%dma_start3A_869 : memref<64x128xf32, #tpu.memory_space<vmem>>) target(%dma_start3A_875 : memref<10112x128xf32, #tpu.memory_space<vmem_shared>>) offsets(%dma_start3A_872 : memref<64xi32, #tpu.memory_space<vmem>>) semaphore(%arg11 : memref<!tpu.dma_semaphore, #tpu.memory_space<semaphore_mem>>) {add = true}
    %rem3A_876 = arith.constant 157 : i32
    %rem3A_877 = arith.constant 8 : i32
    %rem3A_878 = arith.remsi %rem3A_876, %rem3A_877 : i32
    %rem3A_879 = arith.constant 157 : i32
    %rem3A_880 = arith.constant 5 : i32
    %rem3A_881 = arith.remsi %rem3A_879, %rem3A_880 : i32
    %dma_wait3A_882 = arith.constant 0 : i32
    %dma_wait3A_883 = arith.constant 0 : i32
    %dma_wait3A_884 = tpu.memref_slice %arg8[%rem3A_881, %dma_wait3A_882, %dma_wait3A_883] : memref<5x64x128xf32, #tpu.memory_space<vmem>> -> memref<1x64x128xf32, #tpu.memory_space<vmem>>
    %dma_wait3A_885 = tpu.memref_squeeze %dma_wait3A_884 : memref<1x64x128xf32, #tpu.memory_space<vmem>> -> memref<64x128xf32, #tpu.memory_space<vmem>>
    %dma_wait3A_886 = arith.constant 0 : i32
    %dma_wait3A_887 = tpu.memref_slice %arg6[%rem3A_878, %dma_wait3A_886] : memref<8x64xi32, #tpu.memory_space<vmem>> -> memref<1x64xi32, #tpu.memory_space<vmem>>
    %dma_wait3A_888 = tpu.memref_squeeze %dma_wait3A_887 : memref<1x64xi32, #tpu.memory_space<vmem>> -> memref<64xi32, #tpu.memory_space<vmem>>
    %dma_wait3A_889 = arith.constant 0 : i32
    %dma_wait3A_890 = arith.constant 0 : i32
    %dma_wait3A_891 = tpu.memref_slice %arg2[%dma_wait3A_889, %dma_wait3A_890] : memref<10000x128xf32, #tpu.memory_space<hbm>> -> memref<10000x128xf32, #tpu.memory_space<hbm>>
    tpu.wait_indirect_dma semaphore(%arg10 : memref<!tpu.dma_semaphore, #tpu.memory_space<semaphore_mem>>) src(%dma_wait3A_891 : memref<10000x128xf32, #tpu.memory_space<hbm>>) dst(%dma_wait3A_885 : memref<64x128xf32, #tpu.memory_space<vmem>>)
    %rem3A_892 = arith.constant 156 : i32
    %rem3A_893 = arith.constant 5 : i32
    %rem3A_894 = arith.remsi %rem3A_892, %rem3A_893 : i32
    %rem3A_895 = arith.constant 156 : i32
    %rem3A_896 = arith.constant 8 : i32
    %rem3A_897 = arith.remsi %rem3A_895, %rem3A_896 : i32
    %dma_wait3A_898 = arith.constant 0 : i32
    %dma_wait3A_899 = arith.constant 0 : i32
    %dma_wait3A_900 = tpu.memref_slice %arg8[%rem3A_894, %dma_wait3A_898, %dma_wait3A_899] : memref<5x64x128xf32, #tpu.memory_space<vmem>> -> memref<1x64x128xf32, #tpu.memory_space<vmem>>
    %dma_wait3A_901 = tpu.memref_squeeze %dma_wait3A_900 : memref<1x64x128xf32, #tpu.memory_space<vmem>> -> memref<64x128xf32, #tpu.memory_space<vmem>>
    %dma_wait3A_902 = arith.constant 0 : i32
    %dma_wait3A_903 = tpu.memref_slice %arg7[%rem3A_897, %dma_wait3A_902] : memref<8x64xi32, #tpu.memory_space<vmem>> -> memref<1x64xi32, #tpu.memory_space<vmem>>
    %dma_wait3A_904 = tpu.memref_squeeze %dma_wait3A_903 : memref<1x64xi32, #tpu.memory_space<vmem>> -> memref<64xi32, #tpu.memory_space<vmem>>
    %dma_wait3A_905 = arith.constant 0 : i32
    %dma_wait3A_906 = arith.constant 0 : i32
    %dma_wait3A_907 = tpu.memref_slice %arg9[%dma_wait3A_905, %dma_wait3A_906] : memref<10112x128xf32, #tpu.memory_space<vmem_shared>> -> memref<10112x128xf32, #tpu.memory_space<vmem_shared>>
    tpu.wait_indirect_dma semaphore(%arg11 : memref<!tpu.dma_semaphore, #tpu.memory_space<semaphore_mem>>) src(%dma_wait3A_901 : memref<64x128xf32, #tpu.memory_space<vmem>>) dst(%dma_wait3A_907 : memref<10112x128xf32, #tpu.memory_space<vmem_shared>>)
    %rem3A_908 = arith.constant 157 : i32
    %rem3A_909 = arith.constant 5 : i32
    %rem3A_910 = arith.remsi %rem3A_908, %rem3A_909 : i32
    %rem3A_911 = arith.constant 157 : i32
    %rem3A_912 = arith.constant 8 : i32
    %rem3A_913 = arith.remsi %rem3A_911, %rem3A_912 : i32
    %dma_start3A_914 = arith.constant 0 : i32
    %dma_start3A_915 = arith.constant 0 : i32
    %dma_start3A_916 = tpu.memref_slice %arg8[%rem3A_910, %dma_start3A_914, %dma_start3A_915] : memref<5x64x128xf32, #tpu.memory_space<vmem>> -> memref<1x64x128xf32, #tpu.memory_space<vmem>>
    %dma_start3A_917 = tpu.memref_squeeze %dma_start3A_916 : memref<1x64x128xf32, #tpu.memory_space<vmem>> -> memref<64x128xf32, #tpu.memory_space<vmem>>
    %dma_start3A_918 = arith.constant 0 : i32
    %dma_start3A_919 = tpu.memref_slice %arg7[%rem3A_913, %dma_start3A_918] : memref<8x64xi32, #tpu.memory_space<vmem>> -> memref<1x64xi32, #tpu.memory_space<vmem>>
    %dma_start3A_920 = tpu.memref_squeeze %dma_start3A_919 : memref<1x64xi32, #tpu.memory_space<vmem>> -> memref<64xi32, #tpu.memory_space<vmem>>
    %dma_start3A_921 = arith.constant 0 : i32
    %dma_start3A_922 = arith.constant 0 : i32
    %dma_start3A_923 = tpu.memref_slice %arg9[%dma_start3A_921, %dma_start3A_922] : memref<10112x128xf32, #tpu.memory_space<vmem_shared>> -> memref<10112x128xf32, #tpu.memory_space<vmem_shared>>
    tpu.enqueue_indirect_dma source(%dma_start3A_917 : memref<64x128xf32, #tpu.memory_space<vmem>>) target(%dma_start3A_923 : memref<10112x128xf32, #tpu.memory_space<vmem_shared>>) offsets(%dma_start3A_920 : memref<64xi32, #tpu.memory_space<vmem>>) semaphore(%arg11 : memref<!tpu.dma_semaphore, #tpu.memory_space<semaphore_mem>>) {add = true}
    %rem3A_924 = arith.constant 158 : i32
    %rem3A_925 = arith.constant 8 : i32
    %rem3A_926 = arith.remsi %rem3A_924, %rem3A_925 : i32
    %rem3A_927 = arith.constant 158 : i32
    %rem3A_928 = arith.constant 5 : i32
    %rem3A_929 = arith.remsi %rem3A_927, %rem3A_928 : i32
    %dma_wait3A_930 = arith.constant 0 : i32
    %dma_wait3A_931 = arith.constant 0 : i32
    %dma_wait3A_932 = tpu.memref_slice %arg8[%rem3A_929, %dma_wait3A_930, %dma_wait3A_931] : memref<5x64x128xf32, #tpu.memory_space<vmem>> -> memref<1x64x128xf32, #tpu.memory_space<vmem>>
    %dma_wait3A_933 = tpu.memref_squeeze %dma_wait3A_932 : memref<1x64x128xf32, #tpu.memory_space<vmem>> -> memref<64x128xf32, #tpu.memory_space<vmem>>
    %dma_wait3A_934 = arith.constant 0 : i32
    %dma_wait3A_935 = tpu.memref_slice %arg6[%rem3A_926, %dma_wait3A_934] : memref<8x64xi32, #tpu.memory_space<vmem>> -> memref<1x64xi32, #tpu.memory_space<vmem>>
    %dma_wait3A_936 = tpu.memref_squeeze %dma_wait3A_935 : memref<1x64xi32, #tpu.memory_space<vmem>> -> memref<64xi32, #tpu.memory_space<vmem>>
    %dma_wait3A_937 = arith.constant 0 : i32
    %dma_wait3A_938 = arith.constant 0 : i32
    %dma_wait3A_939 = tpu.memref_slice %arg2[%dma_wait3A_937, %dma_wait3A_938] : memref<10000x128xf32, #tpu.memory_space<hbm>> -> memref<10000x128xf32, #tpu.memory_space<hbm>>
    tpu.wait_indirect_dma semaphore(%arg10 : memref<!tpu.dma_semaphore, #tpu.memory_space<semaphore_mem>>) src(%dma_wait3A_939 : memref<10000x128xf32, #tpu.memory_space<hbm>>) dst(%dma_wait3A_933 : memref<64x128xf32, #tpu.memory_space<vmem>>)
    %rem3A_940 = arith.constant 157 : i32
    %rem3A_941 = arith.constant 5 : i32
    %rem3A_942 = arith.remsi %rem3A_940, %rem3A_941 : i32
    %rem3A_943 = arith.constant 157 : i32
    %rem3A_944 = arith.constant 8 : i32
    %rem3A_945 = arith.remsi %rem3A_943, %rem3A_944 : i32
    %dma_wait3A_946 = arith.constant 0 : i32
    %dma_wait3A_947 = arith.constant 0 : i32
    %dma_wait3A_948 = tpu.memref_slice %arg8[%rem3A_942, %dma_wait3A_946, %dma_wait3A_947] : memref<5x64x128xf32, #tpu.memory_space<vmem>> -> memref<1x64x128xf32, #tpu.memory_space<vmem>>
    %dma_wait3A_949 = tpu.memref_squeeze %dma_wait3A_948 : memref<1x64x128xf32, #tpu.memory_space<vmem>> -> memref<64x128xf32, #tpu.memory_space<vmem>>
    %dma_wait3A_950 = arith.constant 0 : i32
    %dma_wait3A_951 = tpu.memref_slice %arg7[%rem3A_945, %dma_wait3A_950] : memref<8x64xi32, #tpu.memory_space<vmem>> -> memref<1x64xi32, #tpu.memory_space<vmem>>
    %dma_wait3A_952 = tpu.memref_squeeze %dma_wait3A_951 : memref<1x64xi32, #tpu.memory_space<vmem>> -> memref<64xi32, #tpu.memory_space<vmem>>
    %dma_wait3A_953 = arith.constant 0 : i32
    %dma_wait3A_954 = arith.constant 0 : i32
    %dma_wait3A_955 = tpu.memref_slice %arg9[%dma_wait3A_953, %dma_wait3A_954] : memref<10112x128xf32, #tpu.memory_space<vmem_shared>> -> memref<10112x128xf32, #tpu.memory_space<vmem_shared>>
    tpu.wait_indirect_dma semaphore(%arg11 : memref<!tpu.dma_semaphore, #tpu.memory_space<semaphore_mem>>) src(%dma_wait3A_949 : memref<64x128xf32, #tpu.memory_space<vmem>>) dst(%dma_wait3A_955 : memref<10112x128xf32, #tpu.memory_space<vmem_shared>>)
    %rem3A_956 = arith.constant 158 : i32
    %rem3A_957 = arith.constant 5 : i32
    %rem3A_958 = arith.remsi %rem3A_956, %rem3A_957 : i32
    %rem3A_959 = arith.constant 158 : i32
    %rem3A_960 = arith.constant 8 : i32
    %rem3A_961 = arith.remsi %rem3A_959, %rem3A_960 : i32
    %dma_start3A_962 = arith.constant 0 : i32
    %dma_start3A_963 = arith.constant 0 : i32
    %dma_start3A_964 = tpu.memref_slice %arg8[%rem3A_958, %dma_start3A_962, %dma_start3A_963] : memref<5x64x128xf32, #tpu.memory_space<vmem>> -> memref<1x64x128xf32, #tpu.memory_space<vmem>>
    %dma_start3A_965 = tpu.memref_squeeze %dma_start3A_964 : memref<1x64x128xf32, #tpu.memory_space<vmem>> -> memref<64x128xf32, #tpu.memory_space<vmem>>
    %dma_start3A_966 = arith.constant 0 : i32
    %dma_start3A_967 = tpu.memref_slice %arg7[%rem3A_961, %dma_start3A_966] : memref<8x64xi32, #tpu.memory_space<vmem>> -> memref<1x64xi32, #tpu.memory_space<vmem>>
    %dma_start3A_968 = tpu.memref_squeeze %dma_start3A_967 : memref<1x64xi32, #tpu.memory_space<vmem>> -> memref<64xi32, #tpu.memory_space<vmem>>
    %dma_start3A_969 = arith.constant 0 : i32
    %dma_start3A_970 = arith.constant 0 : i32
    %dma_start3A_971 = tpu.memref_slice %arg9[%dma_start3A_969, %dma_start3A_970] : memref<10112x128xf32, #tpu.memory_space<vmem_shared>> -> memref<10112x128xf32, #tpu.memory_space<vmem_shared>>
    tpu.enqueue_indirect_dma source(%dma_start3A_965 : memref<64x128xf32, #tpu.memory_space<vmem>>) target(%dma_start3A_971 : memref<10112x128xf32, #tpu.memory_space<vmem_shared>>) offsets(%dma_start3A_968 : memref<64xi32, #tpu.memory_space<vmem>>) semaphore(%arg11 : memref<!tpu.dma_semaphore, #tpu.memory_space<semaphore_mem>>) {add = true}
    %rem3A_972 = arith.constant 159 : i32
    %rem3A_973 = arith.constant 8 : i32
    %rem3A_974 = arith.remsi %rem3A_972, %rem3A_973 : i32
    %rem3A_975 = arith.constant 159 : i32
    %rem3A_976 = arith.constant 5 : i32
    %rem3A_977 = arith.remsi %rem3A_975, %rem3A_976 : i32
    %dma_wait3A_978 = arith.constant 0 : i32
    %dma_wait3A_979 = arith.constant 0 : i32
    %dma_wait3A_980 = tpu.memref_slice %arg8[%rem3A_977, %dma_wait3A_978, %dma_wait3A_979] : memref<5x64x128xf32, #tpu.memory_space<vmem>> -> memref<1x64x128xf32, #tpu.memory_space<vmem>>
    %dma_wait3A_981 = tpu.memref_squeeze %dma_wait3A_980 : memref<1x64x128xf32, #tpu.memory_space<vmem>> -> memref<64x128xf32, #tpu.memory_space<vmem>>
    %dma_wait3A_982 = arith.constant 0 : i32
    %dma_wait3A_983 = tpu.memref_slice %arg6[%rem3A_974, %dma_wait3A_982] : memref<8x64xi32, #tpu.memory_space<vmem>> -> memref<1x64xi32, #tpu.memory_space<vmem>>
    %dma_wait3A_984 = tpu.memref_squeeze %dma_wait3A_983 : memref<1x64xi32, #tpu.memory_space<vmem>> -> memref<64xi32, #tpu.memory_space<vmem>>
    %dma_wait3A_985 = arith.constant 0 : i32
    %dma_wait3A_986 = arith.constant 0 : i32
    %dma_wait3A_987 = tpu.memref_slice %arg2[%dma_wait3A_985, %dma_wait3A_986] : memref<10000x128xf32, #tpu.memory_space<hbm>> -> memref<10000x128xf32, #tpu.memory_space<hbm>>
    tpu.wait_indirect_dma semaphore(%arg10 : memref<!tpu.dma_semaphore, #tpu.memory_space<semaphore_mem>>) src(%dma_wait3A_987 : memref<10000x128xf32, #tpu.memory_space<hbm>>) dst(%dma_wait3A_981 : memref<64x128xf32, #tpu.memory_space<vmem>>)
    %rem3A_988 = arith.constant 158 : i32
    %rem3A_989 = arith.constant 5 : i32
    %rem3A_990 = arith.remsi %rem3A_988, %rem3A_989 : i32
    %rem3A_991 = arith.constant 158 : i32
    %rem3A_992 = arith.constant 8 : i32
    %rem3A_993 = arith.remsi %rem3A_991, %rem3A_992 : i32
    %dma_wait3A_994 = arith.constant 0 : i32
    %dma_wait3A_995 = arith.constant 0 : i32
    %dma_wait3A_996 = tpu.memref_slice %arg8[%rem3A_990, %dma_wait3A_994, %dma_wait3A_995] : memref<5x64x128xf32, #tpu.memory_space<vmem>> -> memref<1x64x128xf32, #tpu.memory_space<vmem>>
    %dma_wait3A_997 = tpu.memref_squeeze %dma_wait3A_996 : memref<1x64x128xf32, #tpu.memory_space<vmem>> -> memref<64x128xf32, #tpu.memory_space<vmem>>
    %dma_wait3A_998 = arith.constant 0 : i32
    %dma_wait3A_999 = tpu.memref_slice %arg7[%rem3A_993, %dma_wait3A_998] : memref<8x64xi32, #tpu.memory_space<vmem>> -> memref<1x64xi32, #tpu.memory_space<vmem>>
    %dma_wait3A_1000 = tpu.memref_squeeze %dma_wait3A_999 : memref<1x64xi32, #tpu.memory_space<vmem>> -> memref<64xi32, #tpu.memory_space<vmem>>
    %dma_wait3A_1001 = arith.constant 0 : i32
    %dma_wait3A_1002 = arith.constant 0 : i32
    %dma_wait3A_1003 = tpu.memref_slice %arg9[%dma_wait3A_1001, %dma_wait3A_1002] : memref<10112x128xf32, #tpu.memory_space<vmem_shared>> -> memref<10112x128xf32, #tpu.memory_space<vmem_shared>>
    tpu.wait_indirect_dma semaphore(%arg11 : memref<!tpu.dma_semaphore, #tpu.memory_space<semaphore_mem>>) src(%dma_wait3A_997 : memref<64x128xf32, #tpu.memory_space<vmem>>) dst(%dma_wait3A_1003 : memref<10112x128xf32, #tpu.memory_space<vmem_shared>>)
    %rem3A_1004 = arith.constant 159 : i32
    %rem3A_1005 = arith.constant 5 : i32
    %rem3A_1006 = arith.remsi %rem3A_1004, %rem3A_1005 : i32
    %rem3A_1007 = arith.constant 159 : i32
    %rem3A_1008 = arith.constant 8 : i32
    %rem3A_1009 = arith.remsi %rem3A_1007, %rem3A_1008 : i32
    %dma_start3A_1010 = arith.constant 0 : i32
    %dma_start3A_1011 = arith.constant 0 : i32
    %dma_start3A_1012 = tpu.memref_slice %arg8[%rem3A_1006, %dma_start3A_1010, %dma_start3A_1011] : memref<5x64x128xf32, #tpu.memory_space<vmem>> -> memref<1x64x128xf32, #tpu.memory_space<vmem>>
    %dma_start3A_1013 = tpu.memref_squeeze %dma_start3A_1012 : memref<1x64x128xf32, #tpu.memory_space<vmem>> -> memref<64x128xf32, #tpu.memory_space<vmem>>
    %dma_start3A_1014 = arith.constant 0 : i32
    %dma_start3A_1015 = tpu.memref_slice %arg7[%rem3A_1009, %dma_start3A_1014] : memref<8x64xi32, #tpu.memory_space<vmem>> -> memref<1x64xi32, #tpu.memory_space<vmem>>
    %dma_start3A_1016 = tpu.memref_squeeze %dma_start3A_1015 : memref<1x64xi32, #tpu.memory_space<vmem>> -> memref<64xi32, #tpu.memory_space<vmem>>
    %dma_start3A_1017 = arith.constant 0 : i32
    %dma_start3A_1018 = arith.constant 0 : i32
    %dma_start3A_1019 = tpu.memref_slice %arg9[%dma_start3A_1017, %dma_start3A_1018] : memref<10112x128xf32, #tpu.memory_space<vmem_shared>> -> memref<10112x128xf32, #tpu.memory_space<vmem_shared>>
    tpu.enqueue_indirect_dma source(%dma_start3A_1013 : memref<64x128xf32, #tpu.memory_space<vmem>>) target(%dma_start3A_1019 : memref<10112x128xf32, #tpu.memory_space<vmem_shared>>) offsets(%dma_start3A_1016 : memref<64xi32, #tpu.memory_space<vmem>>) semaphore(%arg11 : memref<!tpu.dma_semaphore, #tpu.memory_space<semaphore_mem>>) {add = true}
    %rem3A_1020 = arith.constant 159 : i32
    %rem3A_1021 = arith.constant 5 : i32
    %rem3A_1022 = arith.remsi %rem3A_1020, %rem3A_1021 : i32
    %rem3A_1023 = arith.constant 159 : i32
    %rem3A_1024 = arith.constant 8 : i32
    %rem3A_1025 = arith.remsi %rem3A_1023, %rem3A_1024 : i32
    %dma_wait3A_1026 = arith.constant 0 : i32
    %dma_wait3A_1027 = arith.constant 0 : i32
    %dma_wait3A_1028 = tpu.memref_slice %arg8[%rem3A_1022, %dma_wait3A_1026, %dma_wait3A_1027] : memref<5x64x128xf32, #tpu.memory_space<vmem>> -> memref<1x64x128xf32, #tpu.memory_space<vmem>>
    %dma_wait3A_1029 = tpu.memref_squeeze %dma_wait3A_1028 : memref<1x64x128xf32, #tpu.memory_space<vmem>> -> memref<64x128xf32, #tpu.memory_space<vmem>>
    %dma_wait3A_1030 = arith.constant 0 : i32
    %dma_wait3A_1031 = tpu.memref_slice %arg7[%rem3A_1025, %dma_wait3A_1030] : memref<8x64xi32, #tpu.memory_space<vmem>> -> memref<1x64xi32, #tpu.memory_space<vmem>>
    %dma_wait3A_1032 = tpu.memref_squeeze %dma_wait3A_1031 : memref<1x64xi32, #tpu.memory_space<vmem>> -> memref<64xi32, #tpu.memory_space<vmem>>
    %dma_wait3A_1033 = arith.constant 0 : i32
    %dma_wait3A_1034 = arith.constant 0 : i32
    %dma_wait3A_1035 = tpu.memref_slice %arg9[%dma_wait3A_1033, %dma_wait3A_1034] : memref<10112x128xf32, #tpu.memory_space<vmem_shared>> -> memref<10112x128xf32, #tpu.memory_space<vmem_shared>>
    tpu.wait_indirect_dma semaphore(%arg11 : memref<!tpu.dma_semaphore, #tpu.memory_space<semaphore_mem>>) src(%dma_wait3A_1029 : memref<64x128xf32, #tpu.memory_space<vmem>>) dst(%dma_wait3A_1035 : memref<10112x128xf32, #tpu.memory_space<vmem_shared>>)
    %barrier3A_1036 = arith.constant 0 : index
    tpu.barrier barrier_id(%barrier3A_1036)
    %mul3A_1037 = arith.constant 632 : i32
    %mul3A_1038 = arith.muli %arg1, %mul3A_1037 : i32
    %mul3A_1039 = arith.constant 632 : i32
    %mul3A_1040 = arith.muli %arg1, %mul3A_1039 : i32
    "tpu.region"() ({
      %run_scoped3A_1041 = tpu.sem_alloc : memref<!tpu.dma_semaphore, #tpu.memory_space<semaphore_mem>>
      %dma_start3A_1042 = arith.constant 0 : i32
      %dma_start3A_1043 = tpu.memref_slice %arg5[%arg0, %mul3A_1040, %dma_start3A_1042] : memref<2x10112x128xf32, #tpu.memory_space<hbm>> -> memref<1x632x128xf32, #tpu.memory_space<hbm>>
      %dma_start3A_1044 = tpu.memref_squeeze %dma_start3A_1043 : memref<1x632x128xf32, #tpu.memory_space<hbm>> -> memref<632x128xf32, #tpu.memory_space<hbm>>
      %dma_start3A_1045 = arith.constant 0 : i32
      %dma_start3A_1046 = tpu.memref_slice %arg9[%mul3A_1038, %dma_start3A_1045] : memref<10112x128xf32, #tpu.memory_space<vmem_shared>> -> memref<632x128xf32, #tpu.memory_space<vmem_shared>>
      tpu.enqueue_dma source(%dma_start3A_1046 : memref<632x128xf32, #tpu.memory_space<vmem_shared>>) target(%dma_start3A_1044 : memref<632x128xf32, #tpu.memory_space<hbm>>) target_semaphore(%run_scoped3A_1041 : memref<!tpu.dma_semaphore, #tpu.memory_space<semaphore_mem>>)
      %dma_wait3A_1047 = arith.constant 0 : i32
      %dma_wait3A_1048 = tpu.memref_slice %arg5[%arg0, %mul3A_1040, %dma_wait3A_1047] : memref<2x10112x128xf32, #tpu.memory_space<hbm>> -> memref<1x632x128xf32, #tpu.memory_space<hbm>>
      %dma_wait3A_1049 = tpu.memref_squeeze %dma_wait3A_1048 : memref<1x632x128xf32, #tpu.memory_space<hbm>> -> memref<632x128xf32, #tpu.memory_space<hbm>>
      %dma_wait3A_1050 = arith.constant 0 : i32
      %dma_wait3A_1051 = tpu.memref_slice %arg9[%mul3A_1038, %dma_wait3A_1050] : memref<10112x128xf32, #tpu.memory_space<vmem_shared>> -> memref<632x128xf32, #tpu.memory_space<vmem_shared>>
      tpu.wait_dma2 semaphore(%run_scoped3A_1041 : memref<!tpu.dma_semaphore, #tpu.memory_space<semaphore_mem>>) src(%dma_wait3A_1051 : memref<632x128xf32, #tpu.memory_space<vmem_shared>>) dst(%dma_wait3A_1049 : memref<632x128xf32, #tpu.memory_space<hbm>>)
      tpu.yield
    }) : () -> ()
    return
  }
}

#map = affine_map<(d0, d1) -> (0, 0)>
#map1 = affine_map<(d0, d1) -> (0, 0, 0)>
module attributes {stable_mosaic.version = 14 : i64} {
  func.func @_sc_agg_body(%arg0: i32, %arg1: i32, %arg2: memref<10000x128xf32, #tpu.memory_space<hbm>>, %arg3: memref<32x160x64xi32, #tpu.memory_space<hbm>>, %arg4: memref<32x160x64xi32, #tpu.memory_space<hbm>>, %arg5: memref<2x10112x128xf32, #tpu.memory_space<hbm>>, %arg6: memref<8x64xi32, #tpu.memory_space<vmem>>, %arg7: memref<8x64xi32, #tpu.memory_space<vmem>>, %arg8: memref<5x64x128xf32, #tpu.memory_space<vmem>>, %arg9: memref<10112x128xf32, #tpu.memory_space<vmem_shared>>, %arg10: memref<!tpu.dma_semaphore, #tpu.memory_space<semaphore_mem>>, %arg11: memref<!tpu.dma_semaphore, #tpu.memory_space<semaphore_mem>>, %arg12: memref<!tpu.dma_semaphore, #tpu.memory_space<semaphore_mem>>) attributes {dimension_semantics = [#tpu.dimension_semantics<core_parallel>, #tpu.dimension_semantics<subcore_parallel>], iteration_bounds = array<i64: 2, 16>, scalar_prefetch = 0 : i64, scratch_operands = 7 : i64, tpu.core_type = #tpu.core_type<sc_vector_subcore>, window_params = [{transform_indices = #map}, {transform_indices = #map1}, {transform_indices = #map1}, {transform_indices = #map1}]} {
    %mul3A = arith.constant 16 : i32
    %mul3A_0 = arith.muli %arg0, %mul3A : i32
    %add3A = arith.addi %mul3A_0, %arg1 : i32
    %scan3A = arith.constant 0 : i32
    %scan3A_1 = arith.constant 0 : i32
    %scan3A_2 = arith.constant 64 : i32
    %scan3A_3 = arith.addi %scan3A_1, %scan3A_2 : i32
    %scan3A_4 = arith.constant 1 : i32
    %scan3A_5 = scf.for %scan3A_1041 = %scan3A_1 to %scan3A_3 step %scan3A_4 iter_args(%scan3A_1042 = %scan3A) -> (i32)  : i32 {
      %broadcast_in_dim3A = arith.constant 0.000000e+00 : f32
      %broadcast_in_dim3A_1043 = vector.broadcast %broadcast_in_dim3A : f32 to vector<16xf32>
      %swap3A = arith.constant 0 : i32
      %swap3A_1044 = arith.index_cast %swap3A : i32 to index
      %swap3A_1045 = arith.index_cast %scan3A_1041 : i32 to index
      %swap3A_1046 = arith.constant 0 : index
      %swap3A_1047 = tpu.vector_load %arg8[%swap3A_1044, %swap3A_1045, %swap3A_1046] {strides = array<i32>} : memref<5x64x128xf32, #tpu.memory_space<vmem>>, vector<1x1x16xf32>,
      %swap3A_1048 = vector.shape_cast %swap3A_1047 : vector<1x1x16xf32> to vector<16xf32>
      %swap3A_1049 = vector.shape_cast %broadcast_in_dim3A_1043 : vector<16xf32> to vector<1x1x16xf32>
      tpu.vector_store %arg8[%swap3A_1044, %swap3A_1045, %swap3A_1046], %swap3A_1049 {strides = array<i32>} : memref<5x64x128xf32, #tpu.memory_space<vmem>>, vector<1x1x16xf32>,
      %broadcast_in_dim3A_1050 = arith.constant 0.000000e+00 : f32
      %broadcast_in_dim3A_1051 = vector.broadcast %broadcast_in_dim3A_1050 : f32 to vector<16xf32>
      %swap3A_1052 = arith.constant 0 : i32
      %swap3A_1053 = arith.index_cast %swap3A_1052 : i32 to index
      %swap3A_1054 = arith.index_cast %scan3A_1041 : i32 to index
      %swap3A_1055 = arith.constant 16 : index
      %swap3A_1056 = tpu.vector_load %arg8[%swap3A_1053, %swap3A_1054, %swap3A_1055] {strides = array<i32>} : memref<5x64x128xf32, #tpu.memory_space<vmem>>, vector<1x1x16xf32>,
      %swap3A_1057 = vector.shape_cast %swap3A_1056 : vector<1x1x16xf32> to vector<16xf32>
      %swap3A_1058 = vector.shape_cast %broadcast_in_dim3A_1051 : vector<16xf32> to vector<1x1x16xf32>
      tpu.vector_store %arg8[%swap3A_1053, %swap3A_1054, %swap3A_1055], %swap3A_1058 {strides = array<i32>} : memref<5x64x128xf32, #tpu.memory_space<vmem>>, vector<1x1x16xf32>,
      %broadcast_in_dim3A_1059 = arith.constant 0.000000e+00 : f32
      %broadcast_in_dim3A_1060 = vector.broadcast %broadcast_in_dim3A_1059 : f32 to vector<16xf32>
      %swap3A_1061 = arith.constant 0 : i32
      %swap3A_1062 = arith.index_cast %swap3A_1061 : i32 to index
      %swap3A_1063 = arith.index_cast %scan3A_1041 : i32 to index
      %swap3A_1064 = arith.constant 32 : index
      %swap3A_1065 = tpu.vector_load %arg8[%swap3A_1062, %swap3A_1063, %swap3A_1064] {strides = array<i32>} : memref<5x64x128xf32, #tpu.memory_space<vmem>>, vector<1x1x16xf32>,
      %swap3A_1066 = vector.shape_cast %swap3A_1065 : vector<1x1x16xf32> to vector<16xf32>
      %swap3A_1067 = vector.shape_cast %broadcast_in_dim3A_1060 : vector<16xf32> to vector<1x1x16xf32>
      tpu.vector_store %arg8[%swap3A_1062, %swap3A_1063, %swap3A_1064], %swap3A_1067 {strides = array<i32>} : memref<5x64x128xf32, #tpu.memory_space<vmem>>, vector<1x1x16xf32>,
      %broadcast_in_dim3A_1068 = arith.constant 0.000000e+00 : f32
      %broadcast_in_dim3A_1069 = vector.broadcast %broadcast_in_dim3A_1068 : f32 to vector<16xf32>
      %swap3A_1070 = arith.constant 0 : i32
      %swap3A_1071 = arith.index_cast %swap3A_1070 : i32 to index
      %swap3A_1072 = arith.index_cast %scan3A_1041 : i32 to index
      %swap3A_1073 = arith.constant 48 : index
      %swap3A_1074 = tpu.vector_load %arg8[%swap3A_1071, %swap3A_1072, %swap3A_1073] {strides = array<i32>} : memref<5x64x128xf32, #tpu.memory_space<vmem>>, vector<1x1x16xf32>,
      %swap3A_1075 = vector.shape_cast %swap3A_1074 : vector<1x1x16xf32> to vector<16xf32>
      %swap3A_1076 = vector.shape_cast %broadcast_in_dim3A_1069 : vector<16xf32> to vector<1x1x16xf32>
      tpu.vector_store %arg8[%swap3A_1071, %swap3A_1072, %swap3A_1073], %swap3A_1076 {strides = array<i32>} : memref<5x64x128xf32, #tpu.memory_space<vmem>>, vector<1x1x16xf32>,
      %broadcast_in_dim3A_1077 = arith.constant 0.000000e+00 : f32
      %broadcast_in_dim3A_1078 = vector.broadcast %broadcast_in_dim3A_1077 : f32 to vector<16xf32>
      %swap3A_1079 = arith.constant 0 : i32
      %swap3A_1080 = arith.index_cast %swap3A_1079 : i32 to index
      %swap3A_1081 = arith.index_cast %scan3A_1041 : i32 to index
      %swap3A_1082 = arith.constant 64 : index
      %swap3A_1083 = tpu.vector_load %arg8[%swap3A_1080, %swap3A_1081, %swap3A_1082] {strides = array<i32>} : memref<5x64x128xf32, #tpu.memory_space<vmem>>, vector<1x1x16xf32>,
      %swap3A_1084 = vector.shape_cast %swap3A_1083 : vector<1x1x16xf32> to vector<16xf32>
      %swap3A_1085 = vector.shape_cast %broadcast_in_dim3A_1078 : vector<16xf32> to vector<1x1x16xf32>
      tpu.vector_store %arg8[%swap3A_1080, %swap3A_1081, %swap3A_1082], %swap3A_1085 {strides = array<i32>} : memref<5x64x128xf32, #tpu.memory_space<vmem>>, vector<1x1x16xf32>,
      %broadcast_in_dim3A_1086 = arith.constant 0.000000e+00 : f32
      %broadcast_in_dim3A_1087 = vector.broadcast %broadcast_in_dim3A_1086 : f32 to vector<16xf32>
      %swap3A_1088 = arith.constant 0 : i32
      %swap3A_1089 = arith.index_cast %swap3A_1088 : i32 to index
      %swap3A_1090 = arith.index_cast %scan3A_1041 : i32 to index
      %swap3A_1091 = arith.constant 80 : index
      %swap3A_1092 = tpu.vector_load %arg8[%swap3A_1089, %swap3A_1090, %swap3A_1091] {strides = array<i32>} : memref<5x64x128xf32, #tpu.memory_space<vmem>>, vector<1x1x16xf32>,
      %swap3A_1093 = vector.shape_cast %swap3A_1092 : vector<1x1x16xf32> to vector<16xf32>
      %swap3A_1094 = vector.shape_cast %broadcast_in_dim3A_1087 : vector<16xf32> to vector<1x1x16xf32>
      tpu.vector_store %arg8[%swap3A_1089, %swap3A_1090, %swap3A_1091], %swap3A_1094 {strides = array<i32>} : memref<5x64x128xf32, #tpu.memory_space<vmem>>, vector<1x1x16xf32>,
      %broadcast_in_dim3A_1095 = arith.constant 0.000000e+00 : f32
      %broadcast_in_dim3A_1096 = vector.broadcast %broadcast_in_dim3A_1095 : f32 to vector<16xf32>
      %swap3A_1097 = arith.constant 0 : i32
      %swap3A_1098 = arith.index_cast %swap3A_1097 : i32 to index
      %swap3A_1099 = arith.index_cast %scan3A_1041 : i32 to index
      %swap3A_1100 = arith.constant 96 : index
      %swap3A_1101 = tpu.vector_load %arg8[%swap3A_1098, %swap3A_1099, %swap3A_1100] {strides = array<i32>} : memref<5x64x128xf32, #tpu.memory_space<vmem>>, vector<1x1x16xf32>,
      %swap3A_1102 = vector.shape_cast %swap3A_1101 : vector<1x1x16xf32> to vector<16xf32>
      %swap3A_1103 = vector.shape_cast %broadcast_in_dim3A_1096 : vector<16xf32> to vector<1x1x16xf32>
      tpu.vector_store %arg8[%swap3A_1098, %swap3A_1099, %swap3A_1100], %swap3A_1103 {strides = array<i32>} : memref<5x64x128xf32, #tpu.memory_space<vmem>>, vector<1x1x16xf32>,
      %broadcast_in_dim3A_1104 = arith.constant 0.000000e+00 : f32
      %broadcast_in_dim3A_1105 = vector.broadcast %broadcast_in_dim3A_1104 : f32 to vector<16xf32>
      %swap3A_1106 = arith.constant 0 : i32
      %swap3A_1107 = arith.index_cast %swap3A_1106 : i32 to index
      %swap3A_1108 = arith.index_cast %scan3A_1041 : i32 to index
      %swap3A_1109 = arith.constant 112 : index
      %swap3A_1110 = tpu.vector_load %arg8[%swap3A_1107, %swap3A_1108, %swap3A_1109] {strides = array<i32>} : memref<5x64x128xf32, #tpu.memory_space<vmem>>, vector<1x1x16xf32>,
      %swap3A_1111 = vector.shape_cast %swap3A_1110 : vector<1x1x16xf32> to vector<16xf32>
      %swap3A_1112 = vector.shape_cast %broadcast_in_dim3A_1105 : vector<16xf32> to vector<1x1x16xf32>
      tpu.vector_store %arg8[%swap3A_1107, %swap3A_1108, %swap3A_1109], %swap3A_1112 {strides = array<i32>} : memref<5x64x128xf32, #tpu.memory_space<vmem>>, vector<1x1x16xf32>,
      %scan3A_1113 = arith.constant 0 : i32
      scf.yield %scan3A_1113 : i32
    }
    %scan3A_6 = arith.constant 64 : i32
    %mul3A_7 = arith.constant 632 : i32
    %mul3A_8 = arith.muli %arg1, %mul3A_7 : i32
    %add3A_9 = arith.constant 0 : i32
    %add3A_10 = arith.addi %mul3A_8, %add3A_9 : i32
    %run_scoped3A = arith.constant 0 : i32
    "tpu.region"() ({
      %run_scoped3A_1041 = tpu.sem_alloc : memref<!tpu.dma_semaphore, #tpu.memory_space<semaphore_mem>>
      %dma_start3A_1042 = arith.constant 0 : i32
      %dma_start3A_1043 = arith.constant 0 : i32
      %dma_start3A_1044 = tpu.memref_slice %arg8[%run_scoped3A, %dma_start3A_1042, %dma_start3A_1043] : memref<5x64x128xf32, #tpu.memory_space<vmem>> -> memref<1x64x128xf32, #tpu.memory_space<vmem>>
      %dma_start3A_1045 = tpu.memref_squeeze %dma_start3A_1044 : memref<1x64x128xf32, #tpu.memory_space<vmem>> -> memref<64x128xf32, #tpu.memory_space<vmem>>
      %dma_start3A_1046 = arith.constant 0 : i32
      %dma_start3A_1047 = tpu.memref_slice %arg9[%add3A_10, %dma_start3A_1046] : memref<10112x128xf32, #tpu.memory_space<vmem_shared>> -> memref<64x128xf32, #tpu.memory_space<vmem_shared>>
      %dma_start3A_1048 = arith.constant 0 : i32
      %dma_start3A_1049 = tpu.memref_slice %arg9[%add3A_10, %dma_start3A_1048] : memref<10112x128xf32, #tpu.memory_space<vmem_shared>> -> memref<64x128xf32, #tpu.memory_space<vmem_shared>>
      %dma_start3A_1050 = arith.constant 0 : i32
      %dma_start3A_1051 = arith.constant 0 : i32
      %dma_start3A_1052 = tpu.memref_slice %arg8[%run_scoped3A, %dma_start3A_1050, %dma_start3A_1051] : memref<5x64x128xf32, #tpu.memory_space<vmem>> -> memref<1x64x128xf32, #tpu.memory_space<vmem>>
      %dma_start3A_1053 = tpu.memref_squeeze %dma_start3A_1052 : memref<1x64x128xf32, #tpu.memory_space<vmem>> -> memref<64x128xf32, #tpu.memory_space<vmem>>
      tpu.enqueue_dma source(%dma_start3A_1053 : memref<64x128xf32, #tpu.memory_space<vmem>>) target(%dma_start3A_1049 : memref<64x128xf32, #tpu.memory_space<vmem_shared>>) target_semaphore(%run_scoped3A_1041 : memref<!tpu.dma_semaphore, #tpu.memory_space<semaphore_mem>>)
      %dma_wait3A_1054 = arith.constant 0 : i32
      %dma_wait3A_1055 = arith.constant 0 : i32
      %dma_wait3A_1056 = tpu.memref_slice %arg8[%run_scoped3A, %dma_wait3A_1054, %dma_wait3A_1055] : memref<5x64x128xf32, #tpu.memory_space<vmem>> -> memref<1x64x128xf32, #tpu.memory_space<vmem>>
      %dma_wait3A_1057 = tpu.memref_squeeze %dma_wait3A_1056 : memref<1x64x128xf32, #tpu.memory_space<vmem>> -> memref<64x128xf32, #tpu.memory_space<vmem>>
      %dma_wait3A_1058 = arith.constant 0 : i32
      %dma_wait3A_1059 = tpu.memref_slice %arg9[%add3A_10, %dma_wait3A_1058] : memref<10112x128xf32, #tpu.memory_space<vmem_shared>> -> memref<64x128xf32, #tpu.memory_space<vmem_shared>>
      %dma_wait3A_1060 = arith.constant 0 : i32
      %dma_wait3A_1061 = tpu.memref_slice %arg9[%add3A_10, %dma_wait3A_1060] : memref<10112x128xf32, #tpu.memory_space<vmem_shared>> -> memref<64x128xf32, #tpu.memory_space<vmem_shared>>
      %dma_wait3A_1062 = arith.constant 0 : i32
      %dma_wait3A_1063 = arith.constant 0 : i32
      %dma_wait3A_1064 = tpu.memref_slice %arg8[%run_scoped3A, %dma_wait3A_1062, %dma_wait3A_1063] : memref<5x64x128xf32, #tpu.memory_space<vmem>> -> memref<1x64x128xf32, #tpu.memory_space<vmem>>
      %dma_wait3A_1065 = tpu.memref_squeeze %dma_wait3A_1064 : memref<1x64x128xf32, #tpu.memory_space<vmem>> -> memref<64x128xf32, #tpu.memory_space<vmem>>
      tpu.wait_dma2 semaphore(%run_scoped3A_1041 : memref<!tpu.dma_semaphore, #tpu.memory_space<semaphore_mem>>) src(%dma_wait3A_1065 : memref<64x128xf32, #tpu.memory_space<vmem>>) dst(%dma_wait3A_1061 : memref<64x128xf32, #tpu.memory_space<vmem_shared>>)
      tpu.yield
    }) : () -> ()
    %mul3A_11 = arith.constant 632 : i32
    %mul3A_12 = arith.muli %arg1, %mul3A_11 : i32
    %add3A_13 = arith.constant 64 : i32
    %add3A_14 = arith.addi %mul3A_12, %add3A_13 : i32
    %run_scoped3A_15 = arith.constant 0 : i32
    "tpu.region"() ({
      %run_scoped3A_1041 = tpu.sem_alloc : memref<!tpu.dma_semaphore, #tpu.memory_space<semaphore_mem>>
      %dma_start3A_1042 = arith.constant 0 : i32
      %dma_start3A_1043 = arith.constant 0 : i32
      %dma_start3A_1044 = tpu.memref_slice %arg8[%run_scoped3A_15, %dma_start3A_1042, %dma_start3A_1043] : memref<5x64x128xf32, #tpu.memory_space<vmem>> -> memref<1x64x128xf32, #tpu.memory_space<vmem>>
      %dma_start3A_1045 = tpu.memref_squeeze %dma_start3A_1044 : memref<1x64x128xf32, #tpu.memory_space<vmem>> -> memref<64x128xf32, #tpu.memory_space<vmem>>
      %dma_start3A_1046 = arith.constant 0 : i32
      %dma_start3A_1047 = tpu.memref_slice %arg9[%add3A_14, %dma_start3A_1046] : memref<10112x128xf32, #tpu.memory_space<vmem_shared>> -> memref<64x128xf32, #tpu.memory_space<vmem_shared>>
      %dma_start3A_1048 = arith.constant 0 : i32
      %dma_start3A_1049 = tpu.memref_slice %arg9[%add3A_14, %dma_start3A_1048] : memref<10112x128xf32, #tpu.memory_space<vmem_shared>> -> memref<64x128xf32, #tpu.memory_space<vmem_shared>>
      %dma_start3A_1050 = arith.constant 0 : i32
      %dma_start3A_1051 = arith.constant 0 : i32
      %dma_start3A_1052 = tpu.memref_slice %arg8[%run_scoped3A_15, %dma_start3A_1050, %dma_start3A_1051] : memref<5x64x128xf32, #tpu.memory_space<vmem>> -> memref<1x64x128xf32, #tpu.memory_space<vmem>>
      %dma_start3A_1053 = tpu.memref_squeeze %dma_start3A_1052 : memref<1x64x128xf32, #tpu.memory_space<vmem>> -> memref<64x128xf32, #tpu.memory_space<vmem>>
      tpu.enqueue_dma source(%dma_start3A_1053 : memref<64x128xf32, #tpu.memory_space<vmem>>) target(%dma_start3A_1049 : memref<64x128xf32, #tpu.memory_space<vmem_shared>>) target_semaphore(%run_scoped3A_1041 : memref<!tpu.dma_semaphore, #tpu.memory_space<semaphore_mem>>)
      %dma_wait3A_1054 = arith.constant 0 : i32
      %dma_wait3A_1055 = arith.constant 0 : i32
      %dma_wait3A_1056 = tpu.memref_slice %arg8[%run_scoped3A_15, %dma_wait3A_1054, %dma_wait3A_1055] : memref<5x64x128xf32, #tpu.memory_space<vmem>> -> memref<1x64x128xf32, #tpu.memory_space<vmem>>
      %dma_wait3A_1057 = tpu.memref_squeeze %dma_wait3A_1056 : memref<1x64x128xf32, #tpu.memory_space<vmem>> -> memref<64x128xf32, #tpu.memory_space<vmem>>
      %dma_wait3A_1058 = arith.constant 0 : i32
      %dma_wait3A_1059 = tpu.memref_slice %arg9[%add3A_14, %dma_wait3A_1058] : memref<10112x128xf32, #tpu.memory_space<vmem_shared>> -> memref<64x128xf32, #tpu.memory_space<vmem_shared>>
      %dma_wait3A_1060 = arith.constant 0 : i32
      %dma_wait3A_1061 = tpu.memref_slice %arg9[%add3A_14, %dma_wait3A_1060] : memref<10112x128xf32, #tpu.memory_space<vmem_shared>> -> memref<64x128xf32, #tpu.memory_space<vmem_shared>>
      %dma_wait3A_1062 = arith.constant 0 : i32
      %dma_wait3A_1063 = arith.constant 0 : i32
      %dma_wait3A_1064 = tpu.memref_slice %arg8[%run_scoped3A_15, %dma_wait3A_1062, %dma_wait3A_1063] : memref<5x64x128xf32, #tpu.memory_space<vmem>> -> memref<1x64x128xf32, #tpu.memory_space<vmem>>
      %dma_wait3A_1065 = tpu.memref_squeeze %dma_wait3A_1064 : memref<1x64x128xf32, #tpu.memory_space<vmem>> -> memref<64x128xf32, #tpu.memory_space<vmem>>
      tpu.wait_dma2 semaphore(%run_scoped3A_1041 : memref<!tpu.dma_semaphore, #tpu.memory_space<semaphore_mem>>) src(%dma_wait3A_1065 : memref<64x128xf32, #tpu.memory_space<vmem>>) dst(%dma_wait3A_1061 : memref<64x128xf32, #tpu.memory_space<vmem_shared>>)
      tpu.yield
    }) : () -> ()
    %mul3A_16 = arith.constant 632 : i32
    %mul3A_17 = arith.muli %arg1, %mul3A_16 : i32
    %add3A_18 = arith.constant 128 : i32
    %add3A_19 = arith.addi %mul3A_17, %add3A_18 : i32
    %run_scoped3A_20 = arith.constant 0 : i32
    "tpu.region"() ({
      %run_scoped3A_1041 = tpu.sem_alloc : memref<!tpu.dma_semaphore, #tpu.memory_space<semaphore_mem>>
      %dma_start3A_1042 = arith.constant 0 : i32
      %dma_start3A_1043 = arith.constant 0 : i32
      %dma_start3A_1044 = tpu.memref_slice %arg8[%run_scoped3A_20, %dma_start3A_1042, %dma_start3A_1043] : memref<5x64x128xf32, #tpu.memory_space<vmem>> -> memref<1x64x128xf32, #tpu.memory_space<vmem>>
      %dma_start3A_1045 = tpu.memref_squeeze %dma_start3A_1044 : memref<1x64x128xf32, #tpu.memory_space<vmem>> -> memref<64x128xf32, #tpu.memory_space<vmem>>
      %dma_start3A_1046 = arith.constant 0 : i32
      %dma_start3A_1047 = tpu.memref_slice %arg9[%add3A_19, %dma_start3A_1046] : memref<10112x128xf32, #tpu.memory_space<vmem_shared>> -> memref<64x128xf32, #tpu.memory_space<vmem_shared>>
      %dma_start3A_1048 = arith.constant 0 : i32
      %dma_start3A_1049 = tpu.memref_slice %arg9[%add3A_19, %dma_start3A_1048] : memref<10112x128xf32, #tpu.memory_space<vmem_shared>> -> memref<64x128xf32, #tpu.memory_space<vmem_shared>>
      %dma_start3A_1050 = arith.constant 0 : i32
      %dma_start3A_1051 = arith.constant 0 : i32
      %dma_start3A_1052 = tpu.memref_slice %arg8[%run_scoped3A_20, %dma_start3A_1050, %dma_start3A_1051] : memref<5x64x128xf32, #tpu.memory_space<vmem>> -> memref<1x64x128xf32, #tpu.memory_space<vmem>>
      %dma_start3A_1053 = tpu.memref_squeeze %dma_start3A_1052 : memref<1x64x128xf32, #tpu.memory_space<vmem>> -> memref<64x128xf32, #tpu.memory_space<vmem>>
      tpu.enqueue_dma source(%dma_start3A_1053 : memref<64x128xf32, #tpu.memory_space<vmem>>) target(%dma_start3A_1049 : memref<64x128xf32, #tpu.memory_space<vmem_shared>>) target_semaphore(%run_scoped3A_1041 : memref<!tpu.dma_semaphore, #tpu.memory_space<semaphore_mem>>)
      %dma_wait3A_1054 = arith.constant 0 : i32
      %dma_wait3A_1055 = arith.constant 0 : i32
      %dma_wait3A_1056 = tpu.memref_slice %arg8[%run_scoped3A_20, %dma_wait3A_1054, %dma_wait3A_1055] : memref<5x64x128xf32, #tpu.memory_space<vmem>> -> memref<1x64x128xf32, #tpu.memory_space<vmem>>
      %dma_wait3A_1057 = tpu.memref_squeeze %dma_wait3A_1056 : memref<1x64x128xf32, #tpu.memory_space<vmem>> -> memref<64x128xf32, #tpu.memory_space<vmem>>
      %dma_wait3A_1058 = arith.constant 0 : i32
      %dma_wait3A_1059 = tpu.memref_slice %arg9[%add3A_19, %dma_wait3A_1058] : memref<10112x128xf32, #tpu.memory_space<vmem_shared>> -> memref<64x128xf32, #tpu.memory_space<vmem_shared>>
      %dma_wait3A_1060 = arith.constant 0 : i32
      %dma_wait3A_1061 = tpu.memref_slice %arg9[%add3A_19, %dma_wait3A_1060] : memref<10112x128xf32, #tpu.memory_space<vmem_shared>> -> memref<64x128xf32, #tpu.memory_space<vmem_shared>>
      %dma_wait3A_1062 = arith.constant 0 : i32
      %dma_wait3A_1063 = arith.constant 0 : i32
      %dma_wait3A_1064 = tpu.memref_slice %arg8[%run_scoped3A_20, %dma_wait3A_1062, %dma_wait3A_1063] : memref<5x64x128xf32, #tpu.memory_space<vmem>> -> memref<1x64x128xf32, #tpu.memory_space<vmem>>
      %dma_wait3A_1065 = tpu.memref_squeeze %dma_wait3A_1064 : memref<1x64x128xf32, #tpu.memory_space<vmem>> -> memref<64x128xf32, #tpu.memory_space<vmem>>
      tpu.wait_dma2 semaphore(%run_scoped3A_1041 : memref<!tpu.dma_semaphore, #tpu.memory_space<semaphore_mem>>) src(%dma_wait3A_1065 : memref<64x128xf32, #tpu.memory_space<vmem>>) dst(%dma_wait3A_1061 : memref<64x128xf32, #tpu.memory_space<vmem_shared>>)
      tpu.yield
    }) : () -> ()
    %mul3A_21 = arith.constant 632 : i32
    %mul3A_22 = arith.muli %arg1, %mul3A_21 : i32
    %add3A_23 = arith.constant 192 : i32
    %add3A_24 = arith.addi %mul3A_22, %add3A_23 : i32
    %run_scoped3A_25 = arith.constant 0 : i32
    "tpu.region"() ({
      %run_scoped3A_1041 = tpu.sem_alloc : memref<!tpu.dma_semaphore, #tpu.memory_space<semaphore_mem>>
      %dma_start3A_1042 = arith.constant 0 : i32
      %dma_start3A_1043 = arith.constant 0 : i32
      %dma_start3A_1044 = tpu.memref_slice %arg8[%run_scoped3A_25, %dma_start3A_1042, %dma_start3A_1043] : memref<5x64x128xf32, #tpu.memory_space<vmem>> -> memref<1x64x128xf32, #tpu.memory_space<vmem>>
      %dma_start3A_1045 = tpu.memref_squeeze %dma_start3A_1044 : memref<1x64x128xf32, #tpu.memory_space<vmem>> -> memref<64x128xf32, #tpu.memory_space<vmem>>
      %dma_start3A_1046 = arith.constant 0 : i32
      %dma_start3A_1047 = tpu.memref_slice %arg9[%add3A_24, %dma_start3A_1046] : memref<10112x128xf32, #tpu.memory_space<vmem_shared>> -> memref<64x128xf32, #tpu.memory_space<vmem_shared>>
      %dma_start3A_1048 = arith.constant 0 : i32
      %dma_start3A_1049 = tpu.memref_slice %arg9[%add3A_24, %dma_start3A_1048] : memref<10112x128xf32, #tpu.memory_space<vmem_shared>> -> memref<64x128xf32, #tpu.memory_space<vmem_shared>>
      %dma_start3A_1050 = arith.constant 0 : i32
      %dma_start3A_1051 = arith.constant 0 : i32
      %dma_start3A_1052 = tpu.memref_slice %arg8[%run_scoped3A_25, %dma_start3A_1050, %dma_start3A_1051] : memref<5x64x128xf32, #tpu.memory_space<vmem>> -> memref<1x64x128xf32, #tpu.memory_space<vmem>>
      %dma_start3A_1053 = tpu.memref_squeeze %dma_start3A_1052 : memref<1x64x128xf32, #tpu.memory_space<vmem>> -> memref<64x128xf32, #tpu.memory_space<vmem>>
      tpu.enqueue_dma source(%dma_start3A_1053 : memref<64x128xf32, #tpu.memory_space<vmem>>) target(%dma_start3A_1049 : memref<64x128xf32, #tpu.memory_space<vmem_shared>>) target_semaphore(%run_scoped3A_1041 : memref<!tpu.dma_semaphore, #tpu.memory_space<semaphore_mem>>)
      %dma_wait3A_1054 = arith.constant 0 : i32
      %dma_wait3A_1055 = arith.constant 0 : i32
      %dma_wait3A_1056 = tpu.memref_slice %arg8[%run_scoped3A_25, %dma_wait3A_1054, %dma_wait3A_1055] : memref<5x64x128xf32, #tpu.memory_space<vmem>> -> memref<1x64x128xf32, #tpu.memory_space<vmem>>
      %dma_wait3A_1057 = tpu.memref_squeeze %dma_wait3A_1056 : memref<1x64x128xf32, #tpu.memory_space<vmem>> -> memref<64x128xf32, #tpu.memory_space<vmem>>
      %dma_wait3A_1058 = arith.constant 0 : i32
      %dma_wait3A_1059 = tpu.memref_slice %arg9[%add3A_24, %dma_wait3A_1058] : memref<10112x128xf32, #tpu.memory_space<vmem_shared>> -> memref<64x128xf32, #tpu.memory_space<vmem_shared>>
      %dma_wait3A_1060 = arith.constant 0 : i32
      %dma_wait3A_1061 = tpu.memref_slice %arg9[%add3A_24, %dma_wait3A_1060] : memref<10112x128xf32, #tpu.memory_space<vmem_shared>> -> memref<64x128xf32, #tpu.memory_space<vmem_shared>>
      %dma_wait3A_1062 = arith.constant 0 : i32
      %dma_wait3A_1063 = arith.constant 0 : i32
      %dma_wait3A_1064 = tpu.memref_slice %arg8[%run_scoped3A_25, %dma_wait3A_1062, %dma_wait3A_1063] : memref<5x64x128xf32, #tpu.memory_space<vmem>> -> memref<1x64x128xf32, #tpu.memory_space<vmem>>
      %dma_wait3A_1065 = tpu.memref_squeeze %dma_wait3A_1064 : memref<1x64x128xf32, #tpu.memory_space<vmem>> -> memref<64x128xf32, #tpu.memory_space<vmem>>
      tpu.wait_dma2 semaphore(%run_scoped3A_1041 : memref<!tpu.dma_semaphore, #tpu.memory_space<semaphore_mem>>) src(%dma_wait3A_1065 : memref<64x128xf32, #tpu.memory_space<vmem>>) dst(%dma_wait3A_1061 : memref<64x128xf32, #tpu.memory_space<vmem_shared>>)
      tpu.yield
    }) : () -> ()
    %mul3A_26 = arith.constant 632 : i32
    %mul3A_27 = arith.muli %arg1, %mul3A_26 : i32
    %add3A_28 = arith.constant 256 : i32
    %add3A_29 = arith.addi %mul3A_27, %add3A_28 : i32
    %run_scoped3A_30 = arith.constant 0 : i32
    "tpu.region"() ({
      %run_scoped3A_1041 = tpu.sem_alloc : memref<!tpu.dma_semaphore, #tpu.memory_space<semaphore_mem>>
      %dma_start3A_1042 = arith.constant 0 : i32
      %dma_start3A_1043 = arith.constant 0 : i32
      %dma_start3A_1044 = tpu.memref_slice %arg8[%run_scoped3A_30, %dma_start3A_1042, %dma_start3A_1043] : memref<5x64x128xf32, #tpu.memory_space<vmem>> -> memref<1x64x128xf32, #tpu.memory_space<vmem>>
      %dma_start3A_1045 = tpu.memref_squeeze %dma_start3A_1044 : memref<1x64x128xf32, #tpu.memory_space<vmem>> -> memref<64x128xf32, #tpu.memory_space<vmem>>
      %dma_start3A_1046 = arith.constant 0 : i32
      %dma_start3A_1047 = tpu.memref_slice %arg9[%add3A_29, %dma_start3A_1046] : memref<10112x128xf32, #tpu.memory_space<vmem_shared>> -> memref<64x128xf32, #tpu.memory_space<vmem_shared>>
      %dma_start3A_1048 = arith.constant 0 : i32
      %dma_start3A_1049 = tpu.memref_slice %arg9[%add3A_29, %dma_start3A_1048] : memref<10112x128xf32, #tpu.memory_space<vmem_shared>> -> memref<64x128xf32, #tpu.memory_space<vmem_shared>>
      %dma_start3A_1050 = arith.constant 0 : i32
      %dma_start3A_1051 = arith.constant 0 : i32
      %dma_start3A_1052 = tpu.memref_slice %arg8[%run_scoped3A_30, %dma_start3A_1050, %dma_start3A_1051] : memref<5x64x128xf32, #tpu.memory_space<vmem>> -> memref<1x64x128xf32, #tpu.memory_space<vmem>>
      %dma_start3A_1053 = tpu.memref_squeeze %dma_start3A_1052 : memref<1x64x128xf32, #tpu.memory_space<vmem>> -> memref<64x128xf32, #tpu.memory_space<vmem>>
      tpu.enqueue_dma source(%dma_start3A_1053 : memref<64x128xf32, #tpu.memory_space<vmem>>) target(%dma_start3A_1049 : memref<64x128xf32, #tpu.memory_space<vmem_shared>>) target_semaphore(%run_scoped3A_1041 : memref<!tpu.dma_semaphore, #tpu.memory_space<semaphore_mem>>)
      %dma_wait3A_1054 = arith.constant 0 : i32
      %dma_wait3A_1055 = arith.constant 0 : i32
      %dma_wait3A_1056 = tpu.memref_slice %arg8[%run_scoped3A_30, %dma_wait3A_1054, %dma_wait3A_1055] : memref<5x64x128xf32, #tpu.memory_space<vmem>> -> memref<1x64x128xf32, #tpu.memory_space<vmem>>
      %dma_wait3A_1057 = tpu.memref_squeeze %dma_wait3A_1056 : memref<1x64x128xf32, #tpu.memory_space<vmem>> -> memref<64x128xf32, #tpu.memory_space<vmem>>
      %dma_wait3A_1058 = arith.constant 0 : i32
      %dma_wait3A_1059 = tpu.memref_slice %arg9[%add3A_29, %dma_wait3A_1058] : memref<10112x128xf32, #tpu.memory_space<vmem_shared>> -> memref<64x128xf32, #tpu.memory_space<vmem_shared>>
      %dma_wait3A_1060 = arith.constant 0 : i32
      %dma_wait3A_1061 = tpu.memref_slice %arg9[%add3A_29, %dma_wait3A_1060] : memref<10112x128xf32, #tpu.memory_space<vmem_shared>> -> memref<64x128xf32, #tpu.memory_space<vmem_shared>>
      %dma_wait3A_1062 = arith.constant 0 : i32
      %dma_wait3A_1063 = arith.constant 0 : i32
      %dma_wait3A_1064 = tpu.memref_slice %arg8[%run_scoped3A_30, %dma_wait3A_1062, %dma_wait3A_1063] : memref<5x64x128xf32, #tpu.memory_space<vmem>> -> memref<1x64x128xf32, #tpu.memory_space<vmem>>
      %dma_wait3A_1065 = tpu.memref_squeeze %dma_wait3A_1064 : memref<1x64x128xf32, #tpu.memory_space<vmem>> -> memref<64x128xf32, #tpu.memory_space<vmem>>
      tpu.wait_dma2 semaphore(%run_scoped3A_1041 : memref<!tpu.dma_semaphore, #tpu.memory_space<semaphore_mem>>) src(%dma_wait3A_1065 : memref<64x128xf32, #tpu.memory_space<vmem>>) dst(%dma_wait3A_1061 : memref<64x128xf32, #tpu.memory_space<vmem_shared>>)
      tpu.yield
    }) : () -> ()
    %mul3A_31 = arith.constant 632 : i32
    %mul3A_32 = arith.muli %arg1, %mul3A_31 : i32
    %add3A_33 = arith.constant 320 : i32
    %add3A_34 = arith.addi %mul3A_32, %add3A_33 : i32
    %run_scoped3A_35 = arith.constant 0 : i32
    "tpu.region"() ({
      %run_scoped3A_1041 = tpu.sem_alloc : memref<!tpu.dma_semaphore, #tpu.memory_space<semaphore_mem>>
      %dma_start3A_1042 = arith.constant 0 : i32
      %dma_start3A_1043 = arith.constant 0 : i32
      %dma_start3A_1044 = tpu.memref_slice %arg8[%run_scoped3A_35, %dma_start3A_1042, %dma_start3A_1043] : memref<5x64x128xf32, #tpu.memory_space<vmem>> -> memref<1x64x128xf32, #tpu.memory_space<vmem>>
      %dma_start3A_1045 = tpu.memref_squeeze %dma_start3A_1044 : memref<1x64x128xf32, #tpu.memory_space<vmem>> -> memref<64x128xf32, #tpu.memory_space<vmem>>
      %dma_start3A_1046 = arith.constant 0 : i32
      %dma_start3A_1047 = tpu.memref_slice %arg9[%add3A_34, %dma_start3A_1046] : memref<10112x128xf32, #tpu.memory_space<vmem_shared>> -> memref<64x128xf32, #tpu.memory_space<vmem_shared>>
      %dma_start3A_1048 = arith.constant 0 : i32
      %dma_start3A_1049 = tpu.memref_slice %arg9[%add3A_34, %dma_start3A_1048] : memref<10112x128xf32, #tpu.memory_space<vmem_shared>> -> memref<64x128xf32, #tpu.memory_space<vmem_shared>>
      %dma_start3A_1050 = arith.constant 0 : i32
      %dma_start3A_1051 = arith.constant 0 : i32
      %dma_start3A_1052 = tpu.memref_slice %arg8[%run_scoped3A_35, %dma_start3A_1050, %dma_start3A_1051] : memref<5x64x128xf32, #tpu.memory_space<vmem>> -> memref<1x64x128xf32, #tpu.memory_space<vmem>>
      %dma_start3A_1053 = tpu.memref_squeeze %dma_start3A_1052 : memref<1x64x128xf32, #tpu.memory_space<vmem>> -> memref<64x128xf32, #tpu.memory_space<vmem>>
      tpu.enqueue_dma source(%dma_start3A_1053 : memref<64x128xf32, #tpu.memory_space<vmem>>) target(%dma_start3A_1049 : memref<64x128xf32, #tpu.memory_space<vmem_shared>>) target_semaphore(%run_scoped3A_1041 : memref<!tpu.dma_semaphore, #tpu.memory_space<semaphore_mem>>)
      %dma_wait3A_1054 = arith.constant 0 : i32
      %dma_wait3A_1055 = arith.constant 0 : i32
      %dma_wait3A_1056 = tpu.memref_slice %arg8[%run_scoped3A_35, %dma_wait3A_1054, %dma_wait3A_1055] : memref<5x64x128xf32, #tpu.memory_space<vmem>> -> memref<1x64x128xf32, #tpu.memory_space<vmem>>
      %dma_wait3A_1057 = tpu.memref_squeeze %dma_wait3A_1056 : memref<1x64x128xf32, #tpu.memory_space<vmem>> -> memref<64x128xf32, #tpu.memory_space<vmem>>
      %dma_wait3A_1058 = arith.constant 0 : i32
      %dma_wait3A_1059 = tpu.memref_slice %arg9[%add3A_34, %dma_wait3A_1058] : memref<10112x128xf32, #tpu.memory_space<vmem_shared>> -> memref<64x128xf32, #tpu.memory_space<vmem_shared>>
      %dma_wait3A_1060 = arith.constant 0 : i32
      %dma_wait3A_1061 = tpu.memref_slice %arg9[%add3A_34, %dma_wait3A_1060] : memref<10112x128xf32, #tpu.memory_space<vmem_shared>> -> memref<64x128xf32, #tpu.memory_space<vmem_shared>>
      %dma_wait3A_1062 = arith.constant 0 : i32
      %dma_wait3A_1063 = arith.constant 0 : i32
      %dma_wait3A_1064 = tpu.memref_slice %arg8[%run_scoped3A_35, %dma_wait3A_1062, %dma_wait3A_1063] : memref<5x64x128xf32, #tpu.memory_space<vmem>> -> memref<1x64x128xf32, #tpu.memory_space<vmem>>
      %dma_wait3A_1065 = tpu.memref_squeeze %dma_wait3A_1064 : memref<1x64x128xf32, #tpu.memory_space<vmem>> -> memref<64x128xf32, #tpu.memory_space<vmem>>
      tpu.wait_dma2 semaphore(%run_scoped3A_1041 : memref<!tpu.dma_semaphore, #tpu.memory_space<semaphore_mem>>) src(%dma_wait3A_1065 : memref<64x128xf32, #tpu.memory_space<vmem>>) dst(%dma_wait3A_1061 : memref<64x128xf32, #tpu.memory_space<vmem_shared>>)
      tpu.yield
    }) : () -> ()
    %mul3A_36 = arith.constant 632 : i32
    %mul3A_37 = arith.muli %arg1, %mul3A_36 : i32
    %add3A_38 = arith.constant 384 : i32
    %add3A_39 = arith.addi %mul3A_37, %add3A_38 : i32
    %run_scoped3A_40 = arith.constant 0 : i32
    "tpu.region"() ({
      %run_scoped3A_1041 = tpu.sem_alloc : memref<!tpu.dma_semaphore, #tpu.memory_space<semaphore_mem>>
      %dma_start3A_1042 = arith.constant 0 : i32
      %dma_start3A_1043 = arith.constant 0 : i32
      %dma_start3A_1044 = tpu.memref_slice %arg8[%run_scoped3A_40, %dma_start3A_1042, %dma_start3A_1043] : memref<5x64x128xf32, #tpu.memory_space<vmem>> -> memref<1x64x128xf32, #tpu.memory_space<vmem>>
      %dma_start3A_1045 = tpu.memref_squeeze %dma_start3A_1044 : memref<1x64x128xf32, #tpu.memory_space<vmem>> -> memref<64x128xf32, #tpu.memory_space<vmem>>
      %dma_start3A_1046 = arith.constant 0 : i32
      %dma_start3A_1047 = tpu.memref_slice %arg9[%add3A_39, %dma_start3A_1046] : memref<10112x128xf32, #tpu.memory_space<vmem_shared>> -> memref<64x128xf32, #tpu.memory_space<vmem_shared>>
      %dma_start3A_1048 = arith.constant 0 : i32
      %dma_start3A_1049 = tpu.memref_slice %arg9[%add3A_39, %dma_start3A_1048] : memref<10112x128xf32, #tpu.memory_space<vmem_shared>> -> memref<64x128xf32, #tpu.memory_space<vmem_shared>>
      %dma_start3A_1050 = arith.constant 0 : i32
      %dma_start3A_1051 = arith.constant 0 : i32
      %dma_start3A_1052 = tpu.memref_slice %arg8[%run_scoped3A_40, %dma_start3A_1050, %dma_start3A_1051] : memref<5x64x128xf32, #tpu.memory_space<vmem>> -> memref<1x64x128xf32, #tpu.memory_space<vmem>>
      %dma_start3A_1053 = tpu.memref_squeeze %dma_start3A_1052 : memref<1x64x128xf32, #tpu.memory_space<vmem>> -> memref<64x128xf32, #tpu.memory_space<vmem>>
      tpu.enqueue_dma source(%dma_start3A_1053 : memref<64x128xf32, #tpu.memory_space<vmem>>) target(%dma_start3A_1049 : memref<64x128xf32, #tpu.memory_space<vmem_shared>>) target_semaphore(%run_scoped3A_1041 : memref<!tpu.dma_semaphore, #tpu.memory_space<semaphore_mem>>)
      %dma_wait3A_1054 = arith.constant 0 : i32
      %dma_wait3A_1055 = arith.constant 0 : i32
      %dma_wait3A_1056 = tpu.memref_slice %arg8[%run_scoped3A_40, %dma_wait3A_1054, %dma_wait3A_1055] : memref<5x64x128xf32, #tpu.memory_space<vmem>> -> memref<1x64x128xf32, #tpu.memory_space<vmem>>
      %dma_wait3A_1057 = tpu.memref_squeeze %dma_wait3A_1056 : memref<1x64x128xf32, #tpu.memory_space<vmem>> -> memref<64x128xf32, #tpu.memory_space<vmem>>
      %dma_wait3A_1058 = arith.constant 0 : i32
      %dma_wait3A_1059 = tpu.memref_slice %arg9[%add3A_39, %dma_wait3A_1058] : memref<10112x128xf32, #tpu.memory_space<vmem_shared>> -> memref<64x128xf32, #tpu.memory_space<vmem_shared>>
      %dma_wait3A_1060 = arith.constant 0 : i32
      %dma_wait3A_1061 = tpu.memref_slice %arg9[%add3A_39, %dma_wait3A_1060] : memref<10112x128xf32, #tpu.memory_space<vmem_shared>> -> memref<64x128xf32, #tpu.memory_space<vmem_shared>>
      %dma_wait3A_1062 = arith.constant 0 : i32
      %dma_wait3A_1063 = arith.constant 0 : i32
      %dma_wait3A_1064 = tpu.memref_slice %arg8[%run_scoped3A_40, %dma_wait3A_1062, %dma_wait3A_1063] : memref<5x64x128xf32, #tpu.memory_space<vmem>> -> memref<1x64x128xf32, #tpu.memory_space<vmem>>
      %dma_wait3A_1065 = tpu.memref_squeeze %dma_wait3A_1064 : memref<1x64x128xf32, #tpu.memory_space<vmem>> -> memref<64x128xf32, #tpu.memory_space<vmem>>
      tpu.wait_dma2 semaphore(%run_scoped3A_1041 : memref<!tpu.dma_semaphore, #tpu.memory_space<semaphore_mem>>) src(%dma_wait3A_1065 : memref<64x128xf32, #tpu.memory_space<vmem>>) dst(%dma_wait3A_1061 : memref<64x128xf32, #tpu.memory_space<vmem_shared>>)
      tpu.yield
    }) : () -> ()
    %mul3A_41 = arith.constant 632 : i32
    %mul3A_42 = arith.muli %arg1, %mul3A_41 : i32
    %add3A_43 = arith.constant 448 : i32
    %add3A_44 = arith.addi %mul3A_42, %add3A_43 : i32
    %run_scoped3A_45 = arith.constant 0 : i32
    "tpu.region"() ({
      %run_scoped3A_1041 = tpu.sem_alloc : memref<!tpu.dma_semaphore, #tpu.memory_space<semaphore_mem>>
      %dma_start3A_1042 = arith.constant 0 : i32
      %dma_start3A_1043 = arith.constant 0 : i32
      %dma_start3A_1044 = tpu.memref_slice %arg8[%run_scoped3A_45, %dma_start3A_1042, %dma_start3A_1043] : memref<5x64x128xf32, #tpu.memory_space<vmem>> -> memref<1x64x128xf32, #tpu.memory_space<vmem>>
      %dma_start3A_1045 = tpu.memref_squeeze %dma_start3A_1044 : memref<1x64x128xf32, #tpu.memory_space<vmem>> -> memref<64x128xf32, #tpu.memory_space<vmem>>
      %dma_start3A_1046 = arith.constant 0 : i32
      %dma_start3A_1047 = tpu.memref_slice %arg9[%add3A_44, %dma_start3A_1046] : memref<10112x128xf32, #tpu.memory_space<vmem_shared>> -> memref<64x128xf32, #tpu.memory_space<vmem_shared>>
      %dma_start3A_1048 = arith.constant 0 : i32
      %dma_start3A_1049 = tpu.memref_slice %arg9[%add3A_44, %dma_start3A_1048] : memref<10112x128xf32, #tpu.memory_space<vmem_shared>> -> memref<64x128xf32, #tpu.memory_space<vmem_shared>>
      %dma_start3A_1050 = arith.constant 0 : i32
      %dma_start3A_1051 = arith.constant 0 : i32
      %dma_start3A_1052 = tpu.memref_slice %arg8[%run_scoped3A_45, %dma_start3A_1050, %dma_start3A_1051] : memref<5x64x128xf32, #tpu.memory_space<vmem>> -> memref<1x64x128xf32, #tpu.memory_space<vmem>>
      %dma_start3A_1053 = tpu.memref_squeeze %dma_start3A_1052 : memref<1x64x128xf32, #tpu.memory_space<vmem>> -> memref<64x128xf32, #tpu.memory_space<vmem>>
      tpu.enqueue_dma source(%dma_start3A_1053 : memref<64x128xf32, #tpu.memory_space<vmem>>) target(%dma_start3A_1049 : memref<64x128xf32, #tpu.memory_space<vmem_shared>>) target_semaphore(%run_scoped3A_1041 : memref<!tpu.dma_semaphore, #tpu.memory_space<semaphore_mem>>)
      %dma_wait3A_1054 = arith.constant 0 : i32
      %dma_wait3A_1055 = arith.constant 0 : i32
      %dma_wait3A_1056 = tpu.memref_slice %arg8[%run_scoped3A_45, %dma_wait3A_1054, %dma_wait3A_1055] : memref<5x64x128xf32, #tpu.memory_space<vmem>> -> memref<1x64x128xf32, #tpu.memory_space<vmem>>
      %dma_wait3A_1057 = tpu.memref_squeeze %dma_wait3A_1056 : memref<1x64x128xf32, #tpu.memory_space<vmem>> -> memref<64x128xf32, #tpu.memory_space<vmem>>
      %dma_wait3A_1058 = arith.constant 0 : i32
      %dma_wait3A_1059 = tpu.memref_slice %arg9[%add3A_44, %dma_wait3A_1058] : memref<10112x128xf32, #tpu.memory_space<vmem_shared>> -> memref<64x128xf32, #tpu.memory_space<vmem_shared>>
      %dma_wait3A_1060 = arith.constant 0 : i32
      %dma_wait3A_1061 = tpu.memref_slice %arg9[%add3A_44, %dma_wait3A_1060] : memref<10112x128xf32, #tpu.memory_space<vmem_shared>> -> memref<64x128xf32, #tpu.memory_space<vmem_shared>>
      %dma_wait3A_1062 = arith.constant 0 : i32
      %dma_wait3A_1063 = arith.constant 0 : i32
      %dma_wait3A_1064 = tpu.memref_slice %arg8[%run_scoped3A_45, %dma_wait3A_1062, %dma_wait3A_1063] : memref<5x64x128xf32, #tpu.memory_space<vmem>> -> memref<1x64x128xf32, #tpu.memory_space<vmem>>
      %dma_wait3A_1065 = tpu.memref_squeeze %dma_wait3A_1064 : memref<1x64x128xf32, #tpu.memory_space<vmem>> -> memref<64x128xf32, #tpu.memory_space<vmem>>
      tpu.wait_dma2 semaphore(%run_scoped3A_1041 : memref<!tpu.dma_semaphore, #tpu.memory_space<semaphore_mem>>) src(%dma_wait3A_1065 : memref<64x128xf32, #tpu.memory_space<vmem>>) dst(%dma_wait3A_1061 : memref<64x128xf32, #tpu.memory_space<vmem_shared>>)
      tpu.yield
    }) : () -> ()
    %mul3A_46 = arith.constant 632 : i32
    %mul3A_47 = arith.muli %arg1, %mul3A_46 : i32
    %add3A_48 = arith.constant 512 : i32
    %add3A_49 = arith.addi %mul3A_47, %add3A_48 : i32
    %run_scoped3A_50 = arith.constant 0 : i32
    "tpu.region"() ({
      %run_scoped3A_1041 = tpu.sem_alloc : memref<!tpu.dma_semaphore, #tpu.memory_space<semaphore_mem>>
      %dma_start3A_1042 = arith.constant 0 : i32
      %dma_start3A_1043 = arith.constant 0 : i32
      %dma_start3A_1044 = tpu.memref_slice %arg8[%run_scoped3A_50, %dma_start3A_1042, %dma_start3A_1043] : memref<5x64x128xf32, #tpu.memory_space<vmem>> -> memref<1x64x128xf32, #tpu.memory_space<vmem>>
      %dma_start3A_1045 = tpu.memref_squeeze %dma_start3A_1044 : memref<1x64x128xf32, #tpu.memory_space<vmem>> -> memref<64x128xf32, #tpu.memory_space<vmem>>
      %dma_start3A_1046 = arith.constant 0 : i32
      %dma_start3A_1047 = tpu.memref_slice %arg9[%add3A_49, %dma_start3A_1046] : memref<10112x128xf32, #tpu.memory_space<vmem_shared>> -> memref<64x128xf32, #tpu.memory_space<vmem_shared>>
      %dma_start3A_1048 = arith.constant 0 : i32
      %dma_start3A_1049 = tpu.memref_slice %arg9[%add3A_49, %dma_start3A_1048] : memref<10112x128xf32, #tpu.memory_space<vmem_shared>> -> memref<64x128xf32, #tpu.memory_space<vmem_shared>>
      %dma_start3A_1050 = arith.constant 0 : i32
      %dma_start3A_1051 = arith.constant 0 : i32
      %dma_start3A_1052 = tpu.memref_slice %arg8[%run_scoped3A_50, %dma_start3A_1050, %dma_start3A_1051] : memref<5x64x128xf32, #tpu.memory_space<vmem>> -> memref<1x64x128xf32, #tpu.memory_space<vmem>>
      %dma_start3A_1053 = tpu.memref_squeeze %dma_start3A_1052 : memref<1x64x128xf32, #tpu.memory_space<vmem>> -> memref<64x128xf32, #tpu.memory_space<vmem>>
      tpu.enqueue_dma source(%dma_start3A_1053 : memref<64x128xf32, #tpu.memory_space<vmem>>) target(%dma_start3A_1049 : memref<64x128xf32, #tpu.memory_space<vmem_shared>>) target_semaphore(%run_scoped3A_1041 : memref<!tpu.dma_semaphore, #tpu.memory_space<semaphore_mem>>)
      %dma_wait3A_1054 = arith.constant 0 : i32
      %dma_wait3A_1055 = arith.constant 0 : i32
      %dma_wait3A_1056 = tpu.memref_slice %arg8[%run_scoped3A_50, %dma_wait3A_1054, %dma_wait3A_1055] : memref<5x64x128xf32, #tpu.memory_space<vmem>> -> memref<1x64x128xf32, #tpu.memory_space<vmem>>
      %dma_wait3A_1057 = tpu.memref_squeeze %dma_wait3A_1056 : memref<1x64x128xf32, #tpu.memory_space<vmem>> -> memref<64x128xf32, #tpu.memory_space<vmem>>
      %dma_wait3A_1058 = arith.constant 0 : i32
      %dma_wait3A_1059 = tpu.memref_slice %arg9[%add3A_49, %dma_wait3A_1058] : memref<10112x128xf32, #tpu.memory_space<vmem_shared>> -> memref<64x128xf32, #tpu.memory_space<vmem_shared>>
      %dma_wait3A_1060 = arith.constant 0 : i32
      %dma_wait3A_1061 = tpu.memref_slice %arg9[%add3A_49, %dma_wait3A_1060] : memref<10112x128xf32, #tpu.memory_space<vmem_shared>> -> memref<64x128xf32, #tpu.memory_space<vmem_shared>>
      %dma_wait3A_1062 = arith.constant 0 : i32
      %dma_wait3A_1063 = arith.constant 0 : i32
      %dma_wait3A_1064 = tpu.memref_slice %arg8[%run_scoped3A_50, %dma_wait3A_1062, %dma_wait3A_1063] : memref<5x64x128xf32, #tpu.memory_space<vmem>> -> memref<1x64x128xf32, #tpu.memory_space<vmem>>
      %dma_wait3A_1065 = tpu.memref_squeeze %dma_wait3A_1064 : memref<1x64x128xf32, #tpu.memory_space<vmem>> -> memref<64x128xf32, #tpu.memory_space<vmem>>
      tpu.wait_dma2 semaphore(%run_scoped3A_1041 : memref<!tpu.dma_semaphore, #tpu.memory_space<semaphore_mem>>) src(%dma_wait3A_1065 : memref<64x128xf32, #tpu.memory_space<vmem>>) dst(%dma_wait3A_1061 : memref<64x128xf32, #tpu.memory_space<vmem_shared>>)
      tpu.yield
    }) : () -> ()
    %mul3A_51 = arith.constant 632 : i32
    %mul3A_52 = arith.muli %arg1, %mul3A_51 : i32
    %add3A_53 = arith.constant 576 : i32
    %add3A_54 = arith.addi %mul3A_52, %add3A_53 : i32
    %run_scoped3A_55 = arith.constant 0 : i32
    "tpu.region"() ({
      %run_scoped3A_1041 = tpu.sem_alloc : memref<!tpu.dma_semaphore, #tpu.memory_space<semaphore_mem>>
      %dma_start3A_1042 = arith.constant 0 : i32
      %dma_start3A_1043 = arith.constant 0 : i32
      %dma_start3A_1044 = tpu.memref_slice %arg8[%run_scoped3A_55, %dma_start3A_1042, %dma_start3A_1043] : memref<5x64x128xf32, #tpu.memory_space<vmem>> -> memref<1x56x128xf32, #tpu.memory_space<vmem>>
      %dma_start3A_1045 = tpu.memref_squeeze %dma_start3A_1044 : memref<1x56x128xf32, #tpu.memory_space<vmem>> -> memref<56x128xf32, #tpu.memory_space<vmem>>
      %dma_start3A_1046 = arith.constant 0 : i32
      %dma_start3A_1047 = tpu.memref_slice %arg9[%add3A_54, %dma_start3A_1046] : memref<10112x128xf32, #tpu.memory_space<vmem_shared>> -> memref<56x128xf32, #tpu.memory_space<vmem_shared>>
      %dma_start3A_1048 = arith.constant 0 : i32
      %dma_start3A_1049 = tpu.memref_slice %arg9[%add3A_54, %dma_start3A_1048] : memref<10112x128xf32, #tpu.memory_space<vmem_shared>> -> memref<56x128xf32, #tpu.memory_space<vmem_shared>>
      %dma_start3A_1050 = arith.constant 0 : i32
      %dma_start3A_1051 = arith.constant 0 : i32
      %dma_start3A_1052 = tpu.memref_slice %arg8[%run_scoped3A_55, %dma_start3A_1050, %dma_start3A_1051] : memref<5x64x128xf32, #tpu.memory_space<vmem>> -> memref<1x56x128xf32, #tpu.memory_space<vmem>>
      %dma_start3A_1053 = tpu.memref_squeeze %dma_start3A_1052 : memref<1x56x128xf32, #tpu.memory_space<vmem>> -> memref<56x128xf32, #tpu.memory_space<vmem>>
      tpu.enqueue_dma source(%dma_start3A_1053 : memref<56x128xf32, #tpu.memory_space<vmem>>) target(%dma_start3A_1049 : memref<56x128xf32, #tpu.memory_space<vmem_shared>>) target_semaphore(%run_scoped3A_1041 : memref<!tpu.dma_semaphore, #tpu.memory_space<semaphore_mem>>)
      %dma_wait3A_1054 = arith.constant 0 : i32
      %dma_wait3A_1055 = arith.constant 0 : i32
      %dma_wait3A_1056 = tpu.memref_slice %arg8[%run_scoped3A_55, %dma_wait3A_1054, %dma_wait3A_1055] : memref<5x64x128xf32, #tpu.memory_space<vmem>> -> memref<1x56x128xf32, #tpu.memory_space<vmem>>
      %dma_wait3A_1057 = tpu.memref_squeeze %dma_wait3A_1056 : memref<1x56x128xf32, #tpu.memory_space<vmem>> -> memref<56x128xf32, #tpu.memory_space<vmem>>
      %dma_wait3A_1058 = arith.constant 0 : i32
      %dma_wait3A_1059 = tpu.memref_slice %arg9[%add3A_54, %dma_wait3A_1058] : memref<10112x128xf32, #tpu.memory_space<vmem_shared>> -> memref<56x128xf32, #tpu.memory_space<vmem_shared>>
      %dma_wait3A_1060 = arith.constant 0 : i32
      %dma_wait3A_1061 = tpu.memref_slice %arg9[%add3A_54, %dma_wait3A_1060] : memref<10112x128xf32, #tpu.memory_space<vmem_shared>> -> memref<56x128xf32, #tpu.memory_space<vmem_shared>>
      %dma_wait3A_1062 = arith.constant 0 : i32
      %dma_wait3A_1063 = arith.constant 0 : i32
      %dma_wait3A_1064 = tpu.memref_slice %arg8[%run_scoped3A_55, %dma_wait3A_1062, %dma_wait3A_1063] : memref<5x64x128xf32, #tpu.memory_space<vmem>> -> memref<1x56x128xf32, #tpu.memory_space<vmem>>
      %dma_wait3A_1065 = tpu.memref_squeeze %dma_wait3A_1064 : memref<1x56x128xf32, #tpu.memory_space<vmem>> -> memref<56x128xf32, #tpu.memory_space<vmem>>
      tpu.wait_dma2 semaphore(%run_scoped3A_1041 : memref<!tpu.dma_semaphore, #tpu.memory_space<semaphore_mem>>) src(%dma_wait3A_1065 : memref<56x128xf32, #tpu.memory_space<vmem>>) dst(%dma_wait3A_1061 : memref<56x128xf32, #tpu.memory_space<vmem_shared>>)
      tpu.yield
    }) : () -> ()
    %barrier3A = arith.constant 0 : index
    tpu.barrier barrier_id(%barrier3A)
    %rem3A = arith.constant 0 : i32
    %rem3A_56 = arith.constant 8 : i32
    %rem3A_57 = arith.remsi %rem3A, %rem3A_56 : i32
    %dma_start3A = arith.constant 0 : i32
    %dma_start3A_58 = arith.constant 0 : i32
    %dma_start3A_59 = tpu.memref_slice %arg6[%rem3A_57, %dma_start3A_58] : memref<8x64xi32, #tpu.memory_space<vmem>> -> memref<1x64xi32, #tpu.memory_space<vmem>>
    %dma_start3A_60 = tpu.memref_squeeze %dma_start3A_59 : memref<1x64xi32, #tpu.memory_space<vmem>> -> memref<64xi32, #tpu.memory_space<vmem>>
    %dma_start3A_61 = arith.constant 0 : i32
    %dma_start3A_62 = tpu.memref_slice %arg3[%add3A, %dma_start3A, %dma_start3A_61] : memref<32x160x64xi32, #tpu.memory_space<hbm>> -> memref<1x1x64xi32, #tpu.memory_space<hbm>>
    %dma_start3A_63 = tpu.memref_squeeze %dma_start3A_62 : memref<1x1x64xi32, #tpu.memory_space<hbm>> -> memref<64xi32, #tpu.memory_space<hbm>>
    %dma_start3A_64 = arith.constant 0 : i32
    %dma_start3A_65 = tpu.memref_slice %arg6[%rem3A_57, %dma_start3A_64] : memref<8x64xi32, #tpu.memory_space<vmem>> -> memref<1x64xi32, #tpu.memory_space<vmem>>
    %dma_start3A_66 = tpu.memref_squeeze %dma_start3A_65 : memref<1x64xi32, #tpu.memory_space<vmem>> -> memref<64xi32, #tpu.memory_space<vmem>>
    %dma_start3A_67 = arith.constant 0 : i32
    %dma_start3A_68 = tpu.memref_slice %arg3[%add3A, %dma_start3A, %dma_start3A_67] : memref<32x160x64xi32, #tpu.memory_space<hbm>> -> memref<1x1x64xi32, #tpu.memory_space<hbm>>
    %dma_start3A_69 = tpu.memref_squeeze %dma_start3A_68 : memref<1x1x64xi32, #tpu.memory_space<hbm>> -> memref<64xi32, #tpu.memory_space<hbm>>
    tpu.enqueue_dma source(%dma_start3A_69 : memref<64xi32, #tpu.memory_space<hbm>>) target(%dma_start3A_66 : memref<64xi32, #tpu.memory_space<vmem>>) target_semaphore(%arg12 : memref<!tpu.dma_semaphore, #tpu.memory_space<semaphore_mem>>)
    %dma_start3A_70 = arith.constant 0 : i32
    %dma_start3A_71 = arith.constant 0 : i32
    %dma_start3A_72 = tpu.memref_slice %arg7[%rem3A_57, %dma_start3A_71] : memref<8x64xi32, #tpu.memory_space<vmem>> -> memref<1x64xi32, #tpu.memory_space<vmem>>
    %dma_start3A_73 = tpu.memref_squeeze %dma_start3A_72 : memref<1x64xi32, #tpu.memory_space<vmem>> -> memref<64xi32, #tpu.memory_space<vmem>>
    %dma_start3A_74 = arith.constant 0 : i32
    %dma_start3A_75 = tpu.memref_slice %arg4[%add3A, %dma_start3A_70, %dma_start3A_74] : memref<32x160x64xi32, #tpu.memory_space<hbm>> -> memref<1x1x64xi32, #tpu.memory_space<hbm>>
    %dma_start3A_76 = tpu.memref_squeeze %dma_start3A_75 : memref<1x1x64xi32, #tpu.memory_space<hbm>> -> memref<64xi32, #tpu.memory_space<hbm>>
    %dma_start3A_77 = arith.constant 0 : i32
    %dma_start3A_78 = tpu.memref_slice %arg7[%rem3A_57, %dma_start3A_77] : memref<8x64xi32, #tpu.memory_space<vmem>> -> memref<1x64xi32, #tpu.memory_space<vmem>>
    %dma_start3A_79 = tpu.memref_squeeze %dma_start3A_78 : memref<1x64xi32, #tpu.memory_space<vmem>> -> memref<64xi32, #tpu.memory_space<vmem>>
    %dma_start3A_80 = arith.constant 0 : i32
    %dma_start3A_81 = tpu.memref_slice %arg4[%add3A, %dma_start3A_70, %dma_start3A_80] : memref<32x160x64xi32, #tpu.memory_space<hbm>> -> memref<1x1x64xi32, #tpu.memory_space<hbm>>
    %dma_start3A_82 = tpu.memref_squeeze %dma_start3A_81 : memref<1x1x64xi32, #tpu.memory_space<hbm>> -> memref<64xi32, #tpu.memory_space<hbm>>
    tpu.enqueue_dma source(%dma_start3A_82 : memref<64xi32, #tpu.memory_space<hbm>>) target(%dma_start3A_79 : memref<64xi32, #tpu.memory_space<vmem>>) target_semaphore(%arg12 : memref<!tpu.dma_semaphore, #tpu.memory_space<semaphore_mem>>)
    %rem3A_83 = arith.constant 1 : i32
    %rem3A_84 = arith.constant 8 : i32
    %rem3A_85 = arith.remsi %rem3A_83, %rem3A_84 : i32
    %dma_start3A_86 = arith.constant 1 : i32
    %dma_start3A_87 = arith.constant 0 : i32
    %dma_start3A_88 = tpu.memref_slice %arg6[%rem3A_85, %dma_start3A_87] : memref<8x64xi32, #tpu.memory_space<vmem>> -> memref<1x64xi32, #tpu.memory_space<vmem>>
    %dma_start3A_89 = tpu.memref_squeeze %dma_start3A_88 : memref<1x64xi32, #tpu.memory_space<vmem>> -> memref<64xi32, #tpu.memory_space<vmem>>
    %dma_start3A_90 = arith.constant 0 : i32
    %dma_start3A_91 = tpu.memref_slice %arg3[%add3A, %dma_start3A_86, %dma_start3A_90] : memref<32x160x64xi32, #tpu.memory_space<hbm>> -> memref<1x1x64xi32, #tpu.memory_space<hbm>>
    %dma_start3A_92 = tpu.memref_squeeze %dma_start3A_91 : memref<1x1x64xi32, #tpu.memory_space<hbm>> -> memref<64xi32, #tpu.memory_space<hbm>>
    %dma_start3A_93 = arith.constant 0 : i32
    %dma_start3A_94 = tpu.memref_slice %arg6[%rem3A_85, %dma_start3A_93] : memref<8x64xi32, #tpu.memory_space<vmem>> -> memref<1x64xi32, #tpu.memory_space<vmem>>
    %dma_start3A_95 = tpu.memref_squeeze %dma_start3A_94 : memref<1x64xi32, #tpu.memory_space<vmem>> -> memref<64xi32, #tpu.memory_space<vmem>>
    %dma_start3A_96 = arith.constant 0 : i32
    %dma_start3A_97 = tpu.memref_slice %arg3[%add3A, %dma_start3A_86, %dma_start3A_96] : memref<32x160x64xi32, #tpu.memory_space<hbm>> -> memref<1x1x64xi32, #tpu.memory_space<hbm>>
    %dma_start3A_98 = tpu.memref_squeeze %dma_start3A_97 : memref<1x1x64xi32, #tpu.memory_space<hbm>> -> memref<64xi32, #tpu.memory_space<hbm>>
    tpu.enqueue_dma source(%dma_start3A_98 : memref<64xi32, #tpu.memory_space<hbm>>) target(%dma_start3A_95 : memref<64xi32, #tpu.memory_space<vmem>>) target_semaphore(%arg12 : memref<!tpu.dma_semaphore, #tpu.memory_space<semaphore_mem>>)
    %dma_start3A_99 = arith.constant 1 : i32
    %dma_start3A_100 = arith.constant 0 : i32
    %dma_start3A_101 = tpu.memref_slice %arg7[%rem3A_85, %dma_start3A_100] : memref<8x64xi32, #tpu.memory_space<vmem>> -> memref<1x64xi32, #tpu.memory_space<vmem>>
    %dma_start3A_102 = tpu.memref_squeeze %dma_start3A_101 : memref<1x64xi32, #tpu.memory_space<vmem>> -> memref<64xi32, #tpu.memory_space<vmem>>
    %dma_start3A_103 = arith.constant 0 : i32
    %dma_start3A_104 = tpu.memref_slice %arg4[%add3A, %dma_start3A_99, %dma_start3A_103] : memref<32x160x64xi32, #tpu.memory_space<hbm>> -> memref<1x1x64xi32, #tpu.memory_space<hbm>>
    %dma_start3A_105 = tpu.memref_squeeze %dma_start3A_104 : memref<1x1x64xi32, #tpu.memory_space<hbm>> -> memref<64xi32, #tpu.memory_space<hbm>>
    %dma_start3A_106 = arith.constant 0 : i32
    %dma_start3A_107 = tpu.memref_slice %arg7[%rem3A_85, %dma_start3A_106] : memref<8x64xi32, #tpu.memory_space<vmem>> -> memref<1x64xi32, #tpu.memory_space<vmem>>
    %dma_start3A_108 = tpu.memref_squeeze %dma_start3A_107 : memref<1x64xi32, #tpu.memory_space<vmem>> -> memref<64xi32, #tpu.memory_space<vmem>>
    %dma_start3A_109 = arith.constant 0 : i32
    %dma_start3A_110 = tpu.memref_slice %arg4[%add3A, %dma_start3A_99, %dma_start3A_109] : memref<32x160x64xi32, #tpu.memory_space<hbm>> -> memref<1x1x64xi32, #tpu.memory_space<hbm>>
    %dma_start3A_111 = tpu.memref_squeeze %dma_start3A_110 : memref<1x1x64xi32, #tpu.memory_space<hbm>> -> memref<64xi32, #tpu.memory_space<hbm>>
    tpu.enqueue_dma source(%dma_start3A_111 : memref<64xi32, #tpu.memory_space<hbm>>) target(%dma_start3A_108 : memref<64xi32, #tpu.memory_space<vmem>>) target_semaphore(%arg12 : memref<!tpu.dma_semaphore, #tpu.memory_space<semaphore_mem>>)
    %rem3A_112 = arith.constant 2 : i32
    %rem3A_113 = arith.constant 8 : i32
    %rem3A_114 = arith.remsi %rem3A_112, %rem3A_113 : i32
    %dma_start3A_115 = arith.constant 2 : i32
    %dma_start3A_116 = arith.constant 0 : i32
    %dma_start3A_117 = tpu.memref_slice %arg6[%rem3A_114, %dma_start3A_116] : memref<8x64xi32, #tpu.memory_space<vmem>> -> memref<1x64xi32, #tpu.memory_space<vmem>>
    %dma_start3A_118 = tpu.memref_squeeze %dma_start3A_117 : memref<1x64xi32, #tpu.memory_space<vmem>> -> memref<64xi32, #tpu.memory_space<vmem>>
    %dma_start3A_119 = arith.constant 0 : i32
    %dma_start3A_120 = tpu.memref_slice %arg3[%add3A, %dma_start3A_115, %dma_start3A_119] : memref<32x160x64xi32, #tpu.memory_space<hbm>> -> memref<1x1x64xi32, #tpu.memory_space<hbm>>
    %dma_start3A_121 = tpu.memref_squeeze %dma_start3A_120 : memref<1x1x64xi32, #tpu.memory_space<hbm>> -> memref<64xi32, #tpu.memory_space<hbm>>
    %dma_start3A_122 = arith.constant 0 : i32
    %dma_start3A_123 = tpu.memref_slice %arg6[%rem3A_114, %dma_start3A_122] : memref<8x64xi32, #tpu.memory_space<vmem>> -> memref<1x64xi32, #tpu.memory_space<vmem>>
    %dma_start3A_124 = tpu.memref_squeeze %dma_start3A_123 : memref<1x64xi32, #tpu.memory_space<vmem>> -> memref<64xi32, #tpu.memory_space<vmem>>
    %dma_start3A_125 = arith.constant 0 : i32
    %dma_start3A_126 = tpu.memref_slice %arg3[%add3A, %dma_start3A_115, %dma_start3A_125] : memref<32x160x64xi32, #tpu.memory_space<hbm>> -> memref<1x1x64xi32, #tpu.memory_space<hbm>>
    %dma_start3A_127 = tpu.memref_squeeze %dma_start3A_126 : memref<1x1x64xi32, #tpu.memory_space<hbm>> -> memref<64xi32, #tpu.memory_space<hbm>>
    tpu.enqueue_dma source(%dma_start3A_127 : memref<64xi32, #tpu.memory_space<hbm>>) target(%dma_start3A_124 : memref<64xi32, #tpu.memory_space<vmem>>) target_semaphore(%arg12 : memref<!tpu.dma_semaphore, #tpu.memory_space<semaphore_mem>>)
    %dma_start3A_128 = arith.constant 2 : i32
    %dma_start3A_129 = arith.constant 0 : i32
    %dma_start3A_130 = tpu.memref_slice %arg7[%rem3A_114, %dma_start3A_129] : memref<8x64xi32, #tpu.memory_space<vmem>> -> memref<1x64xi32, #tpu.memory_space<vmem>>
    %dma_start3A_131 = tpu.memref_squeeze %dma_start3A_130 : memref<1x64xi32, #tpu.memory_space<vmem>> -> memref<64xi32, #tpu.memory_space<vmem>>
    %dma_start3A_132 = arith.constant 0 : i32
    %dma_start3A_133 = tpu.memref_slice %arg4[%add3A, %dma_start3A_128, %dma_start3A_132] : memref<32x160x64xi32, #tpu.memory_space<hbm>> -> memref<1x1x64xi32, #tpu.memory_space<hbm>>
    %dma_start3A_134 = tpu.memref_squeeze %dma_start3A_133 : memref<1x1x64xi32, #tpu.memory_space<hbm>> -> memref<64xi32, #tpu.memory_space<hbm>>
    %dma_start3A_135 = arith.constant 0 : i32
    %dma_start3A_136 = tpu.memref_slice %arg7[%rem3A_114, %dma_start3A_135] : memref<8x64xi32, #tpu.memory_space<vmem>> -> memref<1x64xi32, #tpu.memory_space<vmem>>
    %dma_start3A_137 = tpu.memref_squeeze %dma_start3A_136 : memref<1x64xi32, #tpu.memory_space<vmem>> -> memref<64xi32, #tpu.memory_space<vmem>>
    %dma_start3A_138 = arith.constant 0 : i32
    %dma_start3A_139 = tpu.memref_slice %arg4[%add3A, %dma_start3A_128, %dma_start3A_138] : memref<32x160x64xi32, #tpu.memory_space<hbm>> -> memref<1x1x64xi32, #tpu.memory_space<hbm>>
    %dma_start3A_140 = tpu.memref_squeeze %dma_start3A_139 : memref<1x1x64xi32, #tpu.memory_space<hbm>> -> memref<64xi32, #tpu.memory_space<hbm>>
    tpu.enqueue_dma source(%dma_start3A_140 : memref<64xi32, #tpu.memory_space<hbm>>) target(%dma_start3A_137 : memref<64xi32, #tpu.memory_space<vmem>>) target_semaphore(%arg12 : memref<!tpu.dma_semaphore, #tpu.memory_space<semaphore_mem>>)
    %rem3A_141 = arith.constant 3 : i32
    %rem3A_142 = arith.constant 8 : i32
    %rem3A_143 = arith.remsi %rem3A_141, %rem3A_142 : i32
    %dma_start3A_144 = arith.constant 3 : i32
    %dma_start3A_145 = arith.constant 0 : i32
    %dma_start3A_146 = tpu.memref_slice %arg6[%rem3A_143, %dma_start3A_145] : memref<8x64xi32, #tpu.memory_space<vmem>> -> memref<1x64xi32, #tpu.memory_space<vmem>>
    %dma_start3A_147 = tpu.memref_squeeze %dma_start3A_146 : memref<1x64xi32, #tpu.memory_space<vmem>> -> memref<64xi32, #tpu.memory_space<vmem>>
    %dma_start3A_148 = arith.constant 0 : i32
    %dma_start3A_149 = tpu.memref_slice %arg3[%add3A, %dma_start3A_144, %dma_start3A_148] : memref<32x160x64xi32, #tpu.memory_space<hbm>> -> memref<1x1x64xi32, #tpu.memory_space<hbm>>
    %dma_start3A_150 = tpu.memref_squeeze %dma_start3A_149 : memref<1x1x64xi32, #tpu.memory_space<hbm>> -> memref<64xi32, #tpu.memory_space<hbm>>
    %dma_start3A_151 = arith.constant 0 : i32
    %dma_start3A_152 = tpu.memref_slice %arg6[%rem3A_143, %dma_start3A_151] : memref<8x64xi32, #tpu.memory_space<vmem>> -> memref<1x64xi32, #tpu.memory_space<vmem>>
    %dma_start3A_153 = tpu.memref_squeeze %dma_start3A_152 : memref<1x64xi32, #tpu.memory_space<vmem>> -> memref<64xi32, #tpu.memory_space<vmem>>
    %dma_start3A_154 = arith.constant 0 : i32
    %dma_start3A_155 = tpu.memref_slice %arg3[%add3A, %dma_start3A_144, %dma_start3A_154] : memref<32x160x64xi32, #tpu.memory_space<hbm>> -> memref<1x1x64xi32, #tpu.memory_space<hbm>>
    %dma_start3A_156 = tpu.memref_squeeze %dma_start3A_155 : memref<1x1x64xi32, #tpu.memory_space<hbm>> -> memref<64xi32, #tpu.memory_space<hbm>>
    tpu.enqueue_dma source(%dma_start3A_156 : memref<64xi32, #tpu.memory_space<hbm>>) target(%dma_start3A_153 : memref<64xi32, #tpu.memory_space<vmem>>) target_semaphore(%arg12 : memref<!tpu.dma_semaphore, #tpu.memory_space<semaphore_mem>>)
    %dma_start3A_157 = arith.constant 3 : i32
    %dma_start3A_158 = arith.constant 0 : i32
    %dma_start3A_159 = tpu.memref_slice %arg7[%rem3A_143, %dma_start3A_158] : memref<8x64xi32, #tpu.memory_space<vmem>> -> memref<1x64xi32, #tpu.memory_space<vmem>>
    %dma_start3A_160 = tpu.memref_squeeze %dma_start3A_159 : memref<1x64xi32, #tpu.memory_space<vmem>> -> memref<64xi32, #tpu.memory_space<vmem>>
    %dma_start3A_161 = arith.constant 0 : i32
    %dma_start3A_162 = tpu.memref_slice %arg4[%add3A, %dma_start3A_157, %dma_start3A_161] : memref<32x160x64xi32, #tpu.memory_space<hbm>> -> memref<1x1x64xi32, #tpu.memory_space<hbm>>
    %dma_start3A_163 = tpu.memref_squeeze %dma_start3A_162 : memref<1x1x64xi32, #tpu.memory_space<hbm>> -> memref<64xi32, #tpu.memory_space<hbm>>
    %dma_start3A_164 = arith.constant 0 : i32
    %dma_start3A_165 = tpu.memref_slice %arg7[%rem3A_143, %dma_start3A_164] : memref<8x64xi32, #tpu.memory_space<vmem>> -> memref<1x64xi32, #tpu.memory_space<vmem>>
    %dma_start3A_166 = tpu.memref_squeeze %dma_start3A_165 : memref<1x64xi32, #tpu.memory_space<vmem>> -> memref<64xi32, #tpu.memory_space<vmem>>
    %dma_start3A_167 = arith.constant 0 : i32
    %dma_start3A_168 = tpu.memref_slice %arg4[%add3A, %dma_start3A_157, %dma_start3A_167] : memref<32x160x64xi32, #tpu.memory_space<hbm>> -> memref<1x1x64xi32, #tpu.memory_space<hbm>>
    %dma_start3A_169 = tpu.memref_squeeze %dma_start3A_168 : memref<1x1x64xi32, #tpu.memory_space<hbm>> -> memref<64xi32, #tpu.memory_space<hbm>>
    tpu.enqueue_dma source(%dma_start3A_169 : memref<64xi32, #tpu.memory_space<hbm>>) target(%dma_start3A_166 : memref<64xi32, #tpu.memory_space<vmem>>) target_semaphore(%arg12 : memref<!tpu.dma_semaphore, #tpu.memory_space<semaphore_mem>>)
    %rem3A_170 = arith.constant 4 : i32
    %rem3A_171 = arith.constant 8 : i32
    %rem3A_172 = arith.remsi %rem3A_170, %rem3A_171 : i32
    %dma_start3A_173 = arith.constant 4 : i32
    %dma_start3A_174 = arith.constant 0 : i32
    %dma_start3A_175 = tpu.memref_slice %arg6[%rem3A_172, %dma_start3A_174] : memref<8x64xi32, #tpu.memory_space<vmem>> -> memref<1x64xi32, #tpu.memory_space<vmem>>
    %dma_start3A_176 = tpu.memref_squeeze %dma_start3A_175 : memref<1x64xi32, #tpu.memory_space<vmem>> -> memref<64xi32, #tpu.memory_space<vmem>>
    %dma_start3A_177 = arith.constant 0 : i32
    %dma_start3A_178 = tpu.memref_slice %arg3[%add3A, %dma_start3A_173, %dma_start3A_177] : memref<32x160x64xi32, #tpu.memory_space<hbm>> -> memref<1x1x64xi32, #tpu.memory_space<hbm>>
    %dma_start3A_179 = tpu.memref_squeeze %dma_start3A_178 : memref<1x1x64xi32, #tpu.memory_space<hbm>> -> memref<64xi32, #tpu.memory_space<hbm>>
    %dma_start3A_180 = arith.constant 0 : i32
    %dma_start3A_181 = tpu.memref_slice %arg6[%rem3A_172, %dma_start3A_180] : memref<8x64xi32, #tpu.memory_space<vmem>> -> memref<1x64xi32, #tpu.memory_space<vmem>>
    %dma_start3A_182 = tpu.memref_squeeze %dma_start3A_181 : memref<1x64xi32, #tpu.memory_space<vmem>> -> memref<64xi32, #tpu.memory_space<vmem>>
    %dma_start3A_183 = arith.constant 0 : i32
    %dma_start3A_184 = tpu.memref_slice %arg3[%add3A, %dma_start3A_173, %dma_start3A_183] : memref<32x160x64xi32, #tpu.memory_space<hbm>> -> memref<1x1x64xi32, #tpu.memory_space<hbm>>
    %dma_start3A_185 = tpu.memref_squeeze %dma_start3A_184 : memref<1x1x64xi32, #tpu.memory_space<hbm>> -> memref<64xi32, #tpu.memory_space<hbm>>
    tpu.enqueue_dma source(%dma_start3A_185 : memref<64xi32, #tpu.memory_space<hbm>>) target(%dma_start3A_182 : memref<64xi32, #tpu.memory_space<vmem>>) target_semaphore(%arg12 : memref<!tpu.dma_semaphore, #tpu.memory_space<semaphore_mem>>)
    %dma_start3A_186 = arith.constant 4 : i32
    %dma_start3A_187 = arith.constant 0 : i32
    %dma_start3A_188 = tpu.memref_slice %arg7[%rem3A_172, %dma_start3A_187] : memref<8x64xi32, #tpu.memory_space<vmem>> -> memref<1x64xi32, #tpu.memory_space<vmem>>
    %dma_start3A_189 = tpu.memref_squeeze %dma_start3A_188 : memref<1x64xi32, #tpu.memory_space<vmem>> -> memref<64xi32, #tpu.memory_space<vmem>>
    %dma_start3A_190 = arith.constant 0 : i32
    %dma_start3A_191 = tpu.memref_slice %arg4[%add3A, %dma_start3A_186, %dma_start3A_190] : memref<32x160x64xi32, #tpu.memory_space<hbm>> -> memref<1x1x64xi32, #tpu.memory_space<hbm>>
    %dma_start3A_192 = tpu.memref_squeeze %dma_start3A_191 : memref<1x1x64xi32, #tpu.memory_space<hbm>> -> memref<64xi32, #tpu.memory_space<hbm>>
    %dma_start3A_193 = arith.constant 0 : i32
    %dma_start3A_194 = tpu.memref_slice %arg7[%rem3A_172, %dma_start3A_193] : memref<8x64xi32, #tpu.memory_space<vmem>> -> memref<1x64xi32, #tpu.memory_space<vmem>>
    %dma_start3A_195 = tpu.memref_squeeze %dma_start3A_194 : memref<1x64xi32, #tpu.memory_space<vmem>> -> memref<64xi32, #tpu.memory_space<vmem>>
    %dma_start3A_196 = arith.constant 0 : i32
    %dma_start3A_197 = tpu.memref_slice %arg4[%add3A, %dma_start3A_186, %dma_start3A_196] : memref<32x160x64xi32, #tpu.memory_space<hbm>> -> memref<1x1x64xi32, #tpu.memory_space<hbm>>
    %dma_start3A_198 = tpu.memref_squeeze %dma_start3A_197 : memref<1x1x64xi32, #tpu.memory_space<hbm>> -> memref<64xi32, #tpu.memory_space<hbm>>
    tpu.enqueue_dma source(%dma_start3A_198 : memref<64xi32, #tpu.memory_space<hbm>>) target(%dma_start3A_195 : memref<64xi32, #tpu.memory_space<vmem>>) target_semaphore(%arg12 : memref<!tpu.dma_semaphore, #tpu.memory_space<semaphore_mem>>)
    %rem3A_199 = arith.constant 5 : i32
    %rem3A_200 = arith.constant 8 : i32
    %rem3A_201 = arith.remsi %rem3A_199, %rem3A_200 : i32
    %dma_start3A_202 = arith.constant 5 : i32
    %dma_start3A_203 = arith.constant 0 : i32
    %dma_start3A_204 = tpu.memref_slice %arg6[%rem3A_201, %dma_start3A_203] : memref<8x64xi32, #tpu.memory_space<vmem>> -> memref<1x64xi32, #tpu.memory_space<vmem>>
    %dma_start3A_205 = tpu.memref_squeeze %dma_start3A_204 : memref<1x64xi32, #tpu.memory_space<vmem>> -> memref<64xi32, #tpu.memory_space<vmem>>
    %dma_start3A_206 = arith.constant 0 : i32
    %dma_start3A_207 = tpu.memref_slice %arg3[%add3A, %dma_start3A_202, %dma_start3A_206] : memref<32x160x64xi32, #tpu.memory_space<hbm>> -> memref<1x1x64xi32, #tpu.memory_space<hbm>>
    %dma_start3A_208 = tpu.memref_squeeze %dma_start3A_207 : memref<1x1x64xi32, #tpu.memory_space<hbm>> -> memref<64xi32, #tpu.memory_space<hbm>>
    %dma_start3A_209 = arith.constant 0 : i32
    %dma_start3A_210 = tpu.memref_slice %arg6[%rem3A_201, %dma_start3A_209] : memref<8x64xi32, #tpu.memory_space<vmem>> -> memref<1x64xi32, #tpu.memory_space<vmem>>
    %dma_start3A_211 = tpu.memref_squeeze %dma_start3A_210 : memref<1x64xi32, #tpu.memory_space<vmem>> -> memref<64xi32, #tpu.memory_space<vmem>>
    %dma_start3A_212 = arith.constant 0 : i32
    %dma_start3A_213 = tpu.memref_slice %arg3[%add3A, %dma_start3A_202, %dma_start3A_212] : memref<32x160x64xi32, #tpu.memory_space<hbm>> -> memref<1x1x64xi32, #tpu.memory_space<hbm>>
    %dma_start3A_214 = tpu.memref_squeeze %dma_start3A_213 : memref<1x1x64xi32, #tpu.memory_space<hbm>> -> memref<64xi32, #tpu.memory_space<hbm>>
    tpu.enqueue_dma source(%dma_start3A_214 : memref<64xi32, #tpu.memory_space<hbm>>) target(%dma_start3A_211 : memref<64xi32, #tpu.memory_space<vmem>>) target_semaphore(%arg12 : memref<!tpu.dma_semaphore, #tpu.memory_space<semaphore_mem>>)
    %dma_start3A_215 = arith.constant 5 : i32
    %dma_start3A_216 = arith.constant 0 : i32
    %dma_start3A_217 = tpu.memref_slice %arg7[%rem3A_201, %dma_start3A_216] : memref<8x64xi32, #tpu.memory_space<vmem>> -> memref<1x64xi32, #tpu.memory_space<vmem>>
    %dma_start3A_218 = tpu.memref_squeeze %dma_start3A_217 : memref<1x64xi32, #tpu.memory_space<vmem>> -> memref<64xi32, #tpu.memory_space<vmem>>
    %dma_start3A_219 = arith.constant 0 : i32
    %dma_start3A_220 = tpu.memref_slice %arg4[%add3A, %dma_start3A_215, %dma_start3A_219] : memref<32x160x64xi32, #tpu.memory_space<hbm>> -> memref<1x1x64xi32, #tpu.memory_space<hbm>>
    %dma_start3A_221 = tpu.memref_squeeze %dma_start3A_220 : memref<1x1x64xi32, #tpu.memory_space<hbm>> -> memref<64xi32, #tpu.memory_space<hbm>>
    %dma_start3A_222 = arith.constant 0 : i32
    %dma_start3A_223 = tpu.memref_slice %arg7[%rem3A_201, %dma_start3A_222] : memref<8x64xi32, #tpu.memory_space<vmem>> -> memref<1x64xi32, #tpu.memory_space<vmem>>
    %dma_start3A_224 = tpu.memref_squeeze %dma_start3A_223 : memref<1x64xi32, #tpu.memory_space<vmem>> -> memref<64xi32, #tpu.memory_space<vmem>>
    %dma_start3A_225 = arith.constant 0 : i32
    %dma_start3A_226 = tpu.memref_slice %arg4[%add3A, %dma_start3A_215, %dma_start3A_225] : memref<32x160x64xi32, #tpu.memory_space<hbm>> -> memref<1x1x64xi32, #tpu.memory_space<hbm>>
    %dma_start3A_227 = tpu.memref_squeeze %dma_start3A_226 : memref<1x1x64xi32, #tpu.memory_space<hbm>> -> memref<64xi32, #tpu.memory_space<hbm>>
    tpu.enqueue_dma source(%dma_start3A_227 : memref<64xi32, #tpu.memory_space<hbm>>) target(%dma_start3A_224 : memref<64xi32, #tpu.memory_space<vmem>>) target_semaphore(%arg12 : memref<!tpu.dma_semaphore, #tpu.memory_space<semaphore_mem>>)
    %rem3A_228 = arith.constant 6 : i32
    %rem3A_229 = arith.constant 8 : i32
    %rem3A_230 = arith.remsi %rem3A_228, %rem3A_229 : i32
    %dma_start3A_231 = arith.constant 6 : i32
    %dma_start3A_232 = arith.constant 0 : i32
    %dma_start3A_233 = tpu.memref_slice %arg6[%rem3A_230, %dma_start3A_232] : memref<8x64xi32, #tpu.memory_space<vmem>> -> memref<1x64xi32, #tpu.memory_space<vmem>>
    %dma_start3A_234 = tpu.memref_squeeze %dma_start3A_233 : memref<1x64xi32, #tpu.memory_space<vmem>> -> memref<64xi32, #tpu.memory_space<vmem>>
    %dma_start3A_235 = arith.constant 0 : i32
    %dma_start3A_236 = tpu.memref_slice %arg3[%add3A, %dma_start3A_231, %dma_start3A_235] : memref<32x160x64xi32, #tpu.memory_space<hbm>> -> memref<1x1x64xi32, #tpu.memory_space<hbm>>
    %dma_start3A_237 = tpu.memref_squeeze %dma_start3A_236 : memref<1x1x64xi32, #tpu.memory_space<hbm>> -> memref<64xi32, #tpu.memory_space<hbm>>
    %dma_start3A_238 = arith.constant 0 : i32
    %dma_start3A_239 = tpu.memref_slice %arg6[%rem3A_230, %dma_start3A_238] : memref<8x64xi32, #tpu.memory_space<vmem>> -> memref<1x64xi32, #tpu.memory_space<vmem>>
    %dma_start3A_240 = tpu.memref_squeeze %dma_start3A_239 : memref<1x64xi32, #tpu.memory_space<vmem>> -> memref<64xi32, #tpu.memory_space<vmem>>
    %dma_start3A_241 = arith.constant 0 : i32
    %dma_start3A_242 = tpu.memref_slice %arg3[%add3A, %dma_start3A_231, %dma_start3A_241] : memref<32x160x64xi32, #tpu.memory_space<hbm>> -> memref<1x1x64xi32, #tpu.memory_space<hbm>>
    %dma_start3A_243 = tpu.memref_squeeze %dma_start3A_242 : memref<1x1x64xi32, #tpu.memory_space<hbm>> -> memref<64xi32, #tpu.memory_space<hbm>>
    tpu.enqueue_dma source(%dma_start3A_243 : memref<64xi32, #tpu.memory_space<hbm>>) target(%dma_start3A_240 : memref<64xi32, #tpu.memory_space<vmem>>) target_semaphore(%arg12 : memref<!tpu.dma_semaphore, #tpu.memory_space<semaphore_mem>>)
    %dma_start3A_244 = arith.constant 6 : i32
    %dma_start3A_245 = arith.constant 0 : i32
    %dma_start3A_246 = tpu.memref_slice %arg7[%rem3A_230, %dma_start3A_245] : memref<8x64xi32, #tpu.memory_space<vmem>> -> memref<1x64xi32, #tpu.memory_space<vmem>>
    %dma_start3A_247 = tpu.memref_squeeze %dma_start3A_246 : memref<1x64xi32, #tpu.memory_space<vmem>> -> memref<64xi32, #tpu.memory_space<vmem>>
    %dma_start3A_248 = arith.constant 0 : i32
    %dma_start3A_249 = tpu.memref_slice %arg4[%add3A, %dma_start3A_244, %dma_start3A_248] : memref<32x160x64xi32, #tpu.memory_space<hbm>> -> memref<1x1x64xi32, #tpu.memory_space<hbm>>
    %dma_start3A_250 = tpu.memref_squeeze %dma_start3A_249 : memref<1x1x64xi32, #tpu.memory_space<hbm>> -> memref<64xi32, #tpu.memory_space<hbm>>
    %dma_start3A_251 = arith.constant 0 : i32
    %dma_start3A_252 = tpu.memref_slice %arg7[%rem3A_230, %dma_start3A_251] : memref<8x64xi32, #tpu.memory_space<vmem>> -> memref<1x64xi32, #tpu.memory_space<vmem>>
    %dma_start3A_253 = tpu.memref_squeeze %dma_start3A_252 : memref<1x64xi32, #tpu.memory_space<vmem>> -> memref<64xi32, #tpu.memory_space<vmem>>
    %dma_start3A_254 = arith.constant 0 : i32
    %dma_start3A_255 = tpu.memref_slice %arg4[%add3A, %dma_start3A_244, %dma_start3A_254] : memref<32x160x64xi32, #tpu.memory_space<hbm>> -> memref<1x1x64xi32, #tpu.memory_space<hbm>>
    %dma_start3A_256 = tpu.memref_squeeze %dma_start3A_255 : memref<1x1x64xi32, #tpu.memory_space<hbm>> -> memref<64xi32, #tpu.memory_space<hbm>>
    tpu.enqueue_dma source(%dma_start3A_256 : memref<64xi32, #tpu.memory_space<hbm>>) target(%dma_start3A_253 : memref<64xi32, #tpu.memory_space<vmem>>) target_semaphore(%arg12 : memref<!tpu.dma_semaphore, #tpu.memory_space<semaphore_mem>>)
    %rem3A_257 = arith.constant 7 : i32
    %rem3A_258 = arith.constant 8 : i32
    %rem3A_259 = arith.remsi %rem3A_257, %rem3A_258 : i32
    %dma_start3A_260 = arith.constant 7 : i32
    %dma_start3A_261 = arith.constant 0 : i32
    %dma_start3A_262 = tpu.memref_slice %arg6[%rem3A_259, %dma_start3A_261] : memref<8x64xi32, #tpu.memory_space<vmem>> -> memref<1x64xi32, #tpu.memory_space<vmem>>
    %dma_start3A_263 = tpu.memref_squeeze %dma_start3A_262 : memref<1x64xi32, #tpu.memory_space<vmem>> -> memref<64xi32, #tpu.memory_space<vmem>>
    %dma_start3A_264 = arith.constant 0 : i32
    %dma_start3A_265 = tpu.memref_slice %arg3[%add3A, %dma_start3A_260, %dma_start3A_264] : memref<32x160x64xi32, #tpu.memory_space<hbm>> -> memref<1x1x64xi32, #tpu.memory_space<hbm>>
    %dma_start3A_266 = tpu.memref_squeeze %dma_start3A_265 : memref<1x1x64xi32, #tpu.memory_space<hbm>> -> memref<64xi32, #tpu.memory_space<hbm>>
    %dma_start3A_267 = arith.constant 0 : i32
    %dma_start3A_268 = tpu.memref_slice %arg6[%rem3A_259, %dma_start3A_267] : memref<8x64xi32, #tpu.memory_space<vmem>> -> memref<1x64xi32, #tpu.memory_space<vmem>>
    %dma_start3A_269 = tpu.memref_squeeze %dma_start3A_268 : memref<1x64xi32, #tpu.memory_space<vmem>> -> memref<64xi32, #tpu.memory_space<vmem>>
    %dma_start3A_270 = arith.constant 0 : i32
    %dma_start3A_271 = tpu.memref_slice %arg3[%add3A, %dma_start3A_260, %dma_start3A_270] : memref<32x160x64xi32, #tpu.memory_space<hbm>> -> memref<1x1x64xi32, #tpu.memory_space<hbm>>
    %dma_start3A_272 = tpu.memref_squeeze %dma_start3A_271 : memref<1x1x64xi32, #tpu.memory_space<hbm>> -> memref<64xi32, #tpu.memory_space<hbm>>
    tpu.enqueue_dma source(%dma_start3A_272 : memref<64xi32, #tpu.memory_space<hbm>>) target(%dma_start3A_269 : memref<64xi32, #tpu.memory_space<vmem>>) target_semaphore(%arg12 : memref<!tpu.dma_semaphore, #tpu.memory_space<semaphore_mem>>)
    %dma_start3A_273 = arith.constant 7 : i32
    %dma_start3A_274 = arith.constant 0 : i32
    %dma_start3A_275 = tpu.memref_slice %arg7[%rem3A_259, %dma_start3A_274] : memref<8x64xi32, #tpu.memory_space<vmem>> -> memref<1x64xi32, #tpu.memory_space<vmem>>
    %dma_start3A_276 = tpu.memref_squeeze %dma_start3A_275 : memref<1x64xi32, #tpu.memory_space<vmem>> -> memref<64xi32, #tpu.memory_space<vmem>>
    %dma_start3A_277 = arith.constant 0 : i32
    %dma_start3A_278 = tpu.memref_slice %arg4[%add3A, %dma_start3A_273, %dma_start3A_277] : memref<32x160x64xi32, #tpu.memory_space<hbm>> -> memref<1x1x64xi32, #tpu.memory_space<hbm>>
    %dma_start3A_279 = tpu.memref_squeeze %dma_start3A_278 : memref<1x1x64xi32, #tpu.memory_space<hbm>> -> memref<64xi32, #tpu.memory_space<hbm>>
    %dma_start3A_280 = arith.constant 0 : i32
    %dma_start3A_281 = tpu.memref_slice %arg7[%rem3A_259, %dma_start3A_280] : memref<8x64xi32, #tpu.memory_space<vmem>> -> memref<1x64xi32, #tpu.memory_space<vmem>>
    %dma_start3A_282 = tpu.memref_squeeze %dma_start3A_281 : memref<1x64xi32, #tpu.memory_space<vmem>> -> memref<64xi32, #tpu.memory_space<vmem>>
    %dma_start3A_283 = arith.constant 0 : i32
    %dma_start3A_284 = tpu.memref_slice %arg4[%add3A, %dma_start3A_273, %dma_start3A_283] : memref<32x160x64xi32, #tpu.memory_space<hbm>> -> memref<1x1x64xi32, #tpu.memory_space<hbm>>
    %dma_start3A_285 = tpu.memref_squeeze %dma_start3A_284 : memref<1x1x64xi32, #tpu.memory_space<hbm>> -> memref<64xi32, #tpu.memory_space<hbm>>
    tpu.enqueue_dma source(%dma_start3A_285 : memref<64xi32, #tpu.memory_space<hbm>>) target(%dma_start3A_282 : memref<64xi32, #tpu.memory_space<vmem>>) target_semaphore(%arg12 : memref<!tpu.dma_semaphore, #tpu.memory_space<semaphore_mem>>)
    %rem3A_286 = arith.constant 0 : i32
    %rem3A_287 = arith.constant 8 : i32
    %rem3A_288 = arith.remsi %rem3A_286, %rem3A_287 : i32
    %dma_wait3A = arith.constant 0 : i32
    %dma_wait3A_289 = arith.constant 0 : i32
    %dma_wait3A_290 = tpu.memref_slice %arg6[%rem3A_288, %dma_wait3A_289] : memref<8x64xi32, #tpu.memory_space<vmem>> -> memref<1x64xi32, #tpu.memory_space<vmem>>
    %dma_wait3A_291 = tpu.memref_squeeze %dma_wait3A_290 : memref<1x64xi32, #tpu.memory_space<vmem>> -> memref<64xi32, #tpu.memory_space<vmem>>
    %dma_wait3A_292 = arith.constant 0 : i32
    %dma_wait3A_293 = tpu.memref_slice %arg3[%add3A, %dma_wait3A, %dma_wait3A_292] : memref<32x160x64xi32, #tpu.memory_space<hbm>> -> memref<1x1x64xi32, #tpu.memory_space<hbm>>
    %dma_wait3A_294 = tpu.memref_squeeze %dma_wait3A_293 : memref<1x1x64xi32, #tpu.memory_space<hbm>> -> memref<64xi32, #tpu.memory_space<hbm>>
    %dma_wait3A_295 = arith.constant 0 : i32
    %dma_wait3A_296 = tpu.memref_slice %arg6[%rem3A_288, %dma_wait3A_295] : memref<8x64xi32, #tpu.memory_space<vmem>> -> memref<1x64xi32, #tpu.memory_space<vmem>>
    %dma_wait3A_297 = tpu.memref_squeeze %dma_wait3A_296 : memref<1x64xi32, #tpu.memory_space<vmem>> -> memref<64xi32, #tpu.memory_space<vmem>>
    %dma_wait3A_298 = arith.constant 0 : i32
    %dma_wait3A_299 = tpu.memref_slice %arg3[%add3A, %dma_wait3A, %dma_wait3A_298] : memref<32x160x64xi32, #tpu.memory_space<hbm>> -> memref<1x1x64xi32, #tpu.memory_space<hbm>>
    %dma_wait3A_300 = tpu.memref_squeeze %dma_wait3A_299 : memref<1x1x64xi32, #tpu.memory_space<hbm>> -> memref<64xi32, #tpu.memory_space<hbm>>
    tpu.wait_dma2 semaphore(%arg12 : memref<!tpu.dma_semaphore, #tpu.memory_space<semaphore_mem>>) src(%dma_wait3A_300 : memref<64xi32, #tpu.memory_space<hbm>>) dst(%dma_wait3A_297 : memref<64xi32, #tpu.memory_space<vmem>>)
    %dma_wait3A_301 = arith.constant 0 : i32
    %dma_wait3A_302 = arith.constant 0 : i32
    %dma_wait3A_303 = tpu.memref_slice %arg7[%rem3A_288, %dma_wait3A_302] : memref<8x64xi32, #tpu.memory_space<vmem>> -> memref<1x64xi32, #tpu.memory_space<vmem>>
    %dma_wait3A_304 = tpu.memref_squeeze %dma_wait3A_303 : memref<1x64xi32, #tpu.memory_space<vmem>> -> memref<64xi32, #tpu.memory_space<vmem>>
    %dma_wait3A_305 = arith.constant 0 : i32
    %dma_wait3A_306 = tpu.memref_slice %arg4[%add3A, %dma_wait3A_301, %dma_wait3A_305] : memref<32x160x64xi32, #tpu.memory_space<hbm>> -> memref<1x1x64xi32, #tpu.memory_space<hbm>>
    %dma_wait3A_307 = tpu.memref_squeeze %dma_wait3A_306 : memref<1x1x64xi32, #tpu.memory_space<hbm>> -> memref<64xi32, #tpu.memory_space<hbm>>
    %dma_wait3A_308 = arith.constant 0 : i32
    %dma_wait3A_309 = tpu.memref_slice %arg7[%rem3A_288, %dma_wait3A_308] : memref<8x64xi32, #tpu.memory_space<vmem>> -> memref<1x64xi32, #tpu.memory_space<vmem>>
    %dma_wait3A_310 = tpu.memref_squeeze %dma_wait3A_309 : memref<1x64xi32, #tpu.memory_space<vmem>> -> memref<64xi32, #tpu.memory_space<vmem>>
    %dma_wait3A_311 = arith.constant 0 : i32
    %dma_wait3A_312 = tpu.memref_slice %arg4[%add3A, %dma_wait3A_301, %dma_wait3A_311] : memref<32x160x64xi32, #tpu.memory_space<hbm>> -> memref<1x1x64xi32, #tpu.memory_space<hbm>>
    %dma_wait3A_313 = tpu.memref_squeeze %dma_wait3A_312 : memref<1x1x64xi32, #tpu.memory_space<hbm>> -> memref<64xi32, #tpu.memory_space<hbm>>
    tpu.wait_dma2 semaphore(%arg12 : memref<!tpu.dma_semaphore, #tpu.memory_space<semaphore_mem>>) src(%dma_wait3A_313 : memref<64xi32, #tpu.memory_space<hbm>>) dst(%dma_wait3A_310 : memref<64xi32, #tpu.memory_space<vmem>>)
    %rem3A_314 = arith.constant 0 : i32
    %rem3A_315 = arith.constant 8 : i32
    %rem3A_316 = arith.remsi %rem3A_314, %rem3A_315 : i32
    %rem3A_317 = arith.constant 0 : i32
    %rem3A_318 = arith.constant 5 : i32
    %rem3A_319 = arith.remsi %rem3A_317, %rem3A_318 : i32
    %dma_start3A_320 = arith.constant 0 : i32
    %dma_start3A_321 = arith.constant 0 : i32
    %dma_start3A_322 = tpu.memref_slice %arg8[%rem3A_319, %dma_start3A_320, %dma_start3A_321] : memref<5x64x128xf32, #tpu.memory_space<vmem>> -> memref<1x64x128xf32, #tpu.memory_space<vmem>>
    %dma_start3A_323 = tpu.memref_squeeze %dma_start3A_322 : memref<1x64x128xf32, #tpu.memory_space<vmem>> -> memref<64x128xf32, #tpu.memory_space<vmem>>
    %dma_start3A_324 = arith.constant 0 : i32
    %dma_start3A_325 = tpu.memref_slice %arg6[%rem3A_316, %dma_start3A_324] : memref<8x64xi32, #tpu.memory_space<vmem>> -> memref<1x64xi32, #tpu.memory_space<vmem>>
    %dma_start3A_326 = tpu.memref_squeeze %dma_start3A_325 : memref<1x64xi32, #tpu.memory_space<vmem>> -> memref<64xi32, #tpu.memory_space<vmem>>
    %dma_start3A_327 = arith.constant 0 : i32
    %dma_start3A_328 = arith.constant 0 : i32
    %dma_start3A_329 = tpu.memref_slice %arg2[%dma_start3A_327, %dma_start3A_328] : memref<10000x128xf32, #tpu.memory_space<hbm>> -> memref<10000x128xf32, #tpu.memory_space<hbm>>
    tpu.enqueue_indirect_dma source(%dma_start3A_329 : memref<10000x128xf32, #tpu.memory_space<hbm>>) target(%dma_start3A_323 : memref<64x128xf32, #tpu.memory_space<vmem>>) offsets(%dma_start3A_326 : memref<64xi32, #tpu.memory_space<vmem>>) semaphore(%arg10 : memref<!tpu.dma_semaphore, #tpu.memory_space<semaphore_mem>>)
    %rem3A_330 = arith.constant 1 : i32
    %rem3A_331 = arith.constant 8 : i32
    %rem3A_332 = arith.remsi %rem3A_330, %rem3A_331 : i32
    %dma_wait3A_333 = arith.constant 1 : i32
    %dma_wait3A_334 = arith.constant 0 : i32
    %dma_wait3A_335 = tpu.memref_slice %arg6[%rem3A_332, %dma_wait3A_334] : memref<8x64xi32, #tpu.memory_space<vmem>> -> memref<1x64xi32, #tpu.memory_space<vmem>>
    %dma_wait3A_336 = tpu.memref_squeeze %dma_wait3A_335 : memref<1x64xi32, #tpu.memory_space<vmem>> -> memref<64xi32, #tpu.memory_space<vmem>>
    %dma_wait3A_337 = arith.constant 0 : i32
    %dma_wait3A_338 = tpu.memref_slice %arg3[%add3A, %dma_wait3A_333, %dma_wait3A_337] : memref<32x160x64xi32, #tpu.memory_space<hbm>> -> memref<1x1x64xi32, #tpu.memory_space<hbm>>
    %dma_wait3A_339 = tpu.memref_squeeze %dma_wait3A_338 : memref<1x1x64xi32, #tpu.memory_space<hbm>> -> memref<64xi32, #tpu.memory_space<hbm>>
    %dma_wait3A_340 = arith.constant 0 : i32
    %dma_wait3A_341 = tpu.memref_slice %arg6[%rem3A_332, %dma_wait3A_340] : memref<8x64xi32, #tpu.memory_space<vmem>> -> memref<1x64xi32, #tpu.memory_space<vmem>>
    %dma_wait3A_342 = tpu.memref_squeeze %dma_wait3A_341 : memref<1x64xi32, #tpu.memory_space<vmem>> -> memref<64xi32, #tpu.memory_space<vmem>>
    %dma_wait3A_343 = arith.constant 0 : i32
    %dma_wait3A_344 = tpu.memref_slice %arg3[%add3A, %dma_wait3A_333, %dma_wait3A_343] : memref<32x160x64xi32, #tpu.memory_space<hbm>> -> memref<1x1x64xi32, #tpu.memory_space<hbm>>
    %dma_wait3A_345 = tpu.memref_squeeze %dma_wait3A_344 : memref<1x1x64xi32, #tpu.memory_space<hbm>> -> memref<64xi32, #tpu.memory_space<hbm>>
    tpu.wait_dma2 semaphore(%arg12 : memref<!tpu.dma_semaphore, #tpu.memory_space<semaphore_mem>>) src(%dma_wait3A_345 : memref<64xi32, #tpu.memory_space<hbm>>) dst(%dma_wait3A_342 : memref<64xi32, #tpu.memory_space<vmem>>)
    %dma_wait3A_346 = arith.constant 1 : i32
    %dma_wait3A_347 = arith.constant 0 : i32
    %dma_wait3A_348 = tpu.memref_slice %arg7[%rem3A_332, %dma_wait3A_347] : memref<8x64xi32, #tpu.memory_space<vmem>> -> memref<1x64xi32, #tpu.memory_space<vmem>>
    %dma_wait3A_349 = tpu.memref_squeeze %dma_wait3A_348 : memref<1x64xi32, #tpu.memory_space<vmem>> -> memref<64xi32, #tpu.memory_space<vmem>>
    %dma_wait3A_350 = arith.constant 0 : i32
    %dma_wait3A_351 = tpu.memref_slice %arg4[%add3A, %dma_wait3A_346, %dma_wait3A_350] : memref<32x160x64xi32, #tpu.memory_space<hbm>> -> memref<1x1x64xi32, #tpu.memory_space<hbm>>
    %dma_wait3A_352 = tpu.memref_squeeze %dma_wait3A_351 : memref<1x1x64xi32, #tpu.memory_space<hbm>> -> memref<64xi32, #tpu.memory_space<hbm>>
    %dma_wait3A_353 = arith.constant 0 : i32
    %dma_wait3A_354 = tpu.memref_slice %arg7[%rem3A_332, %dma_wait3A_353] : memref<8x64xi32, #tpu.memory_space<vmem>> -> memref<1x64xi32, #tpu.memory_space<vmem>>
    %dma_wait3A_355 = tpu.memref_squeeze %dma_wait3A_354 : memref<1x64xi32, #tpu.memory_space<vmem>> -> memref<64xi32, #tpu.memory_space<vmem>>
    %dma_wait3A_356 = arith.constant 0 : i32
    %dma_wait3A_357 = tpu.memref_slice %arg4[%add3A, %dma_wait3A_346, %dma_wait3A_356] : memref<32x160x64xi32, #tpu.memory_space<hbm>> -> memref<1x1x64xi32, #tpu.memory_space<hbm>>
    %dma_wait3A_358 = tpu.memref_squeeze %dma_wait3A_357 : memref<1x1x64xi32, #tpu.memory_space<hbm>> -> memref<64xi32, #tpu.memory_space<hbm>>
    tpu.wait_dma2 semaphore(%arg12 : memref<!tpu.dma_semaphore, #tpu.memory_space<semaphore_mem>>) src(%dma_wait3A_358 : memref<64xi32, #tpu.memory_space<hbm>>) dst(%dma_wait3A_355 : memref<64xi32, #tpu.memory_space<vmem>>)
    %rem3A_359 = arith.constant 1 : i32
    %rem3A_360 = arith.constant 8 : i32
    %rem3A_361 = arith.remsi %rem3A_359, %rem3A_360 : i32
    %rem3A_362 = arith.constant 1 : i32
    %rem3A_363 = arith.constant 5 : i32
    %rem3A_364 = arith.remsi %rem3A_362, %rem3A_363 : i32
    %dma_start3A_365 = arith.constant 0 : i32
    %dma_start3A_366 = arith.constant 0 : i32
    %dma_start3A_367 = tpu.memref_slice %arg8[%rem3A_364, %dma_start3A_365, %dma_start3A_366] : memref<5x64x128xf32, #tpu.memory_space<vmem>> -> memref<1x64x128xf32, #tpu.memory_space<vmem>>
    %dma_start3A_368 = tpu.memref_squeeze %dma_start3A_367 : memref<1x64x128xf32, #tpu.memory_space<vmem>> -> memref<64x128xf32, #tpu.memory_space<vmem>>
    %dma_start3A_369 = arith.constant 0 : i32
    %dma_start3A_370 = tpu.memref_slice %arg6[%rem3A_361, %dma_start3A_369] : memref<8x64xi32, #tpu.memory_space<vmem>> -> memref<1x64xi32, #tpu.memory_space<vmem>>
    %dma_start3A_371 = tpu.memref_squeeze %dma_start3A_370 : memref<1x64xi32, #tpu.memory_space<vmem>> -> memref<64xi32, #tpu.memory_space<vmem>>
    %dma_start3A_372 = arith.constant 0 : i32
    %dma_start3A_373 = arith.constant 0 : i32
    %dma_start3A_374 = tpu.memref_slice %arg2[%dma_start3A_372, %dma_start3A_373] : memref<10000x128xf32, #tpu.memory_space<hbm>> -> memref<10000x128xf32, #tpu.memory_space<hbm>>
    tpu.enqueue_indirect_dma source(%dma_start3A_374 : memref<10000x128xf32, #tpu.memory_space<hbm>>) target(%dma_start3A_368 : memref<64x128xf32, #tpu.memory_space<vmem>>) offsets(%dma_start3A_371 : memref<64xi32, #tpu.memory_space<vmem>>) semaphore(%arg10 : memref<!tpu.dma_semaphore, #tpu.memory_space<semaphore_mem>>)
    %rem3A_375 = arith.constant 2 : i32
    %rem3A_376 = arith.constant 8 : i32
    %rem3A_377 = arith.remsi %rem3A_375, %rem3A_376 : i32
    %dma_wait3A_378 = arith.constant 2 : i32
    %dma_wait3A_379 = arith.constant 0 : i32
    %dma_wait3A_380 = tpu.memref_slice %arg6[%rem3A_377, %dma_wait3A_379] : memref<8x64xi32, #tpu.memory_space<vmem>> -> memref<1x64xi32, #tpu.memory_space<vmem>>
    %dma_wait3A_381 = tpu.memref_squeeze %dma_wait3A_380 : memref<1x64xi32, #tpu.memory_space<vmem>> -> memref<64xi32, #tpu.memory_space<vmem>>
    %dma_wait3A_382 = arith.constant 0 : i32
    %dma_wait3A_383 = tpu.memref_slice %arg3[%add3A, %dma_wait3A_378, %dma_wait3A_382] : memref<32x160x64xi32, #tpu.memory_space<hbm>> -> memref<1x1x64xi32, #tpu.memory_space<hbm>>
    %dma_wait3A_384 = tpu.memref_squeeze %dma_wait3A_383 : memref<1x1x64xi32, #tpu.memory_space<hbm>> -> memref<64xi32, #tpu.memory_space<hbm>>
    %dma_wait3A_385 = arith.constant 0 : i32
    %dma_wait3A_386 = tpu.memref_slice %arg6[%rem3A_377, %dma_wait3A_385] : memref<8x64xi32, #tpu.memory_space<vmem>> -> memref<1x64xi32, #tpu.memory_space<vmem>>
    %dma_wait3A_387 = tpu.memref_squeeze %dma_wait3A_386 : memref<1x64xi32, #tpu.memory_space<vmem>> -> memref<64xi32, #tpu.memory_space<vmem>>
    %dma_wait3A_388 = arith.constant 0 : i32
    %dma_wait3A_389 = tpu.memref_slice %arg3[%add3A, %dma_wait3A_378, %dma_wait3A_388] : memref<32x160x64xi32, #tpu.memory_space<hbm>> -> memref<1x1x64xi32, #tpu.memory_space<hbm>>
    %dma_wait3A_390 = tpu.memref_squeeze %dma_wait3A_389 : memref<1x1x64xi32, #tpu.memory_space<hbm>> -> memref<64xi32, #tpu.memory_space<hbm>>
    tpu.wait_dma2 semaphore(%arg12 : memref<!tpu.dma_semaphore, #tpu.memory_space<semaphore_mem>>) src(%dma_wait3A_390 : memref<64xi32, #tpu.memory_space<hbm>>) dst(%dma_wait3A_387 : memref<64xi32, #tpu.memory_space<vmem>>)
    %dma_wait3A_391 = arith.constant 2 : i32
    %dma_wait3A_392 = arith.constant 0 : i32
    %dma_wait3A_393 = tpu.memref_slice %arg7[%rem3A_377, %dma_wait3A_392] : memref<8x64xi32, #tpu.memory_space<vmem>> -> memref<1x64xi32, #tpu.memory_space<vmem>>
    %dma_wait3A_394 = tpu.memref_squeeze %dma_wait3A_393 : memref<1x64xi32, #tpu.memory_space<vmem>> -> memref<64xi32, #tpu.memory_space<vmem>>
    %dma_wait3A_395 = arith.constant 0 : i32
    %dma_wait3A_396 = tpu.memref_slice %arg4[%add3A, %dma_wait3A_391, %dma_wait3A_395] : memref<32x160x64xi32, #tpu.memory_space<hbm>> -> memref<1x1x64xi32, #tpu.memory_space<hbm>>
    %dma_wait3A_397 = tpu.memref_squeeze %dma_wait3A_396 : memref<1x1x64xi32, #tpu.memory_space<hbm>> -> memref<64xi32, #tpu.memory_space<hbm>>
    %dma_wait3A_398 = arith.constant 0 : i32
    %dma_wait3A_399 = tpu.memref_slice %arg7[%rem3A_377, %dma_wait3A_398] : memref<8x64xi32, #tpu.memory_space<vmem>> -> memref<1x64xi32, #tpu.memory_space<vmem>>
    %dma_wait3A_400 = tpu.memref_squeeze %dma_wait3A_399 : memref<1x64xi32, #tpu.memory_space<vmem>> -> memref<64xi32, #tpu.memory_space<vmem>>
    %dma_wait3A_401 = arith.constant 0 : i32
    %dma_wait3A_402 = tpu.memref_slice %arg4[%add3A, %dma_wait3A_391, %dma_wait3A_401] : memref<32x160x64xi32, #tpu.memory_space<hbm>> -> memref<1x1x64xi32, #tpu.memory_space<hbm>>
    %dma_wait3A_403 = tpu.memref_squeeze %dma_wait3A_402 : memref<1x1x64xi32, #tpu.memory_space<hbm>> -> memref<64xi32, #tpu.memory_space<hbm>>
    tpu.wait_dma2 semaphore(%arg12 : memref<!tpu.dma_semaphore, #tpu.memory_space<semaphore_mem>>) src(%dma_wait3A_403 : memref<64xi32, #tpu.memory_space<hbm>>) dst(%dma_wait3A_400 : memref<64xi32, #tpu.memory_space<vmem>>)
    %rem3A_404 = arith.constant 2 : i32
    %rem3A_405 = arith.constant 8 : i32
    %rem3A_406 = arith.remsi %rem3A_404, %rem3A_405 : i32
    %rem3A_407 = arith.constant 2 : i32
    %rem3A_408 = arith.constant 5 : i32
    %rem3A_409 = arith.remsi %rem3A_407, %rem3A_408 : i32
    %dma_start3A_410 = arith.constant 0 : i32
    %dma_start3A_411 = arith.constant 0 : i32
    %dma_start3A_412 = tpu.memref_slice %arg8[%rem3A_409, %dma_start3A_410, %dma_start3A_411] : memref<5x64x128xf32, #tpu.memory_space<vmem>> -> memref<1x64x128xf32, #tpu.memory_space<vmem>>
    %dma_start3A_413 = tpu.memref_squeeze %dma_start3A_412 : memref<1x64x128xf32, #tpu.memory_space<vmem>> -> memref<64x128xf32, #tpu.memory_space<vmem>>
    %dma_start3A_414 = arith.constant 0 : i32
    %dma_start3A_415 = tpu.memref_slice %arg6[%rem3A_406, %dma_start3A_414] : memref<8x64xi32, #tpu.memory_space<vmem>> -> memref<1x64xi32, #tpu.memory_space<vmem>>
    %dma_start3A_416 = tpu.memref_squeeze %dma_start3A_415 : memref<1x64xi32, #tpu.memory_space<vmem>> -> memref<64xi32, #tpu.memory_space<vmem>>
    %dma_start3A_417 = arith.constant 0 : i32
    %dma_start3A_418 = arith.constant 0 : i32
    %dma_start3A_419 = tpu.memref_slice %arg2[%dma_start3A_417, %dma_start3A_418] : memref<10000x128xf32, #tpu.memory_space<hbm>> -> memref<10000x128xf32, #tpu.memory_space<hbm>>
    tpu.enqueue_indirect_dma source(%dma_start3A_419 : memref<10000x128xf32, #tpu.memory_space<hbm>>) target(%dma_start3A_413 : memref<64x128xf32, #tpu.memory_space<vmem>>) offsets(%dma_start3A_416 : memref<64xi32, #tpu.memory_space<vmem>>) semaphore(%arg10 : memref<!tpu.dma_semaphore, #tpu.memory_space<semaphore_mem>>)
    %rem3A_420 = arith.constant 3 : i32
    %rem3A_421 = arith.constant 8 : i32
    %rem3A_422 = arith.remsi %rem3A_420, %rem3A_421 : i32
    %dma_wait3A_423 = arith.constant 3 : i32
    %dma_wait3A_424 = arith.constant 0 : i32
    %dma_wait3A_425 = tpu.memref_slice %arg6[%rem3A_422, %dma_wait3A_424] : memref<8x64xi32, #tpu.memory_space<vmem>> -> memref<1x64xi32, #tpu.memory_space<vmem>>
    %dma_wait3A_426 = tpu.memref_squeeze %dma_wait3A_425 : memref<1x64xi32, #tpu.memory_space<vmem>> -> memref<64xi32, #tpu.memory_space<vmem>>
    %dma_wait3A_427 = arith.constant 0 : i32
    %dma_wait3A_428 = tpu.memref_slice %arg3[%add3A, %dma_wait3A_423, %dma_wait3A_427] : memref<32x160x64xi32, #tpu.memory_space<hbm>> -> memref<1x1x64xi32, #tpu.memory_space<hbm>>
    %dma_wait3A_429 = tpu.memref_squeeze %dma_wait3A_428 : memref<1x1x64xi32, #tpu.memory_space<hbm>> -> memref<64xi32, #tpu.memory_space<hbm>>
    %dma_wait3A_430 = arith.constant 0 : i32
    %dma_wait3A_431 = tpu.memref_slice %arg6[%rem3A_422, %dma_wait3A_430] : memref<8x64xi32, #tpu.memory_space<vmem>> -> memref<1x64xi32, #tpu.memory_space<vmem>>
    %dma_wait3A_432 = tpu.memref_squeeze %dma_wait3A_431 : memref<1x64xi32, #tpu.memory_space<vmem>> -> memref<64xi32, #tpu.memory_space<vmem>>
    %dma_wait3A_433 = arith.constant 0 : i32
    %dma_wait3A_434 = tpu.memref_slice %arg3[%add3A, %dma_wait3A_423, %dma_wait3A_433] : memref<32x160x64xi32, #tpu.memory_space<hbm>> -> memref<1x1x64xi32, #tpu.memory_space<hbm>>
    %dma_wait3A_435 = tpu.memref_squeeze %dma_wait3A_434 : memref<1x1x64xi32, #tpu.memory_space<hbm>> -> memref<64xi32, #tpu.memory_space<hbm>>
    tpu.wait_dma2 semaphore(%arg12 : memref<!tpu.dma_semaphore, #tpu.memory_space<semaphore_mem>>) src(%dma_wait3A_435 : memref<64xi32, #tpu.memory_space<hbm>>) dst(%dma_wait3A_432 : memref<64xi32, #tpu.memory_space<vmem>>)
    %dma_wait3A_436 = arith.constant 3 : i32
    %dma_wait3A_437 = arith.constant 0 : i32
    %dma_wait3A_438 = tpu.memref_slice %arg7[%rem3A_422, %dma_wait3A_437] : memref<8x64xi32, #tpu.memory_space<vmem>> -> memref<1x64xi32, #tpu.memory_space<vmem>>
    %dma_wait3A_439 = tpu.memref_squeeze %dma_wait3A_438 : memref<1x64xi32, #tpu.memory_space<vmem>> -> memref<64xi32, #tpu.memory_space<vmem>>
    %dma_wait3A_440 = arith.constant 0 : i32
    %dma_wait3A_441 = tpu.memref_slice %arg4[%add3A, %dma_wait3A_436, %dma_wait3A_440] : memref<32x160x64xi32, #tpu.memory_space<hbm>> -> memref<1x1x64xi32, #tpu.memory_space<hbm>>
    %dma_wait3A_442 = tpu.memref_squeeze %dma_wait3A_441 : memref<1x1x64xi32, #tpu.memory_space<hbm>> -> memref<64xi32, #tpu.memory_space<hbm>>
    %dma_wait3A_443 = arith.constant 0 : i32
    %dma_wait3A_444 = tpu.memref_slice %arg7[%rem3A_422, %dma_wait3A_443] : memref<8x64xi32, #tpu.memory_space<vmem>> -> memref<1x64xi32, #tpu.memory_space<vmem>>
    %dma_wait3A_445 = tpu.memref_squeeze %dma_wait3A_444 : memref<1x64xi32, #tpu.memory_space<vmem>> -> memref<64xi32, #tpu.memory_space<vmem>>
    %dma_wait3A_446 = arith.constant 0 : i32
    %dma_wait3A_447 = tpu.memref_slice %arg4[%add3A, %dma_wait3A_436, %dma_wait3A_446] : memref<32x160x64xi32, #tpu.memory_space<hbm>> -> memref<1x1x64xi32, #tpu.memory_space<hbm>>
    %dma_wait3A_448 = tpu.memref_squeeze %dma_wait3A_447 : memref<1x1x64xi32, #tpu.memory_space<hbm>> -> memref<64xi32, #tpu.memory_space<hbm>>
    tpu.wait_dma2 semaphore(%arg12 : memref<!tpu.dma_semaphore, #tpu.memory_space<semaphore_mem>>) src(%dma_wait3A_448 : memref<64xi32, #tpu.memory_space<hbm>>) dst(%dma_wait3A_445 : memref<64xi32, #tpu.memory_space<vmem>>)
    %rem3A_449 = arith.constant 3 : i32
    %rem3A_450 = arith.constant 8 : i32
    %rem3A_451 = arith.remsi %rem3A_449, %rem3A_450 : i32
    %rem3A_452 = arith.constant 3 : i32
    %rem3A_453 = arith.constant 5 : i32
    %rem3A_454 = arith.remsi %rem3A_452, %rem3A_453 : i32
    %dma_start3A_455 = arith.constant 0 : i32
    %dma_start3A_456 = arith.constant 0 : i32
    %dma_start3A_457 = tpu.memref_slice %arg8[%rem3A_454, %dma_start3A_455, %dma_start3A_456] : memref<5x64x128xf32, #tpu.memory_space<vmem>> -> memref<1x64x128xf32, #tpu.memory_space<vmem>>
    %dma_start3A_458 = tpu.memref_squeeze %dma_start3A_457 : memref<1x64x128xf32, #tpu.memory_space<vmem>> -> memref<64x128xf32, #tpu.memory_space<vmem>>
    %dma_start3A_459 = arith.constant 0 : i32
    %dma_start3A_460 = tpu.memref_slice %arg6[%rem3A_451, %dma_start3A_459] : memref<8x64xi32, #tpu.memory_space<vmem>> -> memref<1x64xi32, #tpu.memory_space<vmem>>
    %dma_start3A_461 = tpu.memref_squeeze %dma_start3A_460 : memref<1x64xi32, #tpu.memory_space<vmem>> -> memref<64xi32, #tpu.memory_space<vmem>>
    %dma_start3A_462 = arith.constant 0 : i32
    %dma_start3A_463 = arith.constant 0 : i32
    %dma_start3A_464 = tpu.memref_slice %arg2[%dma_start3A_462, %dma_start3A_463] : memref<10000x128xf32, #tpu.memory_space<hbm>> -> memref<10000x128xf32, #tpu.memory_space<hbm>>
    tpu.enqueue_indirect_dma source(%dma_start3A_464 : memref<10000x128xf32, #tpu.memory_space<hbm>>) target(%dma_start3A_458 : memref<64x128xf32, #tpu.memory_space<vmem>>) offsets(%dma_start3A_461 : memref<64xi32, #tpu.memory_space<vmem>>) semaphore(%arg10 : memref<!tpu.dma_semaphore, #tpu.memory_space<semaphore_mem>>)
    %rem3A_465 = arith.constant 0 : i32
    %rem3A_466 = arith.constant 8 : i32
    %rem3A_467 = arith.remsi %rem3A_465, %rem3A_466 : i32
    %rem3A_468 = arith.constant 0 : i32
    %rem3A_469 = arith.constant 5 : i32
    %rem3A_470 = arith.remsi %rem3A_468, %rem3A_469 : i32
    %dma_wait3A_471 = arith.constant 0 : i32
    %dma_wait3A_472 = arith.constant 0 : i32
    %dma_wait3A_473 = tpu.memref_slice %arg8[%rem3A_470, %dma_wait3A_471, %dma_wait3A_472] : memref<5x64x128xf32, #tpu.memory_space<vmem>> -> memref<1x64x128xf32, #tpu.memory_space<vmem>>
    %dma_wait3A_474 = tpu.memref_squeeze %dma_wait3A_473 : memref<1x64x128xf32, #tpu.memory_space<vmem>> -> memref<64x128xf32, #tpu.memory_space<vmem>>
    %dma_wait3A_475 = arith.constant 0 : i32
    %dma_wait3A_476 = tpu.memref_slice %arg6[%rem3A_467, %dma_wait3A_475] : memref<8x64xi32, #tpu.memory_space<vmem>> -> memref<1x64xi32, #tpu.memory_space<vmem>>
    %dma_wait3A_477 = tpu.memref_squeeze %dma_wait3A_476 : memref<1x64xi32, #tpu.memory_space<vmem>> -> memref<64xi32, #tpu.memory_space<vmem>>
    %dma_wait3A_478 = arith.constant 0 : i32
    %dma_wait3A_479 = arith.constant 0 : i32
    %dma_wait3A_480 = tpu.memref_slice %arg2[%dma_wait3A_478, %dma_wait3A_479] : memref<10000x128xf32, #tpu.memory_space<hbm>> -> memref<10000x128xf32, #tpu.memory_space<hbm>>
    tpu.wait_indirect_dma semaphore(%arg10 : memref<!tpu.dma_semaphore, #tpu.memory_space<semaphore_mem>>) src(%dma_wait3A_480 : memref<10000x128xf32, #tpu.memory_space<hbm>>) dst(%dma_wait3A_474 : memref<64x128xf32, #tpu.memory_space<vmem>>)
    %rem3A_481 = arith.constant 0 : i32
    %rem3A_482 = arith.constant 5 : i32
    %rem3A_483 = arith.remsi %rem3A_481, %rem3A_482 : i32
    %rem3A_484 = arith.constant 0 : i32
    %rem3A_485 = arith.constant 8 : i32
    %rem3A_486 = arith.remsi %rem3A_484, %rem3A_485 : i32
    %dma_start3A_487 = arith.constant 0 : i32
    %dma_start3A_488 = arith.constant 0 : i32
    %dma_start3A_489 = tpu.memref_slice %arg8[%rem3A_483, %dma_start3A_487, %dma_start3A_488] : memref<5x64x128xf32, #tpu.memory_space<vmem>> -> memref<1x64x128xf32, #tpu.memory_space<vmem>>
    %dma_start3A_490 = tpu.memref_squeeze %dma_start3A_489 : memref<1x64x128xf32, #tpu.memory_space<vmem>> -> memref<64x128xf32, #tpu.memory_space<vmem>>
    %dma_start3A_491 = arith.constant 0 : i32
    %dma_start3A_492 = tpu.memref_slice %arg7[%rem3A_486, %dma_start3A_491] : memref<8x64xi32, #tpu.memory_space<vmem>> -> memref<1x64xi32, #tpu.memory_space<vmem>>
    %dma_start3A_493 = tpu.memref_squeeze %dma_start3A_492 : memref<1x64xi32, #tpu.memory_space<vmem>> -> memref<64xi32, #tpu.memory_space<vmem>>
    %dma_start3A_494 = arith.constant 0 : i32
    %dma_start3A_495 = arith.constant 0 : i32
    %dma_start3A_496 = tpu.memref_slice %arg9[%dma_start3A_494, %dma_start3A_495] : memref<10112x128xf32, #tpu.memory_space<vmem_shared>> -> memref<10112x128xf32, #tpu.memory_space<vmem_shared>>
    tpu.enqueue_indirect_dma source(%dma_start3A_490 : memref<64x128xf32, #tpu.memory_space<vmem>>) target(%dma_start3A_496 : memref<10112x128xf32, #tpu.memory_space<vmem_shared>>) offsets(%dma_start3A_493 : memref<64xi32, #tpu.memory_space<vmem>>) semaphore(%arg11 : memref<!tpu.dma_semaphore, #tpu.memory_space<semaphore_mem>>) {add = true}
    %scan3A_497 = arith.constant 0 : i32
    %scan3A_498 = arith.constant 1 : i32
    %scan3A_499 = arith.constant 152 : i32
    %scan3A_500 = arith.addi %scan3A_498, %scan3A_499 : i32
    %scan3A_501 = arith.constant 1 : i32
    %scan3A_502 = scf.for %scan3A_1041 = %scan3A_498 to %scan3A_500 step %scan3A_501 iter_args(%scan3A_1042 = %scan3A_497) -> (i32)  : i32 {
      %add3A_1043 = arith.constant 3 : i32
      %add3A_1044 = arith.addi %scan3A_1041, %add3A_1043 : i32
      %rem3A_1045 = arith.constant 8 : i32
      %rem3A_1046 = arith.remsi %add3A_1044, %rem3A_1045 : i32
      %dma_wait3A_1047 = arith.constant 0 : i32
      %dma_wait3A_1048 = tpu.memref_slice %arg6[%rem3A_1046, %dma_wait3A_1047] : memref<8x64xi32, #tpu.memory_space<vmem>> -> memref<1x64xi32, #tpu.memory_space<vmem>>
      %dma_wait3A_1049 = tpu.memref_squeeze %dma_wait3A_1048 : memref<1x64xi32, #tpu.memory_space<vmem>> -> memref<64xi32, #tpu.memory_space<vmem>>
      %dma_wait3A_1050 = arith.constant 0 : i32
      %dma_wait3A_1051 = tpu.memref_slice %arg3[%add3A, %add3A_1044, %dma_wait3A_1050] : memref<32x160x64xi32, #tpu.memory_space<hbm>> -> memref<1x1x64xi32, #tpu.memory_space<hbm>>
      %dma_wait3A_1052 = tpu.memref_squeeze %dma_wait3A_1051 : memref<1x1x64xi32, #tpu.memory_space<hbm>> -> memref<64xi32, #tpu.memory_space<hbm>>
      %dma_wait3A_1053 = arith.constant 0 : i32
      %dma_wait3A_1054 = tpu.memref_slice %arg6[%rem3A_1046, %dma_wait3A_1053] : memref<8x64xi32, #tpu.memory_space<vmem>> -> memref<1x64xi32, #tpu.memory_space<vmem>>
      %dma_wait3A_1055 = tpu.memref_squeeze %dma_wait3A_1054 : memref<1x64xi32, #tpu.memory_space<vmem>> -> memref<64xi32, #tpu.memory_space<vmem>>
      %dma_wait3A_1056 = arith.constant 0 : i32
      %dma_wait3A_1057 = tpu.memref_slice %arg3[%add3A, %add3A_1044, %dma_wait3A_1056] : memref<32x160x64xi32, #tpu.memory_space<hbm>> -> memref<1x1x64xi32, #tpu.memory_space<hbm>>
      %dma_wait3A_1058 = tpu.memref_squeeze %dma_wait3A_1057 : memref<1x1x64xi32, #tpu.memory_space<hbm>> -> memref<64xi32, #tpu.memory_space<hbm>>
      tpu.wait_dma2 semaphore(%arg12 : memref<!tpu.dma_semaphore, #tpu.memory_space<semaphore_mem>>) src(%dma_wait3A_1058 : memref<64xi32, #tpu.memory_space<hbm>>) dst(%dma_wait3A_1055 : memref<64xi32, #tpu.memory_space<vmem>>)
      %dma_wait3A_1059 = arith.constant 0 : i32
      %dma_wait3A_1060 = tpu.memref_slice %arg7[%rem3A_1046, %dma_wait3A_1059] : memref<8x64xi32, #tpu.memory_space<vmem>> -> memref<1x64xi32, #tpu.memory_space<vmem>>
      %dma_wait3A_1061 = tpu.memref_squeeze %dma_wait3A_1060 : memref<1x64xi32, #tpu.memory_space<vmem>> -> memref<64xi32, #tpu.memory_space<vmem>>
      %dma_wait3A_1062 = arith.constant 0 : i32
      %dma_wait3A_1063 = tpu.memref_slice %arg4[%add3A, %add3A_1044, %dma_wait3A_1062] : memref<32x160x64xi32, #tpu.memory_space<hbm>> -> memref<1x1x64xi32, #tpu.memory_space<hbm>>
      %dma_wait3A_1064 = tpu.memref_squeeze %dma_wait3A_1063 : memref<1x1x64xi32, #tpu.memory_space<hbm>> -> memref<64xi32, #tpu.memory_space<hbm>>
      %dma_wait3A_1065 = arith.constant 0 : i32
      %dma_wait3A_1066 = tpu.memref_slice %arg7[%rem3A_1046, %dma_wait3A_1065] : memref<8x64xi32, #tpu.memory_space<vmem>> -> memref<1x64xi32, #tpu.memory_space<vmem>>
      %dma_wait3A_1067 = tpu.memref_squeeze %dma_wait3A_1066 : memref<1x64xi32, #tpu.memory_space<vmem>> -> memref<64xi32, #tpu.memory_space<vmem>>
      %dma_wait3A_1068 = arith.constant 0 : i32
      %dma_wait3A_1069 = tpu.memref_slice %arg4[%add3A, %add3A_1044, %dma_wait3A_1068] : memref<32x160x64xi32, #tpu.memory_space<hbm>> -> memref<1x1x64xi32, #tpu.memory_space<hbm>>
      %dma_wait3A_1070 = tpu.memref_squeeze %dma_wait3A_1069 : memref<1x1x64xi32, #tpu.memory_space<hbm>> -> memref<64xi32, #tpu.memory_space<hbm>>
      tpu.wait_dma2 semaphore(%arg12 : memref<!tpu.dma_semaphore, #tpu.memory_space<semaphore_mem>>) src(%dma_wait3A_1070 : memref<64xi32, #tpu.memory_space<hbm>>) dst(%dma_wait3A_1067 : memref<64xi32, #tpu.memory_space<vmem>>)
      %add3A_1071 = arith.constant 3 : i32
      %add3A_1072 = arith.addi %scan3A_1041, %add3A_1071 : i32
      %rem3A_1073 = arith.constant 8 : i32
      %rem3A_1074 = arith.remsi %add3A_1072, %rem3A_1073 : i32
      %rem3A_1075 = arith.constant 5 : i32
      %rem3A_1076 = arith.remsi %add3A_1072, %rem3A_1075 : i32
      %dma_start3A_1077 = arith.constant 0 : i32
      %dma_start3A_1078 = arith.constant 0 : i32
      %dma_start3A_1079 = tpu.memref_slice %arg8[%rem3A_1076, %dma_start3A_1077, %dma_start3A_1078] : memref<5x64x128xf32, #tpu.memory_space<vmem>> -> memref<1x64x128xf32, #tpu.memory_space<vmem>>
      %dma_start3A_1080 = tpu.memref_squeeze %dma_start3A_1079 : memref<1x64x128xf32, #tpu.memory_space<vmem>> -> memref<64x128xf32, #tpu.memory_space<vmem>>
      %dma_start3A_1081 = arith.constant 0 : i32
      %dma_start3A_1082 = tpu.memref_slice %arg6[%rem3A_1074, %dma_start3A_1081] : memref<8x64xi32, #tpu.memory_space<vmem>> -> memref<1x64xi32, #tpu.memory_space<vmem>>
      %dma_start3A_1083 = tpu.memref_squeeze %dma_start3A_1082 : memref<1x64xi32, #tpu.memory_space<vmem>> -> memref<64xi32, #tpu.memory_space<vmem>>
      %dma_start3A_1084 = arith.constant 0 : i32
      %dma_start3A_1085 = arith.constant 0 : i32
      %dma_start3A_1086 = tpu.memref_slice %arg2[%dma_start3A_1084, %dma_start3A_1085] : memref<10000x128xf32, #tpu.memory_space<hbm>> -> memref<10000x128xf32, #tpu.memory_space<hbm>>
      tpu.enqueue_indirect_dma source(%dma_start3A_1086 : memref<10000x128xf32, #tpu.memory_space<hbm>>) target(%dma_start3A_1080 : memref<64x128xf32, #tpu.memory_space<vmem>>) offsets(%dma_start3A_1083 : memref<64xi32, #tpu.memory_space<vmem>>) semaphore(%arg10 : memref<!tpu.dma_semaphore, #tpu.memory_space<semaphore_mem>>)
      %rem3A_1087 = arith.constant 8 : i32
      %rem3A_1088 = arith.remsi %scan3A_1041, %rem3A_1087 : i32
      %rem3A_1089 = arith.constant 5 : i32
      %rem3A_1090 = arith.remsi %scan3A_1041, %rem3A_1089 : i32
      %dma_wait3A_1091 = arith.constant 0 : i32
      %dma_wait3A_1092 = arith.constant 0 : i32
      %dma_wait3A_1093 = tpu.memref_slice %arg8[%rem3A_1090, %dma_wait3A_1091, %dma_wait3A_1092] : memref<5x64x128xf32, #tpu.memory_space<vmem>> -> memref<1x64x128xf32, #tpu.memory_space<vmem>>
      %dma_wait3A_1094 = tpu.memref_squeeze %dma_wait3A_1093 : memref<1x64x128xf32, #tpu.memory_space<vmem>> -> memref<64x128xf32, #tpu.memory_space<vmem>>
      %dma_wait3A_1095 = arith.constant 0 : i32
      %dma_wait3A_1096 = tpu.memref_slice %arg6[%rem3A_1088, %dma_wait3A_1095] : memref<8x64xi32, #tpu.memory_space<vmem>> -> memref<1x64xi32, #tpu.memory_space<vmem>>
      %dma_wait3A_1097 = tpu.memref_squeeze %dma_wait3A_1096 : memref<1x64xi32, #tpu.memory_space<vmem>> -> memref<64xi32, #tpu.memory_space<vmem>>
      %dma_wait3A_1098 = arith.constant 0 : i32
      %dma_wait3A_1099 = arith.constant 0 : i32
      %dma_wait3A_1100 = tpu.memref_slice %arg2[%dma_wait3A_1098, %dma_wait3A_1099] : memref<10000x128xf32, #tpu.memory_space<hbm>> -> memref<10000x128xf32, #tpu.memory_space<hbm>>
      tpu.wait_indirect_dma semaphore(%arg10 : memref<!tpu.dma_semaphore, #tpu.memory_space<semaphore_mem>>) src(%dma_wait3A_1100 : memref<10000x128xf32, #tpu.memory_space<hbm>>) dst(%dma_wait3A_1094 : memref<64x128xf32, #tpu.memory_space<vmem>>)
      %sub3A = arith.constant 1 : i32
      %sub3A_1101 = arith.subi %scan3A_1041, %sub3A : i32
      %rem3A_1102 = arith.constant 5 : i32
      %rem3A_1103 = arith.remsi %sub3A_1101, %rem3A_1102 : i32
      %rem3A_1104 = arith.constant 8 : i32
      %rem3A_1105 = arith.remsi %sub3A_1101, %rem3A_1104 : i32
      %dma_wait3A_1106 = arith.constant 0 : i32
      %dma_wait3A_1107 = arith.constant 0 : i32
      %dma_wait3A_1108 = tpu.memref_slice %arg8[%rem3A_1103, %dma_wait3A_1106, %dma_wait3A_1107] : memref<5x64x128xf32, #tpu.memory_space<vmem>> -> memref<1x64x128xf32, #tpu.memory_space<vmem>>
      %dma_wait3A_1109 = tpu.memref_squeeze %dma_wait3A_1108 : memref<1x64x128xf32, #tpu.memory_space<vmem>> -> memref<64x128xf32, #tpu.memory_space<vmem>>
      %dma_wait3A_1110 = arith.constant 0 : i32
      %dma_wait3A_1111 = tpu.memref_slice %arg7[%rem3A_1105, %dma_wait3A_1110] : memref<8x64xi32, #tpu.memory_space<vmem>> -> memref<1x64xi32, #tpu.memory_space<vmem>>
      %dma_wait3A_1112 = tpu.memref_squeeze %dma_wait3A_1111 : memref<1x64xi32, #tpu.memory_space<vmem>> -> memref<64xi32, #tpu.memory_space<vmem>>
      %dma_wait3A_1113 = arith.constant 0 : i32
      %dma_wait3A_1114 = arith.constant 0 : i32
      %dma_wait3A_1115 = tpu.memref_slice %arg9[%dma_wait3A_1113, %dma_wait3A_1114] : memref<10112x128xf32, #tpu.memory_space<vmem_shared>> -> memref<10112x128xf32, #tpu.memory_space<vmem_shared>>
      tpu.wait_indirect_dma semaphore(%arg11 : memref<!tpu.dma_semaphore, #tpu.memory_space<semaphore_mem>>) src(%dma_wait3A_1109 : memref<64x128xf32, #tpu.memory_space<vmem>>) dst(%dma_wait3A_1115 : memref<10112x128xf32, #tpu.memory_space<vmem_shared>>)
      %add3A_1116 = arith.constant 4 : i32
      %add3A_1117 = arith.addi %scan3A_1041, %add3A_1116 : i32
      %add3A_1118 = arith.constant 3 : i32
      %add3A_1119 = arith.addi %add3A_1117, %add3A_1118 : i32
      %rem3A_1120 = arith.constant 8 : i32
      %rem3A_1121 = arith.remsi %add3A_1119, %rem3A_1120 : i32
      %dma_start3A_1122 = arith.constant 0 : i32
      %dma_start3A_1123 = tpu.memref_slice %arg6[%rem3A_1121, %dma_start3A_1122] : memref<8x64xi32, #tpu.memory_space<vmem>> -> memref<1x64xi32, #tpu.memory_space<vmem>>
      %dma_start3A_1124 = tpu.memref_squeeze %dma_start3A_1123 : memref<1x64xi32, #tpu.memory_space<vmem>> -> memref<64xi32, #tpu.memory_space<vmem>>
      %dma_start3A_1125 = arith.constant 0 : i32
      %dma_start3A_1126 = tpu.memref_slice %arg3[%add3A, %add3A_1119, %dma_start3A_1125] : memref<32x160x64xi32, #tpu.memory_space<hbm>> -> memref<1x1x64xi32, #tpu.memory_space<hbm>>
      %dma_start3A_1127 = tpu.memref_squeeze %dma_start3A_1126 : memref<1x1x64xi32, #tpu.memory_space<hbm>> -> memref<64xi32, #tpu.memory_space<hbm>>
      %dma_start3A_1128 = arith.constant 0 : i32
      %dma_start3A_1129 = tpu.memref_slice %arg6[%rem3A_1121, %dma_start3A_1128] : memref<8x64xi32, #tpu.memory_space<vmem>> -> memref<1x64xi32, #tpu.memory_space<vmem>>
      %dma_start3A_1130 = tpu.memref_squeeze %dma_start3A_1129 : memref<1x64xi32, #tpu.memory_space<vmem>> -> memref<64xi32, #tpu.memory_space<vmem>>
      %dma_start3A_1131 = arith.constant 0 : i32
      %dma_start3A_1132 = tpu.memref_slice %arg3[%add3A, %add3A_1119, %dma_start3A_1131] : memref<32x160x64xi32, #tpu.memory_space<hbm>> -> memref<1x1x64xi32, #tpu.memory_space<hbm>>
      %dma_start3A_1133 = tpu.memref_squeeze %dma_start3A_1132 : memref<1x1x64xi32, #tpu.memory_space<hbm>> -> memref<64xi32, #tpu.memory_space<hbm>>
      tpu.enqueue_dma source(%dma_start3A_1133 : memref<64xi32, #tpu.memory_space<hbm>>) target(%dma_start3A_1130 : memref<64xi32, #tpu.memory_space<vmem>>) target_semaphore(%arg12 : memref<!tpu.dma_semaphore, #tpu.memory_space<semaphore_mem>>)
      %dma_start3A_1134 = arith.constant 0 : i32
      %dma_start3A_1135 = tpu.memref_slice %arg7[%rem3A_1121, %dma_start3A_1134] : memref<8x64xi32, #tpu.memory_space<vmem>> -> memref<1x64xi32, #tpu.memory_space<vmem>>
      %dma_start3A_1136 = tpu.memref_squeeze %dma_start3A_1135 : memref<1x64xi32, #tpu.memory_space<vmem>> -> memref<64xi32, #tpu.memory_space<vmem>>
      %dma_start3A_1137 = arith.constant 0 : i32
      %dma_start3A_1138 = tpu.memref_slice %arg4[%add3A, %add3A_1119, %dma_start3A_1137] : memref<32x160x64xi32, #tpu.memory_space<hbm>> -> memref<1x1x64xi32, #tpu.memory_space<hbm>>
      %dma_start3A_1139 = tpu.memref_squeeze %dma_start3A_1138 : memref<1x1x64xi32, #tpu.memory_space<hbm>> -> memref<64xi32, #tpu.memory_space<hbm>>
      %dma_start3A_1140 = arith.constant 0 : i32
      %dma_start3A_1141 = tpu.memref_slice %arg7[%rem3A_1121, %dma_start3A_1140] : memref<8x64xi32, #tpu.memory_space<vmem>> -> memref<1x64xi32, #tpu.memory_space<vmem>>
      %dma_start3A_1142 = tpu.memref_squeeze %dma_start3A_1141 : memref<1x64xi32, #tpu.memory_space<vmem>> -> memref<64xi32, #tpu.memory_space<vmem>>
      %dma_start3A_1143 = arith.constant 0 : i32
      %dma_start3A_1144 = tpu.memref_slice %arg4[%add3A, %add3A_1119, %dma_start3A_1143] : memref<32x160x64xi32, #tpu.memory_space<hbm>> -> memref<1x1x64xi32, #tpu.memory_space<hbm>>
      %dma_start3A_1145 = tpu.memref_squeeze %dma_start3A_1144 : memref<1x1x64xi32, #tpu.memory_space<hbm>> -> memref<64xi32, #tpu.memory_space<hbm>>
      tpu.enqueue_dma source(%dma_start3A_1145 : memref<64xi32, #tpu.memory_space<hbm>>) target(%dma_start3A_1142 : memref<64xi32, #tpu.memory_space<vmem>>) target_semaphore(%arg12 : memref<!tpu.dma_semaphore, #tpu.memory_space<semaphore_mem>>)
      %rem3A_1146 = arith.constant 5 : i32
      %rem3A_1147 = arith.remsi %scan3A_1041, %rem3A_1146 : i32
      %rem3A_1148 = arith.constant 8 : i32
      %rem3A_1149 = arith.remsi %scan3A_1041, %rem3A_1148 : i32
      %dma_start3A_1150 = arith.constant 0 : i32
      %dma_start3A_1151 = arith.constant 0 : i32
      %dma_start3A_1152 = tpu.memref_slice %arg8[%rem3A_1147, %dma_start3A_1150, %dma_start3A_1151] : memref<5x64x128xf32, #tpu.memory_space<vmem>> -> memref<1x64x128xf32, #tpu.memory_space<vmem>>
      %dma_start3A_1153 = tpu.memref_squeeze %dma_start3A_1152 : memref<1x64x128xf32, #tpu.memory_space<vmem>> -> memref<64x128xf32, #tpu.memory_space<vmem>>
      %dma_start3A_1154 = arith.constant 0 : i32
      %dma_start3A_1155 = tpu.memref_slice %arg7[%rem3A_1149, %dma_start3A_1154] : memref<8x64xi32, #tpu.memory_space<vmem>> -> memref<1x64xi32, #tpu.memory_space<vmem>>
      %dma_start3A_1156 = tpu.memref_squeeze %dma_start3A_1155 : memref<1x64xi32, #tpu.memory_space<vmem>> -> memref<64xi32, #tpu.memory_space<vmem>>
      %dma_start3A_1157 = arith.constant 0 : i32
      %dma_start3A_1158 = arith.constant 0 : i32
      %dma_start3A_1159 = tpu.memref_slice %arg9[%dma_start3A_1157, %dma_start3A_1158] : memref<10112x128xf32, #tpu.memory_space<vmem_shared>> -> memref<10112x128xf32, #tpu.memory_space<vmem_shared>>
      tpu.enqueue_indirect_dma source(%dma_start3A_1153 : memref<64x128xf32, #tpu.memory_space<vmem>>) target(%dma_start3A_1159 : memref<10112x128xf32, #tpu.memory_space<vmem_shared>>) offsets(%dma_start3A_1156 : memref<64xi32, #tpu.memory_space<vmem>>) semaphore(%arg11 : memref<!tpu.dma_semaphore, #tpu.memory_space<semaphore_mem>>) {add = true}
      %scan3A_1160 = arith.constant 0 : i32
      scf.yield %scan3A_1160 : i32
    }
    %scan3A_503 = arith.constant 152 : i32
    %rem3A_504 = arith.constant 156 : i32
    %rem3A_505 = arith.constant 8 : i32
    %rem3A_506 = arith.remsi %rem3A_504, %rem3A_505 : i32
    %dma_wait3A_507 = arith.constant 156 : i32
    %dma_wait3A_508 = arith.constant 0 : i32
    %dma_wait3A_509 = tpu.memref_slice %arg6[%rem3A_506, %dma_wait3A_508] : memref<8x64xi32, #tpu.memory_space<vmem>> -> memref<1x64xi32, #tpu.memory_space<vmem>>
    %dma_wait3A_510 = tpu.memref_squeeze %dma_wait3A_509 : memref<1x64xi32, #tpu.memory_space<vmem>> -> memref<64xi32, #tpu.memory_space<vmem>>
    %dma_wait3A_511 = arith.constant 0 : i32
    %dma_wait3A_512 = tpu.memref_slice %arg3[%add3A, %dma_wait3A_507, %dma_wait3A_511] : memref<32x160x64xi32, #tpu.memory_space<hbm>> -> memref<1x1x64xi32, #tpu.memory_space<hbm>>
    %dma_wait3A_513 = tpu.memref_squeeze %dma_wait3A_512 : memref<1x1x64xi32, #tpu.memory_space<hbm>> -> memref<64xi32, #tpu.memory_space<hbm>>
    %dma_wait3A_514 = arith.constant 0 : i32
    %dma_wait3A_515 = tpu.memref_slice %arg6[%rem3A_506, %dma_wait3A_514] : memref<8x64xi32, #tpu.memory_space<vmem>> -> memref<1x64xi32, #tpu.memory_space<vmem>>
    %dma_wait3A_516 = tpu.memref_squeeze %dma_wait3A_515 : memref<1x64xi32, #tpu.memory_space<vmem>> -> memref<64xi32, #tpu.memory_space<vmem>>
    %dma_wait3A_517 = arith.constant 0 : i32
    %dma_wait3A_518 = tpu.memref_slice %arg3[%add3A, %dma_wait3A_507, %dma_wait3A_517] : memref<32x160x64xi32, #tpu.memory_space<hbm>> -> memref<1x1x64xi32, #tpu.memory_space<hbm>>
    %dma_wait3A_519 = tpu.memref_squeeze %dma_wait3A_518 : memref<1x1x64xi32, #tpu.memory_space<hbm>> -> memref<64xi32, #tpu.memory_space<hbm>>
    tpu.wait_dma2 semaphore(%arg12 : memref<!tpu.dma_semaphore, #tpu.memory_space<semaphore_mem>>) src(%dma_wait3A_519 : memref<64xi32, #tpu.memory_space<hbm>>) dst(%dma_wait3A_516 : memref<64xi32, #tpu.memory_space<vmem>>)
    %dma_wait3A_520 = arith.constant 156 : i32
    %dma_wait3A_521 = arith.constant 0 : i32
    %dma_wait3A_522 = tpu.memref_slice %arg7[%rem3A_506, %dma_wait3A_521] : memref<8x64xi32, #tpu.memory_space<vmem>> -> memref<1x64xi32, #tpu.memory_space<vmem>>
    %dma_wait3A_523 = tpu.memref_squeeze %dma_wait3A_522 : memref<1x64xi32, #tpu.memory_space<vmem>> -> memref<64xi32, #tpu.memory_space<vmem>>
    %dma_wait3A_524 = arith.constant 0 : i32
    %dma_wait3A_525 = tpu.memref_slice %arg4[%add3A, %dma_wait3A_520, %dma_wait3A_524] : memref<32x160x64xi32, #tpu.memory_space<hbm>> -> memref<1x1x64xi32, #tpu.memory_space<hbm>>
    %dma_wait3A_526 = tpu.memref_squeeze %dma_wait3A_525 : memref<1x1x64xi32, #tpu.memory_space<hbm>> -> memref<64xi32, #tpu.memory_space<hbm>>
    %dma_wait3A_527 = arith.constant 0 : i32
    %dma_wait3A_528 = tpu.memref_slice %arg7[%rem3A_506, %dma_wait3A_527] : memref<8x64xi32, #tpu.memory_space<vmem>> -> memref<1x64xi32, #tpu.memory_space<vmem>>
    %dma_wait3A_529 = tpu.memref_squeeze %dma_wait3A_528 : memref<1x64xi32, #tpu.memory_space<vmem>> -> memref<64xi32, #tpu.memory_space<vmem>>
    %dma_wait3A_530 = arith.constant 0 : i32
    %dma_wait3A_531 = tpu.memref_slice %arg4[%add3A, %dma_wait3A_520, %dma_wait3A_530] : memref<32x160x64xi32, #tpu.memory_space<hbm>> -> memref<1x1x64xi32, #tpu.memory_space<hbm>>
    %dma_wait3A_532 = tpu.memref_squeeze %dma_wait3A_531 : memref<1x1x64xi32, #tpu.memory_space<hbm>> -> memref<64xi32, #tpu.memory_space<hbm>>
    tpu.wait_dma2 semaphore(%arg12 : memref<!tpu.dma_semaphore, #tpu.memory_space<semaphore_mem>>) src(%dma_wait3A_532 : memref<64xi32, #tpu.memory_space<hbm>>) dst(%dma_wait3A_529 : memref<64xi32, #tpu.memory_space<vmem>>)
    %rem3A_533 = arith.constant 156 : i32
    %rem3A_534 = arith.constant 8 : i32
    %rem3A_535 = arith.remsi %rem3A_533, %rem3A_534 : i32
    %rem3A_536 = arith.constant 156 : i32
    %rem3A_537 = arith.constant 5 : i32
    %rem3A_538 = arith.remsi %rem3A_536, %rem3A_537 : i32
    %dma_start3A_539 = arith.constant 0 : i32
    %dma_start3A_540 = arith.constant 0 : i32
    %dma_start3A_541 = tpu.memref_slice %arg8[%rem3A_538, %dma_start3A_539, %dma_start3A_540] : memref<5x64x128xf32, #tpu.memory_space<vmem>> -> memref<1x64x128xf32, #tpu.memory_space<vmem>>
    %dma_start3A_542 = tpu.memref_squeeze %dma_start3A_541 : memref<1x64x128xf32, #tpu.memory_space<vmem>> -> memref<64x128xf32, #tpu.memory_space<vmem>>
    %dma_start3A_543 = arith.constant 0 : i32
    %dma_start3A_544 = tpu.memref_slice %arg6[%rem3A_535, %dma_start3A_543] : memref<8x64xi32, #tpu.memory_space<vmem>> -> memref<1x64xi32, #tpu.memory_space<vmem>>
    %dma_start3A_545 = tpu.memref_squeeze %dma_start3A_544 : memref<1x64xi32, #tpu.memory_space<vmem>> -> memref<64xi32, #tpu.memory_space<vmem>>
    %dma_start3A_546 = arith.constant 0 : i32
    %dma_start3A_547 = arith.constant 0 : i32
    %dma_start3A_548 = tpu.memref_slice %arg2[%dma_start3A_546, %dma_start3A_547] : memref<10000x128xf32, #tpu.memory_space<hbm>> -> memref<10000x128xf32, #tpu.memory_space<hbm>>
    tpu.enqueue_indirect_dma source(%dma_start3A_548 : memref<10000x128xf32, #tpu.memory_space<hbm>>) target(%dma_start3A_542 : memref<64x128xf32, #tpu.memory_space<vmem>>) offsets(%dma_start3A_545 : memref<64xi32, #tpu.memory_space<vmem>>) semaphore(%arg10 : memref<!tpu.dma_semaphore, #tpu.memory_space<semaphore_mem>>)
    %rem3A_549 = arith.constant 153 : i32
    %rem3A_550 = arith.constant 8 : i32
    %rem3A_551 = arith.remsi %rem3A_549, %rem3A_550 : i32
    %rem3A_552 = arith.constant 153 : i32
    %rem3A_553 = arith.constant 5 : i32
    %rem3A_554 = arith.remsi %rem3A_552, %rem3A_553 : i32
    %dma_wait3A_555 = arith.constant 0 : i32
    %dma_wait3A_556 = arith.constant 0 : i32
    %dma_wait3A_557 = tpu.memref_slice %arg8[%rem3A_554, %dma_wait3A_555, %dma_wait3A_556] : memref<5x64x128xf32, #tpu.memory_space<vmem>> -> memref<1x64x128xf32, #tpu.memory_space<vmem>>
    %dma_wait3A_558 = tpu.memref_squeeze %dma_wait3A_557 : memref<1x64x128xf32, #tpu.memory_space<vmem>> -> memref<64x128xf32, #tpu.memory_space<vmem>>
    %dma_wait3A_559 = arith.constant 0 : i32
    %dma_wait3A_560 = tpu.memref_slice %arg6[%rem3A_551, %dma_wait3A_559] : memref<8x64xi32, #tpu.memory_space<vmem>> -> memref<1x64xi32, #tpu.memory_space<vmem>>
    %dma_wait3A_561 = tpu.memref_squeeze %dma_wait3A_560 : memref<1x64xi32, #tpu.memory_space<vmem>> -> memref<64xi32, #tpu.memory_space<vmem>>
    %dma_wait3A_562 = arith.constant 0 : i32
    %dma_wait3A_563 = arith.constant 0 : i32
    %dma_wait3A_564 = tpu.memref_slice %arg2[%dma_wait3A_562, %dma_wait3A_563] : memref<10000x128xf32, #tpu.memory_space<hbm>> -> memref<10000x128xf32, #tpu.memory_space<hbm>>
    tpu.wait_indirect_dma semaphore(%arg10 : memref<!tpu.dma_semaphore, #tpu.memory_space<semaphore_mem>>) src(%dma_wait3A_564 : memref<10000x128xf32, #tpu.memory_space<hbm>>) dst(%dma_wait3A_558 : memref<64x128xf32, #tpu.memory_space<vmem>>)
    %rem3A_565 = arith.constant 152 : i32
    %rem3A_566 = arith.constant 5 : i32
    %rem3A_567 = arith.remsi %rem3A_565, %rem3A_566 : i32
    %rem3A_568 = arith.constant 152 : i32
    %rem3A_569 = arith.constant 8 : i32
    %rem3A_570 = arith.remsi %rem3A_568, %rem3A_569 : i32
    %dma_wait3A_571 = arith.constant 0 : i32
    %dma_wait3A_572 = arith.constant 0 : i32
    %dma_wait3A_573 = tpu.memref_slice %arg8[%rem3A_567, %dma_wait3A_571, %dma_wait3A_572] : memref<5x64x128xf32, #tpu.memory_space<vmem>> -> memref<1x64x128xf32, #tpu.memory_space<vmem>>
    %dma_wait3A_574 = tpu.memref_squeeze %dma_wait3A_573 : memref<1x64x128xf32, #tpu.memory_space<vmem>> -> memref<64x128xf32, #tpu.memory_space<vmem>>
    %dma_wait3A_575 = arith.constant 0 : i32
    %dma_wait3A_576 = tpu.memref_slice %arg7[%rem3A_570, %dma_wait3A_575] : memref<8x64xi32, #tpu.memory_space<vmem>> -> memref<1x64xi32, #tpu.memory_space<vmem>>
    %dma_wait3A_577 = tpu.memref_squeeze %dma_wait3A_576 : memref<1x64xi32, #tpu.memory_space<vmem>> -> memref<64xi32, #tpu.memory_space<vmem>>
    %dma_wait3A_578 = arith.constant 0 : i32
    %dma_wait3A_579 = arith.constant 0 : i32
    %dma_wait3A_580 = tpu.memref_slice %arg9[%dma_wait3A_578, %dma_wait3A_579] : memref<10112x128xf32, #tpu.memory_space<vmem_shared>> -> memref<10112x128xf32, #tpu.memory_space<vmem_shared>>
    tpu.wait_indirect_dma semaphore(%arg11 : memref<!tpu.dma_semaphore, #tpu.memory_space<semaphore_mem>>) src(%dma_wait3A_574 : memref<64x128xf32, #tpu.memory_space<vmem>>) dst(%dma_wait3A_580 : memref<10112x128xf32, #tpu.memory_space<vmem_shared>>)
    %rem3A_581 = arith.constant 153 : i32
    %rem3A_582 = arith.constant 5 : i32
    %rem3A_583 = arith.remsi %rem3A_581, %rem3A_582 : i32
    %rem3A_584 = arith.constant 153 : i32
    %rem3A_585 = arith.constant 8 : i32
    %rem3A_586 = arith.remsi %rem3A_584, %rem3A_585 : i32
    %dma_start3A_587 = arith.constant 0 : i32
    %dma_start3A_588 = arith.constant 0 : i32
    %dma_start3A_589 = tpu.memref_slice %arg8[%rem3A_583, %dma_start3A_587, %dma_start3A_588] : memref<5x64x128xf32, #tpu.memory_space<vmem>> -> memref<1x64x128xf32, #tpu.memory_space<vmem>>
    %dma_start3A_590 = tpu.memref_squeeze %dma_start3A_589 : memref<1x64x128xf32, #tpu.memory_space<vmem>> -> memref<64x128xf32, #tpu.memory_space<vmem>>
    %dma_start3A_591 = arith.constant 0 : i32
    %dma_start3A_592 = tpu.memref_slice %arg7[%rem3A_586, %dma_start3A_591] : memref<8x64xi32, #tpu.memory_space<vmem>> -> memref<1x64xi32, #tpu.memory_space<vmem>>
    %dma_start3A_593 = tpu.memref_squeeze %dma_start3A_592 : memref<1x64xi32, #tpu.memory_space<vmem>> -> memref<64xi32, #tpu.memory_space<vmem>>
    %dma_start3A_594 = arith.constant 0 : i32
    %dma_start3A_595 = arith.constant 0 : i32
    %dma_start3A_596 = tpu.memref_slice %arg9[%dma_start3A_594, %dma_start3A_595] : memref<10112x128xf32, #tpu.memory_space<vmem_shared>> -> memref<10112x128xf32, #tpu.memory_space<vmem_shared>>
    tpu.enqueue_indirect_dma source(%dma_start3A_590 : memref<64x128xf32, #tpu.memory_space<vmem>>) target(%dma_start3A_596 : memref<10112x128xf32, #tpu.memory_space<vmem_shared>>) offsets(%dma_start3A_593 : memref<64xi32, #tpu.memory_space<vmem>>) semaphore(%arg11 : memref<!tpu.dma_semaphore, #tpu.memory_space<semaphore_mem>>) {add = true}
    %rem3A_597 = arith.constant 157 : i32
    %rem3A_598 = arith.constant 8 : i32
    %rem3A_599 = arith.remsi %rem3A_597, %rem3A_598 : i32
    %dma_wait3A_600 = arith.constant 157 : i32
    %dma_wait3A_601 = arith.constant 0 : i32
    %dma_wait3A_602 = tpu.memref_slice %arg6[%rem3A_599, %dma_wait3A_601] : memref<8x64xi32, #tpu.memory_space<vmem>> -> memref<1x64xi32, #tpu.memory_space<vmem>>
    %dma_wait3A_603 = tpu.memref_squeeze %dma_wait3A_602 : memref<1x64xi32, #tpu.memory_space<vmem>> -> memref<64xi32, #tpu.memory_space<vmem>>
    %dma_wait3A_604 = arith.constant 0 : i32
    %dma_wait3A_605 = tpu.memref_slice %arg3[%add3A, %dma_wait3A_600, %dma_wait3A_604] : memref<32x160x64xi32, #tpu.memory_space<hbm>> -> memref<1x1x64xi32, #tpu.memory_space<hbm>>
    %dma_wait3A_606 = tpu.memref_squeeze %dma_wait3A_605 : memref<1x1x64xi32, #tpu.memory_space<hbm>> -> memref<64xi32, #tpu.memory_space<hbm>>
    %dma_wait3A_607 = arith.constant 0 : i32
    %dma_wait3A_608 = tpu.memref_slice %arg6[%rem3A_599, %dma_wait3A_607] : memref<8x64xi32, #tpu.memory_space<vmem>> -> memref<1x64xi32, #tpu.memory_space<vmem>>
    %dma_wait3A_609 = tpu.memref_squeeze %dma_wait3A_608 : memref<1x64xi32, #tpu.memory_space<vmem>> -> memref<64xi32, #tpu.memory_space<vmem>>
    %dma_wait3A_610 = arith.constant 0 : i32
    %dma_wait3A_611 = tpu.memref_slice %arg3[%add3A, %dma_wait3A_600, %dma_wait3A_610] : memref<32x160x64xi32, #tpu.memory_space<hbm>> -> memref<1x1x64xi32, #tpu.memory_space<hbm>>
    %dma_wait3A_612 = tpu.memref_squeeze %dma_wait3A_611 : memref<1x1x64xi32, #tpu.memory_space<hbm>> -> memref<64xi32, #tpu.memory_space<hbm>>
    tpu.wait_dma2 semaphore(%arg12 : memref<!tpu.dma_semaphore, #tpu.memory_space<semaphore_mem>>) src(%dma_wait3A_612 : memref<64xi32, #tpu.memory_space<hbm>>) dst(%dma_wait3A_609 : memref<64xi32, #tpu.memory_space<vmem>>)
    %dma_wait3A_613 = arith.constant 157 : i32
    %dma_wait3A_614 = arith.constant 0 : i32
    %dma_wait3A_615 = tpu.memref_slice %arg7[%rem3A_599, %dma_wait3A_614] : memref<8x64xi32, #tpu.memory_space<vmem>> -> memref<1x64xi32, #tpu.memory_space<vmem>>
    %dma_wait3A_616 = tpu.memref_squeeze %dma_wait3A_615 : memref<1x64xi32, #tpu.memory_space<vmem>> -> memref<64xi32, #tpu.memory_space<vmem>>
    %dma_wait3A_617 = arith.constant 0 : i32
    %dma_wait3A_618 = tpu.memref_slice %arg4[%add3A, %dma_wait3A_613, %dma_wait3A_617] : memref<32x160x64xi32, #tpu.memory_space<hbm>> -> memref<1x1x64xi32, #tpu.memory_space<hbm>>
    %dma_wait3A_619 = tpu.memref_squeeze %dma_wait3A_618 : memref<1x1x64xi32, #tpu.memory_space<hbm>> -> memref<64xi32, #tpu.memory_space<hbm>>
    %dma_wait3A_620 = arith.constant 0 : i32
    %dma_wait3A_621 = tpu.memref_slice %arg7[%rem3A_599, %dma_wait3A_620] : memref<8x64xi32, #tpu.memory_space<vmem>> -> memref<1x64xi32, #tpu.memory_space<vmem>>
    %dma_wait3A_622 = tpu.memref_squeeze %dma_wait3A_621 : memref<1x64xi32, #tpu.memory_space<vmem>> -> memref<64xi32, #tpu.memory_space<vmem>>
    %dma_wait3A_623 = arith.constant 0 : i32
    %dma_wait3A_624 = tpu.memref_slice %arg4[%add3A, %dma_wait3A_613, %dma_wait3A_623] : memref<32x160x64xi32, #tpu.memory_space<hbm>> -> memref<1x1x64xi32, #tpu.memory_space<hbm>>
    %dma_wait3A_625 = tpu.memref_squeeze %dma_wait3A_624 : memref<1x1x64xi32, #tpu.memory_space<hbm>> -> memref<64xi32, #tpu.memory_space<hbm>>
    tpu.wait_dma2 semaphore(%arg12 : memref<!tpu.dma_semaphore, #tpu.memory_space<semaphore_mem>>) src(%dma_wait3A_625 : memref<64xi32, #tpu.memory_space<hbm>>) dst(%dma_wait3A_622 : memref<64xi32, #tpu.memory_space<vmem>>)
    %rem3A_626 = arith.constant 157 : i32
    %rem3A_627 = arith.constant 8 : i32
    %rem3A_628 = arith.remsi %rem3A_626, %rem3A_627 : i32
    %rem3A_629 = arith.constant 157 : i32
    %rem3A_630 = arith.constant 5 : i32
    %rem3A_631 = arith.remsi %rem3A_629, %rem3A_630 : i32
    %dma_start3A_632 = arith.constant 0 : i32
    %dma_start3A_633 = arith.constant 0 : i32
    %dma_start3A_634 = tpu.memref_slice %arg8[%rem3A_631, %dma_start3A_632, %dma_start3A_633] : memref<5x64x128xf32, #tpu.memory_space<vmem>> -> memref<1x64x128xf32, #tpu.memory_space<vmem>>
    %dma_start3A_635 = tpu.memref_squeeze %dma_start3A_634 : memref<1x64x128xf32, #tpu.memory_space<vmem>> -> memref<64x128xf32, #tpu.memory_space<vmem>>
    %dma_start3A_636 = arith.constant 0 : i32
    %dma_start3A_637 = tpu.memref_slice %arg6[%rem3A_628, %dma_start3A_636] : memref<8x64xi32, #tpu.memory_space<vmem>> -> memref<1x64xi32, #tpu.memory_space<vmem>>
    %dma_start3A_638 = tpu.memref_squeeze %dma_start3A_637 : memref<1x64xi32, #tpu.memory_space<vmem>> -> memref<64xi32, #tpu.memory_space<vmem>>
    %dma_start3A_639 = arith.constant 0 : i32
    %dma_start3A_640 = arith.constant 0 : i32
    %dma_start3A_641 = tpu.memref_slice %arg2[%dma_start3A_639, %dma_start3A_640] : memref<10000x128xf32, #tpu.memory_space<hbm>> -> memref<10000x128xf32, #tpu.memory_space<hbm>>
    tpu.enqueue_indirect_dma source(%dma_start3A_641 : memref<10000x128xf32, #tpu.memory_space<hbm>>) target(%dma_start3A_635 : memref<64x128xf32, #tpu.memory_space<vmem>>) offsets(%dma_start3A_638 : memref<64xi32, #tpu.memory_space<vmem>>) semaphore(%arg10 : memref<!tpu.dma_semaphore, #tpu.memory_space<semaphore_mem>>)
    %rem3A_642 = arith.constant 154 : i32
    %rem3A_643 = arith.constant 8 : i32
    %rem3A_644 = arith.remsi %rem3A_642, %rem3A_643 : i32
    %rem3A_645 = arith.constant 154 : i32
    %rem3A_646 = arith.constant 5 : i32
    %rem3A_647 = arith.remsi %rem3A_645, %rem3A_646 : i32
    %dma_wait3A_648 = arith.constant 0 : i32
    %dma_wait3A_649 = arith.constant 0 : i32
    %dma_wait3A_650 = tpu.memref_slice %arg8[%rem3A_647, %dma_wait3A_648, %dma_wait3A_649] : memref<5x64x128xf32, #tpu.memory_space<vmem>> -> memref<1x64x128xf32, #tpu.memory_space<vmem>>
    %dma_wait3A_651 = tpu.memref_squeeze %dma_wait3A_650 : memref<1x64x128xf32, #tpu.memory_space<vmem>> -> memref<64x128xf32, #tpu.memory_space<vmem>>
    %dma_wait3A_652 = arith.constant 0 : i32
    %dma_wait3A_653 = tpu.memref_slice %arg6[%rem3A_644, %dma_wait3A_652] : memref<8x64xi32, #tpu.memory_space<vmem>> -> memref<1x64xi32, #tpu.memory_space<vmem>>
    %dma_wait3A_654 = tpu.memref_squeeze %dma_wait3A_653 : memref<1x64xi32, #tpu.memory_space<vmem>> -> memref<64xi32, #tpu.memory_space<vmem>>
    %dma_wait3A_655 = arith.constant 0 : i32
    %dma_wait3A_656 = arith.constant 0 : i32
    %dma_wait3A_657 = tpu.memref_slice %arg2[%dma_wait3A_655, %dma_wait3A_656] : memref<10000x128xf32, #tpu.memory_space<hbm>> -> memref<10000x128xf32, #tpu.memory_space<hbm>>
    tpu.wait_indirect_dma semaphore(%arg10 : memref<!tpu.dma_semaphore, #tpu.memory_space<semaphore_mem>>) src(%dma_wait3A_657 : memref<10000x128xf32, #tpu.memory_space<hbm>>) dst(%dma_wait3A_651 : memref<64x128xf32, #tpu.memory_space<vmem>>)
    %rem3A_658 = arith.constant 153 : i32
    %rem3A_659 = arith.constant 5 : i32
    %rem3A_660 = arith.remsi %rem3A_658, %rem3A_659 : i32
    %rem3A_661 = arith.constant 153 : i32
    %rem3A_662 = arith.constant 8 : i32
    %rem3A_663 = arith.remsi %rem3A_661, %rem3A_662 : i32
    %dma_wait3A_664 = arith.constant 0 : i32
    %dma_wait3A_665 = arith.constant 0 : i32
    %dma_wait3A_666 = tpu.memref_slice %arg8[%rem3A_660, %dma_wait3A_664, %dma_wait3A_665] : memref<5x64x128xf32, #tpu.memory_space<vmem>> -> memref<1x64x128xf32, #tpu.memory_space<vmem>>
    %dma_wait3A_667 = tpu.memref_squeeze %dma_wait3A_666 : memref<1x64x128xf32, #tpu.memory_space<vmem>> -> memref<64x128xf32, #tpu.memory_space<vmem>>
    %dma_wait3A_668 = arith.constant 0 : i32
    %dma_wait3A_669 = tpu.memref_slice %arg7[%rem3A_663, %dma_wait3A_668] : memref<8x64xi32, #tpu.memory_space<vmem>> -> memref<1x64xi32, #tpu.memory_space<vmem>>
    %dma_wait3A_670 = tpu.memref_squeeze %dma_wait3A_669 : memref<1x64xi32, #tpu.memory_space<vmem>> -> memref<64xi32, #tpu.memory_space<vmem>>
    %dma_wait3A_671 = arith.constant 0 : i32
    %dma_wait3A_672 = arith.constant 0 : i32
    %dma_wait3A_673 = tpu.memref_slice %arg9[%dma_wait3A_671, %dma_wait3A_672] : memref<10112x128xf32, #tpu.memory_space<vmem_shared>> -> memref<10112x128xf32, #tpu.memory_space<vmem_shared>>
    tpu.wait_indirect_dma semaphore(%arg11 : memref<!tpu.dma_semaphore, #tpu.memory_space<semaphore_mem>>) src(%dma_wait3A_667 : memref<64x128xf32, #tpu.memory_space<vmem>>) dst(%dma_wait3A_673 : memref<10112x128xf32, #tpu.memory_space<vmem_shared>>)
    %rem3A_674 = arith.constant 154 : i32
    %rem3A_675 = arith.constant 5 : i32
    %rem3A_676 = arith.remsi %rem3A_674, %rem3A_675 : i32
    %rem3A_677 = arith.constant 154 : i32
    %rem3A_678 = arith.constant 8 : i32
    %rem3A_679 = arith.remsi %rem3A_677, %rem3A_678 : i32
    %dma_start3A_680 = arith.constant 0 : i32
    %dma_start3A_681 = arith.constant 0 : i32
    %dma_start3A_682 = tpu.memref_slice %arg8[%rem3A_676, %dma_start3A_680, %dma_start3A_681] : memref<5x64x128xf32, #tpu.memory_space<vmem>> -> memref<1x64x128xf32, #tpu.memory_space<vmem>>
    %dma_start3A_683 = tpu.memref_squeeze %dma_start3A_682 : memref<1x64x128xf32, #tpu.memory_space<vmem>> -> memref<64x128xf32, #tpu.memory_space<vmem>>
    %dma_start3A_684 = arith.constant 0 : i32
    %dma_start3A_685 = tpu.memref_slice %arg7[%rem3A_679, %dma_start3A_684] : memref<8x64xi32, #tpu.memory_space<vmem>> -> memref<1x64xi32, #tpu.memory_space<vmem>>
    %dma_start3A_686 = tpu.memref_squeeze %dma_start3A_685 : memref<1x64xi32, #tpu.memory_space<vmem>> -> memref<64xi32, #tpu.memory_space<vmem>>
    %dma_start3A_687 = arith.constant 0 : i32
    %dma_start3A_688 = arith.constant 0 : i32
    %dma_start3A_689 = tpu.memref_slice %arg9[%dma_start3A_687, %dma_start3A_688] : memref<10112x128xf32, #tpu.memory_space<vmem_shared>> -> memref<10112x128xf32, #tpu.memory_space<vmem_shared>>
    tpu.enqueue_indirect_dma source(%dma_start3A_683 : memref<64x128xf32, #tpu.memory_space<vmem>>) target(%dma_start3A_689 : memref<10112x128xf32, #tpu.memory_space<vmem_shared>>) offsets(%dma_start3A_686 : memref<64xi32, #tpu.memory_space<vmem>>) semaphore(%arg11 : memref<!tpu.dma_semaphore, #tpu.memory_space<semaphore_mem>>) {add = true}
    %rem3A_690 = arith.constant 158 : i32
    %rem3A_691 = arith.constant 8 : i32
    %rem3A_692 = arith.remsi %rem3A_690, %rem3A_691 : i32
    %dma_wait3A_693 = arith.constant 158 : i32
    %dma_wait3A_694 = arith.constant 0 : i32
    %dma_wait3A_695 = tpu.memref_slice %arg6[%rem3A_692, %dma_wait3A_694] : memref<8x64xi32, #tpu.memory_space<vmem>> -> memref<1x64xi32, #tpu.memory_space<vmem>>
    %dma_wait3A_696 = tpu.memref_squeeze %dma_wait3A_695 : memref<1x64xi32, #tpu.memory_space<vmem>> -> memref<64xi32, #tpu.memory_space<vmem>>
    %dma_wait3A_697 = arith.constant 0 : i32
    %dma_wait3A_698 = tpu.memref_slice %arg3[%add3A, %dma_wait3A_693, %dma_wait3A_697] : memref<32x160x64xi32, #tpu.memory_space<hbm>> -> memref<1x1x64xi32, #tpu.memory_space<hbm>>
    %dma_wait3A_699 = tpu.memref_squeeze %dma_wait3A_698 : memref<1x1x64xi32, #tpu.memory_space<hbm>> -> memref<64xi32, #tpu.memory_space<hbm>>
    %dma_wait3A_700 = arith.constant 0 : i32
    %dma_wait3A_701 = tpu.memref_slice %arg6[%rem3A_692, %dma_wait3A_700] : memref<8x64xi32, #tpu.memory_space<vmem>> -> memref<1x64xi32, #tpu.memory_space<vmem>>
    %dma_wait3A_702 = tpu.memref_squeeze %dma_wait3A_701 : memref<1x64xi32, #tpu.memory_space<vmem>> -> memref<64xi32, #tpu.memory_space<vmem>>
    %dma_wait3A_703 = arith.constant 0 : i32
    %dma_wait3A_704 = tpu.memref_slice %arg3[%add3A, %dma_wait3A_693, %dma_wait3A_703] : memref<32x160x64xi32, #tpu.memory_space<hbm>> -> memref<1x1x64xi32, #tpu.memory_space<hbm>>
    %dma_wait3A_705 = tpu.memref_squeeze %dma_wait3A_704 : memref<1x1x64xi32, #tpu.memory_space<hbm>> -> memref<64xi32, #tpu.memory_space<hbm>>
    tpu.wait_dma2 semaphore(%arg12 : memref<!tpu.dma_semaphore, #tpu.memory_space<semaphore_mem>>) src(%dma_wait3A_705 : memref<64xi32, #tpu.memory_space<hbm>>) dst(%dma_wait3A_702 : memref<64xi32, #tpu.memory_space<vmem>>)
    %dma_wait3A_706 = arith.constant 158 : i32
    %dma_wait3A_707 = arith.constant 0 : i32
    %dma_wait3A_708 = tpu.memref_slice %arg7[%rem3A_692, %dma_wait3A_707] : memref<8x64xi32, #tpu.memory_space<vmem>> -> memref<1x64xi32, #tpu.memory_space<vmem>>
    %dma_wait3A_709 = tpu.memref_squeeze %dma_wait3A_708 : memref<1x64xi32, #tpu.memory_space<vmem>> -> memref<64xi32, #tpu.memory_space<vmem>>
    %dma_wait3A_710 = arith.constant 0 : i32
    %dma_wait3A_711 = tpu.memref_slice %arg4[%add3A, %dma_wait3A_706, %dma_wait3A_710] : memref<32x160x64xi32, #tpu.memory_space<hbm>> -> memref<1x1x64xi32, #tpu.memory_space<hbm>>
    %dma_wait3A_712 = tpu.memref_squeeze %dma_wait3A_711 : memref<1x1x64xi32, #tpu.memory_space<hbm>> -> memref<64xi32, #tpu.memory_space<hbm>>
    %dma_wait3A_713 = arith.constant 0 : i32
    %dma_wait3A_714 = tpu.memref_slice %arg7[%rem3A_692, %dma_wait3A_713] : memref<8x64xi32, #tpu.memory_space<vmem>> -> memref<1x64xi32, #tpu.memory_space<vmem>>
    %dma_wait3A_715 = tpu.memref_squeeze %dma_wait3A_714 : memref<1x64xi32, #tpu.memory_space<vmem>> -> memref<64xi32, #tpu.memory_space<vmem>>
    %dma_wait3A_716 = arith.constant 0 : i32
    %dma_wait3A_717 = tpu.memref_slice %arg4[%add3A, %dma_wait3A_706, %dma_wait3A_716] : memref<32x160x64xi32, #tpu.memory_space<hbm>> -> memref<1x1x64xi32, #tpu.memory_space<hbm>>
    %dma_wait3A_718 = tpu.memref_squeeze %dma_wait3A_717 : memref<1x1x64xi32, #tpu.memory_space<hbm>> -> memref<64xi32, #tpu.memory_space<hbm>>
    tpu.wait_dma2 semaphore(%arg12 : memref<!tpu.dma_semaphore, #tpu.memory_space<semaphore_mem>>) src(%dma_wait3A_718 : memref<64xi32, #tpu.memory_space<hbm>>) dst(%dma_wait3A_715 : memref<64xi32, #tpu.memory_space<vmem>>)
    %rem3A_719 = arith.constant 158 : i32
    %rem3A_720 = arith.constant 8 : i32
    %rem3A_721 = arith.remsi %rem3A_719, %rem3A_720 : i32
    %rem3A_722 = arith.constant 158 : i32
    %rem3A_723 = arith.constant 5 : i32
    %rem3A_724 = arith.remsi %rem3A_722, %rem3A_723 : i32
    %dma_start3A_725 = arith.constant 0 : i32
    %dma_start3A_726 = arith.constant 0 : i32
    %dma_start3A_727 = tpu.memref_slice %arg8[%rem3A_724, %dma_start3A_725, %dma_start3A_726] : memref<5x64x128xf32, #tpu.memory_space<vmem>> -> memref<1x64x128xf32, #tpu.memory_space<vmem>>
    %dma_start3A_728 = tpu.memref_squeeze %dma_start3A_727 : memref<1x64x128xf32, #tpu.memory_space<vmem>> -> memref<64x128xf32, #tpu.memory_space<vmem>>
    %dma_start3A_729 = arith.constant 0 : i32
    %dma_start3A_730 = tpu.memref_slice %arg6[%rem3A_721, %dma_start3A_729] : memref<8x64xi32, #tpu.memory_space<vmem>> -> memref<1x64xi32, #tpu.memory_space<vmem>>
    %dma_start3A_731 = tpu.memref_squeeze %dma_start3A_730 : memref<1x64xi32, #tpu.memory_space<vmem>> -> memref<64xi32, #tpu.memory_space<vmem>>
    %dma_start3A_732 = arith.constant 0 : i32
    %dma_start3A_733 = arith.constant 0 : i32
    %dma_start3A_734 = tpu.memref_slice %arg2[%dma_start3A_732, %dma_start3A_733] : memref<10000x128xf32, #tpu.memory_space<hbm>> -> memref<10000x128xf32, #tpu.memory_space<hbm>>
    tpu.enqueue_indirect_dma source(%dma_start3A_734 : memref<10000x128xf32, #tpu.memory_space<hbm>>) target(%dma_start3A_728 : memref<64x128xf32, #tpu.memory_space<vmem>>) offsets(%dma_start3A_731 : memref<64xi32, #tpu.memory_space<vmem>>) semaphore(%arg10 : memref<!tpu.dma_semaphore, #tpu.memory_space<semaphore_mem>>)
    %rem3A_735 = arith.constant 155 : i32
    %rem3A_736 = arith.constant 8 : i32
    %rem3A_737 = arith.remsi %rem3A_735, %rem3A_736 : i32
    %rem3A_738 = arith.constant 155 : i32
    %rem3A_739 = arith.constant 5 : i32
    %rem3A_740 = arith.remsi %rem3A_738, %rem3A_739 : i32
    %dma_wait3A_741 = arith.constant 0 : i32
    %dma_wait3A_742 = arith.constant 0 : i32
    %dma_wait3A_743 = tpu.memref_slice %arg8[%rem3A_740, %dma_wait3A_741, %dma_wait3A_742] : memref<5x64x128xf32, #tpu.memory_space<vmem>> -> memref<1x64x128xf32, #tpu.memory_space<vmem>>
    %dma_wait3A_744 = tpu.memref_squeeze %dma_wait3A_743 : memref<1x64x128xf32, #tpu.memory_space<vmem>> -> memref<64x128xf32, #tpu.memory_space<vmem>>
    %dma_wait3A_745 = arith.constant 0 : i32
    %dma_wait3A_746 = tpu.memref_slice %arg6[%rem3A_737, %dma_wait3A_745] : memref<8x64xi32, #tpu.memory_space<vmem>> -> memref<1x64xi32, #tpu.memory_space<vmem>>
    %dma_wait3A_747 = tpu.memref_squeeze %dma_wait3A_746 : memref<1x64xi32, #tpu.memory_space<vmem>> -> memref<64xi32, #tpu.memory_space<vmem>>
    %dma_wait3A_748 = arith.constant 0 : i32
    %dma_wait3A_749 = arith.constant 0 : i32
    %dma_wait3A_750 = tpu.memref_slice %arg2[%dma_wait3A_748, %dma_wait3A_749] : memref<10000x128xf32, #tpu.memory_space<hbm>> -> memref<10000x128xf32, #tpu.memory_space<hbm>>
    tpu.wait_indirect_dma semaphore(%arg10 : memref<!tpu.dma_semaphore, #tpu.memory_space<semaphore_mem>>) src(%dma_wait3A_750 : memref<10000x128xf32, #tpu.memory_space<hbm>>) dst(%dma_wait3A_744 : memref<64x128xf32, #tpu.memory_space<vmem>>)
    %rem3A_751 = arith.constant 154 : i32
    %rem3A_752 = arith.constant 5 : i32
    %rem3A_753 = arith.remsi %rem3A_751, %rem3A_752 : i32
    %rem3A_754 = arith.constant 154 : i32
    %rem3A_755 = arith.constant 8 : i32
    %rem3A_756 = arith.remsi %rem3A_754, %rem3A_755 : i32
    %dma_wait3A_757 = arith.constant 0 : i32
    %dma_wait3A_758 = arith.constant 0 : i32
    %dma_wait3A_759 = tpu.memref_slice %arg8[%rem3A_753, %dma_wait3A_757, %dma_wait3A_758] : memref<5x64x128xf32, #tpu.memory_space<vmem>> -> memref<1x64x128xf32, #tpu.memory_space<vmem>>
    %dma_wait3A_760 = tpu.memref_squeeze %dma_wait3A_759 : memref<1x64x128xf32, #tpu.memory_space<vmem>> -> memref<64x128xf32, #tpu.memory_space<vmem>>
    %dma_wait3A_761 = arith.constant 0 : i32
    %dma_wait3A_762 = tpu.memref_slice %arg7[%rem3A_756, %dma_wait3A_761] : memref<8x64xi32, #tpu.memory_space<vmem>> -> memref<1x64xi32, #tpu.memory_space<vmem>>
    %dma_wait3A_763 = tpu.memref_squeeze %dma_wait3A_762 : memref<1x64xi32, #tpu.memory_space<vmem>> -> memref<64xi32, #tpu.memory_space<vmem>>
    %dma_wait3A_764 = arith.constant 0 : i32
    %dma_wait3A_765 = arith.constant 0 : i32
    %dma_wait3A_766 = tpu.memref_slice %arg9[%dma_wait3A_764, %dma_wait3A_765] : memref<10112x128xf32, #tpu.memory_space<vmem_shared>> -> memref<10112x128xf32, #tpu.memory_space<vmem_shared>>
    tpu.wait_indirect_dma semaphore(%arg11 : memref<!tpu.dma_semaphore, #tpu.memory_space<semaphore_mem>>) src(%dma_wait3A_760 : memref<64x128xf32, #tpu.memory_space<vmem>>) dst(%dma_wait3A_766 : memref<10112x128xf32, #tpu.memory_space<vmem_shared>>)
    %rem3A_767 = arith.constant 155 : i32
    %rem3A_768 = arith.constant 5 : i32
    %rem3A_769 = arith.remsi %rem3A_767, %rem3A_768 : i32
    %rem3A_770 = arith.constant 155 : i32
    %rem3A_771 = arith.constant 8 : i32
    %rem3A_772 = arith.remsi %rem3A_770, %rem3A_771 : i32
    %dma_start3A_773 = arith.constant 0 : i32
    %dma_start3A_774 = arith.constant 0 : i32
    %dma_start3A_775 = tpu.memref_slice %arg8[%rem3A_769, %dma_start3A_773, %dma_start3A_774] : memref<5x64x128xf32, #tpu.memory_space<vmem>> -> memref<1x64x128xf32, #tpu.memory_space<vmem>>
    %dma_start3A_776 = tpu.memref_squeeze %dma_start3A_775 : memref<1x64x128xf32, #tpu.memory_space<vmem>> -> memref<64x128xf32, #tpu.memory_space<vmem>>
    %dma_start3A_777 = arith.constant 0 : i32
    %dma_start3A_778 = tpu.memref_slice %arg7[%rem3A_772, %dma_start3A_777] : memref<8x64xi32, #tpu.memory_space<vmem>> -> memref<1x64xi32, #tpu.memory_space<vmem>>
    %dma_start3A_779 = tpu.memref_squeeze %dma_start3A_778 : memref<1x64xi32, #tpu.memory_space<vmem>> -> memref<64xi32, #tpu.memory_space<vmem>>
    %dma_start3A_780 = arith.constant 0 : i32
    %dma_start3A_781 = arith.constant 0 : i32
    %dma_start3A_782 = tpu.memref_slice %arg9[%dma_start3A_780, %dma_start3A_781] : memref<10112x128xf32, #tpu.memory_space<vmem_shared>> -> memref<10112x128xf32, #tpu.memory_space<vmem_shared>>
    tpu.enqueue_indirect_dma source(%dma_start3A_776 : memref<64x128xf32, #tpu.memory_space<vmem>>) target(%dma_start3A_782 : memref<10112x128xf32, #tpu.memory_space<vmem_shared>>) offsets(%dma_start3A_779 : memref<64xi32, #tpu.memory_space<vmem>>) semaphore(%arg11 : memref<!tpu.dma_semaphore, #tpu.memory_space<semaphore_mem>>) {add = true}
    %rem3A_783 = arith.constant 159 : i32
    %rem3A_784 = arith.constant 8 : i32
    %rem3A_785 = arith.remsi %rem3A_783, %rem3A_784 : i32
    %dma_wait3A_786 = arith.constant 159 : i32
    %dma_wait3A_787 = arith.constant 0 : i32
    %dma_wait3A_788 = tpu.memref_slice %arg6[%rem3A_785, %dma_wait3A_787] : memref<8x64xi32, #tpu.memory_space<vmem>> -> memref<1x64xi32, #tpu.memory_space<vmem>>
    %dma_wait3A_789 = tpu.memref_squeeze %dma_wait3A_788 : memref<1x64xi32, #tpu.memory_space<vmem>> -> memref<64xi32, #tpu.memory_space<vmem>>
    %dma_wait3A_790 = arith.constant 0 : i32
    %dma_wait3A_791 = tpu.memref_slice %arg3[%add3A, %dma_wait3A_786, %dma_wait3A_790] : memref<32x160x64xi32, #tpu.memory_space<hbm>> -> memref<1x1x64xi32, #tpu.memory_space<hbm>>
    %dma_wait3A_792 = tpu.memref_squeeze %dma_wait3A_791 : memref<1x1x64xi32, #tpu.memory_space<hbm>> -> memref<64xi32, #tpu.memory_space<hbm>>
    %dma_wait3A_793 = arith.constant 0 : i32
    %dma_wait3A_794 = tpu.memref_slice %arg6[%rem3A_785, %dma_wait3A_793] : memref<8x64xi32, #tpu.memory_space<vmem>> -> memref<1x64xi32, #tpu.memory_space<vmem>>
    %dma_wait3A_795 = tpu.memref_squeeze %dma_wait3A_794 : memref<1x64xi32, #tpu.memory_space<vmem>> -> memref<64xi32, #tpu.memory_space<vmem>>
    %dma_wait3A_796 = arith.constant 0 : i32
    %dma_wait3A_797 = tpu.memref_slice %arg3[%add3A, %dma_wait3A_786, %dma_wait3A_796] : memref<32x160x64xi32, #tpu.memory_space<hbm>> -> memref<1x1x64xi32, #tpu.memory_space<hbm>>
    %dma_wait3A_798 = tpu.memref_squeeze %dma_wait3A_797 : memref<1x1x64xi32, #tpu.memory_space<hbm>> -> memref<64xi32, #tpu.memory_space<hbm>>
    tpu.wait_dma2 semaphore(%arg12 : memref<!tpu.dma_semaphore, #tpu.memory_space<semaphore_mem>>) src(%dma_wait3A_798 : memref<64xi32, #tpu.memory_space<hbm>>) dst(%dma_wait3A_795 : memref<64xi32, #tpu.memory_space<vmem>>)
    %dma_wait3A_799 = arith.constant 159 : i32
    %dma_wait3A_800 = arith.constant 0 : i32
    %dma_wait3A_801 = tpu.memref_slice %arg7[%rem3A_785, %dma_wait3A_800] : memref<8x64xi32, #tpu.memory_space<vmem>> -> memref<1x64xi32, #tpu.memory_space<vmem>>
    %dma_wait3A_802 = tpu.memref_squeeze %dma_wait3A_801 : memref<1x64xi32, #tpu.memory_space<vmem>> -> memref<64xi32, #tpu.memory_space<vmem>>
    %dma_wait3A_803 = arith.constant 0 : i32
    %dma_wait3A_804 = tpu.memref_slice %arg4[%add3A, %dma_wait3A_799, %dma_wait3A_803] : memref<32x160x64xi32, #tpu.memory_space<hbm>> -> memref<1x1x64xi32, #tpu.memory_space<hbm>>
    %dma_wait3A_805 = tpu.memref_squeeze %dma_wait3A_804 : memref<1x1x64xi32, #tpu.memory_space<hbm>> -> memref<64xi32, #tpu.memory_space<hbm>>
    %dma_wait3A_806 = arith.constant 0 : i32
    %dma_wait3A_807 = tpu.memref_slice %arg7[%rem3A_785, %dma_wait3A_806] : memref<8x64xi32, #tpu.memory_space<vmem>> -> memref<1x64xi32, #tpu.memory_space<vmem>>
    %dma_wait3A_808 = tpu.memref_squeeze %dma_wait3A_807 : memref<1x64xi32, #tpu.memory_space<vmem>> -> memref<64xi32, #tpu.memory_space<vmem>>
    %dma_wait3A_809 = arith.constant 0 : i32
    %dma_wait3A_810 = tpu.memref_slice %arg4[%add3A, %dma_wait3A_799, %dma_wait3A_809] : memref<32x160x64xi32, #tpu.memory_space<hbm>> -> memref<1x1x64xi32, #tpu.memory_space<hbm>>
    %dma_wait3A_811 = tpu.memref_squeeze %dma_wait3A_810 : memref<1x1x64xi32, #tpu.memory_space<hbm>> -> memref<64xi32, #tpu.memory_space<hbm>>
    tpu.wait_dma2 semaphore(%arg12 : memref<!tpu.dma_semaphore, #tpu.memory_space<semaphore_mem>>) src(%dma_wait3A_811 : memref<64xi32, #tpu.memory_space<hbm>>) dst(%dma_wait3A_808 : memref<64xi32, #tpu.memory_space<vmem>>)
    %rem3A_812 = arith.constant 159 : i32
    %rem3A_813 = arith.constant 8 : i32
    %rem3A_814 = arith.remsi %rem3A_812, %rem3A_813 : i32
    %rem3A_815 = arith.constant 159 : i32
    %rem3A_816 = arith.constant 5 : i32
    %rem3A_817 = arith.remsi %rem3A_815, %rem3A_816 : i32
    %dma_start3A_818 = arith.constant 0 : i32
    %dma_start3A_819 = arith.constant 0 : i32
    %dma_start3A_820 = tpu.memref_slice %arg8[%rem3A_817, %dma_start3A_818, %dma_start3A_819] : memref<5x64x128xf32, #tpu.memory_space<vmem>> -> memref<1x64x128xf32, #tpu.memory_space<vmem>>
    %dma_start3A_821 = tpu.memref_squeeze %dma_start3A_820 : memref<1x64x128xf32, #tpu.memory_space<vmem>> -> memref<64x128xf32, #tpu.memory_space<vmem>>
    %dma_start3A_822 = arith.constant 0 : i32
    %dma_start3A_823 = tpu.memref_slice %arg6[%rem3A_814, %dma_start3A_822] : memref<8x64xi32, #tpu.memory_space<vmem>> -> memref<1x64xi32, #tpu.memory_space<vmem>>
    %dma_start3A_824 = tpu.memref_squeeze %dma_start3A_823 : memref<1x64xi32, #tpu.memory_space<vmem>> -> memref<64xi32, #tpu.memory_space<vmem>>
    %dma_start3A_825 = arith.constant 0 : i32
    %dma_start3A_826 = arith.constant 0 : i32
    %dma_start3A_827 = tpu.memref_slice %arg2[%dma_start3A_825, %dma_start3A_826] : memref<10000x128xf32, #tpu.memory_space<hbm>> -> memref<10000x128xf32, #tpu.memory_space<hbm>>
    tpu.enqueue_indirect_dma source(%dma_start3A_827 : memref<10000x128xf32, #tpu.memory_space<hbm>>) target(%dma_start3A_821 : memref<64x128xf32, #tpu.memory_space<vmem>>) offsets(%dma_start3A_824 : memref<64xi32, #tpu.memory_space<vmem>>) semaphore(%arg10 : memref<!tpu.dma_semaphore, #tpu.memory_space<semaphore_mem>>)
    %rem3A_828 = arith.constant 156 : i32
    %rem3A_829 = arith.constant 8 : i32
    %rem3A_830 = arith.remsi %rem3A_828, %rem3A_829 : i32
    %rem3A_831 = arith.constant 156 : i32
    %rem3A_832 = arith.constant 5 : i32
    %rem3A_833 = arith.remsi %rem3A_831, %rem3A_832 : i32
    %dma_wait3A_834 = arith.constant 0 : i32
    %dma_wait3A_835 = arith.constant 0 : i32
    %dma_wait3A_836 = tpu.memref_slice %arg8[%rem3A_833, %dma_wait3A_834, %dma_wait3A_835] : memref<5x64x128xf32, #tpu.memory_space<vmem>> -> memref<1x64x128xf32, #tpu.memory_space<vmem>>
    %dma_wait3A_837 = tpu.memref_squeeze %dma_wait3A_836 : memref<1x64x128xf32, #tpu.memory_space<vmem>> -> memref<64x128xf32, #tpu.memory_space<vmem>>
    %dma_wait3A_838 = arith.constant 0 : i32
    %dma_wait3A_839 = tpu.memref_slice %arg6[%rem3A_830, %dma_wait3A_838] : memref<8x64xi32, #tpu.memory_space<vmem>> -> memref<1x64xi32, #tpu.memory_space<vmem>>
    %dma_wait3A_840 = tpu.memref_squeeze %dma_wait3A_839 : memref<1x64xi32, #tpu.memory_space<vmem>> -> memref<64xi32, #tpu.memory_space<vmem>>
    %dma_wait3A_841 = arith.constant 0 : i32
    %dma_wait3A_842 = arith.constant 0 : i32
    %dma_wait3A_843 = tpu.memref_slice %arg2[%dma_wait3A_841, %dma_wait3A_842] : memref<10000x128xf32, #tpu.memory_space<hbm>> -> memref<10000x128xf32, #tpu.memory_space<hbm>>
    tpu.wait_indirect_dma semaphore(%arg10 : memref<!tpu.dma_semaphore, #tpu.memory_space<semaphore_mem>>) src(%dma_wait3A_843 : memref<10000x128xf32, #tpu.memory_space<hbm>>) dst(%dma_wait3A_837 : memref<64x128xf32, #tpu.memory_space<vmem>>)
    %rem3A_844 = arith.constant 155 : i32
    %rem3A_845 = arith.constant 5 : i32
    %rem3A_846 = arith.remsi %rem3A_844, %rem3A_845 : i32
    %rem3A_847 = arith.constant 155 : i32
    %rem3A_848 = arith.constant 8 : i32
    %rem3A_849 = arith.remsi %rem3A_847, %rem3A_848 : i32
    %dma_wait3A_850 = arith.constant 0 : i32
    %dma_wait3A_851 = arith.constant 0 : i32
    %dma_wait3A_852 = tpu.memref_slice %arg8[%rem3A_846, %dma_wait3A_850, %dma_wait3A_851] : memref<5x64x128xf32, #tpu.memory_space<vmem>> -> memref<1x64x128xf32, #tpu.memory_space<vmem>>
    %dma_wait3A_853 = tpu.memref_squeeze %dma_wait3A_852 : memref<1x64x128xf32, #tpu.memory_space<vmem>> -> memref<64x128xf32, #tpu.memory_space<vmem>>
    %dma_wait3A_854 = arith.constant 0 : i32
    %dma_wait3A_855 = tpu.memref_slice %arg7[%rem3A_849, %dma_wait3A_854] : memref<8x64xi32, #tpu.memory_space<vmem>> -> memref<1x64xi32, #tpu.memory_space<vmem>>
    %dma_wait3A_856 = tpu.memref_squeeze %dma_wait3A_855 : memref<1x64xi32, #tpu.memory_space<vmem>> -> memref<64xi32, #tpu.memory_space<vmem>>
    %dma_wait3A_857 = arith.constant 0 : i32
    %dma_wait3A_858 = arith.constant 0 : i32
    %dma_wait3A_859 = tpu.memref_slice %arg9[%dma_wait3A_857, %dma_wait3A_858] : memref<10112x128xf32, #tpu.memory_space<vmem_shared>> -> memref<10112x128xf32, #tpu.memory_space<vmem_shared>>
    tpu.wait_indirect_dma semaphore(%arg11 : memref<!tpu.dma_semaphore, #tpu.memory_space<semaphore_mem>>) src(%dma_wait3A_853 : memref<64x128xf32, #tpu.memory_space<vmem>>) dst(%dma_wait3A_859 : memref<10112x128xf32, #tpu.memory_space<vmem_shared>>)
    %rem3A_860 = arith.constant 156 : i32
    %rem3A_861 = arith.constant 5 : i32
    %rem3A_862 = arith.remsi %rem3A_860, %rem3A_861 : i32
    %rem3A_863 = arith.constant 156 : i32
    %rem3A_864 = arith.constant 8 : i32
    %rem3A_865 = arith.remsi %rem3A_863, %rem3A_864 : i32
    %dma_start3A_866 = arith.constant 0 : i32
    %dma_start3A_867 = arith.constant 0 : i32
    %dma_start3A_868 = tpu.memref_slice %arg8[%rem3A_862, %dma_start3A_866, %dma_start3A_867] : memref<5x64x128xf32, #tpu.memory_space<vmem>> -> memref<1x64x128xf32, #tpu.memory_space<vmem>>
    %dma_start3A_869 = tpu.memref_squeeze %dma_start3A_868 : memref<1x64x128xf32, #tpu.memory_space<vmem>> -> memref<64x128xf32, #tpu.memory_space<vmem>>
    %dma_start3A_870 = arith.constant 0 : i32
    %dma_start3A_871 = tpu.memref_slice %arg7[%rem3A_865, %dma_start3A_870] : memref<8x64xi32, #tpu.memory_space<vmem>> -> memref<1x64xi32, #tpu.memory_space<vmem>>
    %dma_start3A_872 = tpu.memref_squeeze %dma_start3A_871 : memref<1x64xi32, #tpu.memory_space<vmem>> -> memref<64xi32, #tpu.memory_space<vmem>>
    %dma_start3A_873 = arith.constant 0 : i32
    %dma_start3A_874 = arith.constant 0 : i32
    %dma_start3A_875 = tpu.memref_slice %arg9[%dma_start3A_873, %dma_start3A_874] : memref<10112x128xf32, #tpu.memory_space<vmem_shared>> -> memref<10112x128xf32, #tpu.memory_space<vmem_shared>>
    tpu.enqueue_indirect_dma source(%dma_start3A_869 : memref<64x128xf32, #tpu.memory_space<vmem>>) target(%dma_start3A_875 : memref<10112x128xf32, #tpu.memory_space<vmem_shared>>) offsets(%dma_start3A_872 : memref<64xi32, #tpu.memory_space<vmem>>) semaphore(%arg11 : memref<!tpu.dma_semaphore, #tpu.memory_space<semaphore_mem>>) {add = true}
    %rem3A_876 = arith.constant 157 : i32
    %rem3A_877 = arith.constant 8 : i32
    %rem3A_878 = arith.remsi %rem3A_876, %rem3A_877 : i32
    %rem3A_879 = arith.constant 157 : i32
    %rem3A_880 = arith.constant 5 : i32
    %rem3A_881 = arith.remsi %rem3A_879, %rem3A_880 : i32
    %dma_wait3A_882 = arith.constant 0 : i32
    %dma_wait3A_883 = arith.constant 0 : i32
    %dma_wait3A_884 = tpu.memref_slice %arg8[%rem3A_881, %dma_wait3A_882, %dma_wait3A_883] : memref<5x64x128xf32, #tpu.memory_space<vmem>> -> memref<1x64x128xf32, #tpu.memory_space<vmem>>
    %dma_wait3A_885 = tpu.memref_squeeze %dma_wait3A_884 : memref<1x64x128xf32, #tpu.memory_space<vmem>> -> memref<64x128xf32, #tpu.memory_space<vmem>>
    %dma_wait3A_886 = arith.constant 0 : i32
    %dma_wait3A_887 = tpu.memref_slice %arg6[%rem3A_878, %dma_wait3A_886] : memref<8x64xi32, #tpu.memory_space<vmem>> -> memref<1x64xi32, #tpu.memory_space<vmem>>
    %dma_wait3A_888 = tpu.memref_squeeze %dma_wait3A_887 : memref<1x64xi32, #tpu.memory_space<vmem>> -> memref<64xi32, #tpu.memory_space<vmem>>
    %dma_wait3A_889 = arith.constant 0 : i32
    %dma_wait3A_890 = arith.constant 0 : i32
    %dma_wait3A_891 = tpu.memref_slice %arg2[%dma_wait3A_889, %dma_wait3A_890] : memref<10000x128xf32, #tpu.memory_space<hbm>> -> memref<10000x128xf32, #tpu.memory_space<hbm>>
    tpu.wait_indirect_dma semaphore(%arg10 : memref<!tpu.dma_semaphore, #tpu.memory_space<semaphore_mem>>) src(%dma_wait3A_891 : memref<10000x128xf32, #tpu.memory_space<hbm>>) dst(%dma_wait3A_885 : memref<64x128xf32, #tpu.memory_space<vmem>>)
    %rem3A_892 = arith.constant 156 : i32
    %rem3A_893 = arith.constant 5 : i32
    %rem3A_894 = arith.remsi %rem3A_892, %rem3A_893 : i32
    %rem3A_895 = arith.constant 156 : i32
    %rem3A_896 = arith.constant 8 : i32
    %rem3A_897 = arith.remsi %rem3A_895, %rem3A_896 : i32
    %dma_wait3A_898 = arith.constant 0 : i32
    %dma_wait3A_899 = arith.constant 0 : i32
    %dma_wait3A_900 = tpu.memref_slice %arg8[%rem3A_894, %dma_wait3A_898, %dma_wait3A_899] : memref<5x64x128xf32, #tpu.memory_space<vmem>> -> memref<1x64x128xf32, #tpu.memory_space<vmem>>
    %dma_wait3A_901 = tpu.memref_squeeze %dma_wait3A_900 : memref<1x64x128xf32, #tpu.memory_space<vmem>> -> memref<64x128xf32, #tpu.memory_space<vmem>>
    %dma_wait3A_902 = arith.constant 0 : i32
    %dma_wait3A_903 = tpu.memref_slice %arg7[%rem3A_897, %dma_wait3A_902] : memref<8x64xi32, #tpu.memory_space<vmem>> -> memref<1x64xi32, #tpu.memory_space<vmem>>
    %dma_wait3A_904 = tpu.memref_squeeze %dma_wait3A_903 : memref<1x64xi32, #tpu.memory_space<vmem>> -> memref<64xi32, #tpu.memory_space<vmem>>
    %dma_wait3A_905 = arith.constant 0 : i32
    %dma_wait3A_906 = arith.constant 0 : i32
    %dma_wait3A_907 = tpu.memref_slice %arg9[%dma_wait3A_905, %dma_wait3A_906] : memref<10112x128xf32, #tpu.memory_space<vmem_shared>> -> memref<10112x128xf32, #tpu.memory_space<vmem_shared>>
    tpu.wait_indirect_dma semaphore(%arg11 : memref<!tpu.dma_semaphore, #tpu.memory_space<semaphore_mem>>) src(%dma_wait3A_901 : memref<64x128xf32, #tpu.memory_space<vmem>>) dst(%dma_wait3A_907 : memref<10112x128xf32, #tpu.memory_space<vmem_shared>>)
    %rem3A_908 = arith.constant 157 : i32
    %rem3A_909 = arith.constant 5 : i32
    %rem3A_910 = arith.remsi %rem3A_908, %rem3A_909 : i32
    %rem3A_911 = arith.constant 157 : i32
    %rem3A_912 = arith.constant 8 : i32
    %rem3A_913 = arith.remsi %rem3A_911, %rem3A_912 : i32
    %dma_start3A_914 = arith.constant 0 : i32
    %dma_start3A_915 = arith.constant 0 : i32
    %dma_start3A_916 = tpu.memref_slice %arg8[%rem3A_910, %dma_start3A_914, %dma_start3A_915] : memref<5x64x128xf32, #tpu.memory_space<vmem>> -> memref<1x64x128xf32, #tpu.memory_space<vmem>>
    %dma_start3A_917 = tpu.memref_squeeze %dma_start3A_916 : memref<1x64x128xf32, #tpu.memory_space<vmem>> -> memref<64x128xf32, #tpu.memory_space<vmem>>
    %dma_start3A_918 = arith.constant 0 : i32
    %dma_start3A_919 = tpu.memref_slice %arg7[%rem3A_913, %dma_start3A_918] : memref<8x64xi32, #tpu.memory_space<vmem>> -> memref<1x64xi32, #tpu.memory_space<vmem>>
    %dma_start3A_920 = tpu.memref_squeeze %dma_start3A_919 : memref<1x64xi32, #tpu.memory_space<vmem>> -> memref<64xi32, #tpu.memory_space<vmem>>
    %dma_start3A_921 = arith.constant 0 : i32
    %dma_start3A_922 = arith.constant 0 : i32
    %dma_start3A_923 = tpu.memref_slice %arg9[%dma_start3A_921, %dma_start3A_922] : memref<10112x128xf32, #tpu.memory_space<vmem_shared>> -> memref<10112x128xf32, #tpu.memory_space<vmem_shared>>
    tpu.enqueue_indirect_dma source(%dma_start3A_917 : memref<64x128xf32, #tpu.memory_space<vmem>>) target(%dma_start3A_923 : memref<10112x128xf32, #tpu.memory_space<vmem_shared>>) offsets(%dma_start3A_920 : memref<64xi32, #tpu.memory_space<vmem>>) semaphore(%arg11 : memref<!tpu.dma_semaphore, #tpu.memory_space<semaphore_mem>>) {add = true}
    %rem3A_924 = arith.constant 158 : i32
    %rem3A_925 = arith.constant 8 : i32
    %rem3A_926 = arith.remsi %rem3A_924, %rem3A_925 : i32
    %rem3A_927 = arith.constant 158 : i32
    %rem3A_928 = arith.constant 5 : i32
    %rem3A_929 = arith.remsi %rem3A_927, %rem3A_928 : i32
    %dma_wait3A_930 = arith.constant 0 : i32
    %dma_wait3A_931 = arith.constant 0 : i32
    %dma_wait3A_932 = tpu.memref_slice %arg8[%rem3A_929, %dma_wait3A_930, %dma_wait3A_931] : memref<5x64x128xf32, #tpu.memory_space<vmem>> -> memref<1x64x128xf32, #tpu.memory_space<vmem>>
    %dma_wait3A_933 = tpu.memref_squeeze %dma_wait3A_932 : memref<1x64x128xf32, #tpu.memory_space<vmem>> -> memref<64x128xf32, #tpu.memory_space<vmem>>
    %dma_wait3A_934 = arith.constant 0 : i32
    %dma_wait3A_935 = tpu.memref_slice %arg6[%rem3A_926, %dma_wait3A_934] : memref<8x64xi32, #tpu.memory_space<vmem>> -> memref<1x64xi32, #tpu.memory_space<vmem>>
    %dma_wait3A_936 = tpu.memref_squeeze %dma_wait3A_935 : memref<1x64xi32, #tpu.memory_space<vmem>> -> memref<64xi32, #tpu.memory_space<vmem>>
    %dma_wait3A_937 = arith.constant 0 : i32
    %dma_wait3A_938 = arith.constant 0 : i32
    %dma_wait3A_939 = tpu.memref_slice %arg2[%dma_wait3A_937, %dma_wait3A_938] : memref<10000x128xf32, #tpu.memory_space<hbm>> -> memref<10000x128xf32, #tpu.memory_space<hbm>>
    tpu.wait_indirect_dma semaphore(%arg10 : memref<!tpu.dma_semaphore, #tpu.memory_space<semaphore_mem>>) src(%dma_wait3A_939 : memref<10000x128xf32, #tpu.memory_space<hbm>>) dst(%dma_wait3A_933 : memref<64x128xf32, #tpu.memory_space<vmem>>)
    %rem3A_940 = arith.constant 157 : i32
    %rem3A_941 = arith.constant 5 : i32
    %rem3A_942 = arith.remsi %rem3A_940, %rem3A_941 : i32
    %rem3A_943 = arith.constant 157 : i32
    %rem3A_944 = arith.constant 8 : i32
    %rem3A_945 = arith.remsi %rem3A_943, %rem3A_944 : i32
    %dma_wait3A_946 = arith.constant 0 : i32
    %dma_wait3A_947 = arith.constant 0 : i32
    %dma_wait3A_948 = tpu.memref_slice %arg8[%rem3A_942, %dma_wait3A_946, %dma_wait3A_947] : memref<5x64x128xf32, #tpu.memory_space<vmem>> -> memref<1x64x128xf32, #tpu.memory_space<vmem>>
    %dma_wait3A_949 = tpu.memref_squeeze %dma_wait3A_948 : memref<1x64x128xf32, #tpu.memory_space<vmem>> -> memref<64x128xf32, #tpu.memory_space<vmem>>
    %dma_wait3A_950 = arith.constant 0 : i32
    %dma_wait3A_951 = tpu.memref_slice %arg7[%rem3A_945, %dma_wait3A_950] : memref<8x64xi32, #tpu.memory_space<vmem>> -> memref<1x64xi32, #tpu.memory_space<vmem>>
    %dma_wait3A_952 = tpu.memref_squeeze %dma_wait3A_951 : memref<1x64xi32, #tpu.memory_space<vmem>> -> memref<64xi32, #tpu.memory_space<vmem>>
    %dma_wait3A_953 = arith.constant 0 : i32
    %dma_wait3A_954 = arith.constant 0 : i32
    %dma_wait3A_955 = tpu.memref_slice %arg9[%dma_wait3A_953, %dma_wait3A_954] : memref<10112x128xf32, #tpu.memory_space<vmem_shared>> -> memref<10112x128xf32, #tpu.memory_space<vmem_shared>>
    tpu.wait_indirect_dma semaphore(%arg11 : memref<!tpu.dma_semaphore, #tpu.memory_space<semaphore_mem>>) src(%dma_wait3A_949 : memref<64x128xf32, #tpu.memory_space<vmem>>) dst(%dma_wait3A_955 : memref<10112x128xf32, #tpu.memory_space<vmem_shared>>)
    %rem3A_956 = arith.constant 158 : i32
    %rem3A_957 = arith.constant 5 : i32
    %rem3A_958 = arith.remsi %rem3A_956, %rem3A_957 : i32
    %rem3A_959 = arith.constant 158 : i32
    %rem3A_960 = arith.constant 8 : i32
    %rem3A_961 = arith.remsi %rem3A_959, %rem3A_960 : i32
    %dma_start3A_962 = arith.constant 0 : i32
    %dma_start3A_963 = arith.constant 0 : i32
    %dma_start3A_964 = tpu.memref_slice %arg8[%rem3A_958, %dma_start3A_962, %dma_start3A_963] : memref<5x64x128xf32, #tpu.memory_space<vmem>> -> memref<1x64x128xf32, #tpu.memory_space<vmem>>
    %dma_start3A_965 = tpu.memref_squeeze %dma_start3A_964 : memref<1x64x128xf32, #tpu.memory_space<vmem>> -> memref<64x128xf32, #tpu.memory_space<vmem>>
    %dma_start3A_966 = arith.constant 0 : i32
    %dma_start3A_967 = tpu.memref_slice %arg7[%rem3A_961, %dma_start3A_966] : memref<8x64xi32, #tpu.memory_space<vmem>> -> memref<1x64xi32, #tpu.memory_space<vmem>>
    %dma_start3A_968 = tpu.memref_squeeze %dma_start3A_967 : memref<1x64xi32, #tpu.memory_space<vmem>> -> memref<64xi32, #tpu.memory_space<vmem>>
    %dma_start3A_969 = arith.constant 0 : i32
    %dma_start3A_970 = arith.constant 0 : i32
    %dma_start3A_971 = tpu.memref_slice %arg9[%dma_start3A_969, %dma_start3A_970] : memref<10112x128xf32, #tpu.memory_space<vmem_shared>> -> memref<10112x128xf32, #tpu.memory_space<vmem_shared>>
    tpu.enqueue_indirect_dma source(%dma_start3A_965 : memref<64x128xf32, #tpu.memory_space<vmem>>) target(%dma_start3A_971 : memref<10112x128xf32, #tpu.memory_space<vmem_shared>>) offsets(%dma_start3A_968 : memref<64xi32, #tpu.memory_space<vmem>>) semaphore(%arg11 : memref<!tpu.dma_semaphore, #tpu.memory_space<semaphore_mem>>) {add = true}
    %rem3A_972 = arith.constant 159 : i32
    %rem3A_973 = arith.constant 8 : i32
    %rem3A_974 = arith.remsi %rem3A_972, %rem3A_973 : i32
    %rem3A_975 = arith.constant 159 : i32
    %rem3A_976 = arith.constant 5 : i32
    %rem3A_977 = arith.remsi %rem3A_975, %rem3A_976 : i32
    %dma_wait3A_978 = arith.constant 0 : i32
    %dma_wait3A_979 = arith.constant 0 : i32
    %dma_wait3A_980 = tpu.memref_slice %arg8[%rem3A_977, %dma_wait3A_978, %dma_wait3A_979] : memref<5x64x128xf32, #tpu.memory_space<vmem>> -> memref<1x64x128xf32, #tpu.memory_space<vmem>>
    %dma_wait3A_981 = tpu.memref_squeeze %dma_wait3A_980 : memref<1x64x128xf32, #tpu.memory_space<vmem>> -> memref<64x128xf32, #tpu.memory_space<vmem>>
    %dma_wait3A_982 = arith.constant 0 : i32
    %dma_wait3A_983 = tpu.memref_slice %arg6[%rem3A_974, %dma_wait3A_982] : memref<8x64xi32, #tpu.memory_space<vmem>> -> memref<1x64xi32, #tpu.memory_space<vmem>>
    %dma_wait3A_984 = tpu.memref_squeeze %dma_wait3A_983 : memref<1x64xi32, #tpu.memory_space<vmem>> -> memref<64xi32, #tpu.memory_space<vmem>>
    %dma_wait3A_985 = arith.constant 0 : i32
    %dma_wait3A_986 = arith.constant 0 : i32
    %dma_wait3A_987 = tpu.memref_slice %arg2[%dma_wait3A_985, %dma_wait3A_986] : memref<10000x128xf32, #tpu.memory_space<hbm>> -> memref<10000x128xf32, #tpu.memory_space<hbm>>
    tpu.wait_indirect_dma semaphore(%arg10 : memref<!tpu.dma_semaphore, #tpu.memory_space<semaphore_mem>>) src(%dma_wait3A_987 : memref<10000x128xf32, #tpu.memory_space<hbm>>) dst(%dma_wait3A_981 : memref<64x128xf32, #tpu.memory_space<vmem>>)
    %rem3A_988 = arith.constant 158 : i32
    %rem3A_989 = arith.constant 5 : i32
    %rem3A_990 = arith.remsi %rem3A_988, %rem3A_989 : i32
    %rem3A_991 = arith.constant 158 : i32
    %rem3A_992 = arith.constant 8 : i32
    %rem3A_993 = arith.remsi %rem3A_991, %rem3A_992 : i32
    %dma_wait3A_994 = arith.constant 0 : i32
    %dma_wait3A_995 = arith.constant 0 : i32
    %dma_wait3A_996 = tpu.memref_slice %arg8[%rem3A_990, %dma_wait3A_994, %dma_wait3A_995] : memref<5x64x128xf32, #tpu.memory_space<vmem>> -> memref<1x64x128xf32, #tpu.memory_space<vmem>>
    %dma_wait3A_997 = tpu.memref_squeeze %dma_wait3A_996 : memref<1x64x128xf32, #tpu.memory_space<vmem>> -> memref<64x128xf32, #tpu.memory_space<vmem>>
    %dma_wait3A_998 = arith.constant 0 : i32
    %dma_wait3A_999 = tpu.memref_slice %arg7[%rem3A_993, %dma_wait3A_998] : memref<8x64xi32, #tpu.memory_space<vmem>> -> memref<1x64xi32, #tpu.memory_space<vmem>>
    %dma_wait3A_1000 = tpu.memref_squeeze %dma_wait3A_999 : memref<1x64xi32, #tpu.memory_space<vmem>> -> memref<64xi32, #tpu.memory_space<vmem>>
    %dma_wait3A_1001 = arith.constant 0 : i32
    %dma_wait3A_1002 = arith.constant 0 : i32
    %dma_wait3A_1003 = tpu.memref_slice %arg9[%dma_wait3A_1001, %dma_wait3A_1002] : memref<10112x128xf32, #tpu.memory_space<vmem_shared>> -> memref<10112x128xf32, #tpu.memory_space<vmem_shared>>
    tpu.wait_indirect_dma semaphore(%arg11 : memref<!tpu.dma_semaphore, #tpu.memory_space<semaphore_mem>>) src(%dma_wait3A_997 : memref<64x128xf32, #tpu.memory_space<vmem>>) dst(%dma_wait3A_1003 : memref<10112x128xf32, #tpu.memory_space<vmem_shared>>)
    %rem3A_1004 = arith.constant 159 : i32
    %rem3A_1005 = arith.constant 5 : i32
    %rem3A_1006 = arith.remsi %rem3A_1004, %rem3A_1005 : i32
    %rem3A_1007 = arith.constant 159 : i32
    %rem3A_1008 = arith.constant 8 : i32
    %rem3A_1009 = arith.remsi %rem3A_1007, %rem3A_1008 : i32
    %dma_start3A_1010 = arith.constant 0 : i32
    %dma_start3A_1011 = arith.constant 0 : i32
    %dma_start3A_1012 = tpu.memref_slice %arg8[%rem3A_1006, %dma_start3A_1010, %dma_start3A_1011] : memref<5x64x128xf32, #tpu.memory_space<vmem>> -> memref<1x64x128xf32, #tpu.memory_space<vmem>>
    %dma_start3A_1013 = tpu.memref_squeeze %dma_start3A_1012 : memref<1x64x128xf32, #tpu.memory_space<vmem>> -> memref<64x128xf32, #tpu.memory_space<vmem>>
    %dma_start3A_1014 = arith.constant 0 : i32
    %dma_start3A_1015 = tpu.memref_slice %arg7[%rem3A_1009, %dma_start3A_1014] : memref<8x64xi32, #tpu.memory_space<vmem>> -> memref<1x64xi32, #tpu.memory_space<vmem>>
    %dma_start3A_1016 = tpu.memref_squeeze %dma_start3A_1015 : memref<1x64xi32, #tpu.memory_space<vmem>> -> memref<64xi32, #tpu.memory_space<vmem>>
    %dma_start3A_1017 = arith.constant 0 : i32
    %dma_start3A_1018 = arith.constant 0 : i32
    %dma_start3A_1019 = tpu.memref_slice %arg9[%dma_start3A_1017, %dma_start3A_1018] : memref<10112x128xf32, #tpu.memory_space<vmem_shared>> -> memref<10112x128xf32, #tpu.memory_space<vmem_shared>>
    tpu.enqueue_indirect_dma source(%dma_start3A_1013 : memref<64x128xf32, #tpu.memory_space<vmem>>) target(%dma_start3A_1019 : memref<10112x128xf32, #tpu.memory_space<vmem_shared>>) offsets(%dma_start3A_1016 : memref<64xi32, #tpu.memory_space<vmem>>) semaphore(%arg11 : memref<!tpu.dma_semaphore, #tpu.memory_space<semaphore_mem>>) {add = true}
    %rem3A_1020 = arith.constant 159 : i32
    %rem3A_1021 = arith.constant 5 : i32
    %rem3A_1022 = arith.remsi %rem3A_1020, %rem3A_1021 : i32
    %rem3A_1023 = arith.constant 159 : i32
    %rem3A_1024 = arith.constant 8 : i32
    %rem3A_1025 = arith.remsi %rem3A_1023, %rem3A_1024 : i32
    %dma_wait3A_1026 = arith.constant 0 : i32
    %dma_wait3A_1027 = arith.constant 0 : i32
    %dma_wait3A_1028 = tpu.memref_slice %arg8[%rem3A_1022, %dma_wait3A_1026, %dma_wait3A_1027] : memref<5x64x128xf32, #tpu.memory_space<vmem>> -> memref<1x64x128xf32, #tpu.memory_space<vmem>>
    %dma_wait3A_1029 = tpu.memref_squeeze %dma_wait3A_1028 : memref<1x64x128xf32, #tpu.memory_space<vmem>> -> memref<64x128xf32, #tpu.memory_space<vmem>>
    %dma_wait3A_1030 = arith.constant 0 : i32
    %dma_wait3A_1031 = tpu.memref_slice %arg7[%rem3A_1025, %dma_wait3A_1030] : memref<8x64xi32, #tpu.memory_space<vmem>> -> memref<1x64xi32, #tpu.memory_space<vmem>>
    %dma_wait3A_1032 = tpu.memref_squeeze %dma_wait3A_1031 : memref<1x64xi32, #tpu.memory_space<vmem>> -> memref<64xi32, #tpu.memory_space<vmem>>
    %dma_wait3A_1033 = arith.constant 0 : i32
    %dma_wait3A_1034 = arith.constant 0 : i32
    %dma_wait3A_1035 = tpu.memref_slice %arg9[%dma_wait3A_1033, %dma_wait3A_1034] : memref<10112x128xf32, #tpu.memory_space<vmem_shared>> -> memref<10112x128xf32, #tpu.memory_space<vmem_shared>>
    tpu.wait_indirect_dma semaphore(%arg11 : memref<!tpu.dma_semaphore, #tpu.memory_space<semaphore_mem>>) src(%dma_wait3A_1029 : memref<64x128xf32, #tpu.memory_space<vmem>>) dst(%dma_wait3A_1035 : memref<10112x128xf32, #tpu.memory_space<vmem_shared>>)
    %barrier3A_1036 = arith.constant 0 : index
    tpu.barrier barrier_id(%barrier3A_1036)
    %mul3A_1037 = arith.constant 632 : i32
    %mul3A_1038 = arith.muli %arg1, %mul3A_1037 : i32
    %mul3A_1039 = arith.constant 632 : i32
    %mul3A_1040 = arith.muli %arg1, %mul3A_1039 : i32
    "tpu.region"() ({
      %run_scoped3A_1041 = tpu.sem_alloc : memref<!tpu.dma_semaphore, #tpu.memory_space<semaphore_mem>>
      %dma_start3A_1042 = arith.constant 0 : i32
      %dma_start3A_1043 = tpu.memref_slice %arg5[%arg0, %mul3A_1040, %dma_start3A_1042] : memref<2x10112x128xf32, #tpu.memory_space<hbm>> -> memref<1x632x128xf32, #tpu.memory_space<hbm>>
      %dma_start3A_1044 = tpu.memref_squeeze %dma_start3A_1043 : memref<1x632x128xf32, #tpu.memory_space<hbm>> -> memref<632x128xf32, #tpu.memory_space<hbm>>
      %dma_start3A_1045 = arith.constant 0 : i32
      %dma_start3A_1046 = tpu.memref_slice %arg9[%mul3A_1038, %dma_start3A_1045] : memref<10112x128xf32, #tpu.memory_space<vmem_shared>> -> memref<632x128xf32, #tpu.memory_space<vmem_shared>>
      tpu.enqueue_dma source(%dma_start3A_1046 : memref<632x128xf32, #tpu.memory_space<vmem_shared>>) target(%dma_start3A_1044 : memref<632x128xf32, #tpu.memory_space<hbm>>) target_semaphore(%run_scoped3A_1041 : memref<!tpu.dma_semaphore, #tpu.memory_space<semaphore_mem>>)
      %dma_wait3A_1047 = arith.constant 0 : i32
      %dma_wait3A_1048 = tpu.memref_slice %arg5[%arg0, %mul3A_1040, %dma_wait3A_1047] : memref<2x10112x128xf32, #tpu.memory_space<hbm>> -> memref<1x632x128xf32, #tpu.memory_space<hbm>>
      %dma_wait3A_1049 = tpu.memref_squeeze %dma_wait3A_1048 : memref<1x632x128xf32, #tpu.memory_space<hbm>> -> memref<632x128xf32, #tpu.memory_space<hbm>>
      %dma_wait3A_1050 = arith.constant 0 : i32
      %dma_wait3A_1051 = tpu.memref_slice %arg9[%mul3A_1038, %dma_wait3A_1050] : memref<10112x128xf32, #tpu.memory_space<vmem_shared>> -> memref<632x128xf32, #tpu.memory_space<vmem_shared>>
      tpu.wait_dma2 semaphore(%run_scoped3A_1041 : memref<!tpu.dma_semaphore, #tpu.memory_space<semaphore_mem>>) src(%dma_wait3A_1051 : memref<632x128xf32, #tpu.memory_space<vmem_shared>>) dst(%dma_wait3A_1049 : memref<632x128xf32, #tpu.memory_space<hbm>>)
      tpu.yield
    }) : () -> ()
    return
  }
}

module attributes {stable_mosaic.version = 14 : i64} {
  func.func @_in_proj_body(%arg0: i32, %arg1: memref<1000x128xf32, #tpu.memory_space<vmem>>, %arg2: memref<128x128xf32, #tpu.memory_space<vmem>>, %arg3: memref<1x128xf32, #tpu.memory_space<vmem>>, %arg4: memref<1000x128xf32, #tpu.memory_space<vmem>>) attributes {dimension_semantics = [#tpu.dimension_semantics<arbitrary>], iteration_bounds = array<i64: 10>, scalar_prefetch = 0 : i64, scratch_operands = 0 : i64, tpu.core_type = #tpu.core_type<tc>, window_params = [{transform_indices = @transform_0, window_bounds = array<i64: 1000, 128>}, {pipeline_mode = #tpu.pipeline_mode<synchronous>, transform_indices = @transform_1, window_bounds = array<i64: 128, 128>}, {pipeline_mode = #tpu.pipeline_mode<synchronous>, transform_indices = @transform_2, window_bounds = array<i64: 1, 128>}, {transform_indices = @transform_3, window_bounds = array<i64: 1000, 128>}]} {
    %get3A = arith.constant 0 : index
    %get3A_0 = arith.constant 0 : index
    %get3A_1 = vector.load %arg1[%get3A, %get3A_0] : memref<1000x128xf32, #tpu.memory_space<vmem>>, vector<1000x128xf32>
    %get3A_2 = arith.constant 0 : index
    %get3A_3 = arith.constant 0 : index
    %get3A_4 = vector.load %arg2[%get3A_2, %get3A_3] : memref<128x128xf32, #tpu.memory_space<vmem>>, vector<128x128xf32>
    %dot_general3A = arith.constant dense<0.000000e+00> : vector<1000x128xf32>
    %dot_general3A_5 = tpu.matmul %get3A_1, %get3A_4, %dot_general3A {dimension_numbers = #tpu.dot_dimension_numbers<[1], [0], [0], [1], [0, 0, 1, 1], [], []>, transpose_lhs_hint = false} : vector<1000x128xf32>, vector<128x128xf32>, vector<1000x128xf32> -> vector<1000x128xf32>
    %get3A_6 = arith.constant 0 : index
    %get3A_7 = arith.constant 0 : index
    %get3A_8 = vector.load %arg3[%get3A_6, %get3A_7] : memref<1x128xf32, #tpu.memory_space<vmem>>, vector<1x128xf32>
    %add3A = vector.broadcast %get3A_8 : vector<1x128xf32> to vector<1000x128xf32>
    %add3A_9 = arith.addf %dot_general3A_5, %add3A : vector<1000x128xf32>
    %max3A = arith.constant 0.000000e+00 : f32
    %max3A_10 = vector.broadcast %max3A : f32 to vector<1000x128xf32>
    %max3A_11 = arith.maximumf %add3A_9, %max3A_10 : vector<1000x128xf32>
    %swap3A = arith.constant 0 : index
    %swap3A_12 = arith.constant 0 : index
    %swap3A_13 = vector.load %arg4[%swap3A, %swap3A_12] : memref<1000x128xf32, #tpu.memory_space<vmem>>, vector<1000x128xf32>
    tpu.vector_store %arg4[%swap3A, %swap3A_12], %max3A_11 {strides = array<i32>} : memref<1000x128xf32, #tpu.memory_space<vmem>>, vector<1000x128xf32>,
    return
  }
  func.func @transform_0(%arg0: i32) -> (i32, i32) {
    %c0_i32 = arith.constant 0 : i32
    %c0_i32_0 = arith.constant 0 : i32
    return %arg0, %c0_i32 : i32, i32
  }
  func.func @transform_1(%arg0: i32) -> (i32, i32) {
    %c0_i32 = arith.constant 0 : i32
    %c0_i32_0 = arith.constant 0 : i32
    %c0_i32_1 = arith.constant 0 : i32
    return %c0_i32, %c0_i32_0 : i32, i32
  }
  func.func @transform_2(%arg0: i32) -> (i32, i32) {
    %c0_i32 = arith.constant 0 : i32
    %c0_i32_0 = arith.constant 0 : i32
    %c0_i32_1 = arith.constant 0 : i32
    return %c0_i32, %c0_i32_0 : i32, i32
  }
  func.func @transform_3(%arg0: i32) -> (i32, i32) {
    %c0_i32 = arith.constant 0 : i32
    %c0_i32_0 = arith.constant 0 : i32
    return %arg0, %c0_i32 : i32, i32
  }
}

module attributes {stable_mosaic.version = 14 : i64} {
  func.func @_mix_body(%arg0: i32, %arg1: memref<2x1000x128xf32, #tpu.memory_space<vmem>>, %arg2: memref<1000x128xf32, #tpu.memory_space<vmem>>, %arg3: memref<128x128xf32, #tpu.memory_space<vmem>>, %arg4: memref<1000x128xf32, #tpu.memory_space<vmem>>) attributes {dimension_semantics = [#tpu.dimension_semantics<arbitrary>], iteration_bounds = array<i64: 10>, scalar_prefetch = 0 : i64, scratch_operands = 0 : i64, tpu.core_type = #tpu.core_type<tc>, window_params = [{transform_indices = @transform_0, window_bounds = array<i64: 2, 1000, 128>}, {transform_indices = @transform_1, window_bounds = array<i64: 1000, 128>}, {pipeline_mode = #tpu.pipeline_mode<synchronous>, transform_indices = @transform_2, window_bounds = array<i64: 128, 128>}, {transform_indices = @transform_3, window_bounds = array<i64: 1000, 128>}]} {
    %get3A = arith.constant 0 : index
    %get3A_0 = arith.constant 0 : index
    %get3A_1 = arith.constant 0 : index
    %get3A_2 = vector.load %arg1[%get3A, %get3A_0, %get3A_1] : memref<2x1000x128xf32, #tpu.memory_space<vmem>>, vector<1x1000x128xf32>
    %get3A_3 = vector.shape_cast %get3A_2 : vector<1x1000x128xf32> to vector<1000x128xf32>
    %get3A_4 = arith.constant 1 : index
    %get3A_5 = arith.constant 0 : index
    %get3A_6 = arith.constant 0 : index
    %get3A_7 = vector.load %arg1[%get3A_4, %get3A_5, %get3A_6] : memref<2x1000x128xf32, #tpu.memory_space<vmem>>, vector<1x1000x128xf32>
    %get3A_8 = vector.shape_cast %get3A_7 : vector<1x1000x128xf32> to vector<1000x128xf32>
    %add3A = arith.addf %get3A_3, %get3A_8 : vector<1000x128xf32>
    %mul3A = arith.constant 0.899999976 : f32
    %mul3A_9 = vector.broadcast %mul3A : f32 to vector<1000x128xf32>
    %mul3A_10 = arith.mulf %mul3A_9, %add3A : vector<1000x128xf32>
    %get3A_11 = arith.constant 0 : index
    %get3A_12 = arith.constant 0 : index
    %get3A_13 = vector.load %arg2[%get3A_11, %get3A_12] : memref<1000x128xf32, #tpu.memory_space<vmem>>, vector<1000x128xf32>
    %mul3A_14 = arith.constant 1.000000e-01 : f32
    %mul3A_15 = vector.broadcast %mul3A_14 : f32 to vector<1000x128xf32>
    %mul3A_16 = arith.mulf %mul3A_15, %get3A_13 : vector<1000x128xf32>
    %add3A_17 = arith.addf %mul3A_10, %mul3A_16 : vector<1000x128xf32>
    %mul3A_18 = arith.constant 0.594534874 : f32
    %mul3A_19 = vector.broadcast %mul3A_18 : f32 to vector<1000x128xf32>
    %mul3A_20 = arith.mulf %mul3A_19, %add3A_17 : vector<1000x128xf32>
    %get3A_21 = arith.constant 0 : index
    %get3A_22 = arith.constant 0 : index
    %get3A_23 = vector.load %arg3[%get3A_21, %get3A_22] : memref<128x128xf32, #tpu.memory_space<vmem>>, vector<128x128xf32>
    %dot_general3A = arith.constant dense<0.000000e+00> : vector<1000x128xf32>
    %dot_general3A_24 = tpu.matmul %add3A_17, %get3A_23, %dot_general3A {dimension_numbers = #tpu.dot_dimension_numbers<[1], [0], [0], [1], [0, 0, 1, 1], [], []>, transpose_lhs_hint = false} : vector<1000x128xf32>, vector<128x128xf32>, vector<1000x128xf32> -> vector<1000x128xf32>
    %mul3A_25 = arith.constant 0.405465096 : f32
    %mul3A_26 = vector.broadcast %mul3A_25 : f32 to vector<1000x128xf32>
    %mul3A_27 = arith.mulf %mul3A_26, %dot_general3A_24 : vector<1000x128xf32>
    %add3A_28 = arith.addf %mul3A_20, %mul3A_27 : vector<1000x128xf32>
    %max3A = arith.constant 0.000000e+00 : f32
    %max3A_29 = vector.broadcast %max3A : f32 to vector<1000x128xf32>
    %max3A_30 = arith.maximumf %add3A_28, %max3A_29 : vector<1000x128xf32>
    %swap3A = arith.constant 0 : index
    %swap3A_31 = arith.constant 0 : index
    %swap3A_32 = vector.load %arg4[%swap3A, %swap3A_31] : memref<1000x128xf32, #tpu.memory_space<vmem>>, vector<1000x128xf32>
    tpu.vector_store %arg4[%swap3A, %swap3A_31], %max3A_30 {strides = array<i32>} : memref<1000x128xf32, #tpu.memory_space<vmem>>, vector<1000x128xf32>,
    return
  }
  func.func @transform_0(%arg0: i32) -> (i32, i32, i32) {
    %c0_i32 = arith.constant 0 : i32
    %c0_i32_0 = arith.constant 0 : i32
    %c0_i32_1 = arith.constant 0 : i32
    return %c0_i32, %arg0, %c0_i32_0 : i32, i32, i32
  }
  func.func @transform_1(%arg0: i32) -> (i32, i32) {
    %c0_i32 = arith.constant 0 : i32
    %c0_i32_0 = arith.constant 0 : i32
    return %arg0, %c0_i32 : i32, i32
  }
  func.func @transform_2(%arg0: i32) -> (i32, i32) {
    %c0_i32 = arith.constant 0 : i32
    %c0_i32_0 = arith.constant 0 : i32
    %c0_i32_1 = arith.constant 0 : i32
    return %c0_i32, %c0_i32_0 : i32, i32
  }
  func.func @transform_3(%arg0: i32) -> (i32, i32) {
    %c0_i32 = arith.constant 0 : i32
    %c0_i32_0 = arith.constant 0 : i32
    return %arg0, %c0_i32 : i32, i32
  }
}

module attributes {stable_mosaic.version = 14 : i64} {
  func.func @_tail_body(%arg0: i32, %arg1: memref<2x1000x128xf32, #tpu.memory_space<vmem>>, %arg2: memref<1000x128xf32, #tpu.memory_space<vmem>>, %arg3: memref<128x128xf32, #tpu.memory_space<vmem>>, %arg4: memref<128x64xf32, #tpu.memory_space<vmem>>, %arg5: memref<1x64xf32, #tpu.memory_space<vmem>>, %arg6: memref<1000x64xf32, #tpu.memory_space<vmem>>) attributes {dimension_semantics = [#tpu.dimension_semantics<arbitrary>], iteration_bounds = array<i64: 10>, scalar_prefetch = 0 : i64, scratch_operands = 0 : i64, tpu.core_type = #tpu.core_type<tc>, window_params = [{transform_indices = @transform_0, window_bounds = array<i64: 2, 1000, 128>}, {transform_indices = @transform_1, window_bounds = array<i64: 1000, 128>}, {pipeline_mode = #tpu.pipeline_mode<synchronous>, transform_indices = @transform_2, window_bounds = array<i64: 128, 128>}, {pipeline_mode = #tpu.pipeline_mode<synchronous>, transform_indices = @transform_3, window_bounds = array<i64: 128, 64>}, {pipeline_mode = #tpu.pipeline_mode<synchronous>, transform_indices = @transform_4, window_bounds = array<i64: 1, 64>}, {transform_indices = @transform_5, window_bounds = array<i64: 1000, 64>}]} {
    %get3A = arith.constant 0 : index
    %get3A_0 = arith.constant 0 : index
    %get3A_1 = arith.constant 0 : index
    %get3A_2 = vector.load %arg1[%get3A, %get3A_0, %get3A_1] : memref<2x1000x128xf32, #tpu.memory_space<vmem>>, vector<1x1000x128xf32>
    %get3A_3 = vector.shape_cast %get3A_2 : vector<1x1000x128xf32> to vector<1000x128xf32>
    %get3A_4 = arith.constant 1 : index
    %get3A_5 = arith.constant 0 : index
    %get3A_6 = arith.constant 0 : index
    %get3A_7 = vector.load %arg1[%get3A_4, %get3A_5, %get3A_6] : memref<2x1000x128xf32, #tpu.memory_space<vmem>>, vector<1x1000x128xf32>
    %get3A_8 = vector.shape_cast %get3A_7 : vector<1x1000x128xf32> to vector<1000x128xf32>
    %add3A = arith.addf %get3A_3, %get3A_8 : vector<1000x128xf32>
    %mul3A = arith.constant 0.899999976 : f32
    %mul3A_9 = vector.broadcast %mul3A : f32 to vector<1000x128xf32>
    %mul3A_10 = arith.mulf %mul3A_9, %add3A : vector<1000x128xf32>
    %get3A_11 = arith.constant 0 : index
    %get3A_12 = arith.constant 0 : index
    %get3A_13 = vector.load %arg2[%get3A_11, %get3A_12] : memref<1000x128xf32, #tpu.memory_space<vmem>>, vector<1000x128xf32>
    %mul3A_14 = arith.constant 1.000000e-01 : f32
    %mul3A_15 = vector.broadcast %mul3A_14 : f32 to vector<1000x128xf32>
    %mul3A_16 = arith.mulf %mul3A_15, %get3A_13 : vector<1000x128xf32>
    %add3A_17 = arith.addf %mul3A_10, %mul3A_16 : vector<1000x128xf32>
    %mul3A_18 = arith.constant 0.776856422 : f32
    %mul3A_19 = vector.broadcast %mul3A_18 : f32 to vector<1000x128xf32>
    %mul3A_20 = arith.mulf %mul3A_19, %add3A_17 : vector<1000x128xf32>
    %get3A_21 = arith.constant 0 : index
    %get3A_22 = arith.constant 0 : index
    %get3A_23 = vector.load %arg3[%get3A_21, %get3A_22] : memref<128x128xf32, #tpu.memory_space<vmem>>, vector<128x128xf32>
    %dot_general3A = arith.constant dense<0.000000e+00> : vector<1000x128xf32>
    %dot_general3A_24 = tpu.matmul %add3A_17, %get3A_23, %dot_general3A {dimension_numbers = #tpu.dot_dimension_numbers<[1], [0], [0], [1], [0, 0, 1, 1], [], []>, transpose_lhs_hint = false} : vector<1000x128xf32>, vector<128x128xf32>, vector<1000x128xf32> -> vector<1000x128xf32>
    %mul3A_25 = arith.constant 0.223143548 : f32
    %mul3A_26 = vector.broadcast %mul3A_25 : f32 to vector<1000x128xf32>
    %mul3A_27 = arith.mulf %mul3A_26, %dot_general3A_24 : vector<1000x128xf32>
    %add3A_28 = arith.addf %mul3A_20, %mul3A_27 : vector<1000x128xf32>
    %max3A = arith.constant 0.000000e+00 : f32
    %max3A_29 = vector.broadcast %max3A : f32 to vector<1000x128xf32>
    %max3A_30 = arith.maximumf %add3A_28, %max3A_29 : vector<1000x128xf32>
    %get3A_31 = arith.constant 0 : index
    %get3A_32 = arith.constant 0 : index
    %get3A_33 = vector.load %arg4[%get3A_31, %get3A_32] : memref<128x64xf32, #tpu.memory_space<vmem>>, vector<128x64xf32>
    %dot_general3A_34 = arith.constant dense<0.000000e+00> : vector<1000x64xf32>
    %dot_general3A_35 = tpu.matmul %max3A_30, %get3A_33, %dot_general3A_34 {dimension_numbers = #tpu.dot_dimension_numbers<[1], [0], [0], [1], [0, 0, 1, 1], [], []>, transpose_lhs_hint = false} : vector<1000x128xf32>, vector<128x64xf32>, vector<1000x64xf32> -> vector<1000x64xf32>
    %get3A_36 = arith.constant 0 : index
    %get3A_37 = arith.constant 0 : index
    %get3A_38 = vector.load %arg5[%get3A_36, %get3A_37] : memref<1x64xf32, #tpu.memory_space<vmem>>, vector<1x64xf32>
    %add3A_39 = vector.broadcast %get3A_38 : vector<1x64xf32> to vector<1000x64xf32>
    %add3A_40 = arith.addf %dot_general3A_35, %add3A_39 : vector<1000x64xf32>
    %reduce_max3A = arith.constant dense<0xFF800000> : vector<1000xf32>
    %reduce_max3A_41 = vector.multi_reduction <maximumf>, %add3A_40, %reduce_max3A [1] : vector<1000x64xf32> to vector<1000xf32>
    %broadcast_in_dim3A = vector.shape_cast %reduce_max3A_41 : vector<1000xf32> to vector<1000x1xf32>
    %sub3A = vector.broadcast %broadcast_in_dim3A : vector<1000x1xf32> to vector<1000x64xf32>
    %sub3A_42 = arith.subf %add3A_40, %sub3A : vector<1000x64xf32>
    %exp3A = math.exp %sub3A_42 : vector<1000x64xf32>
    %reduce_sum3A = arith.constant dense<0.000000e+00> : vector<1000xf32>
    %reduce_sum3A_43 = vector.multi_reduction <add>, %exp3A, %reduce_sum3A [1] : vector<1000x64xf32> to vector<1000xf32>
    %broadcast_in_dim3A_44 = vector.shape_cast %reduce_sum3A_43 : vector<1000xf32> to vector<1000x1xf32>
    %log3A = math.log %broadcast_in_dim3A_44 : vector<1000x1xf32>
    %sub3A_45 = vector.broadcast %log3A : vector<1000x1xf32> to vector<1000x64xf32>
    %sub3A_46 = arith.subf %sub3A_42, %sub3A_45 : vector<1000x64xf32>
    %swap3A = arith.constant 0 : index
    %swap3A_47 = arith.constant 0 : index
    %swap3A_48 = vector.load %arg6[%swap3A, %swap3A_47] : memref<1000x64xf32, #tpu.memory_space<vmem>>, vector<1000x64xf32>
    tpu.vector_store %arg6[%swap3A, %swap3A_47], %sub3A_46 {strides = array<i32>} : memref<1000x64xf32, #tpu.memory_space<vmem>>, vector<1000x64xf32>,
    return
  }
  func.func @transform_0(%arg0: i32) -> (i32, i32, i32) {
    %c0_i32 = arith.constant 0 : i32
    %c0_i32_0 = arith.constant 0 : i32
    %c0_i32_1 = arith.constant 0 : i32
    return %c0_i32, %arg0, %c0_i32_0 : i32, i32, i32
  }
  func.func @transform_1(%arg0: i32) -> (i32, i32) {
    %c0_i32 = arith.constant 0 : i32
    %c0_i32_0 = arith.constant 0 : i32
    return %arg0, %c0_i32 : i32, i32
  }
  func.func @transform_2(%arg0: i32) -> (i32, i32) {
    %c0_i32 = arith.constant 0 : i32
    %c0_i32_0 = arith.constant 0 : i32
    %c0_i32_1 = arith.constant 0 : i32
    return %c0_i32, %c0_i32_0 : i32, i32
  }
  func.func @transform_3(%arg0: i32) -> (i32, i32) {
    %c0_i32 = arith.constant 0 : i32
    %c0_i32_0 = arith.constant 0 : i32
    %c0_i32_1 = arith.constant 0 : i32
    return %c0_i32, %c0_i32_0 : i32, i32
  }
  func.func @transform_4(%arg0: i32) -> (i32, i32) {
    %c0_i32 = arith.constant 0 : i32
    %c0_i32_0 = arith.constant 0 : i32
    %c0_i32_1 = arith.constant 0 : i32
    return %c0_i32, %c0_i32_0 : i32, i32
  }
  func.func @transform_5(%arg0: i32) -> (i32, i32) {
    %c0_i32 = arith.constant 0 : i32
    %c0_i32_0 = arith.constant 0 : i32
    return %arg0, %c0_i32 : i32, i32
  }
}

</mosaic_0001>

<sc_bundles>
// kernel: kernel.10.cloned.1.call-start
scs
__scs_entry_jumppad:
0x0: {  	(pc) =	sbr.rel $0x88, $3  }
0x1: {  	(tag) =	ssettag $0x0;
	lr =	simm.s32 $0x1  }
0x2: {  	[smem:$0x3F99] =	sst lr;
	_ =	strace $0xD0000000  }
0x3: {  	_ = 	snop  }
0x4: {  	_ = 	snop  }
0x5: {  	_ = 	snop  }
0x6: {  	_ = 	snop  }
0x7: {  	_ = 	snop  }
__scs_overlays_trampoline_lowered:
0x8: {  	[smem:$0x3FA8] =	sst s0  }
0x9: {  	[smem:$0x3FA9] =	sst s1  }
0xa: {  	[smem:$0x3FAA] =	sst s2  }
0xb: {  	[smem:$0x3FAB] =	sst s3  }
0xc: {  	[smem:$0x3FAC] =	sst s4  }
0xd: {  	[smem:$0x3FAD] =	sst s5  }
0xe: {  	[smem:$0x3FAE] =	sst s6  }
0xf: {  	[smem:$0x3FAF] =	sst s7  }
0x10: {  	[smem:$0x3FB0] =	sst s8  }
0x11: {  	[smem:$0x3FB1] =	sst s9;
	s0 =	simm.s32 @!p0 $0x0  }
0x12: {  	s1 =	sld [smem:$0x3F97];
	s0 =	simm.s32 @p0 $0x1  }
0x13: {  	[smem:$0x3FB2] =	sst s0;
	s0 =	simm.s32 @!p1 $0x0  }
0x14: {  	s2 =	sld [smem:$0x3F96];
	s0 =	simm.s32 @p1 $0x1  }
0x15: {  	[smem:$0x3FB3] =	sst s0;
	s0 =	simm.s32 @!p2 $0x0  }
0x16: {  	s3 =	sld [smem:$0x3FDB];
	s0 =	simm.s32 @p2 $0x1  }
0x17: {  	s4 =	simm.s32 $0x1BF5;
	[smem:$0x3FB5] =	sst s0  }
0x18: {  	s0 =	sld [smem:$0x3F98];
	_ =	swait.ge [sflag:s4], $0x0  }
0x19: {  	s7 =	sld [smem:$0x3F99]  }
0x1a: {  	s8 =	sadd.s32 $0xFFFFE003, lr  }
0x1b: {  	s9 =	sadd.s32 $0xFFFFFEF7, lr;
	s5 =	simm.s32 $0xFFFFFFFF;
	p2 =	slt.u32 s8, $0xFFFFF086  }
0x1c: {  	p1 =	slt.u32 s9, $0xF7A;
	s5 =	simm.s32 @!p2 $0x0  }
0x1d: {  	s5 =	simm.s32 @p1 $0x1;
	p0 =	seq.s32 s7, s2  }
0x1e: {  	s7 =	smul.u32 @!p0 $0xF7A, s2;
	p2 =	seq.s32 @!p0 s5, $0x0  }
0x1f: {  	s9 =	smul.u32 $0xF7A, s1;
	s8 =	simm.s32 @!p0 $0x1BF5;
	p2 =	por !p2, p0  }
0x20: {  	[sflag:s8] =	ssyncset.s32 @!p0 $0xFFFFF086;
	s6 =	sadd.s32 @!p0 s3, s7;
	s7 =	simm.s32 @!p0 $0x108  }
0x21: {  	s3 =	sadd.s32 s3, s9;
	s6 =	sadd.s32 @!p0 $0x88, s6;
	s7 =	simm.s32 @p2 $0x1082  }
0x22: {  	[simem:s7], [sflag:s8] =	dma.local @!p0 [hbm:s6], $0xF7A  }
0x23: {  	s9 =	sor.u32 $0xD0000000, s2;
	s6 =	simm.s32 $0x108;
	_ =	swait.ge @!p0 [sflag:s8], $0x0  }
0x24: {  	s3 =	sadd.s32 $0x88, s3;
	s6 =	simm.s32 @!p1 $0x1082;
	[sflag:s4] =	ssyncset.s32 $0xFFFFF086  }
0x25: {  	[simem:s6], [sflag:s4] =	dma.local [hbm:s3], $0xF7A  }
0x26: {  	[smem:$0x3F99] =	sst s1;
	(tag) =	ssettag s2;
	_ =	strace s9  }
0x27: {  	s1 =	sld [smem:$0x3FA9]  }
0x28: {  	s2 =	sld [smem:$0x3FAA]  }
0x29: {  	s4 =	sld [smem:$0x3FAC]  }
0x2a: {  	p0 =	seq.s32 s5, $0x0;
	s5 =	sld [smem:$0x3FAD]  }
0x2b: {  	s6 =	sld [smem:$0x3FAE]  }
0x2c: {  	s7 =	sld [smem:$0x3FAF]  }
0x2d: {  	s3 =	simm.s32 $0x108;
	s8 =	sld [smem:$0x3FB0]  }
0x2e: {  	s3 =	simm.s32 @!p0 $0x1082;
	s9 =	sld [smem:$0x3FB1]  }
0x2f: {  	lr =	sadd.s32 s0, s3;
	s0 =	sld [smem:$0x3FA8]  }
0x30: {  	s3 =	sld [smem:$0x3FAB]  }
0x31: {  	[smem:$0x3FB4] =	sst s10  }
0x32: {  	s10 =	sld [smem:$0x3FB2];
	_ =	sdelay $0x3  }
0x33: {  	p0 =	seq.s32 s10, $0x1;
	s10 =	sld [smem:$0x3FB4];
	_ =	sdelay $0x3  }
0x34: {  	[smem:$0x3FB4] =	sst s10  }
0x35: {  	s10 =	sld [smem:$0x3FB3];
	_ =	sdelay $0x3  }
0x36: {  	p1 =	seq.s32 s10, $0x1;
	s10 =	sld [smem:$0x3FB4];
	_ =	sdelay $0x3  }
0x37: {  	[smem:$0x3FB4] =	sst s10  }
0x38: {  	s10 =	sld [smem:$0x3FB5]  }
0x39: {  	_ = 	snop;
	(pc) =	sbr.ind lr, $3  }
0x3a: {  	_ = 	snop  }
0x3b: {  	_ = 	snop  }
0x3c: {  	p2 =	seq.s32 s10, $0x1;
	s10 =	sld [smem:$0x3FB4]  }
0x3d: {  	_ =	shalt  }
0x3e: {  	_ =	shalt  }
0x3f: {  	_ =	shalt  }
0x40: {  	_ =	shalt  }
0x41: {  	_ =	shalt  }
0x42: {  	_ =	shalt  }
0x43: {  	_ =	shalt  }
0x44: {  	_ =	shalt  }
0x45: {  	_ =	shalt  }
0x46: {  	_ =	shalt  }
0x47: {  	_ =	shalt  }
0x48: {  	_ =	shalt  }
0x49: {  	_ =	shalt  }
0x4a: {  	_ =	shalt  }
0x4b: {  	_ =	shalt  }
0x4c: {  	_ =	shalt  }
0x4d: {  	_ =	shalt  }
0x4e: {  	_ =	shalt  }
0x4f: {  	_ =	shalt  }
0x50: {  	_ =	shalt  }
0x51: {  	_ =	shalt  }
0x52: {  	_ =	shalt  }
0x53: {  	_ =	shalt  }
0x54: {  	_ =	shalt  }
0x55: {  	_ =	shalt  }
0x56: {  	_ =	shalt  }
0x57: {  	_ =	shalt  }
0x58: {  	_ =	shalt  }
0x59: {  	_ =	shalt  }
0x5a: {  	_ =	shalt  }
0x5b: {  	_ =	shalt  }
0x5c: {  	_ =	shalt  }
0x5d: {  	_ =	shalt  }
0x5e: {  	_ =	shalt  }
0x5f: {  	_ =	shalt  }
0x60: {  	_ =	shalt  }
0x61: {  	_ =	shalt  }
0x62: {  	_ =	shalt  }
0x63: {  	_ =	shalt  }
0x64: {  	_ =	shalt  }
0x65: {  	_ =	shalt  }
0x66: {  	_ =	shalt  }
0x67: {  	_ =	shalt  }
0x68: {  	_ =	shalt  }
0x69: {  	_ =	shalt  }
0x6a: {  	_ =	shalt  }
0x6b: {  	_ =	shalt  }
0x6c: {  	_ =	shalt  }
0x6d: {  	_ =	shalt  }
0x6e: {  	_ =	shalt  }
0x6f: {  	_ =	shalt  }
0x70: {  	_ =	shalt  }
0x71: {  	_ =	shalt  }
0x72: {  	_ =	shalt  }
0x73: {  	_ =	shalt  }
0x74: {  	_ =	shalt  }
0x75: {  	_ =	shalt  }
0x76: {  	_ =	shalt  }
0x77: {  	_ =	shalt  }
0x78: {  	_ =	shalt  }
0x79: {  	_ =	shalt  }
0x7a: {  	_ =	shalt  }
0x7b: {  	_ =	shalt  }
0x7c: {  	_ =	shalt  }
0x7d: {  	_ =	shalt  }
0x7e: {  	_ =	shalt  }
0x7f: {  	_ =	shalt  }
0x80: {  	_ =	shalt  }
0x81: {  	_ =	shalt  }
0x82: {  	_ =	shalt  }
0x83: {  	_ =	shalt  }
0x84: {  	_ =	shalt  }
0x85: {  	_ =	shalt  }
0x86: {  	_ =	shalt  }
0x87: {  	_ =	shalt  }
.Lfunc_end0:
.L_simem_size_0:
called_computation.1_lowered:
.L_overlay_start_0:
0x88: {  	s2 =	sld [smem:$0x3FD9]  }
0x89: {  	s3 =	sld [smem:$0x3FFE];
	_ =	sdelay $0x1  }
0x8a: {  	s1 =	srdreg.scid  }
0x8b: {  	s0 =	sand.u32 $0x1, s1  }
0x8c: {  	s16 =	sshll.u32 s0, $0xA;
	s2 =	sadd.s32 s3, s2  }
0x8d: {  	s2 =	sadd.s32 s2, s16  }
0x8e: {  	[smem:$0x3FC0] =	sst s2  }
0x8f: {  	_ = 	snop  }
0x90: {  	(tm) =	ssettm $0x1  }
0x91: {  	s17 =	sld [smem:$0x3FFB];
	_ =	sdelay $0x3  }
0x92: {  	_ =	strace s17  }
0x93: {  	s2 =	sld [smem:$0x3FFC];
	_ =	sdelay $0x3  }
0x94: {  	_ =	strace s2  }
0x95: {  	s2 =	sld [smem:$0x3FFD];
	_ =	sdelay $0x3  }
0x96: {  	_ =	strace s2  }
0x97: {  	_ =	strace $0x8FFFFFFF  }
0x98: {  	s18 =	sld [smem:$0x3FDB];
	_ =	sdelay $0x1  }
0x99: {  	s19 =	simm.s32 $_scs_section_size  }
0x9a: {  	s4 =	simm.s32 $_size__tile_overlayer_lowered;
	s5 =	simm.s32 $_tile_overlayer_lowered  }
0x9b: {  	s22 =	simm.s32 $0x1BFF;
	s21 =	sshll.u32 s5, $0x1;
	s2 =	sadd.s32 s19, s18  }
0x9c: {  	s6 =	simm.s32 $0x0;
	s20 =	sshll.u32 s4, $0x1;
	s4 =	sadd.s32 s21, s2  }
0x9d: {  	[timem:s6], [sflag:s22] =	dma.local [hbm:s4], s20  }
0x9e: {  	_ =	swait.ge [sflag:s22], s20  }
0x9f: {  	s3 =	ssub.s32 $0x0, s20;
	[sflag:s22] =	ssyncset.done $0x0  }
0xa0: {  	[sflag:s22] =	ssyncadd.s32 s3;
	_ =	sdelay $0x1  }
0xa1: {  	s23 =	simm.s32 $0x1B8B  }
0xa2: {  	_ =	swait.ge [sflag:s23], $0x1  }
0xa3: {  	[sflag:s23] =	ssyncset.done $0x0  }
0xa4: {  	s25 =	simm.s32 $0x1B8E;
	s24 =	sld [smem:$0x3FFE];
	[sflag:s23] =	ssyncadd.s32 $0xFFFFFFFF  }
0xa5: {  	s26 =	simm.s32 $execute0_lowered;
	[smem:$0x3FD2] =	sst s25  }
0xa6: {  	s4 =	sshll.u32 s26, $0x1;
	_ =	strace $0x80000049;
	[dreg:$0x1] =	wrdreg $0xFFFFFFFF  }
0xa7: {  	s28 =	simm.s32 $_size_execute0_lowered;
	s2 =	sadd.s32 s2, s4;
	[dreg:$0x0] =	wrdreg $0x0  }
0xa8: {  	s4 =	sshll.u32 s28, $0x1;
	[dreg:$0x2] =	wrdreg s2  }
0xa9: {  	[dreg:$0x3] =	wrdreg s4  }
0xaa: {  	[dreg:$0x4] =	wrdreg $0xC0  }
0xab: {  	_ =	task [dreg:s6], $0x5FFFF  }
0xac: {  	[dreg:$0x1] =	wrdreg $0xFFFFFFFF  }
0xad: {  	[dreg:$0x0] =	wrdreg $0x60  }
0xae: {  	[dreg:$0x2] =	wrdreg s24  }
0xaf: {  	[dreg:$0x3] =	wrdreg $0xA8000  }
0xb0: {  	[dreg:$0x4] =	wrdreg $0x9  }
0xb1: {  	_ =	task.clear_ibuf [dreg:s6], $0x5FFFF;
	_ =	strace $0x90000049  }
0xb2: {  	s29 =	simm.s32 $0x9;
	_ =	strace $0x8000004B  }
0xb3: {  	_ =	swait.ge [sflag:s29], $0x1  }
0xb4: {  	[sflag:s29] =	ssyncadd.s32 $0xFFFFFFFF  }
0xb5: {  	_ =	strace $0x9000004B  }
0xb6: {  	_ =	sfence  }
0xb7: {  	s30 =	sld [smem:$0x0];
	_ =	sdelay $0x2  }
0xb8: {  	s31 =	sshll.u32 s1, $0xD;
	s1 =	sshrl.u32 s1, $0x2  }
0xb9: {  	s3 =	sand.u32 $0x4000, s31;
	s1 =	sadd.s32 s1, s30  }
0xba: {  	s0 =	sor.u32 s3, s0;
	s1 =	sshll.u32 s1, $0x11  }
0xbb: {  	s0 =	sor.u32 s1, s0  }
0xbc: {  	s0 =	sadd.s32 $0x8F2B, s0  }
0xbd: {  	[sflag:s0] =	ssyncadd.remote.s32 $0x1  }
0xbe: {  	_ =	sfence.sel $0xFFFF  }
0xbf: {  	[dreg:$0x0] =	wrdreg $0xFFFFFFFF;
	(pc) =	sbr.abs _section_cstart, $3  }
0xc0: {  	[dreg:$0x1] =	wrdreg $0xFFFFFFFF  }
0xc1: {  	_ =	task.clear_ibuf [dreg:s6], $0x2FFFF;
	_ =	strace $0x9FFFFFFF  }
0xc2: {  	(tm) =	ssettm $0x7FFFFFFF  }
0xc3: {  	_ =	shalt  }
tec
execute0_lowered:
.L_overlay_start_1:
0x0: {  	(tag) =	ssettag $0x1  }
0x1: {  	s2 =	srdreg.scid;
	s9 =	stileid.u32  }
0x2: {  	s0 =	rddreg [dreg:$0x0];
	s2 =	sand.u32 $0x1, s2;
	s7 =	smul.u32 $0x13C00, s9  }
0x3: {  	s1 =	rddreg [dreg:$0x1];
	s3 =	simm.s32 $0x0;
	s6 =	smul.u32 $0x13C000, s2  }
0x4: {  	[smem:$0x7FF] =	sst s3;
	s4 =	sadd.s32 $0x2A000, s0;
	s8 =	sshll.u32 s2, $0x4  }
0x5: {  	s5 =	sadd.s32 $0x2000, s0;
	s13 =	sor.u32 s9, s8;
	s6 =	sadd.s32 s7, s6  }
0x6: {  	s2 =	ssub.s32 $0x2, s2;
	s15 =	sshrl.u32 s6, $0x3;
	s6 =	smul.u32 $0x5000, s13  }
0x7: {  	s14 =	smul.u32 $0x4F000, s9;
	_ =	strace $0x8000004A;
	s16 =	sshrl.u32 s2, $0x1  }
0x8: {  	s7 =	sadd.s32 $0x16000, s0;
	s0 =	sadd.s32 s15, s0;
	s17 =	sshrl.u32 s6, $0x3  }
0x9: {  	s2 =	ssub.s32 s2, s16;
	s0 =	sadd.s32 $0x51200, s0;
	s10 =	sadd.s32 s5, s17  }
0xa: {  	s18 =	sor.u32 $0x10, s17;
	s11 =	sadd.s32 s7, s17;
	s20 =	sor.u32 $0x20, s17  }
0xb: {  	s22 =	sor.u32 $0x30, s17;
	s24 =	sor.u32 $0x40, s17;
	[dreg:$0x13] =	wrdreg s0  }
0xc: {  	s26 =	sor.u32 $0x50, s17;
	s13 =	sor.u32 $0x60, s17;
	[dreg:$0x3] =	wrdreg s10  }
0xd: {  	s9 =	sor.u32 $0x70, s17;
	s17 =	smax.u32 s2, $0x1;
	[dreg:$0x4] =	wrdreg s11  }
0xe: {  	s19 =	sadd.s32 s5, s18;
	[dreg:$0x14] =	wrdreg s17  }
0xf: {  	s10 =	sadd.s32 s7, s18;
	[dreg:$0x5] =	wrdreg s19  }
0x10: {  	s21 =	sadd.s32 s5, s20;
	[dreg:$0x6] =	wrdreg s10  }
0x11: {  	s11 =	sadd.s32 s7, s20;
	[dreg:$0x7] =	wrdreg s21  }
0x12: {  	s23 =	sadd.s32 s5, s22;
	[dreg:$0x8] =	wrdreg s11  }
0x13: {  	s25 =	sadd.s32 s5, s24;
	[dreg:$0x9] =	wrdreg s23  }
0x14: {  	s12 =	sadd.s32 s5, s26;
	[dreg:$0xb] =	wrdreg s25  }
0x15: {  	s8 =	sshrl.u32 s14, $0x2;
	s14 =	sadd.s32 s5, s13;
	[dreg:$0xd] =	wrdreg s12  }
0x16: {  	s28 =	simm.s32 $0x40;
	s15 =	sadd.s32 s7, s13;
	[dreg:$0xf] =	wrdreg s14  }
0x17: {  	s29 =	simm.s32 $0x2800;
	s16 =	sadd.s32 s5, s9;
	[dreg:$0x10] =	wrdreg s15  }
0x18: {  	s8 =	sadd.s32 s8, s1;
	s9 =	sadd.s32 s7, s9;
	[dreg:$0x11] =	wrdreg s16  }
0x19: {  	s30 =	simm.s32 $0x4800;
	s18 =	sadd.s32 $0x2000, s8;
	[dreg:$0x12] =	wrdreg s9  }
0x1a: {  	s31 =	simm.s32 $0x1;
	s20 =	sadd.s32 $0x6000, s8;
	[dreg:$0x15] =	wrdreg s18  }
0x1b: {  	s0 =	simm.s32 $0x8800;
	s10 =	sadd.s32 s7, s22;
	[dreg:$0x17] =	wrdreg s20  }
0x1c: {  	s2 =	simm.s32 $0x0;
	s11 =	sadd.s32 s7, s24;
	[dreg:$0xa] =	wrdreg s10  }
0x1d: {  	s17 =	simm.s32 $0x480;
	s19 =	sadd.s32 $0x4000, s8;
	[dreg:$0xc] =	wrdreg s11  }
0x1e: {  	s13 =	simm.s32 $0x2;
	s21 =	sadd.s32 $0x8000, s8;
	[dreg:$0x16] =	wrdreg s19  }
0x1f: {  	s22 =	sadd.s32 $0xA000, s8;
	s23 =	sadd.s32 $0xC000, s8;
	[dreg:$0x18] =	wrdreg s21  }
0x20: {  	s24 =	sadd.s32 $0xE000, s8;
	s25 =	sadd.s32 $0x10000, s8;
	[dreg:$0x19] =	wrdreg s22  }
0x21: {  	s18 =	simm.s32 $0x500;
	s20 =	simm.s32 $0x200;
	[dreg:$0x1a] =	wrdreg s23  }
0x22: {  	s12 =	simm.s32 $0x6800;
	s14 =	simm.s32 $0x4;
	[dreg:$0x1b] =	wrdreg s24  }
0x23: {  	s10 =	sadd.s32 s7, s26;
	[dreg:$0x1c] =	wrdreg s25;
	s26 =	sadd.s32 $0x12000, s8  }
0x24: {  	s19 =	simm.s32 $0x580;
	s21 =	simm.s32 $0x600;
	s22 =	simm.s32 $0x280  }
0x25: {  	s23 =	simm.s32 $0x700;
	s24 =	simm.s32 $0x380;
	[dreg:$0xe] =	wrdreg s10  }
0x26: {  	v0 =	vimm.f32 $0.0e+00;
	s25 =	simm.s32 $0x780;
	[dreg:$0x1d] =	wrdreg s26;
	s26 =	simm.s32 $0x3  }
.LBB2_1:
0x27: {  	s9 =	simm.s32 $0x0;
	s10 =	simm.s32 $0x200  }
.LBB2_2:
0x28: {  	p0 =	sne.s32 s10, $0x7E00;
	[tilespmem:s9+$0x870] =	vst v0  }
0x29: {  	[tilespmem:s9+$0x800] =	vst v0  }
0x2a: {  	[tilespmem:s9+$0x810] =	vst v0  }
.Ltmp0:
0x2b: {  	[tilespmem:s9+$0x820] =	vst v0;
	(pc) =	sbr.rel @p0 .LBB2_2-.Ltmp0, $4  }
0x2c: {  	[tilespmem:s9+$0x830] =	vst v0  }
0x2d: {  	[tilespmem:s9+$0x840] =	vst v0  }
0x2e: {  	[tilespmem:s9+$0x850] =	vst v0  }
0x2f: {  	[tilespmem:s9+$0x860] =	vst v0;
	s9 =	sshra.s32 s10, $0x2;
	s10 =	sadd.s32 $0x200, s10  }
0x30: {  	[tilespmem:s9+$0x870] =	vst v0  }
0x31: {  	[tilespmem:s9+$0x800] =	vst v0  }
0x32: {  	[tilespmem:s9+$0x810] =	vst v0  }
0x33: {  	[tilespmem:s9+$0x820] =	vst v0  }
0x34: {  	[tilespmem:s9+$0x830] =	vst v0  }
0x35: {  	[tilespmem:s9+$0x840] =	vst v0  }
0x36: {  	[tilespmem:s9+$0x850] =	vst v0  }
0x37: {  	[tilespmem:s9+$0x860] =	vst v0;
	s10 =	simm.s32 $0x800;
	s9 =	simm.s32 $0x4  }
0x38: {  	[spmem:s8] =	stream.linear.scatter [tilespmem:s10], [sflag:$0x4], $0x2000, $0x38;
	[tilespmem:$0x1E400] =	vst v63  }
0x39: {  	_ =	swait.ge [sflag:s9], $0x2000  }
0x3a: {  	[sflag:s9] =	ssyncset.done $0x0  }
0x3b: {  	s11 =	rddreg [dreg:$0x15];
	[sflag:s9] =	ssyncadd.s32 $0xFFFFE000  }
0x3c: {  	[spmem:s11] =	stream.linear.scatter [tilespmem:s10], [sflag:$0x4], $0x2000, $0x38;
	[tilespmem:$0x1E400] =	vst v63  }
0x3d: {  	_ =	swait.ge [sflag:s9], $0x2000  }
0x3e: {  	[sflag:s9] =	ssyncset.done $0x0  }
0x3f: {  	s16 =	rddreg [dreg:$0x16];
	[sflag:s9] =	ssyncadd.s32 $0xFFFFE000  }
0x40: {  	[spmem:s16] =	stream.linear.scatter [tilespmem:s10], [sflag:$0x4], $0x2000, $0x38;
	[tilespmem:$0x1E400] =	vst v63  }
0x41: {  	_ =	swait.ge [sflag:s9], $0x2000  }
0x42: {  	[sflag:s9] =	ssyncset.done $0x0  }
0x43: {  	s15 =	rddreg [dreg:$0x17];
	[sflag:s9] =	ssyncadd.s32 $0xFFFFE000  }
0x44: {  	[spmem:s15] =	stream.linear.scatter [tilespmem:s10], [sflag:$0x4], $0x2000, $0x38;
	[tilespmem:$0x1E400] =	vst v63  }
0x45: {  	_ =	swait.ge [sflag:s9], $0x2000  }
0x46: {  	[sflag:s9] =	ssyncset.done $0x0  }
0x47: {  	s16 =	rddreg [dreg:$0x18];
	[sflag:s9] =	ssyncadd.s32 $0xFFFFE000  }
0x48: {  	[spmem:s16] =	stream.linear.scatter [tilespmem:s10], [sflag:$0x4], $0x2000, $0x38;
	[tilespmem:$0x1E400] =	vst v63  }
0x49: {  	_ =	swait.ge [sflag:s9], $0x2000  }
0x4a: {  	[sflag:s9] =	ssyncset.done $0x0  }
0x4b: {  	s15 =	rddreg [dreg:$0x19];
	[sflag:s9] =	ssyncadd.s32 $0xFFFFE000  }
0x4c: {  	[spmem:s15] =	stream.linear.scatter [tilespmem:s10], [sflag:$0x4], $0x2000, $0x38;
	[tilespmem:$0x1E400] =	vst v63  }
0x4d: {  	_ =	swait.ge [sflag:s9], $0x2000  }
0x4e: {  	[sflag:s9] =	ssyncset.done $0x0  }
0x4f: {  	s16 =	rddreg [dreg:$0x1a];
	[sflag:s9] =	ssyncadd.s32 $0xFFFFE000  }
0x50: {  	[spmem:s16] =	stream.linear.scatter [tilespmem:s10], [sflag:$0x4], $0x2000, $0x38;
	[tilespmem:$0x1E400] =	vst v63  }
0x51: {  	_ =	swait.ge [sflag:s9], $0x2000  }
0x52: {  	[sflag:s9] =	ssyncset.done $0x0  }
0x53: {  	s15 =	rddreg [dreg:$0x1b];
	[sflag:s9] =	ssyncadd.s32 $0xFFFFE000  }
0x54: {  	[spmem:s15] =	stream.linear.scatter [tilespmem:s10], [sflag:$0x4], $0x2000, $0x38;
	[tilespmem:$0x1E400] =	vst v63  }
0x55: {  	_ =	swait.ge [sflag:s9], $0x2000  }
0x56: {  	[sflag:s9] =	ssyncset.done $0x0  }
0x57: {  	s16 =	rddreg [dreg:$0x1c];
	[sflag:s9] =	ssyncadd.s32 $0xFFFFE000  }
0x58: {  	[spmem:s16] =	stream.linear.scatter [tilespmem:s10], [sflag:$0x4], $0x2000, $0x38;
	[tilespmem:$0x1E400] =	vst v63  }
0x59: {  	_ =	swait.ge [sflag:s9], $0x2000  }
0x5a: {  	[sflag:s9] =	ssyncset.done $0x0  }
0x5b: {  	s15 =	rddreg [dreg:$0x1d];
	[sflag:s9] =	ssyncadd.s32 $0xFFFFE000  }
0x5c: {  	[spmem:s15] =	stream.linear.scatter [tilespmem:s10], [sflag:$0x4], $0x1C00, $0x38;
	[tilespmem:$0x1E400] =	vst v63  }
0x5d: {  	_ =	swait.ge [sflag:s9], $0x1C00  }
0x5e: {  	[sflag:s9] =	ssyncset.done $0x0  }
0x5f: {  	[sflag:s9] =	ssyncadd.s32 $0xFFFFE400  }
0x60: {  	[bflag:$0x0] =	sbarrier.arrive $0xFFFF  }
0x61: {  	s16 =	rddreg [dreg:$0x3]  }
0x62: {  	[tilespmem:s3], [sflag:$0x3] =	stream.linear.gather [hbm4b:s16+s3], $0x80, $0x38;
	[tilespmem:$0x1E400] =	vst v63  }
0x63: {  	s15 =	rddreg [dreg:$0x4];
	s16 =	simm.s32 $0x400  }
0x64: {  	[tilespmem:s16], [sflag:$0x3] =	stream.linear.gather [hbm4b:s15+s3], $0x80, $0x38;
	[tilespmem:$0x1E400] =	vst v63  }
0x65: {  	s11 =	rddreg [dreg:$0x5];
	s15 =	simm.s32 $0x80  }
0x66: {  	[tilespmem:s15], [sflag:$0x3] =	stream.linear.gather [hbm4b:s11+s3], $0x80, $0x38;
	[tilespmem:$0x1E400] =	vst v63  }
0x67: {  	s11 =	rddreg [dreg:$0x6]  }
0x68: {  	[tilespmem:s17], [sflag:$0x3] =	stream.linear.gather [hbm4b:s11+s3], $0x80, $0x38;
	[tilespmem:$0x1E400] =	vst v63  }
0x69: {  	s11 =	rddreg [dreg:$0x7];
	s17 =	simm.s32 $0x100  }
0x6a: {  	[tilespmem:s17], [sflag:$0x3] =	stream.linear.gather [hbm4b:s11+s3], $0x80, $0x38;
	[tilespmem:$0x1E400] =	vst v63  }
0x6b: {  	s11 =	rddreg [dreg:$0x8]  }
0x6c: {  	[tilespmem:s18], [sflag:$0x3] =	stream.linear.gather [hbm4b:s11+s3], $0x80, $0x38;
	[tilespmem:$0x1E400] =	vst v63  }
0x6d: {  	s11 =	rddreg [dreg:$0x9];
	s18 =	simm.s32 $0x180  }
0x6e: {  	[tilespmem:s18], [sflag:$0x3] =	stream.linear.gather [hbm4b:s11+s3], $0x80, $0x38;
	[tilespmem:$0x1E400] =	vst v63  }
0x6f: {  	s11 =	rddreg [dreg:$0xa]  }
0x70: {  	[tilespmem:s19], [sflag:$0x3] =	stream.linear.gather [hbm4b:s11+s3], $0x80, $0x38;
	[tilespmem:$0x1E400] =	vst v63  }
0x71: {  	s19 =	rddreg [dreg:$0xb]  }
0x72: {  	[tilespmem:s20], [sflag:$0x3] =	stream.linear.gather [hbm4b:s19+s3], $0x80, $0x38;
	[tilespmem:$0x1E400] =	vst v63  }
0x73: {  	s20 =	rddreg [dreg:$0xc]  }
0x74: {  	[tilespmem:s21], [sflag:$0x3] =	stream.linear.gather [hbm4b:s20+s3], $0x80, $0x38;
	[tilespmem:$0x1E400] =	vst v63  }
0x75: {  	s21 =	rddreg [dreg:$0xd]  }
0x76: {  	[tilespmem:s22], [sflag:$0x3] =	stream.linear.gather [hbm4b:s21+s3], $0x80, $0x38;
	[tilespmem:$0x1E400] =	vst v63  }
0x77: {  	s19 =	rddreg [dreg:$0xe];
	s20 =	simm.s32 $0x680  }
0x78: {  	[tilespmem:s20], [sflag:$0x3] =	stream.linear.gather [hbm4b:s19+s3], $0x80, $0x38;
	[tilespmem:$0x1E400] =	vst v63  }
0x79: {  	s21 =	rddreg [dreg:$0xf];
	s22 =	simm.s32 $0x300  }
0x7a: {  	[tilespmem:s22], [sflag:$0x3] =	stream.linear.gather [hbm4b:s21+s3], $0x80, $0x38;
	[tilespmem:$0x1E400] =	vst v63  }
0x7b: {  	s20 =	rddreg [dreg:$0x10]  }
0x7c: {  	[tilespmem:s23], [sflag:$0x3] =	stream.linear.gather [hbm4b:s20+s3], $0x80, $0x38;
	[tilespmem:$0x1E400] =	vst v63  }
0x7d: {  	s21 =	rddreg [dreg:$0x11]  }
0x7e: {  	[tilespmem:s24], [sflag:$0x3] =	stream.linear.gather [hbm4b:s21+s3], $0x80, $0x38;
	[tilespmem:$0x1E400] =	vst v63  }
0x7f: {  	s22 =	rddreg [dreg:$0x12]  }
0x80: {  	[tilespmem:s25], [sflag:$0x3] =	stream.linear.gather [hbm4b:s22+s3], $0x80, $0x38;
	[tilespmem:$0x1E400] =	vst v63  }
0x81: {  	_ =	swait.ge [sflag:s26], $0x80  }
0x82: {  	[sflag:s26] =	ssyncset.done $0x0  }
0x83: {  	[sflag:s26] =	ssyncadd.s32 $0xFFFFFF80  }
0x84: {  	_ =	swait.ge [sflag:s26], $0x80  }
0x85: {  	[sflag:s26] =	ssyncset.done $0x0  }
0x86: {  	[sflag:s26] =	ssyncadd.s32 $0xFFFFFF80  }
0x87: {  	[tilespmem:s10], [sflag:$0x1] =	stream.indirect.gather [hbm4b:s4+s28], $0x80, s3, s28, $0xb8;
	[tilespmem:$0x1E400] =	vst v63  }
0x88: {  	_ =	swait.ge [sflag:s26], $0x80  }
0x89: {  	[sflag:s26] =	ssyncset.done $0x0  }
0x8a: {  	[sflag:s26] =	ssyncadd.s32 $0xFFFFFF80  }
0x8b: {  	_ =	swait.ge [sflag:s26], $0x80  }
0x8c: {  	[sflag:s26] =	ssyncset.done $0x0  }
0x8d: {  	[sflag:s26] =	ssyncadd.s32 $0xFFFFFF80  }
0x8e: {  	[tilespmem:s29], [sflag:$0x1] =	stream.indirect.gather [hbm4b:s4+s28], $0x80, s15, s28, $0xb8;
	[tilespmem:$0x1E400] =	vst v63  }
0x8f: {  	_ =	swait.ge [sflag:s26], $0x80  }
0x90: {  	[sflag:s26] =	ssyncset.done $0x0  }
0x91: {  	[sflag:s26] =	ssyncadd.s32 $0xFFFFFF80  }
0x92: {  	_ =	swait.ge [sflag:s26], $0x80  }
0x93: {  	[sflag:s26] =	ssyncset.done $0x0  }
0x94: {  	[sflag:s26] =	ssyncadd.s32 $0xFFFFFF80  }
0x95: {  	[tilespmem:s30], [sflag:$0x1] =	stream.indirect.gather [hbm4b:s4+s28], $0x80, s17, s28, $0xb8;
	[tilespmem:$0x1E400] =	vst v63  }
0x96: {  	_ =	swait.ge [sflag:s26], $0x80  }
0x97: {  	[sflag:s26] =	ssyncset.done $0x0  }
0x98: {  	[sflag:s26] =	ssyncadd.s32 $0xFFFFFF80  }
0x99: {  	_ =	swait.ge [sflag:s26], $0x80  }
0x9a: {  	[sflag:s26] =	ssyncset.done $0x0  }
0x9b: {  	s9 =	sand.u32 $0xFF, s9;
	[sflag:s26] =	ssyncadd.s32 $0xFFFFFF80  }
0x9c: {  	[tilespmem:s12], [sflag:$0x1] =	stream.indirect.gather [hbm4b:s4+s28], $0x80, s18, s28, $0xb8;
	[tilespmem:$0x1E400] =	vst v63  }
0x9d: {  	s9 =	smul.u32 $0xCD, s9;
	_ =	swait.ge [sflag:s31], $0x2000  }
0x9e: {  	[sflag:s31] =	ssyncset.done $0x0  }
0x9f: {  	s9 =	sshrl.u32 s9, $0xA;
	[sflag:s31] =	ssyncadd.s32 $0xFFFFE000  }
0xa0: {  	[spmem:s1] =	stream.indirect.scatter.add.f32 [tilespmem:s10], [sflag:$0x2], $0x80, s16, s28, $0xb8;
	[tilespmem:$0x1E400] =	vst v63  }
0xa1: {  	s19 =	simm.s32 $0x1;
	s18 =	smul.u32 $0x5, s9;
	_ =	swait.ge [sflag:s26], $0x80  }
0xa2: {  	s20 =	sand.u32 $0xFC00, s16;
	s22 =	simm.s32 $0x200;
	[sflag:s26] =	ssyncset.done $0x0  }
0xa3: {  	s15 =	simm.s32 $0x5;
	s11 =	ssub.s32 $0x4, s18;
	[sflag:s26] =	ssyncadd.s32 $0xFFFFFF80  }
0xa4: {  	s17 =	sadd.s32 s6, s20;
	s11 =	sand.u32 $0xFF, s11;
	_ =	swait.ge [sflag:s26], $0x80  }
0xa5: {  	s10 =	sand.u32 $0xE00, s10;
	s11 =	sshll.u32 s11, $0xD;
	[sflag:s26] =	ssyncset.done $0x0  }
0xa6: {  	s10 =	sshrl.u32 s10, $0x2;
	s11 =	sor.u32 $0x800, s11;
	[sflag:s26] =	ssyncadd.s32 $0xFFFFFF80  }
0xa7: {  	[tilespmem:s11], [sflag:$0x1] =	stream.indirect.gather [hbm4b:s4+s28], $0x80, s10, s28, $0xb8;
	[tilespmem:$0x1E400] =	vst v63  }
0xa8: {  	s9 =	simm.s32 $0x480;
	s18 =	sand.u32 $0xE00, s22;
	_ =	swait.ge [sflag:s31], $0x2000  }
0xa9: {  	s16 =	sand.u32 $0x380, s16;
	s11 =	smul.u32 $0xCD, s19;
	[sflag:s31] =	ssyncset.done $0x0  }
0xaa: {  	s18 =	sshrl.u32 s18, $0x2;
	s17 =	sor.u32 s16, s17;
	[sflag:s31] =	ssyncadd.s32 $0xFFFFE000  }
0xab: {  	s17 =	sshrl.u32 s17, $0x3;
	s11 =	sshrl.u32 s11, $0xA;
	_ =	swait.ge [sflag:s13], $0x2000  }
0xac: {  	s21 =	sadd.s32 s5, s17;
	s11 =	sand.u32 $0x3F, s11;
	[sflag:s13] =	ssyncset.done $0x0  }
0xad: {  	s17 =	sadd.s32 s7, s17;
	s11 =	smul.u32 $0x5, s11;
	[sflag:s13] =	ssyncadd.s32 $0xFFFFE000  }
0xae: {  	[tilespmem:s16], [sflag:$0x3] =	stream.linear.gather [hbm4b:s21+s3], $0x80, $0x38;
	[tilespmem:$0x1E400] =	vst v63  }
0xaf: {  	s10 =	sand.u32 $0xFF, s15;
	s11 =	ssub.s32 $0x1, s11;
	s16 =	sor.u32 $0x400, s16  }
0xb0: {  	[tilespmem:s16], [sflag:$0x3] =	stream.linear.gather [hbm4b:s17+s3], $0x80, $0x38;
	[tilespmem:$0x1E400] =	vst v63  }
0xb1: {  	s11 =	sand.u32 $0xFF, s11;
	s17 =	simm.s32 $0x500;
	s16 =	simm.s32 $0xA00  }
.LBB2_4:
0xb2: {  	s11 =	sshll.u32 s11, $0xD;
	s18 =	sor.u32 $0x400, s18;
	s19 =	smov.u32 s15  }
0xb3: {  	s15 =	sadd.s32 $0x1, s15;
	s20 =	smov.u32 s9;
	s9 =	smov.u32 s17  }
0xb4: {  	s21 =	smul.u32 $0xCD, s10;
	s10 =	sand.u32 $0xFF, s15;
	s11 =	sor.u32 $0x800, s11  }
0xb5: {  	[spmem:s1] =	stream.indirect.scatter.add.f32 [tilespmem:s11], [sflag:$0x2], $0x80, s18, s28, $0xb8;
	[tilespmem:$0x1E400] =	vst v63  }
0xb6: {  	p0 =	sne.s32 s17, $0x4F80;
	s17 =	sadd.s32 $0x80, s17;
	s11 =	sshrl.u32 s21, $0xA  }
0xb7: {  	s18 =	smov.u32 s16;
	s11 =	smul.u32 $0x5, s11;
	_ =	swait.ge [sflag:s26], $0x80  }
0xb8: {  	[sflag:s26] =	ssyncset.done $0x0  }
0xb9: {  	s21 =	sand.u32 $0xE00, s16;
	s11 =	ssub.s32 s19, s11;
	[sflag:s26] =	ssyncadd.s32 $0xFFFFFF80  }
0xba: {  	s19 =	sadd.s32 $0xFFFFFFFD, s19;
	s11 =	sand.u32 $0xFF, s11;
	_ =	swait.ge [sflag:s26], $0x80  }
0xbb: {  	s16 =	sadd.s32 $0x200, s16;
	s11 =	sshll.u32 s11, $0xD;
	[sflag:s26] =	ssyncset.done $0x0  }
0xbc: {  	s21 =	sshrl.u32 s21, $0x2;
	s11 =	sor.u32 $0x800, s11;
	[sflag:s26] =	ssyncadd.s32 $0xFFFFFF80  }
0xbd: {  	[tilespmem:s11], [sflag:$0x1] =	stream.indirect.gather [hbm4b:s4+s28], $0x80, s21, s28, $0xb8;
	[tilespmem:$0x1E400] =	vst v63  }
0xbe: {  	s18 =	sadd.s32 $0xFFFFFA00, s18;
	s11 =	smul.u32 $0xCD, s19;
	_ =	swait.ge [sflag:s31], $0x2000  }
0xbf: {  	s21 =	sand.u32 $0xFC00, s20;
	s20 =	sand.u32 $0x380, s20;
	[sflag:s31] =	ssyncset.done $0x0  }
0xc0: {  	s21 =	sadd.s32 s6, s21;
	s11 =	sshrl.u32 s11, $0xA;
	[sflag:s31] =	ssyncadd.s32 $0xFFFFE000  }
0xc1: {  	s21 =	sor.u32 s20, s21;
	s11 =	sand.u32 $0x3F, s11;
	_ =	swait.ge [sflag:s13], $0x2000  }
0xc2: {  	s21 =	sshrl.u32 s21, $0x3;
	s11 =	smul.u32 $0x5, s11;
	[sflag:s13] =	ssyncset.done $0x0  }
.Ltmp1:
0xc3: {  	s22 =	sadd.s32 s5, s21;
	[sflag:s13] =	ssyncadd.s32 $0xFFFFE000;
	(pc) =	sbr.rel @p0 .LBB2_4-.Ltmp1, $4  }
0xc4: {  	[tilespmem:s20], [sflag:$0x3] =	stream.linear.gather [hbm4b:s22+s3], $0x80, $0x38;
	[tilespmem:$0x1E400] =	vst v63  }
0xc5: {  	s18 =	sand.u32 $0xE00, s18;
	s11 =	ssub.s32 s19, s11;
	s19 =	sadd.s32 s7, s21  }
0xc6: {  	s18 =	sshrl.u32 s18, $0x2;
	s11 =	sand.u32 $0xFF, s11;
	s20 =	sor.u32 $0x400, s20  }
0xc7: {  	[tilespmem:s20], [sflag:$0x3] =	stream.linear.gather [hbm4b:s19+s3], $0x80, $0x38;
	[tilespmem:$0x1E400] =	vst v63  }
0xc8: {  	s11 =	sshll.u32 s11, $0xD  }
0xc9: {  	s17 =	sor.u32 $0x400, s18;
	s10 =	smul.u32 $0xCD, s10;
	s11 =	sor.u32 $0x800, s11  }
0xca: {  	[spmem:s1] =	stream.indirect.scatter.add.f32 [tilespmem:s11], [sflag:$0x2], $0x80, s17, s28, $0xb8;
	[tilespmem:$0x1E400] =	vst v63  }
0xcb: {  	s10 =	sshrl.u32 s10, $0xA  }
0xcc: {  	_ =	swait.ge [sflag:s26], $0x80;
	s10 =	smul.u32 $0x5, s10  }
0xcd: {  	[sflag:s26] =	ssyncset.done $0x0  }
0xce: {  	[sflag:s26] =	ssyncadd.s32 $0xFFFFFF80;
	s10 =	ssub.s32 s15, s10  }
0xcf: {  	_ =	swait.ge [sflag:s26], $0x80;
	s10 =	sand.u32 $0xFF, s10  }
0xd0: {  	s22 =	sand.u32 $0xE00, s16;
	[sflag:s26] =	ssyncset.done $0x0;
	s10 =	sshll.u32 s10, $0xD  }
0xd1: {  	s11 =	sshrl.u32 s22, $0x2;
	[sflag:s26] =	ssyncadd.s32 $0xFFFFFF80;
	s10 =	sor.u32 $0x800, s10  }
0xd2: {  	[tilespmem:s10], [sflag:$0x1] =	stream.indirect.gather [hbm4b:s4+s28], $0x80, s11, s28, $0xb8;
	[tilespmem:$0x1E400] =	vst v63  }
0xd3: {  	s18 =	sand.u32 $0x380, s9;
	s19 =	sadd.s32 $0xFFFFFFFD, s15;
	_ =	swait.ge [sflag:s31], $0x2000  }
0xd4: {  	s17 =	sand.u32 $0xFC00, s9;
	s15 =	smul.u32 $0xCD, s19;
	[sflag:s31] =	ssyncset.done $0x0  }
0xd5: {  	s9 =	sor.u32 $0x400, s18;
	s10 =	sadd.s32 s6, s17;
	[sflag:s31] =	ssyncadd.s32 $0xFFFFE000  }
0xd6: {  	s15 =	sshrl.u32 s15, $0xA;
	s10 =	sor.u32 s18, s10;
	_ =	swait.ge [sflag:s13], $0x2000  }
0xd7: {  	s15 =	sand.u32 $0x3F, s15;
	s10 =	sshrl.u32 s10, $0x3;
	[sflag:s13] =	ssyncset.done $0x0  }
0xd8: {  	s15 =	smul.u32 $0x5, s15;
	s20 =	sadd.s32 s5, s10;
	[sflag:s13] =	ssyncadd.s32 $0xFFFFE000  }
0xd9: {  	[tilespmem:s18], [sflag:$0x3] =	stream.linear.gather [hbm4b:s20+s3], $0x80, $0x38;
	[tilespmem:$0x1E400] =	vst v63  }
0xda: {  	s22 =	sadd.s32 $0xFFFFFA00, s16;
	s21 =	ssub.s32 s19, s15;
	s10 =	sadd.s32 s7, s10  }
0xdb: {  	[tilespmem:s9], [sflag:$0x3] =	stream.linear.gather [hbm4b:s10+s3], $0x80, $0x38;
	[tilespmem:$0x1E400] =	vst v63  }
0xdc: {  	s10 =	sand.u32 $0xE00, s22;
	s9 =	sand.u32 $0xFF, s21  }
0xdd: {  	s10 =	sshrl.u32 s10, $0x2;
	s9 =	sshll.u32 s9, $0xD  }
0xde: {  	s10 =	sor.u32 $0x400, s10;
	s9 =	sor.u32 $0x800, s9  }
0xdf: {  	[spmem:s1] =	stream.indirect.scatter.add.f32 [tilespmem:s9], [sflag:$0x2], $0x80, s10, s28, $0xb8;
	[tilespmem:$0x1E400] =	vst v63  }
0xe0: {  	_ =	swait.ge [sflag:s26], $0x80  }
0xe1: {  	[sflag:s26] =	ssyncset.done $0x0  }
0xe2: {  	[sflag:s26] =	ssyncadd.s32 $0xFFFFFF80  }
0xe3: {  	_ =	swait.ge [sflag:s26], $0x80  }
0xe4: {  	[sflag:s26] =	ssyncset.done $0x0  }
0xe5: {  	s20 =	simm.s32 $0x200;
	[sflag:s26] =	ssyncadd.s32 $0xFFFFFF80  }
0xe6: {  	[tilespmem:s29], [sflag:$0x1] =	stream.indirect.gather [hbm4b:s4+s28], $0x80, s20, s28, $0xb8;
	[tilespmem:$0x1E400] =	vst v63  }
0xe7: {  	_ =	swait.ge [sflag:s31], $0x2000  }
0xe8: {  	[sflag:s31] =	ssyncset.done $0x0  }
0xe9: {  	[sflag:s31] =	ssyncadd.s32 $0xFFFFE000  }
0xea: {  	_ =	swait.ge [sflag:s13], $0x2000  }
0xeb: {  	[sflag:s13] =	ssyncset.done $0x0  }
0xec: {  	s17 =	simm.s32 $0x480;
	[sflag:s13] =	ssyncadd.s32 $0xFFFFE000  }
0xed: {  	[spmem:s1] =	stream.indirect.scatter.add.f32 [tilespmem:s12], [sflag:$0x2], $0x80, s17, s28, $0xb8;
	[tilespmem:$0x1E400] =	vst v63  }
0xee: {  	_ =	swait.ge [sflag:s26], $0x80  }
0xef: {  	[sflag:s26] =	ssyncset.done $0x0  }
0xf0: {  	[sflag:s26] =	ssyncadd.s32 $0xFFFFFF80  }
0xf1: {  	_ =	swait.ge [sflag:s26], $0x80  }
0xf2: {  	[sflag:s26] =	ssyncset.done $0x0  }
0xf3: {  	s22 =	simm.s32 $0x280;
	[sflag:s26] =	ssyncadd.s32 $0xFFFFFF80  }
0xf4: {  	[tilespmem:s30], [sflag:$0x1] =	stream.indirect.gather [hbm4b:s4+s28], $0x80, s22, s28, $0xb8;
	[tilespmem:$0x1E400] =	vst v63  }
0xf5: {  	_ =	swait.ge [sflag:s31], $0x2000  }
0xf6: {  	[sflag:s31] =	ssyncset.done $0x0  }
0xf7: {  	[sflag:s31] =	ssyncadd.s32 $0xFFFFE000  }
0xf8: {  	_ =	swait.ge [sflag:s13], $0x2000  }
0xf9: {  	[sflag:s13] =	ssyncset.done $0x0  }
0xfa: {  	s18 =	simm.s32 $0x500;
	[sflag:s13] =	ssyncadd.s32 $0xFFFFE000  }
0xfb: {  	[spmem:s1] =	stream.indirect.scatter.add.f32 [tilespmem:s0], [sflag:$0x2], $0x80, s18, s28, $0xb8;
	[tilespmem:$0x1E400] =	vst v63  }
0xfc: {  	_ =	swait.ge [sflag:s26], $0x80  }
0xfd: {  	[sflag:s26] =	ssyncset.done $0x0  }
0xfe: {  	[sflag:s26] =	ssyncadd.s32 $0xFFFFFF80  }
0xff: {  	_ =	swait.ge [sflag:s26], $0x80  }
0x100: {  	[sflag:s26] =	ssyncset.done $0x0  }
0x101: {  	s11 =	simm.s32 $0x300;
	[sflag:s26] =	ssyncadd.s32 $0xFFFFFF80  }
0x102: {  	[tilespmem:s12], [sflag:$0x1] =	stream.indirect.gather [hbm4b:s4+s28], $0x80, s11, s28, $0xb8;
	[tilespmem:$0x1E400] =	vst v63  }
0x103: {  	_ =	swait.ge [sflag:s31], $0x2000  }
0x104: {  	[sflag:s31] =	ssyncset.done $0x0  }
0x105: {  	[sflag:s31] =	ssyncadd.s32 $0xFFFFE000  }
0x106: {  	_ =	swait.ge [sflag:s13], $0x2000  }
0x107: {  	[sflag:s13] =	ssyncset.done $0x0  }
0x108: {  	s19 =	simm.s32 $0x580;
	s15 =	simm.s32 $0x800;
	[sflag:s13] =	ssyncadd.s32 $0xFFFFE000  }
0x109: {  	[spmem:s1] =	stream.indirect.scatter.add.f32 [tilespmem:s15], [sflag:$0x2], $0x80, s19, s28, $0xb8;
	[tilespmem:$0x1E400] =	vst v63  }
0x10a: {  	_ =	swait.ge [sflag:s26], $0x80  }
0x10b: {  	[sflag:s26] =	ssyncset.done $0x0  }
0x10c: {  	[sflag:s26] =	ssyncadd.s32 $0xFFFFFF80  }
0x10d: {  	_ =	swait.ge [sflag:s26], $0x80  }
0x10e: {  	[sflag:s26] =	ssyncset.done $0x0  }
0x10f: {  	[sflag:s26] =	ssyncadd.s32 $0xFFFFFF80  }
0x110: {  	[tilespmem:s0], [sflag:$0x1] =	stream.indirect.gather [hbm4b:s4+s28], $0x80, s24, s28, $0xb8;
	[tilespmem:$0x1E400] =	vst v63  }
0x111: {  	_ =	swait.ge [sflag:s31], $0x2000  }
0x112: {  	[sflag:s31] =	ssyncset.done $0x0  }
0x113: {  	[sflag:s31] =	ssyncadd.s32 $0xFFFFE000  }
0x114: {  	_ =	swait.ge [sflag:s13], $0x2000  }
0x115: {  	[sflag:s13] =	ssyncset.done $0x0  }
0x116: {  	s21 =	simm.s32 $0x600;
	[sflag:s13] =	ssyncadd.s32 $0xFFFFE000  }
0x117: {  	[spmem:s1] =	stream.indirect.scatter.add.f32 [tilespmem:s29], [sflag:$0x2], $0x80, s21, s28, $0xb8;
	[tilespmem:$0x1E400] =	vst v63  }
0x118: {  	_ =	swait.ge [sflag:s31], $0x2000  }
0x119: {  	[sflag:s31] =	ssyncset.done $0x0  }
0x11a: {  	[sflag:s31] =	ssyncadd.s32 $0xFFFFE000  }
0x11b: {  	_ =	swait.ge [sflag:s13], $0x2000  }
0x11c: {  	[sflag:s13] =	ssyncset.done $0x0  }
0x11d: {  	s16 =	simm.s32 $0x680;
	[sflag:s13] =	ssyncadd.s32 $0xFFFFE000  }
0x11e: {  	[spmem:s1] =	stream.indirect.scatter.add.f32 [tilespmem:s30], [sflag:$0x2], $0x80, s16, s28, $0xb8;
	[tilespmem:$0x1E400] =	vst v63  }
0x11f: {  	_ =	swait.ge [sflag:s31], $0x2000  }
0x120: {  	[sflag:s31] =	ssyncset.done $0x0  }
0x121: {  	[sflag:s31] =	ssyncadd.s32 $0xFFFFE000  }
0x122: {  	_ =	swait.ge [sflag:s13], $0x2000  }
0x123: {  	[sflag:s13] =	ssyncset.done $0x0  }
0x124: {  	[sflag:s13] =	ssyncadd.s32 $0xFFFFE000  }
0x125: {  	[spmem:s1] =	stream.indirect.scatter.add.f32 [tilespmem:s12], [sflag:$0x2], $0x80, s23, s28, $0xb8;
	[tilespmem:$0x1E400] =	vst v63  }
0x126: {  	_ =	swait.ge [sflag:s31], $0x2000  }
0x127: {  	[sflag:s31] =	ssyncset.done $0x0  }
0x128: {  	[sflag:s31] =	ssyncadd.s32 $0xFFFFE000  }
0x129: {  	_ =	swait.ge [sflag:s13], $0x2000  }
0x12a: {  	[sflag:s13] =	ssyncset.done $0x0  }
0x12b: {  	[sflag:s13] =	ssyncadd.s32 $0xFFFFE000  }
0x12c: {  	[spmem:s1] =	stream.indirect.scatter.add.f32 [tilespmem:s0], [sflag:$0x2], $0x80, s25, s28, $0xb8;
	[tilespmem:$0x1E400] =	vst v63  }
0x12d: {  	_ =	swait.ge [sflag:s13], $0x2000  }
0x12e: {  	[sflag:s13] =	ssyncset.done $0x0  }
0x12f: {  	s10 =	stileid.u32;
	[sflag:s13] =	ssyncadd.s32 $0xFFFFE000  }
0x130: {  	s9 =	sshll.u32 s10, $0x6;
	[bflag:$0x0] =	sbarrier.arrive $0xFFFF  }
0x131: {  	s9 =	sor.u32 $0x1C04, s9;
	s11 =	sshrl.u32 s8, $0x3;
	s15 =	rddreg [dreg:$0x13]  }
0x132: {  	[hbm:s15], [sflag:s9] =	dma.local [spmem:s11], $0x2780  }
0x133: {  	_ =	swait.ge [sflag:s14], $0x2780  }
0x134: {  	s2 =	sadd.s32 $0x1, s2;
	s16 =	rddreg [dreg:$0x14]  }
0x135: {  	p0 =	sne.s32 s2, s16  }
.Ltmp2:
0x136: {  	_ = 	snop;
	(pc) =	sbr.rel @p0 .LBB2_1-.Ltmp2, $3  }
0x137: {  	_ =	sdelay $0x1  }
0x138: {  	[sflag:s14] =	ssyncset.done $0x0  }
0x139: {  	[sflag:s14] =	ssyncadd.s32 $0xFFFFD880  }
0x13a: {  	_ =	sfence.sel $0x180000  }
0x13b: {  	[bflag:$0x0] =	sbarrier.arrive $0xFFFF  }
0x13c: {  	_ =	strace $0x9000004A  }
0x13d: {  	s0 =	stileid.u32;
	[bflag:$0x2] =	sbarrier.arrive $0xFFFF  }
0x13e: {  	p0 =	sne.s32 s0, $0x0;
	s0 =	rddreg [dreg:$0x2]  }
0x13f: {  	s0 =	sadd.s32 @!p0 $0x100000, s0  }
0x140: {  	[sflag:s0] =	ssyncadd.tile.s32 @!p0 $0x1;
	_ =	shalt  }
.Lfunc_end2:
_tile_overlayer_lowered:
.L_overlay_start_2:
0x141: {  	(tag) =	ssettag $0x2  }
0x142: {  	s0 =	rddreg [dreg:$0x0];
	s2 =	stileid.u32  }
0x143: {  	s1 =	rddreg [dreg:$0x1];
	p0 =	sne.s32 s2, $0x0  }
0x144: {  	s3 =	rddreg [dreg:$0x2];
	[bflag:$0x3] =	sbarrier.arrive $0xFFFF;
	s2 =	simm.s32 @!p0 $0x1C04  }
0x145: {  	[timem:s3], [sflag:s2] =	dma.local @!p0 [hbm:s0], s1  }
0x146: {  	s0 =	simm.s32 @!p0 $0x4  }
0x147: {  	_ =	swait.ge @!p0 [sflag:s0], s1  }
0x148: {  	s1 =	ssub.s32 @!p0 $0x0, s1;
	[sflag:s0] =	ssyncset.done @!p0 $0x0  }
0x149: {  	[sflag:s0] =	ssyncadd.s32 @!p0 s1  }
0x14a: {  	[bflag:$0x3] =	sbarrier.arrive $0xFFFF  }
0x14b: {  	_ =	shalt  }

// kernel: kernel.7.cloned.1.call-start
scs
__scs_entry_jumppad:
0x0: {  	(pc) =	sbr.rel $0x88, $3  }
0x1: {  	(tag) =	ssettag $0x0;
	lr =	simm.s32 $0x1  }
0x2: {  	[smem:$0x3F99] =	sst lr;
	_ =	strace $0xD0000000  }
0x3: {  	_ = 	snop  }
0x4: {  	_ = 	snop  }
0x5: {  	_ = 	snop  }
0x6: {  	_ = 	snop  }
0x7: {  	_ = 	snop  }
__scs_overlays_trampoline_lowered:
0x8: {  	[smem:$0x3FA8] =	sst s0  }
0x9: {  	[smem:$0x3FA9] =	sst s1  }
0xa: {  	[smem:$0x3FAA] =	sst s2  }
0xb: {  	[smem:$0x3FAB] =	sst s3  }
0xc: {  	[smem:$0x3FAC] =	sst s4  }
0xd: {  	[smem:$0x3FAD] =	sst s5  }
0xe: {  	[smem:$0x3FAE] =	sst s6  }
0xf: {  	[smem:$0x3FAF] =	sst s7  }
0x10: {  	[smem:$0x3FB0] =	sst s8  }
0x11: {  	[smem:$0x3FB1] =	sst s9;
	s0 =	simm.s32 @!p0 $0x0  }
0x12: {  	s1 =	sld [smem:$0x3F97];
	s0 =	simm.s32 @p0 $0x1  }
0x13: {  	[smem:$0x3FB2] =	sst s0;
	s0 =	simm.s32 @!p1 $0x0  }
0x14: {  	s2 =	sld [smem:$0x3F96];
	s0 =	simm.s32 @p1 $0x1  }
0x15: {  	[smem:$0x3FB3] =	sst s0;
	s0 =	simm.s32 @!p2 $0x0  }
0x16: {  	s3 =	sld [smem:$0x3FDB];
	s0 =	simm.s32 @p2 $0x1  }
0x17: {  	s4 =	simm.s32 $0x1BF5;
	[smem:$0x3FB5] =	sst s0  }
0x18: {  	s0 =	sld [smem:$0x3F98];
	_ =	swait.ge [sflag:s4], $0x0  }
0x19: {  	s7 =	sld [smem:$0x3F99]  }
0x1a: {  	s8 =	sadd.s32 $0xFFFFE003, lr  }
0x1b: {  	s9 =	sadd.s32 $0xFFFFFEF7, lr;
	s5 =	simm.s32 $0xFFFFFFFF;
	p2 =	slt.u32 s8, $0xFFFFF086  }
0x1c: {  	p1 =	slt.u32 s9, $0xF7A;
	s5 =	simm.s32 @!p2 $0x0  }
0x1d: {  	s5 =	simm.s32 @p1 $0x1;
	p0 =	seq.s32 s7, s2  }
0x1e: {  	s7 =	smul.u32 @!p0 $0xF7A, s2;
	p2 =	seq.s32 @!p0 s5, $0x0  }
0x1f: {  	s9 =	smul.u32 $0xF7A, s1;
	s8 =	simm.s32 @!p0 $0x1BF5;
	p2 =	por !p2, p0  }
0x20: {  	[sflag:s8] =	ssyncset.s32 @!p0 $0xFFFFF086;
	s6 =	sadd.s32 @!p0 s3, s7;
	s7 =	simm.s32 @!p0 $0x108  }
0x21: {  	s3 =	sadd.s32 s3, s9;
	s6 =	sadd.s32 @!p0 $0x88, s6;
	s7 =	simm.s32 @p2 $0x1082  }
0x22: {  	[simem:s7], [sflag:s8] =	dma.local @!p0 [hbm:s6], $0xF7A  }
0x23: {  	s9 =	sor.u32 $0xD0000000, s2;
	s6 =	simm.s32 $0x108;
	_ =	swait.ge @!p0 [sflag:s8], $0x0  }
0x24: {  	s3 =	sadd.s32 $0x88, s3;
	s6 =	simm.s32 @!p1 $0x1082;
	[sflag:s4] =	ssyncset.s32 $0xFFFFF086  }
0x25: {  	[simem:s6], [sflag:s4] =	dma.local [hbm:s3], $0xF7A  }
0x26: {  	[smem:$0x3F99] =	sst s1;
	(tag) =	ssettag s2;
	_ =	strace s9  }
0x27: {  	s1 =	sld [smem:$0x3FA9]  }
0x28: {  	s2 =	sld [smem:$0x3FAA]  }
0x29: {  	s4 =	sld [smem:$0x3FAC]  }
0x2a: {  	p0 =	seq.s32 s5, $0x0;
	s5 =	sld [smem:$0x3FAD]  }
0x2b: {  	s6 =	sld [smem:$0x3FAE]  }
0x2c: {  	s7 =	sld [smem:$0x3FAF]  }
0x2d: {  	s3 =	simm.s32 $0x108;
	s8 =	sld [smem:$0x3FB0]  }
0x2e: {  	s3 =	simm.s32 @!p0 $0x1082;
	s9 =	sld [smem:$0x3FB1]  }
0x2f: {  	lr =	sadd.s32 s0, s3;
	s0 =	sld [smem:$0x3FA8]  }
0x30: {  	s3 =	sld [smem:$0x3FAB]  }
0x31: {  	[smem:$0x3FB4] =	sst s10  }
0x32: {  	s10 =	sld [smem:$0x3FB2];
	_ =	sdelay $0x3  }
0x33: {  	p0 =	seq.s32 s10, $0x1;
	s10 =	sld [smem:$0x3FB4];
	_ =	sdelay $0x3  }
0x34: {  	[smem:$0x3FB4] =	sst s10  }
0x35: {  	s10 =	sld [smem:$0x3FB3];
	_ =	sdelay $0x3  }
0x36: {  	p1 =	seq.s32 s10, $0x1;
	s10 =	sld [smem:$0x3FB4];
	_ =	sdelay $0x3  }
0x37: {  	[smem:$0x3FB4] =	sst s10  }
0x38: {  	s10 =	sld [smem:$0x3FB5]  }
0x39: {  	_ = 	snop;
	(pc) =	sbr.ind lr, $3  }
0x3a: {  	_ = 	snop  }
0x3b: {  	_ = 	snop  }
0x3c: {  	p2 =	seq.s32 s10, $0x1;
	s10 =	sld [smem:$0x3FB4]  }
0x3d: {  	_ =	shalt  }
0x3e: {  	_ =	shalt  }
0x3f: {  	_ =	shalt  }
0x40: {  	_ =	shalt  }
0x41: {  	_ =	shalt  }
0x42: {  	_ =	shalt  }
0x43: {  	_ =	shalt  }
0x44: {  	_ =	shalt  }
0x45: {  	_ =	shalt  }
0x46: {  	_ =	shalt  }
0x47: {  	_ =	shalt  }
0x48: {  	_ =	shalt  }
0x49: {  	_ =	shalt  }
0x4a: {  	_ =	shalt  }
0x4b: {  	_ =	shalt  }
0x4c: {  	_ =	shalt  }
0x4d: {  	_ =	shalt  }
0x4e: {  	_ =	shalt  }
0x4f: {  	_ =	shalt  }
0x50: {  	_ =	shalt  }
0x51: {  	_ =	shalt  }
0x52: {  	_ =	shalt  }
0x53: {  	_ =	shalt  }
0x54: {  	_ =	shalt  }
0x55: {  	_ =	shalt  }
0x56: {  	_ =	shalt  }
0x57: {  	_ =	shalt  }
0x58: {  	_ =	shalt  }
0x59: {  	_ =	shalt  }
0x5a: {  	_ =	shalt  }
0x5b: {  	_ =	shalt  }
0x5c: {  	_ =	shalt  }
0x5d: {  	_ =	shalt  }
0x5e: {  	_ =	shalt  }
0x5f: {  	_ =	shalt  }
0x60: {  	_ =	shalt  }
0x61: {  	_ =	shalt  }
0x62: {  	_ =	shalt  }
0x63: {  	_ =	shalt  }
0x64: {  	_ =	shalt  }
0x65: {  	_ =	shalt  }
0x66: {  	_ =	shalt  }
0x67: {  	_ =	shalt  }
0x68: {  	_ =	shalt  }
0x69: {  	_ =	shalt  }
0x6a: {  	_ =	shalt  }
0x6b: {  	_ =	shalt  }
0x6c: {  	_ =	shalt  }
0x6d: {  	_ =	shalt  }
0x6e: {  	_ =	shalt  }
0x6f: {  	_ =	shalt  }
0x70: {  	_ =	shalt  }
0x71: {  	_ =	shalt  }
0x72: {  	_ =	shalt  }
0x73: {  	_ =	shalt  }
0x74: {  	_ =	shalt  }
0x75: {  	_ =	shalt  }
0x76: {  	_ =	shalt  }
0x77: {  	_ =	shalt  }
0x78: {  	_ =	shalt  }
0x79: {  	_ =	shalt  }
0x7a: {  	_ =	shalt  }
0x7b: {  	_ =	shalt  }
0x7c: {  	_ =	shalt  }
0x7d: {  	_ =	shalt  }
0x7e: {  	_ =	shalt  }
0x7f: {  	_ =	shalt  }
0x80: {  	_ =	shalt  }
0x81: {  	_ =	shalt  }
0x82: {  	_ =	shalt  }
0x83: {  	_ =	shalt  }
0x84: {  	_ =	shalt  }
0x85: {  	_ =	shalt  }
0x86: {  	_ =	shalt  }
0x87: {  	_ =	shalt  }
.Lfunc_end0:
.L_simem_size_0:
called_computation_lowered:
.L_overlay_start_0:
0x88: {  	s2 =	sld [smem:$0x3FD9]  }
0x89: {  	s3 =	sld [smem:$0x3FFE];
	_ =	sdelay $0x1  }
0x8a: {  	s1 =	srdreg.scid  }
0x8b: {  	s0 =	sand.u32 $0x1, s1  }
0x8c: {  	s16 =	sshll.u32 s0, $0xA;
	s2 =	sadd.s32 s3, s2  }
0x8d: {  	s2 =	sadd.s32 s2, s16  }
0x8e: {  	[smem:$0x3FC0] =	sst s2  }
0x8f: {  	_ = 	snop  }
0x90: {  	(tm) =	ssettm $0x1  }
0x91: {  	s17 =	sld [smem:$0x3FFB];
	_ =	sdelay $0x3  }
0x92: {  	_ =	strace s17  }
0x93: {  	s2 =	sld [smem:$0x3FFC];
	_ =	sdelay $0x3  }
0x94: {  	_ =	strace s2  }
0x95: {  	s2 =	sld [smem:$0x3FFD];
	_ =	sdelay $0x3  }
0x96: {  	_ =	strace s2  }
0x97: {  	_ =	strace $0x8FFFFFFF  }
0x98: {  	s18 =	sld [smem:$0x3FDB];
	_ =	sdelay $0x1  }
0x99: {  	s19 =	simm.s32 $_scs_section_size  }
0x9a: {  	s4 =	simm.s32 $_size__tile_overlayer_lowered;
	s5 =	simm.s32 $_tile_overlayer_lowered  }
0x9b: {  	s22 =	simm.s32 $0x1BFF;
	s21 =	sshll.u32 s5, $0x1;
	s2 =	sadd.s32 s19, s18  }
0x9c: {  	s6 =	simm.s32 $0x0;
	s20 =	sshll.u32 s4, $0x1;
	s4 =	sadd.s32 s21, s2  }
0x9d: {  	[timem:s6], [sflag:s22] =	dma.local [hbm:s4], s20  }
0x9e: {  	_ =	swait.ge [sflag:s22], s20  }
0x9f: {  	s3 =	ssub.s32 $0x0, s20;
	[sflag:s22] =	ssyncset.done $0x0  }
0xa0: {  	[sflag:s22] =	ssyncadd.s32 s3;
	_ =	sdelay $0x1  }
0xa1: {  	s23 =	simm.s32 $0x1B8B  }
0xa2: {  	_ =	swait.ge [sflag:s23], $0x1  }
0xa3: {  	[sflag:s23] =	ssyncset.done $0x0  }
0xa4: {  	s25 =	simm.s32 $0x1B8E;
	s24 =	sld [smem:$0x3FFE];
	[sflag:s23] =	ssyncadd.s32 $0xFFFFFFFF  }
0xa5: {  	s26 =	simm.s32 $execute0_lowered;
	[smem:$0x3FD2] =	sst s25  }
0xa6: {  	s4 =	sshll.u32 s26, $0x1;
	_ =	strace $0x80000046;
	[dreg:$0x1] =	wrdreg $0xFFFFFFFF  }
0xa7: {  	s28 =	simm.s32 $_size_execute0_lowered;
	s2 =	sadd.s32 s2, s4;
	[dreg:$0x0] =	wrdreg $0x0  }
0xa8: {  	s4 =	sshll.u32 s28, $0x1;
	[dreg:$0x2] =	wrdreg s2  }
0xa9: {  	[dreg:$0x3] =	wrdreg s4  }
0xaa: {  	[dreg:$0x4] =	wrdreg $0xC0  }
0xab: {  	_ =	task [dreg:s6], $0x5FFFF  }
0xac: {  	[dreg:$0x1] =	wrdreg $0xFFFFFFFF  }
0xad: {  	[dreg:$0x0] =	wrdreg $0x60  }
0xae: {  	[dreg:$0x2] =	wrdreg s24  }
0xaf: {  	[dreg:$0x3] =	wrdreg $0xA8000  }
0xb0: {  	[dreg:$0x4] =	wrdreg $0x9  }
0xb1: {  	_ =	task.clear_ibuf [dreg:s6], $0x5FFFF;
	_ =	strace $0x90000046  }
0xb2: {  	s29 =	simm.s32 $0x9;
	_ =	strace $0x80000048  }
0xb3: {  	_ =	swait.ge [sflag:s29], $0x1  }
0xb4: {  	[sflag:s29] =	ssyncadd.s32 $0xFFFFFFFF  }
0xb5: {  	_ =	strace $0x90000048  }
0xb6: {  	_ =	sfence  }
0xb7: {  	s30 =	sld [smem:$0x0];
	_ =	sdelay $0x2  }
0xb8: {  	s31 =	sshll.u32 s1, $0xD;
	s1 =	sshrl.u32 s1, $0x2  }
0xb9: {  	s3 =	sand.u32 $0x4000, s31;
	s1 =	sadd.s32 s1, s30  }
0xba: {  	s0 =	sor.u32 s3, s0;
	s1 =	sshll.u32 s1, $0x11  }
0xbb: {  	s0 =	sor.u32 s1, s0  }
0xbc: {  	s0 =	sadd.s32 $0x8F2B, s0  }
0xbd: {  	[sflag:s0] =	ssyncadd.remote.s32 $0x1  }
0xbe: {  	_ =	sfence.sel $0xFFFF  }
0xbf: {  	[dreg:$0x0] =	wrdreg $0xFFFFFFFF;
	(pc) =	sbr.abs _section_cstart, $3  }
0xc0: {  	[dreg:$0x1] =	wrdreg $0xFFFFFFFF  }
0xc1: {  	_ =	task.clear_ibuf [dreg:s6], $0x2FFFF;
	_ =	strace $0x9FFFFFFF  }
0xc2: {  	(tm) =	ssettm $0x7FFFFFFF  }
0xc3: {  	_ =	shalt  }
tec
execute0_lowered:
.L_overlay_start_1:
0x0: {  	(tag) =	ssettag $0x1  }
0x1: {  	s2 =	srdreg.scid;
	s9 =	stileid.u32  }
0x2: {  	s0 =	rddreg [dreg:$0x0];
	s2 =	sand.u32 $0x1, s2;
	s7 =	smul.u32 $0x13C00, s9  }
0x3: {  	s1 =	rddreg [dreg:$0x1];
	s3 =	simm.s32 $0x0;
	s6 =	smul.u32 $0x13C000, s2  }
0x4: {  	[smem:$0x7FF] =	sst s3;
	s4 =	sadd.s32 $0x2A000, s0;
	s8 =	sshll.u32 s2, $0x4  }
0x5: {  	s5 =	sadd.s32 $0x2000, s0;
	s13 =	sor.u32 s9, s8;
	s6 =	sadd.s32 s7, s6  }
0x6: {  	s2 =	ssub.s32 $0x2, s2;
	s15 =	sshrl.u32 s6, $0x3;
	s6 =	smul.u32 $0x5000, s13  }
0x7: {  	s14 =	smul.u32 $0x4F000, s9;
	_ =	strace $0x80000047;
	s16 =	sshrl.u32 s2, $0x1  }
0x8: {  	s7 =	sadd.s32 $0x16000, s0;
	s0 =	sadd.s32 s15, s0;
	s17 =	sshrl.u32 s6, $0x3  }
0x9: {  	s2 =	ssub.s32 s2, s16;
	s0 =	sadd.s32 $0x51200, s0;
	s10 =	sadd.s32 s5, s17  }
0xa: {  	s18 =	sor.u32 $0x10, s17;
	s11 =	sadd.s32 s7, s17;
	s20 =	sor.u32 $0x20, s17  }
0xb: {  	s22 =	sor.u32 $0x30, s17;
	s24 =	sor.u32 $0x40, s17;
	[dreg:$0x13] =	wrdreg s0  }
0xc: {  	s26 =	sor.u32 $0x50, s17;
	s13 =	sor.u32 $0x60, s17;
	[dreg:$0x3] =	wrdreg s10  }
0xd: {  	s9 =	sor.u32 $0x70, s17;
	s17 =	smax.u32 s2, $0x1;
	[dreg:$0x4] =	wrdreg s11  }
0xe: {  	s19 =	sadd.s32 s5, s18;
	[dreg:$0x14] =	wrdreg s17  }
0xf: {  	s10 =	sadd.s32 s7, s18;
	[dreg:$0x5] =	wrdreg s19  }
0x10: {  	s21 =	sadd.s32 s5, s20;
	[dreg:$0x6] =	wrdreg s10  }
0x11: {  	s11 =	sadd.s32 s7, s20;
	[dreg:$0x7] =	wrdreg s21  }
0x12: {  	s23 =	sadd.s32 s5, s22;
	[dreg:$0x8] =	wrdreg s11  }
0x13: {  	s25 =	sadd.s32 s5, s24;
	[dreg:$0x9] =	wrdreg s23  }
0x14: {  	s12 =	sadd.s32 s5, s26;
	[dreg:$0xb] =	wrdreg s25  }
0x15: {  	s8 =	sshrl.u32 s14, $0x2;
	s14 =	sadd.s32 s5, s13;
	[dreg:$0xd] =	wrdreg s12  }
0x16: {  	s28 =	simm.s32 $0x40;
	s15 =	sadd.s32 s7, s13;
	[dreg:$0xf] =	wrdreg s14  }
0x17: {  	s29 =	simm.s32 $0x2800;
	s16 =	sadd.s32 s5, s9;
	[dreg:$0x10] =	wrdreg s15  }
0x18: {  	s8 =	sadd.s32 s8, s1;
	s9 =	sadd.s32 s7, s9;
	[dreg:$0x11] =	wrdreg s16  }
0x19: {  	s30 =	simm.s32 $0x4800;
	s18 =	sadd.s32 $0x2000, s8;
	[dreg:$0x12] =	wrdreg s9  }
0x1a: {  	s31 =	simm.s32 $0x1;
	s20 =	sadd.s32 $0x6000, s8;
	[dreg:$0x15] =	wrdreg s18  }
0x1b: {  	s0 =	simm.s32 $0x8800;
	s10 =	sadd.s32 s7, s22;
	[dreg:$0x17] =	wrdreg s20  }
0x1c: {  	s2 =	simm.s32 $0x0;
	s11 =	sadd.s32 s7, s24;
	[dreg:$0xa] =	wrdreg s10  }
0x1d: {  	s17 =	simm.s32 $0x480;
	s19 =	sadd.s32 $0x4000, s8;
	[dreg:$0xc] =	wrdreg s11  }
0x1e: {  	s13 =	simm.s32 $0x2;
	s21 =	sadd.s32 $0x8000, s8;
	[dreg:$0x16] =	wrdreg s19  }
0x1f: {  	s22 =	sadd.s32 $0xA000, s8;
	s23 =	sadd.s32 $0xC000, s8;
	[dreg:$0x18] =	wrdreg s21  }
0x20: {  	s24 =	sadd.s32 $0xE000, s8;
	s25 =	sadd.s32 $0x10000, s8;
	[dreg:$0x19] =	wrdreg s22  }
0x21: {  	s18 =	simm.s32 $0x500;
	s20 =	simm.s32 $0x200;
	[dreg:$0x1a] =	wrdreg s23  }
0x22: {  	s12 =	simm.s32 $0x6800;
	s14 =	simm.s32 $0x4;
	[dreg:$0x1b] =	wrdreg s24  }
0x23: {  	s10 =	sadd.s32 s7, s26;
	[dreg:$0x1c] =	wrdreg s25;
	s26 =	sadd.s32 $0x12000, s8  }
0x24: {  	s19 =	simm.s32 $0x580;
	s21 =	simm.s32 $0x600;
	s22 =	simm.s32 $0x280  }
0x25: {  	s23 =	simm.s32 $0x700;
	s24 =	simm.s32 $0x380;
	[dreg:$0xe] =	wrdreg s10  }
0x26: {  	v0 =	vimm.f32 $0.0e+00;
	s25 =	simm.s32 $0x780;
	[dreg:$0x1d] =	wrdreg s26;
	s26 =	simm.s32 $0x3  }
.LBB2_1:
0x27: {  	s9 =	simm.s32 $0x0;
	s10 =	simm.s32 $0x200  }
.LBB2_2:
0x28: {  	p0 =	sne.s32 s10, $0x7E00;
	[tilespmem:s9+$0x870] =	vst v0  }
0x29: {  	[tilespmem:s9+$0x800] =	vst v0  }
0x2a: {  	[tilespmem:s9+$0x810] =	vst v0  }
.Ltmp0:
0x2b: {  	[tilespmem:s9+$0x820] =	vst v0;
	(pc) =	sbr.rel @p0 .LBB2_2-.Ltmp0, $4  }
0x2c: {  	[tilespmem:s9+$0x830] =	vst v0  }
0x2d: {  	[tilespmem:s9+$0x840] =	vst v0  }
0x2e: {  	[tilespmem:s9+$0x850] =	vst v0  }
0x2f: {  	[tilespmem:s9+$0x860] =	vst v0;
	s9 =	sshra.s32 s10, $0x2;
	s10 =	sadd.s32 $0x200, s10  }
0x30: {  	[tilespmem:s9+$0x870] =	vst v0  }
0x31: {  	[tilespmem:s9+$0x800] =	vst v0  }
0x32: {  	[tilespmem:s9+$0x810] =	vst v0  }
0x33: {  	[tilespmem:s9+$0x820] =	vst v0  }
0x34: {  	[tilespmem:s9+$0x830] =	vst v0  }
0x35: {  	[tilespmem:s9+$0x840] =	vst v0  }
0x36: {  	[tilespmem:s9+$0x850] =	vst v0  }
0x37: {  	[tilespmem:s9+$0x860] =	vst v0;
	s10 =	simm.s32 $0x800;
	s9 =	simm.s32 $0x4  }
0x38: {  	[spmem:s8] =	stream.linear.scatter [tilespmem:s10], [sflag:$0x4], $0x2000, $0x38;
	[tilespmem:$0x1E400] =	vst v63  }
0x39: {  	_ =	swait.ge [sflag:s9], $0x2000  }
0x3a: {  	[sflag:s9] =	ssyncset.done $0x0  }
0x3b: {  	s11 =	rddreg [dreg:$0x15];
	[sflag:s9] =	ssyncadd.s32 $0xFFFFE000  }
0x3c: {  	[spmem:s11] =	stream.linear.scatter [tilespmem:s10], [sflag:$0x4], $0x2000, $0x38;
	[tilespmem:$0x1E400] =	vst v63  }
0x3d: {  	_ =	swait.ge [sflag:s9], $0x2000  }
0x3e: {  	[sflag:s9] =	ssyncset.done $0x0  }
0x3f: {  	s16 =	rddreg [dreg:$0x16];
	[sflag:s9] =	ssyncadd.s32 $0xFFFFE000  }
0x40: {  	[spmem:s16] =	stream.linear.scatter [tilespmem:s10], [sflag:$0x4], $0x2000, $0x38;
	[tilespmem:$0x1E400] =	vst v63  }
0x41: {  	_ =	swait.ge [sflag:s9], $0x2000  }
0x42: {  	[sflag:s9] =	ssyncset.done $0x0  }
0x43: {  	s15 =	rddreg [dreg:$0x17];
	[sflag:s9] =	ssyncadd.s32 $0xFFFFE000  }
0x44: {  	[spmem:s15] =	stream.linear.scatter [tilespmem:s10], [sflag:$0x4], $0x2000, $0x38;
	[tilespmem:$0x1E400] =	vst v63  }
0x45: {  	_ =	swait.ge [sflag:s9], $0x2000  }
0x46: {  	[sflag:s9] =	ssyncset.done $0x0  }
0x47: {  	s16 =	rddreg [dreg:$0x18];
	[sflag:s9] =	ssyncadd.s32 $0xFFFFE000  }
0x48: {  	[spmem:s16] =	stream.linear.scatter [tilespmem:s10], [sflag:$0x4], $0x2000, $0x38;
	[tilespmem:$0x1E400] =	vst v63  }
0x49: {  	_ =	swait.ge [sflag:s9], $0x2000  }
0x4a: {  	[sflag:s9] =	ssyncset.done $0x0  }
0x4b: {  	s15 =	rddreg [dreg:$0x19];
	[sflag:s9] =	ssyncadd.s32 $0xFFFFE000  }
0x4c: {  	[spmem:s15] =	stream.linear.scatter [tilespmem:s10], [sflag:$0x4], $0x2000, $0x38;
	[tilespmem:$0x1E400] =	vst v63  }
0x4d: {  	_ =	swait.ge [sflag:s9], $0x2000  }
0x4e: {  	[sflag:s9] =	ssyncset.done $0x0  }
0x4f: {  	s16 =	rddreg [dreg:$0x1a];
	[sflag:s9] =	ssyncadd.s32 $0xFFFFE000  }
0x50: {  	[spmem:s16] =	stream.linear.scatter [tilespmem:s10], [sflag:$0x4], $0x2000, $0x38;
	[tilespmem:$0x1E400] =	vst v63  }
0x51: {  	_ =	swait.ge [sflag:s9], $0x2000  }
0x52: {  	[sflag:s9] =	ssyncset.done $0x0  }
0x53: {  	s15 =	rddreg [dreg:$0x1b];
	[sflag:s9] =	ssyncadd.s32 $0xFFFFE000  }
0x54: {  	[spmem:s15] =	stream.linear.scatter [tilespmem:s10], [sflag:$0x4], $0x2000, $0x38;
	[tilespmem:$0x1E400] =	vst v63  }
0x55: {  	_ =	swait.ge [sflag:s9], $0x2000  }
0x56: {  	[sflag:s9] =	ssyncset.done $0x0  }
0x57: {  	s16 =	rddreg [dreg:$0x1c];
	[sflag:s9] =	ssyncadd.s32 $0xFFFFE000  }
0x58: {  	[spmem:s16] =	stream.linear.scatter [tilespmem:s10], [sflag:$0x4], $0x2000, $0x38;
	[tilespmem:$0x1E400] =	vst v63  }
0x59: {  	_ =	swait.ge [sflag:s9], $0x2000  }
0x5a: {  	[sflag:s9] =	ssyncset.done $0x0  }
0x5b: {  	s15 =	rddreg [dreg:$0x1d];
	[sflag:s9] =	ssyncadd.s32 $0xFFFFE000  }
0x5c: {  	[spmem:s15] =	stream.linear.scatter [tilespmem:s10], [sflag:$0x4], $0x1C00, $0x38;
	[tilespmem:$0x1E400] =	vst v63  }
0x5d: {  	_ =	swait.ge [sflag:s9], $0x1C00  }
0x5e: {  	[sflag:s9] =	ssyncset.done $0x0  }
0x5f: {  	[sflag:s9] =	ssyncadd.s32 $0xFFFFE400  }
0x60: {  	[bflag:$0x0] =	sbarrier.arrive $0xFFFF  }
0x61: {  	s16 =	rddreg [dreg:$0x3]  }
0x62: {  	[tilespmem:s3], [sflag:$0x3] =	stream.linear.gather [hbm4b:s16+s3], $0x80, $0x38;
	[tilespmem:$0x1E400] =	vst v63  }
0x63: {  	s15 =	rddreg [dreg:$0x4];
	s16 =	simm.s32 $0x400  }
0x64: {  	[tilespmem:s16], [sflag:$0x3] =	stream.linear.gather [hbm4b:s15+s3], $0x80, $0x38;
	[tilespmem:$0x1E400] =	vst v63  }
0x65: {  	s11 =	rddreg [dreg:$0x5];
	s15 =	simm.s32 $0x80  }
0x66: {  	[tilespmem:s15], [sflag:$0x3] =	stream.linear.gather [hbm4b:s11+s3], $0x80, $0x38;
	[tilespmem:$0x1E400] =	vst v63  }
0x67: {  	s11 =	rddreg [dreg:$0x6]  }
0x68: {  	[tilespmem:s17], [sflag:$0x3] =	stream.linear.gather [hbm4b:s11+s3], $0x80, $0x38;
	[tilespmem:$0x1E400] =	vst v63  }
0x69: {  	s11 =	rddreg [dreg:$0x7];
	s17 =	simm.s32 $0x100  }
0x6a: {  	[tilespmem:s17], [sflag:$0x3] =	stream.linear.gather [hbm4b:s11+s3], $0x80, $0x38;
	[tilespmem:$0x1E400] =	vst v63  }
0x6b: {  	s11 =	rddreg [dreg:$0x8]  }
0x6c: {  	[tilespmem:s18], [sflag:$0x3] =	stream.linear.gather [hbm4b:s11+s3], $0x80, $0x38;
	[tilespmem:$0x1E400] =	vst v63  }
0x6d: {  	s11 =	rddreg [dreg:$0x9];
	s18 =	simm.s32 $0x180  }
0x6e: {  	[tilespmem:s18], [sflag:$0x3] =	stream.linear.gather [hbm4b:s11+s3], $0x80, $0x38;
	[tilespmem:$0x1E400] =	vst v63  }
0x6f: {  	s11 =	rddreg [dreg:$0xa]  }
0x70: {  	[tilespmem:s19], [sflag:$0x3] =	stream.linear.gather [hbm4b:s11+s3], $0x80, $0x38;
	[tilespmem:$0x1E400] =	vst v63  }
0x71: {  	s19 =	rddreg [dreg:$0xb]  }
0x72: {  	[tilespmem:s20], [sflag:$0x3] =	stream.linear.gather [hbm4b:s19+s3], $0x80, $0x38;
	[tilespmem:$0x1E400] =	vst v63  }
0x73: {  	s20 =	rddreg [dreg:$0xc]  }
0x74: {  	[tilespmem:s21], [sflag:$0x3] =	stream.linear.gather [hbm4b:s20+s3], $0x80, $0x38;
	[tilespmem:$0x1E400] =	vst v63  }
0x75: {  	s21 =	rddreg [dreg:$0xd]  }
0x76: {  	[tilespmem:s22], [sflag:$0x3] =	stream.linear.gather [hbm4b:s21+s3], $0x80, $0x38;
	[tilespmem:$0x1E400] =	vst v63  }
0x77: {  	s19 =	rddreg [dreg:$0xe];
	s20 =	simm.s32 $0x680  }
0x78: {  	[tilespmem:s20], [sflag:$0x3] =	stream.linear.gather [hbm4b:s19+s3], $0x80, $0x38;
	[tilespmem:$0x1E400] =	vst v63  }
0x79: {  	s21 =	rddreg [dreg:$0xf];
	s22 =	simm.s32 $0x300  }
0x7a: {  	[tilespmem:s22], [sflag:$0x3] =	stream.linear.gather [hbm4b:s21+s3], $0x80, $0x38;
	[tilespmem:$0x1E400] =	vst v63  }
0x7b: {  	s20 =	rddreg [dreg:$0x10]  }
0x7c: {  	[tilespmem:s23], [sflag:$0x3] =	stream.linear.gather [hbm4b:s20+s3], $0x80, $0x38;
	[tilespmem:$0x1E400] =	vst v63  }
0x7d: {  	s21 =	rddreg [dreg:$0x11]  }
0x7e: {  	[tilespmem:s24], [sflag:$0x3] =	stream.linear.gather [hbm4b:s21+s3], $0x80, $0x38;
	[tilespmem:$0x1E400] =	vst v63  }
0x7f: {  	s22 =	rddreg [dreg:$0x12]  }
0x80: {  	[tilespmem:s25], [sflag:$0x3] =	stream.linear.gather [hbm4b:s22+s3], $0x80, $0x38;
	[tilespmem:$0x1E400] =	vst v63  }
0x81: {  	_ =	swait.ge [sflag:s26], $0x80  }
0x82: {  	[sflag:s26] =	ssyncset.done $0x0  }
0x83: {  	[sflag:s26] =	ssyncadd.s32 $0xFFFFFF80  }
0x84: {  	_ =	swait.ge [sflag:s26], $0x80  }
0x85: {  	[sflag:s26] =	ssyncset.done $0x0  }
0x86: {  	[sflag:s26] =	ssyncadd.s32 $0xFFFFFF80  }
0x87: {  	[tilespmem:s10], [sflag:$0x1] =	stream.indirect.gather [hbm4b:s4+s28], $0x80, s3, s28, $0xb8;
	[tilespmem:$0x1E400] =	vst v63  }
0x88: {  	_ =	swait.ge [sflag:s26], $0x80  }
0x89: {  	[sflag:s26] =	ssyncset.done $0x0  }
0x8a: {  	[sflag:s26] =	ssyncadd.s32 $0xFFFFFF80  }
0x8b: {  	_ =	swait.ge [sflag:s26], $0x80  }
0x8c: {  	[sflag:s26] =	ssyncset.done $0x0  }
0x8d: {  	[sflag:s26] =	ssyncadd.s32 $0xFFFFFF80  }
0x8e: {  	[tilespmem:s29], [sflag:$0x1] =	stream.indirect.gather [hbm4b:s4+s28], $0x80, s15, s28, $0xb8;
	[tilespmem:$0x1E400] =	vst v63  }
0x8f: {  	_ =	swait.ge [sflag:s26], $0x80  }
0x90: {  	[sflag:s26] =	ssyncset.done $0x0  }
0x91: {  	[sflag:s26] =	ssyncadd.s32 $0xFFFFFF80  }
0x92: {  	_ =	swait.ge [sflag:s26], $0x80  }
0x93: {  	[sflag:s26] =	ssyncset.done $0x0  }
0x94: {  	[sflag:s26] =	ssyncadd.s32 $0xFFFFFF80  }
0x95: {  	[tilespmem:s30], [sflag:$0x1] =	stream.indirect.gather [hbm4b:s4+s28], $0x80, s17, s28, $0xb8;
	[tilespmem:$0x1E400] =	vst v63  }
0x96: {  	_ =	swait.ge [sflag:s26], $0x80  }
0x97: {  	[sflag:s26] =	ssyncset.done $0x0  }
0x98: {  	[sflag:s26] =	ssyncadd.s32 $0xFFFFFF80  }
0x99: {  	_ =	swait.ge [sflag:s26], $0x80  }
0x9a: {  	[sflag:s26] =	ssyncset.done $0x0  }
0x9b: {  	s9 =	sand.u32 $0xFF, s9;
	[sflag:s26] =	ssyncadd.s32 $0xFFFFFF80  }
0x9c: {  	[tilespmem:s12], [sflag:$0x1] =	stream.indirect.gather [hbm4b:s4+s28], $0x80, s18, s28, $0xb8;
	[tilespmem:$0x1E400] =	vst v63  }
0x9d: {  	s9 =	smul.u32 $0xCD, s9;
	_ =	swait.ge [sflag:s31], $0x2000  }
0x9e: {  	[sflag:s31] =	ssyncset.done $0x0  }
0x9f: {  	s9 =	sshrl.u32 s9, $0xA;
	[sflag:s31] =	ssyncadd.s32 $0xFFFFE000  }
0xa0: {  	[spmem:s1] =	stream.indirect.scatter.add.f32 [tilespmem:s10], [sflag:$0x2], $0x80, s16, s28, $0xb8;
	[tilespmem:$0x1E400] =	vst v63  }
0xa1: {  	s19 =	simm.s32 $0x1;
	s18 =	smul.u32 $0x5, s9;
	_ =	swait.ge [sflag:s26], $0x80  }
0xa2: {  	s20 =	sand.u32 $0xFC00, s16;
	s22 =	simm.s32 $0x200;
	[sflag:s26] =	ssyncset.done $0x0  }
0xa3: {  	s15 =	simm.s32 $0x5;
	s11 =	ssub.s32 $0x4, s18;
	[sflag:s26] =	ssyncadd.s32 $0xFFFFFF80  }
0xa4: {  	s17 =	sadd.s32 s6, s20;
	s11 =	sand.u32 $0xFF, s11;
	_ =	swait.ge [sflag:s26], $0x80  }
0xa5: {  	s10 =	sand.u32 $0xE00, s10;
	s11 =	sshll.u32 s11, $0xD;
	[sflag:s26] =	ssyncset.done $0x0  }
0xa6: {  	s10 =	sshrl.u32 s10, $0x2;
	s11 =	sor.u32 $0x800, s11;
	[sflag:s26] =	ssyncadd.s32 $0xFFFFFF80  }
0xa7: {  	[tilespmem:s11], [sflag:$0x1] =	stream.indirect.gather [hbm4b:s4+s28], $0x80, s10, s28, $0xb8;
	[tilespmem:$0x1E400] =	vst v63  }
0xa8: {  	s9 =	simm.s32 $0x480;
	s18 =	sand.u32 $0xE00, s22;
	_ =	swait.ge [sflag:s31], $0x2000  }
0xa9: {  	s16 =	sand.u32 $0x380, s16;
	s11 =	smul.u32 $0xCD, s19;
	[sflag:s31] =	ssyncset.done $0x0  }
0xaa: {  	s18 =	sshrl.u32 s18, $0x2;
	s17 =	sor.u32 s16, s17;
	[sflag:s31] =	ssyncadd.s32 $0xFFFFE000  }
0xab: {  	s17 =	sshrl.u32 s17, $0x3;
	s11 =	sshrl.u32 s11, $0xA;
	_ =	swait.ge [sflag:s13], $0x2000  }
0xac: {  	s21 =	sadd.s32 s5, s17;
	s11 =	sand.u32 $0x3F, s11;
	[sflag:s13] =	ssyncset.done $0x0  }
0xad: {  	s17 =	sadd.s32 s7, s17;
	s11 =	smul.u32 $0x5, s11;
	[sflag:s13] =	ssyncadd.s32 $0xFFFFE000  }
0xae: {  	[tilespmem:s16], [sflag:$0x3] =	stream.linear.gather [hbm4b:s21+s3], $0x80, $0x38;
	[tilespmem:$0x1E400] =	vst v63  }
0xaf: {  	s10 =	sand.u32 $0xFF, s15;
	s11 =	ssub.s32 $0x1, s11;
	s16 =	sor.u32 $0x400, s16  }
0xb0: {  	[tilespmem:s16], [sflag:$0x3] =	stream.linear.gather [hbm4b:s17+s3], $0x80, $0x38;
	[tilespmem:$0x1E400] =	vst v63  }
0xb1: {  	s11 =	sand.u32 $0xFF, s11;
	s17 =	simm.s32 $0x500;
	s16 =	simm.s32 $0xA00  }
.LBB2_4:
0xb2: {  	s11 =	sshll.u32 s11, $0xD;
	s18 =	sor.u32 $0x400, s18;
	s19 =	smov.u32 s15  }
0xb3: {  	s15 =	sadd.s32 $0x1, s15;
	s20 =	smov.u32 s9;
	s9 =	smov.u32 s17  }
0xb4: {  	s21 =	smul.u32 $0xCD, s10;
	s10 =	sand.u32 $0xFF, s15;
	s11 =	sor.u32 $0x800, s11  }
0xb5: {  	[spmem:s1] =	stream.indirect.scatter.add.f32 [tilespmem:s11], [sflag:$0x2], $0x80, s18, s28, $0xb8;
	[tilespmem:$0x1E400] =	vst v63  }
0xb6: {  	p0 =	sne.s32 s17, $0x4F80;
	s17 =	sadd.s32 $0x80, s17;
	s11 =	sshrl.u32 s21, $0xA  }
0xb7: {  	s18 =	smov.u32 s16;
	s11 =	smul.u32 $0x5, s11;
	_ =	swait.ge [sflag:s26], $0x80  }
0xb8: {  	[sflag:s26] =	ssyncset.done $0x0  }
0xb9: {  	s21 =	sand.u32 $0xE00, s16;
	s11 =	ssub.s32 s19, s11;
	[sflag:s26] =	ssyncadd.s32 $0xFFFFFF80  }
0xba: {  	s19 =	sadd.s32 $0xFFFFFFFD, s19;
	s11 =	sand.u32 $0xFF, s11;
	_ =	swait.ge [sflag:s26], $0x80  }
0xbb: {  	s16 =	sadd.s32 $0x200, s16;
	s11 =	sshll.u32 s11, $0xD;
	[sflag:s26] =	ssyncset.done $0x0  }
0xbc: {  	s21 =	sshrl.u32 s21, $0x2;
	s11 =	sor.u32 $0x800, s11;
	[sflag:s26] =	ssyncadd.s32 $0xFFFFFF80  }
0xbd: {  	[tilespmem:s11], [sflag:$0x1] =	stream.indirect.gather [hbm4b:s4+s28], $0x80, s21, s28, $0xb8;
	[tilespmem:$0x1E400] =	vst v63  }
0xbe: {  	s18 =	sadd.s32 $0xFFFFFA00, s18;
	s11 =	smul.u32 $0xCD, s19;
	_ =	swait.ge [sflag:s31], $0x2000  }
0xbf: {  	s21 =	sand.u32 $0xFC00, s20;
	s20 =	sand.u32 $0x380, s20;
	[sflag:s31] =	ssyncset.done $0x0  }
0xc0: {  	s21 =	sadd.s32 s6, s21;
	s11 =	sshrl.u32 s11, $0xA;
	[sflag:s31] =	ssyncadd.s32 $0xFFFFE000  }
0xc1: {  	s21 =	sor.u32 s20, s21;
	s11 =	sand.u32 $0x3F, s11;
	_ =	swait.ge [sflag:s13], $0x2000  }
0xc2: {  	s21 =	sshrl.u32 s21, $0x3;
	s11 =	smul.u32 $0x5, s11;
	[sflag:s13] =	ssyncset.done $0x0  }
.Ltmp1:
0xc3: {  	s22 =	sadd.s32 s5, s21;
	[sflag:s13] =	ssyncadd.s32 $0xFFFFE000;
	(pc) =	sbr.rel @p0 .LBB2_4-.Ltmp1, $4  }
0xc4: {  	[tilespmem:s20], [sflag:$0x3] =	stream.linear.gather [hbm4b:s22+s3], $0x80, $0x38;
	[tilespmem:$0x1E400] =	vst v63  }
0xc5: {  	s18 =	sand.u32 $0xE00, s18;
	s11 =	ssub.s32 s19, s11;
	s19 =	sadd.s32 s7, s21  }
0xc6: {  	s18 =	sshrl.u32 s18, $0x2;
	s11 =	sand.u32 $0xFF, s11;
	s20 =	sor.u32 $0x400, s20  }
0xc7: {  	[tilespmem:s20], [sflag:$0x3] =	stream.linear.gather [hbm4b:s19+s3], $0x80, $0x38;
	[tilespmem:$0x1E400] =	vst v63  }
0xc8: {  	s11 =	sshll.u32 s11, $0xD  }
0xc9: {  	s17 =	sor.u32 $0x400, s18;
	s10 =	smul.u32 $0xCD, s10;
	s11 =	sor.u32 $0x800, s11  }
0xca: {  	[spmem:s1] =	stream.indirect.scatter.add.f32 [tilespmem:s11], [sflag:$0x2], $0x80, s17, s28, $0xb8;
	[tilespmem:$0x1E400] =	vst v63  }
0xcb: {  	s10 =	sshrl.u32 s10, $0xA  }
0xcc: {  	_ =	swait.ge [sflag:s26], $0x80;
	s10 =	smul.u32 $0x5, s10  }
0xcd: {  	[sflag:s26] =	ssyncset.done $0x0  }
0xce: {  	[sflag:s26] =	ssyncadd.s32 $0xFFFFFF80;
	s10 =	ssub.s32 s15, s10  }
0xcf: {  	_ =	swait.ge [sflag:s26], $0x80;
	s10 =	sand.u32 $0xFF, s10  }
0xd0: {  	s22 =	sand.u32 $0xE00, s16;
	[sflag:s26] =	ssyncset.done $0x0;
	s10 =	sshll.u32 s10, $0xD  }
0xd1: {  	s11 =	sshrl.u32 s22, $0x2;
	[sflag:s26] =	ssyncadd.s32 $0xFFFFFF80;
	s10 =	sor.u32 $0x800, s10  }
0xd2: {  	[tilespmem:s10], [sflag:$0x1] =	stream.indirect.gather [hbm4b:s4+s28], $0x80, s11, s28, $0xb8;
	[tilespmem:$0x1E400] =	vst v63  }
0xd3: {  	s18 =	sand.u32 $0x380, s9;
	s19 =	sadd.s32 $0xFFFFFFFD, s15;
	_ =	swait.ge [sflag:s31], $0x2000  }
0xd4: {  	s17 =	sand.u32 $0xFC00, s9;
	s15 =	smul.u32 $0xCD, s19;
	[sflag:s31] =	ssyncset.done $0x0  }
0xd5: {  	s9 =	sor.u32 $0x400, s18;
	s10 =	sadd.s32 s6, s17;
	[sflag:s31] =	ssyncadd.s32 $0xFFFFE000  }
0xd6: {  	s15 =	sshrl.u32 s15, $0xA;
	s10 =	sor.u32 s18, s10;
	_ =	swait.ge [sflag:s13], $0x2000  }
0xd7: {  	s15 =	sand.u32 $0x3F, s15;
	s10 =	sshrl.u32 s10, $0x3;
	[sflag:s13] =	ssyncset.done $0x0  }
0xd8: {  	s15 =	smul.u32 $0x5, s15;
	s20 =	sadd.s32 s5, s10;
	[sflag:s13] =	ssyncadd.s32 $0xFFFFE000  }
0xd9: {  	[tilespmem:s18], [sflag:$0x3] =	stream.linear.gather [hbm4b:s20+s3], $0x80, $0x38;
	[tilespmem:$0x1E400] =	vst v63  }
0xda: {  	s22 =	sadd.s32 $0xFFFFFA00, s16;
	s21 =	ssub.s32 s19, s15;
	s10 =	sadd.s32 s7, s10  }
0xdb: {  	[tilespmem:s9], [sflag:$0x3] =	stream.linear.gather [hbm4b:s10+s3], $0x80, $0x38;
	[tilespmem:$0x1E400] =	vst v63  }
0xdc: {  	s10 =	sand.u32 $0xE00, s22;
	s9 =	sand.u32 $0xFF, s21  }
0xdd: {  	s10 =	sshrl.u32 s10, $0x2;
	s9 =	sshll.u32 s9, $0xD  }
0xde: {  	s10 =	sor.u32 $0x400, s10;
	s9 =	sor.u32 $0x800, s9  }
0xdf: {  	[spmem:s1] =	stream.indirect.scatter.add.f32 [tilespmem:s9], [sflag:$0x2], $0x80, s10, s28, $0xb8;
	[tilespmem:$0x1E400] =	vst v63  }
0xe0: {  	_ =	swait.ge [sflag:s26], $0x80  }
0xe1: {  	[sflag:s26] =	ssyncset.done $0x0  }
0xe2: {  	[sflag:s26] =	ssyncadd.s32 $0xFFFFFF80  }
0xe3: {  	_ =	swait.ge [sflag:s26], $0x80  }
0xe4: {  	[sflag:s26] =	ssyncset.done $0x0  }
0xe5: {  	s20 =	simm.s32 $0x200;
	[sflag:s26] =	ssyncadd.s32 $0xFFFFFF80  }
0xe6: {  	[tilespmem:s29], [sflag:$0x1] =	stream.indirect.gather [hbm4b:s4+s28], $0x80, s20, s28, $0xb8;
	[tilespmem:$0x1E400] =	vst v63  }
0xe7: {  	_ =	swait.ge [sflag:s31], $0x2000  }
0xe8: {  	[sflag:s31] =	ssyncset.done $0x0  }
0xe9: {  	[sflag:s31] =	ssyncadd.s32 $0xFFFFE000  }
0xea: {  	_ =	swait.ge [sflag:s13], $0x2000  }
0xeb: {  	[sflag:s13] =	ssyncset.done $0x0  }
0xec: {  	s17 =	simm.s32 $0x480;
	[sflag:s13] =	ssyncadd.s32 $0xFFFFE000  }
0xed: {  	[spmem:s1] =	stream.indirect.scatter.add.f32 [tilespmem:s12], [sflag:$0x2], $0x80, s17, s28, $0xb8;
	[tilespmem:$0x1E400] =	vst v63  }
0xee: {  	_ =	swait.ge [sflag:s26], $0x80  }
0xef: {  	[sflag:s26] =	ssyncset.done $0x0  }
0xf0: {  	[sflag:s26] =	ssyncadd.s32 $0xFFFFFF80  }
0xf1: {  	_ =	swait.ge [sflag:s26], $0x80  }
0xf2: {  	[sflag:s26] =	ssyncset.done $0x0  }
0xf3: {  	s22 =	simm.s32 $0x280;
	[sflag:s26] =	ssyncadd.s32 $0xFFFFFF80  }
0xf4: {  	[tilespmem:s30], [sflag:$0x1] =	stream.indirect.gather [hbm4b:s4+s28], $0x80, s22, s28, $0xb8;
	[tilespmem:$0x1E400] =	vst v63  }
0xf5: {  	_ =	swait.ge [sflag:s31], $0x2000  }
0xf6: {  	[sflag:s31] =	ssyncset.done $0x0  }
0xf7: {  	[sflag:s31] =	ssyncadd.s32 $0xFFFFE000  }
0xf8: {  	_ =	swait.ge [sflag:s13], $0x2000  }
0xf9: {  	[sflag:s13] =	ssyncset.done $0x0  }
0xfa: {  	s18 =	simm.s32 $0x500;
	[sflag:s13] =	ssyncadd.s32 $0xFFFFE000  }
0xfb: {  	[spmem:s1] =	stream.indirect.scatter.add.f32 [tilespmem:s0], [sflag:$0x2], $0x80, s18, s28, $0xb8;
	[tilespmem:$0x1E400] =	vst v63  }
0xfc: {  	_ =	swait.ge [sflag:s26], $0x80  }
0xfd: {  	[sflag:s26] =	ssyncset.done $0x0  }
0xfe: {  	[sflag:s26] =	ssyncadd.s32 $0xFFFFFF80  }
0xff: {  	_ =	swait.ge [sflag:s26], $0x80  }
0x100: {  	[sflag:s26] =	ssyncset.done $0x0  }
0x101: {  	s11 =	simm.s32 $0x300;
	[sflag:s26] =	ssyncadd.s32 $0xFFFFFF80  }
0x102: {  	[tilespmem:s12], [sflag:$0x1] =	stream.indirect.gather [hbm4b:s4+s28], $0x80, s11, s28, $0xb8;
	[tilespmem:$0x1E400] =	vst v63  }
0x103: {  	_ =	swait.ge [sflag:s31], $0x2000  }
0x104: {  	[sflag:s31] =	ssyncset.done $0x0  }
0x105: {  	[sflag:s31] =	ssyncadd.s32 $0xFFFFE000  }
0x106: {  	_ =	swait.ge [sflag:s13], $0x2000  }
0x107: {  	[sflag:s13] =	ssyncset.done $0x0  }
0x108: {  	s19 =	simm.s32 $0x580;
	s15 =	simm.s32 $0x800;
	[sflag:s13] =	ssyncadd.s32 $0xFFFFE000  }
0x109: {  	[spmem:s1] =	stream.indirect.scatter.add.f32 [tilespmem:s15], [sflag:$0x2], $0x80, s19, s28, $0xb8;
	[tilespmem:$0x1E400] =	vst v63  }
0x10a: {  	_ =	swait.ge [sflag:s26], $0x80  }
0x10b: {  	[sflag:s26] =	ssyncset.done $0x0  }
0x10c: {  	[sflag:s26] =	ssyncadd.s32 $0xFFFFFF80  }
0x10d: {  	_ =	swait.ge [sflag:s26], $0x80  }
0x10e: {  	[sflag:s26] =	ssyncset.done $0x0  }
0x10f: {  	[sflag:s26] =	ssyncadd.s32 $0xFFFFFF80  }
0x110: {  	[tilespmem:s0], [sflag:$0x1] =	stream.indirect.gather [hbm4b:s4+s28], $0x80, s24, s28, $0xb8;
	[tilespmem:$0x1E400] =	vst v63  }
0x111: {  	_ =	swait.ge [sflag:s31], $0x2000  }
0x112: {  	[sflag:s31] =	ssyncset.done $0x0  }
0x113: {  	[sflag:s31] =	ssyncadd.s32 $0xFFFFE000  }
0x114: {  	_ =	swait.ge [sflag:s13], $0x2000  }
0x115: {  	[sflag:s13] =	ssyncset.done $0x0  }
0x116: {  	s21 =	simm.s32 $0x600;
	[sflag:s13] =	ssyncadd.s32 $0xFFFFE000  }
0x117: {  	[spmem:s1] =	stream.indirect.scatter.add.f32 [tilespmem:s29], [sflag:$0x2], $0x80, s21, s28, $0xb8;
	[tilespmem:$0x1E400] =	vst v63  }
0x118: {  	_ =	swait.ge [sflag:s31], $0x2000  }
0x119: {  	[sflag:s31] =	ssyncset.done $0x0  }
0x11a: {  	[sflag:s31] =	ssyncadd.s32 $0xFFFFE000  }
0x11b: {  	_ =	swait.ge [sflag:s13], $0x2000  }
0x11c: {  	[sflag:s13] =	ssyncset.done $0x0  }
0x11d: {  	s16 =	simm.s32 $0x680;
	[sflag:s13] =	ssyncadd.s32 $0xFFFFE000  }
0x11e: {  	[spmem:s1] =	stream.indirect.scatter.add.f32 [tilespmem:s30], [sflag:$0x2], $0x80, s16, s28, $0xb8;
	[tilespmem:$0x1E400] =	vst v63  }
0x11f: {  	_ =	swait.ge [sflag:s31], $0x2000  }
0x120: {  	[sflag:s31] =	ssyncset.done $0x0  }
0x121: {  	[sflag:s31] =	ssyncadd.s32 $0xFFFFE000  }
0x122: {  	_ =	swait.ge [sflag:s13], $0x2000  }
0x123: {  	[sflag:s13] =	ssyncset.done $0x0  }
0x124: {  	[sflag:s13] =	ssyncadd.s32 $0xFFFFE000  }
0x125: {  	[spmem:s1] =	stream.indirect.scatter.add.f32 [tilespmem:s12], [sflag:$0x2], $0x80, s23, s28, $0xb8;
	[tilespmem:$0x1E400] =	vst v63  }
0x126: {  	_ =	swait.ge [sflag:s31], $0x2000  }
0x127: {  	[sflag:s31] =	ssyncset.done $0x0  }
0x128: {  	[sflag:s31] =	ssyncadd.s32 $0xFFFFE000  }
0x129: {  	_ =	swait.ge [sflag:s13], $0x2000  }
0x12a: {  	[sflag:s13] =	ssyncset.done $0x0  }
0x12b: {  	[sflag:s13] =	ssyncadd.s32 $0xFFFFE000  }
0x12c: {  	[spmem:s1] =	stream.indirect.scatter.add.f32 [tilespmem:s0], [sflag:$0x2], $0x80, s25, s28, $0xb8;
	[tilespmem:$0x1E400] =	vst v63  }
0x12d: {  	_ =	swait.ge [sflag:s13], $0x2000  }
0x12e: {  	[sflag:s13] =	ssyncset.done $0x0  }
0x12f: {  	s10 =	stileid.u32;
	[sflag:s13] =	ssyncadd.s32 $0xFFFFE000  }
0x130: {  	s9 =	sshll.u32 s10, $0x6;
	[bflag:$0x0] =	sbarrier.arrive $0xFFFF  }
0x131: {  	s9 =	sor.u32 $0x1C04, s9;
	s11 =	sshrl.u32 s8, $0x3;
	s15 =	rddreg [dreg:$0x13]  }
0x132: {  	[hbm:s15], [sflag:s9] =	dma.local [spmem:s11], $0x2780  }
0x133: {  	_ =	swait.ge [sflag:s14], $0x2780  }
0x134: {  	s2 =	sadd.s32 $0x1, s2;
	s16 =	rddreg [dreg:$0x14]  }
0x135: {  	p0 =	sne.s32 s2, s16  }
.Ltmp2:
0x136: {  	_ = 	snop;
	(pc) =	sbr.rel @p0 .LBB2_1-.Ltmp2, $3  }
0x137: {  	_ =	sdelay $0x1  }
0x138: {  	[sflag:s14] =	ssyncset.done $0x0  }
0x139: {  	[sflag:s14] =	ssyncadd.s32 $0xFFFFD880  }
0x13a: {  	_ =	sfence.sel $0x180000  }
0x13b: {  	[bflag:$0x0] =	sbarrier.arrive $0xFFFF  }
0x13c: {  	_ =	strace $0x90000047  }
0x13d: {  	s0 =	stileid.u32;
	[bflag:$0x2] =	sbarrier.arrive $0xFFFF  }
0x13e: {  	p0 =	sne.s32 s0, $0x0;
	s0 =	rddreg [dreg:$0x2]  }
0x13f: {  	s0 =	sadd.s32 @!p0 $0x100000, s0  }
0x140: {  	[sflag:s0] =	ssyncadd.tile.s32 @!p0 $0x1;
	_ =	shalt  }
.Lfunc_end2:
_tile_overlayer_lowered:
.L_overlay_start_2:
0x141: {  	(tag) =	ssettag $0x2  }
0x142: {  	s0 =	rddreg [dreg:$0x0];
	s2 =	stileid.u32  }
0x143: {  	s1 =	rddreg [dreg:$0x1];
	p0 =	sne.s32 s2, $0x0  }
0x144: {  	s3 =	rddreg [dreg:$0x2];
	[bflag:$0x3] =	sbarrier.arrive $0xFFFF;
	s2 =	simm.s32 @!p0 $0x1C04  }
0x145: {  	[timem:s3], [sflag:s2] =	dma.local @!p0 [hbm:s0], s1  }
0x146: {  	s0 =	simm.s32 @!p0 $0x4  }
0x147: {  	_ =	swait.ge @!p0 [sflag:s0], s1  }
0x148: {  	s1 =	ssub.s32 @!p0 $0x0, s1;
	[sflag:s0] =	ssyncset.done @!p0 $0x0  }
0x149: {  	[sflag:s0] =	ssyncadd.s32 @!p0 s1  }
0x14a: {  	[bflag:$0x3] =	sbarrier.arrive $0xFFFF  }
0x14b: {  	_ =	shalt  }

</sc_bundles>
